<compile_context>
chip_gen: v7x
topology: tpu7x:2x2x1
jax: 0.10.2.dev20260603
libtpu: 0.0.44.dev20260713+nightly
codegen_flags: <defaults>
</compile_context>

<pallas_src>
import jax
import jax.numpy as jnp
import numpy as np
from jax import lax
from jax.experimental import pallas as pl
from jax.experimental.pallas import tpu as pltpu
from jax.experimental.pallas import tpu_sc as plsc

NC = 2
NS = 16
L = 16

N = 10000
F = 256
E = 160000

NP = 10240
PAD_COL = 10200
BLOCKE = 4096
NBLK = 40
EP = NBLK * BLOCKE
EPT = EP // NS
BATCH = 128
SUB = 8
OWN = 320
NPASS = NP // (NS * OWN)
BLK = 256


def _sc_mesh():
    return plsc.VectorSubcoreMesh(
        core_axis_name="c", subcore_axis_name="s", num_cores=NC, num_subcores=NS
    )


def _deg_body(cols_hbm, deg_hbm, hist, colbuf, shared, redbuf, degout):
    c = lax.axis_index("c")
    sid = lax.axis_index("s")

    def zero(k, _):
        hist[pl.ds(k * L, L)] = jnp.zeros((L,), jnp.float32)
        return 0

    lax.fori_loop(0, NP // L, zero, 0)

    pltpu.sync_copy(cols_hbm.at[c, sid], colbuf)
    ones = jnp.ones((L,), jnp.float32)

    def add(k, _):
        idx = colbuf[pl.ds(k * L, L)]
        plsc.addupdate_scatter(hist, [idx], ones)
        return 0

    lax.fori_loop(0, EPT // L, add, 0)

    pltpu.sync_copy(hist, shared.at[sid])
    plsc.subcore_barrier()

    width = NP // NS
    for r in range(NS):
        pltpu.sync_copy(shared.at[r, pl.ds(sid * width, width)], redbuf.at[r])

    def red(j, _):
        v = redbuf[0, pl.ds(j * L, L)]
        for r in range(1, NS):
            v = v + redbuf[r, pl.ds(j * L, L)]
        degout[pl.ds(j * L, L)] = v
        return 0

    lax.fori_loop(0, width // L, red, 0)
    pltpu.sync_copy(degout, deg_hbm.at[c, pl.ds(sid * width, width)])


def _deg_kernel(cols_deg):
    width = NP // NS
    k = pl.kernel(
        _deg_body,
        out_type=jax.ShapeDtypeStruct((NC, NP), jnp.float32),
        mesh=_sc_mesh(),
        scratch_types=[
            pltpu.VMEM((NP,), jnp.float32),
            pltpu.VMEM((EPT,), jnp.int32),
            pltpu.VMEM_SHARED((NS, NP), jnp.float32),
            pltpu.VMEM((NS, width), jnp.float32),
            pltpu.VMEM((width,), jnp.float32),
        ],
        compiler_params=pltpu.CompilerParams(needs_layout_passes=False),
    )
    return k(cols_deg)


def _edge_body(rc_hbm, g2_hbm, accf_hbm,
               rcblk, crow, clc, gbuf, accflat, sem, sem2):
    c = lax.axis_index("c")
    sid = lax.axis_index("s")

    def initc(k, _):
        crow[pl.ds(k * L, L)] = jnp.zeros((L,), jnp.int32)
        return 0

    lax.fori_loop(0, (BLOCKE + L) // L, initc, 0)

    for p in range(NPASS):
        rbase = (NS * p + sid) * OWN

        def zeroacc(k, _):
            accflat[pl.ds(k * L, L)] = jnp.zeros((L,), jnp.float32)
            return 0

        lax.fori_loop(0, OWN * F // L, zeroacc, 0)

        pltpu.async_copy(rc_hbm.at[c, 0], rcblk.at[0], sem2)

        def block(bi, _):
            pltpu.make_async_copy(rc_hbm.at[c, 0], rcblk.at[0], sem2).wait()

            @pl.when(bi + 1 < NBLK)
            def _():
                pltpu.async_copy(
                    rc_hbm.at[c, bi + 1], rcblk.at[lax.rem(bi + 1, 2)], sem2)

            par = lax.rem(bi, 2)

            def compact(k, cnt):
                rv = rcblk[par, 0, pl.ds(k * L, L)]
                cv = rcblk[par, 1, pl.ds(k * L, L)]
                lc = cv - rbase
                m = (lc >= 0) & (lc < OWN)
                plsc.store_compressed(crow.at[pl.ds(cnt, L)], rv, mask=m)
                plsc.store_compressed(clc.at[pl.ds(cnt, L)], lc, mask=m)
                return cnt + plsc.all_reduce_population_count(m)[0]

            cnt = lax.fori_loop(0, BLOCKE // L, compact, 0)
            nb = (cnt + BATCH - 1) // BATCH

            def gbatch(b, _):
                bcnt = jnp.minimum(cnt - b * BATCH, BATCH)
                ns = (bcnt + SUB - 1) // SUB

                def fire(si, _):
                    pltpu.async_copy(
                        g2_hbm.at[crow.at[pl.ds(b * BATCH + si * SUB, SUB)]],
                        gbuf.at[pl.ds(si * SUB, SUB)], sem)
                    return 0

                lax.fori_loop(0, ns, fire, 0)

                def drain(si, _):
                    pltpu.make_async_copy(
                        g2_hbm.at[crow.at[pl.ds(0, SUB)]],
                        gbuf.at[pl.ds(0, SUB)], sem).wait()
                    return 0

                lax.fori_loop(0, ns, drain, 0)

                def acc_edge(e, _):
                    lc = clc[pl.ds(b * BATCH + e, L)][0]
                    base = lc * F
                    for j in range(F // (2 * L)):
                        v = gbuf[e, pl.ds(j * L, L)]
                        a, b2 = plsc.unpack(
                            plsc.bitcast(v, jnp.bfloat16),
                            format=plsc.PackFormat.INTERLEAVED)
                        plsc.addupdate(
                            accflat.at[pl.ds(base + j * 2 * L, L)], a)
                        plsc.addupdate(
                            accflat.at[pl.ds(base + j * 2 * L + L, L)], b2)
                    return 0

                lax.fori_loop(0, bcnt, acc_edge, 0)
                return 0

            lax.fori_loop(0, nb, gbatch, 0)
            return 0

        lax.fori_loop(0, NBLK, block, 0)
        pltpu.sync_copy(accflat, accf_hbm.at[c, pl.ds(rbase * F, OWN * F)])


def _edge_kernel(rc2, g2):
    k = pl.kernel(
        _edge_body,
        out_type=jax.ShapeDtypeStruct((NC, NP * F), jnp.float32),
        mesh=_sc_mesh(),
        scratch_types=[
            pltpu.VMEM((2, 2, BLOCKE), jnp.int32),
            pltpu.VMEM((BLOCKE + L,), jnp.int32),
            pltpu.VMEM((BLOCKE + L,), jnp.int32),
            pltpu.VMEM((BATCH, F // 2), jnp.float32),
            pltpu.VMEM((OWN * F,), jnp.float32),
            pltpu.SemaphoreType.DMA,
            pltpu.SemaphoreType.DMA,
        ],
        compiler_params=pltpu.CompilerParams(needs_layout_passes=False),
    )
    return k(rc2, g2)


def _dinv(deg_blk):
    d = jnp.reshape(deg_blk, (BLK, 1))
    return jnp.where(d > 0, lax.rsqrt(jnp.maximum(d, 1e-12)), 0.0)


def _matmul_body(xe_ref, w_ref, deg_ref, g_ref):
    x = xe_ref[...]
    h = jnp.dot(x, w_ref[0], preferred_element_type=jnp.float32)
    g_ref[0] = (h * _dinv(deg_ref[...])).astype(jnp.bfloat16)


def _matmul_kernel(xe_p, W2, deg3):
    grid = (NC, NP // BLK)
    return pl.pallas_call(
        _matmul_body,
        grid=grid,
        in_specs=[
            pl.BlockSpec((BLK, F), lambda t, b: (b, 0)),
            pl.BlockSpec((1, F, F), lambda t, b: (t, 0, 0)),
            pl.BlockSpec((1, BLK, 1), lambda t, b: (t, b, 0)),
        ],
        out_specs=pl.BlockSpec((1, BLK, F), lambda t, b: (t, b, 0)),
        out_shape=jax.ShapeDtypeStruct((NC, NP, F), jnp.bfloat16),
    )(xe_p, W2, deg3)


def _combine_body(xe_ref, wh_ref, bh_ref, bs_ref, bi_ref,
                  accs_ref, acci_ref, degs_ref, degi_ref, out_ref):
    x = xe_ref[...]
    z = jnp.dot(x, wh_ref[...], preferred_element_type=jnp.float32)
    bias = bh_ref[...] + bs_ref[...] + bi_ref[...]
    out_ref[...] = (z + bias
                    + accs_ref[...] * _dinv(degs_ref[...])
                    + acci_ref[...] * _dinv(degi_ref[...]))


def _combine_kernel(xe_p, W_h, b_h2, b_s2, b_i2, acc_s, acc_i, deg3):
    grid = (NP // BLK,)
    return pl.pallas_call(
        _combine_body,
        grid=grid,
        in_specs=[
            pl.BlockSpec((BLK, F), lambda b: (b, 0)),
            pl.BlockSpec((F, F), lambda b: (0, 0)),
            pl.BlockSpec((1, F), lambda b: (0, 0)),
            pl.BlockSpec((1, F), lambda b: (0, 0)),
            pl.BlockSpec((1, F), lambda b: (0, 0)),
            pl.BlockSpec((BLK, F), lambda b: (b, 0)),
            pl.BlockSpec((BLK, F), lambda b: (b, 0)),
            pl.BlockSpec((1, BLK, 1), lambda b: (0, b, 0)),
            pl.BlockSpec((1, BLK, 1), lambda b: (1, b, 0)),
        ],
        out_specs=pl.BlockSpec((BLK, F), lambda b: (b, 0)),
        out_shape=jax.ShapeDtypeStruct((NP, F), jnp.float32),
    )(xe_p, W_h, b_h2, b_s2, b_i2, acc_s, acc_i, deg3, deg3)


def kernel(xe, Lu, Ld, W_h, b_h, W_s, b_s, W_i, b_i):
    cols_deg = jnp.stack([
        jnp.pad(Lu[1], (0, EP - E), constant_values=PAD_COL).reshape(NS, EPT),
        jnp.pad(Ld[1], (0, EP - E), constant_values=PAD_COL).reshape(NS, EPT),
    ])

    def rc(ei, t):
        rows = jnp.pad(ei[0] + t * NP, (0, EP - E), constant_values=0)
        cols = jnp.pad(ei[1], (0, EP - E), constant_values=NP)
        return jnp.stack([rows.reshape(NBLK, BLOCKE),
                          cols.reshape(NBLK, BLOCKE)], axis=1)

    rc2 = jnp.stack([rc(Lu, 0), rc(Ld, 1)])

    xe_p = jnp.pad(xe, ((0, NP - N), (0, 0)))
    perm = np.arange(F).reshape(F // 32, 2, 16).transpose(0, 2, 1).reshape(F)
    W2 = jnp.stack([W_s, W_i])[:, :, perm]

    deg = _deg_kernel(cols_deg)
    deg3 = deg.reshape(NC, NP, 1)

    g2 = _matmul_kernel(xe_p, W2, deg3)
    g2p = lax.bitcast_convert_type(
        g2.reshape(NC * NP, F // 2, 2), jnp.float32)
    accf = _edge_kernel(rc2, g2p)
    acc = accf.reshape(NC, NP, F)
    out_p = _combine_kernel(xe_p, W_h, b_h.reshape(1, F), b_s.reshape(1, F),
                            b_i.reshape(1, F), acc[0], acc[1], deg3)
    return out_p[:N]

# --- scband reference (transcript-rebuilt; emitter-appended) ---
"""Pipeline reference for scband-cw-55009941127749 (READ-ONLY COPY).

The authoritative reference and input builder live on the scoring server;
editing this copy changes nothing except your own understanding.
"""

import jax, jax.numpy as jnp
import numpy as np

N = 10000
E = 160000
F_IN = 256
F_OUT = 256


def setup_inputs(seed: int = 0) -> dict:
    key = jax.random.key(seed)
    ks = jax.random.split(key, 9)
    xe = jax.random.normal(ks[0], (N, F_IN), dtype=jnp.float32)
    Lu = jax.random.randint(ks[1], (2, E), 0, N, dtype=jnp.int32)
    Ld = jax.random.randint(ks[2], (2, E), 0, N, dtype=jnp.int32)
    s = 1.0 / np.sqrt(F_IN)
    W_h = jax.random.normal(ks[3], (F_IN, F_OUT), dtype=jnp.float32) * s
    b_h = jax.random.normal(ks[4], (F_OUT,), dtype=jnp.float32) * 0.01
    W_s = jax.random.normal(ks[5], (F_IN, F_OUT), dtype=jnp.float32) * s
    b_s = jax.random.normal(ks[6], (F_OUT,), dtype=jnp.float32) * 0.01
    W_i = jax.random.normal(ks[7], (F_IN, F_OUT), dtype=jnp.float32) * s
    b_i = jax.random.normal(ks[8], (F_OUT,), dtype=jnp.float32) * 0.01
    return {"xe": xe, "Lu": Lu, "Ld": Ld, "W_h": W_h, "b_h": b_h,
            "W_s": W_s, "b_s": b_s, "W_i": W_i, "b_i": b_i}


def _gcn_conv(x, edge_index, W, b):
    # GCNConv with add_self_loops=False, edge_weight=1:
    # deg = scatter_add(ones, col); norm = deg^-1/2[row] * deg^-1/2[col]
    # out[col] += norm * (x @ W)[row]; out += bias
    row = edge_index[0]
    col = edge_index[1]
    n = x.shape[0]
    ones = jnp.ones(row.shape[0], dtype=x.dtype)
    deg = jax.ops.segment_sum(ones, col, num_segments=n)
    deg_inv_sqrt = jnp.where(deg > 0, jax.lax.rsqrt(jnp.maximum(deg, 1e-12)), 0.0)
    norm = deg_inv_sqrt[row] * deg_inv_sqrt[col]
    h = x @ W
    msg = h[row] * norm[:, None]
    out = jax.ops.segment_sum(msg, col, num_segments=n)
    return out + b


def reference(xe, Lu, Ld, W_h, b_h, W_s, b_s, W_i, b_i):
    z_h = xe @ W_h + b_h
    z_s = _gcn_conv(xe, Lu, W_s, b_s)
    z_i = _gcn_conv(xe, Ld, W_i, b_i)
    return z_h + z_s + z_i

if __name__ == "__main__":
    import jax
    _d = setup_inputs()
    print(jax.jit(kernel)(*tuple(_d.values())))

</pallas_src>

<mosaic_0001>
#map = affine_map<(d0, d1) -> (0, 0, 0)>
#map1 = affine_map<(d0, d1) -> (0, 0)>
module attributes {stable_mosaic.version = 14 : i64} {
  func.func @_deg_body(%arg0: i32, %arg1: i32, %arg2: memref<2x16x10240xi32, #tpu.memory_space<hbm>>, %arg3: memref<2x10240xf32, #tpu.memory_space<hbm>>, %arg4: memref<10240xf32, #tpu.memory_space<vmem>>, %arg5: memref<10240xi32, #tpu.memory_space<vmem>>, %arg6: memref<16x10240xf32, #tpu.memory_space<vmem_shared>>, %arg7: memref<16x640xf32, #tpu.memory_space<vmem>>, %arg8: memref<640xf32, #tpu.memory_space<vmem>>) attributes {dimension_semantics = [#tpu.dimension_semantics<core_parallel>, #tpu.dimension_semantics<subcore_parallel>], iteration_bounds = array<i64: 2, 16>, scalar_prefetch = 0 : i64, scratch_operands = 5 : i64, tpu.core_type = #tpu.core_type<sc_vector_subcore>, window_params = [{transform_indices = #map}, {transform_indices = #map1}]} {
    %scan3A = arith.constant 0 : i32
    %scan3A_0 = arith.constant 0 : i32
    %scan3A_1 = arith.constant 640 : i32
    %scan3A_2 = arith.addi %scan3A_0, %scan3A_1 : i32
    %scan3A_3 = arith.constant 1 : i32
    %scan3A_4 = scf.for %scan3A_85 = %scan3A_0 to %scan3A_2 step %scan3A_3 iter_args(%scan3A_86 = %scan3A) -> (i32)  : i32 {
      %broadcast_in_dim3A_87 = arith.constant 0.000000e+00 : f32
      %broadcast_in_dim3A_88 = vector.broadcast %broadcast_in_dim3A_87 : f32 to vector<16xf32>
      %mul3A_89 = arith.constant 16 : i32
      %mul3A_90 = arith.muli %scan3A_85, %mul3A_89 : i32
      %swap3A = arith.index_cast %mul3A_90 : i32 to index
      %swap3A_91 = tpu.vector_load %arg4[%swap3A] {strides = array<i32>} : memref<10240xf32, #tpu.memory_space<vmem>>, vector<16xf32>,
      tpu.vector_store %arg4[%swap3A], %broadcast_in_dim3A_88 {strides = array<i32>} : memref<10240xf32, #tpu.memory_space<vmem>>, vector<16xf32>,
      %scan3A_92 = arith.constant 0 : i32
      scf.yield %scan3A_92 : i32
    }
    %scan3A_5 = arith.constant 640 : i32
    "tpu.region"() ({
      %run_scoped3A_85 = tpu.sem_alloc : memref<!tpu.dma_semaphore, #tpu.memory_space<semaphore_mem>>
      %dma_start3A = arith.constant 0 : i32
      %dma_start3A_86 = tpu.memref_slice %arg2[%arg0, %arg1, %dma_start3A] : memref<2x16x10240xi32, #tpu.memory_space<hbm>> -> memref<1x1x10240xi32, #tpu.memory_space<hbm>>
      %dma_start3A_87 = tpu.memref_squeeze %dma_start3A_86 : memref<1x1x10240xi32, #tpu.memory_space<hbm>> -> memref<10240xi32, #tpu.memory_space<hbm>>
      %dma_start3A_88 = arith.constant 0 : i32
      %dma_start3A_89 = tpu.memref_slice %arg2[%arg0, %arg1, %dma_start3A_88] : memref<2x16x10240xi32, #tpu.memory_space<hbm>> -> memref<1x1x10240xi32, #tpu.memory_space<hbm>>
      %dma_start3A_90 = tpu.memref_squeeze %dma_start3A_89 : memref<1x1x10240xi32, #tpu.memory_space<hbm>> -> memref<10240xi32, #tpu.memory_space<hbm>>
      tpu.enqueue_dma source(%dma_start3A_90 : memref<10240xi32, #tpu.memory_space<hbm>>) target(%arg5 : memref<10240xi32, #tpu.memory_space<vmem>>) target_semaphore(%run_scoped3A_85 : memref<!tpu.dma_semaphore, #tpu.memory_space<semaphore_mem>>)
      %dma_wait3A = arith.constant 0 : i32
      %dma_wait3A_91 = tpu.memref_slice %arg2[%arg0, %arg1, %dma_wait3A] : memref<2x16x10240xi32, #tpu.memory_space<hbm>> -> memref<1x1x10240xi32, #tpu.memory_space<hbm>>
      %dma_wait3A_92 = tpu.memref_squeeze %dma_wait3A_91 : memref<1x1x10240xi32, #tpu.memory_space<hbm>> -> memref<10240xi32, #tpu.memory_space<hbm>>
      %dma_wait3A_93 = arith.constant 0 : i32
      %dma_wait3A_94 = tpu.memref_slice %arg2[%arg0, %arg1, %dma_wait3A_93] : memref<2x16x10240xi32, #tpu.memory_space<hbm>> -> memref<1x1x10240xi32, #tpu.memory_space<hbm>>
      %dma_wait3A_95 = tpu.memref_squeeze %dma_wait3A_94 : memref<1x1x10240xi32, #tpu.memory_space<hbm>> -> memref<10240xi32, #tpu.memory_space<hbm>>
      tpu.wait_dma2 semaphore(%run_scoped3A_85 : memref<!tpu.dma_semaphore, #tpu.memory_space<semaphore_mem>>) src(%dma_wait3A_95 : memref<10240xi32, #tpu.memory_space<hbm>>) dst(%arg5 : memref<10240xi32, #tpu.memory_space<vmem>>)
      tpu.yield
    }) : () -> ()
    %broadcast_in_dim3A = arith.constant 1.000000e+00 : f32
    %broadcast_in_dim3A_6 = vector.broadcast %broadcast_in_dim3A : f32 to vector<16xf32>
    %scan3A_7 = arith.constant 0 : i32
    %scan3A_8 = arith.constant 0 : i32
    %scan3A_9 = arith.constant 640 : i32
    %scan3A_10 = arith.addi %scan3A_8, %scan3A_9 : i32
    %scan3A_11 = arith.constant 1 : i32
    %scan3A_12 = scf.for %scan3A_85 = %scan3A_8 to %scan3A_10 step %scan3A_11 iter_args(%scan3A_86 = %scan3A_7) -> (i32)  : i32 {
      %mul3A_87 = arith.constant 16 : i32
      %mul3A_88 = arith.muli %scan3A_85, %mul3A_87 : i32
      %get3A = arith.index_cast %mul3A_88 : i32 to index
      %get3A_89 = tpu.vector_load %arg5[%get3A] {strides = array<i32>} : memref<10240xi32, #tpu.memory_space<vmem>>, vector<16xi32>,
      tpu.vector_store_idx %arg4[%get3A_89], %broadcast_in_dim3A_6 {add = true} : memref<10240xf32, #tpu.memory_space<vmem>>[vector<16xi32>], vector<16xf32>,
      %scan3A_90 = arith.constant 0 : i32
      scf.yield %scan3A_90 : i32
    }
    %scan3A_13 = arith.constant 640 : i32
    "tpu.region"() ({
      %run_scoped3A_85 = tpu.sem_alloc : memref<!tpu.dma_semaphore, #tpu.memory_space<semaphore_mem>>
      %dma_start3A = arith.constant 0 : i32
      %dma_start3A_86 = tpu.memref_slice %arg6[%arg1, %dma_start3A] : memref<16x10240xf32, #tpu.memory_space<vmem_shared>> -> memref<1x10240xf32, #tpu.memory_space<vmem_shared>>
      %dma_start3A_87 = tpu.memref_squeeze %dma_start3A_86 : memref<1x10240xf32, #tpu.memory_space<vmem_shared>> -> memref<10240xf32, #tpu.memory_space<vmem_shared>>
      %dma_start3A_88 = arith.constant 0 : i32
      %dma_start3A_89 = tpu.memref_slice %arg6[%arg1, %dma_start3A_88] : memref<16x10240xf32, #tpu.memory_space<vmem_shared>> -> memref<1x10240xf32, #tpu.memory_space<vmem_shared>>
      %dma_start3A_90 = tpu.memref_squeeze %dma_start3A_89 : memref<1x10240xf32, #tpu.memory_space<vmem_shared>> -> memref<10240xf32, #tpu.memory_space<vmem_shared>>
      tpu.enqueue_dma source(%arg4 : memref<10240xf32, #tpu.memory_space<vmem>>) target(%dma_start3A_90 : memref<10240xf32, #tpu.memory_space<vmem_shared>>) target_semaphore(%run_scoped3A_85 : memref<!tpu.dma_semaphore, #tpu.memory_space<semaphore_mem>>)
      %dma_wait3A = arith.constant 0 : i32
      %dma_wait3A_91 = tpu.memref_slice %arg6[%arg1, %dma_wait3A] : memref<16x10240xf32, #tpu.memory_space<vmem_shared>> -> memref<1x10240xf32, #tpu.memory_space<vmem_shared>>
      %dma_wait3A_92 = tpu.memref_squeeze %dma_wait3A_91 : memref<1x10240xf32, #tpu.memory_space<vmem_shared>> -> memref<10240xf32, #tpu.memory_space<vmem_shared>>
      %dma_wait3A_93 = arith.constant 0 : i32
      %dma_wait3A_94 = tpu.memref_slice %arg6[%arg1, %dma_wait3A_93] : memref<16x10240xf32, #tpu.memory_space<vmem_shared>> -> memref<1x10240xf32, #tpu.memory_space<vmem_shared>>
      %dma_wait3A_95 = tpu.memref_squeeze %dma_wait3A_94 : memref<1x10240xf32, #tpu.memory_space<vmem_shared>> -> memref<10240xf32, #tpu.memory_space<vmem_shared>>
      tpu.wait_dma2 semaphore(%run_scoped3A_85 : memref<!tpu.dma_semaphore, #tpu.memory_space<semaphore_mem>>) src(%arg4 : memref<10240xf32, #tpu.memory_space<vmem>>) dst(%dma_wait3A_95 : memref<10240xf32, #tpu.memory_space<vmem_shared>>)
      tpu.yield
    }) : () -> ()
    %barrier3A = arith.constant 0 : index
    tpu.barrier barrier_id(%barrier3A)
    %mul3A = arith.constant 640 : i32
    %mul3A_14 = arith.muli %arg1, %mul3A : i32
    %run_scoped3A = arith.constant 0 : i32
    %run_scoped3A_15 = arith.constant 0 : i32
    "tpu.region"() ({
      %run_scoped3A_85 = tpu.sem_alloc : memref<!tpu.dma_semaphore, #tpu.memory_space<semaphore_mem>>
      %dma_start3A = arith.constant 0 : i32
      %dma_start3A_86 = tpu.memref_slice %arg7[%run_scoped3A_15, %dma_start3A] : memref<16x640xf32, #tpu.memory_space<vmem>> -> memref<1x640xf32, #tpu.memory_space<vmem>>
      %dma_start3A_87 = tpu.memref_squeeze %dma_start3A_86 : memref<1x640xf32, #tpu.memory_space<vmem>> -> memref<640xf32, #tpu.memory_space<vmem>>
      %dma_start3A_88 = tpu.memref_slice %arg6[%run_scoped3A, %mul3A_14] : memref<16x10240xf32, #tpu.memory_space<vmem_shared>> -> memref<1x640xf32, #tpu.memory_space<vmem_shared>>
      %dma_start3A_89 = tpu.memref_squeeze %dma_start3A_88 : memref<1x640xf32, #tpu.memory_space<vmem_shared>> -> memref<640xf32, #tpu.memory_space<vmem_shared>>
      %dma_start3A_90 = arith.constant 0 : i32
      %dma_start3A_91 = tpu.memref_slice %arg7[%run_scoped3A_15, %dma_start3A_90] : memref<16x640xf32, #tpu.memory_space<vmem>> -> memref<1x640xf32, #tpu.memory_space<vmem>>
      %dma_start3A_92 = tpu.memref_squeeze %dma_start3A_91 : memref<1x640xf32, #tpu.memory_space<vmem>> -> memref<640xf32, #tpu.memory_space<vmem>>
      %dma_start3A_93 = tpu.memref_slice %arg6[%run_scoped3A, %mul3A_14] : memref<16x10240xf32, #tpu.memory_space<vmem_shared>> -> memref<1x640xf32, #tpu.memory_space<vmem_shared>>
      %dma_start3A_94 = tpu.memref_squeeze %dma_start3A_93 : memref<1x640xf32, #tpu.memory_space<vmem_shared>> -> memref<640xf32, #tpu.memory_space<vmem_shared>>
      tpu.enqueue_dma source(%dma_start3A_94 : memref<640xf32, #tpu.memory_space<vmem_shared>>) target(%dma_start3A_92 : memref<640xf32, #tpu.memory_space<vmem>>) target_semaphore(%run_scoped3A_85 : memref<!tpu.dma_semaphore, #tpu.memory_space<semaphore_mem>>)
      %dma_wait3A = arith.constant 0 : i32
      %dma_wait3A_95 = tpu.memref_slice %arg7[%run_scoped3A_15, %dma_wait3A] : memref<16x640xf32, #tpu.memory_space<vmem>> -> memref<1x640xf32, #tpu.memory_space<vmem>>
      %dma_wait3A_96 = tpu.memref_squeeze %dma_wait3A_95 : memref<1x640xf32, #tpu.memory_space<vmem>> -> memref<640xf32, #tpu.memory_space<vmem>>
      %dma_wait3A_97 = tpu.memref_slice %arg6[%run_scoped3A, %mul3A_14] : memref<16x10240xf32, #tpu.memory_space<vmem_shared>> -> memref<1x640xf32, #tpu.memory_space<vmem_shared>>
      %dma_wait3A_98 = tpu.memref_squeeze %dma_wait3A_97 : memref<1x640xf32, #tpu.memory_space<vmem_shared>> -> memref<640xf32, #tpu.memory_space<vmem_shared>>
      %dma_wait3A_99 = arith.constant 0 : i32
      %dma_wait3A_100 = tpu.memref_slice %arg7[%run_scoped3A_15, %dma_wait3A_99] : memref<16x640xf32, #tpu.memory_space<vmem>> -> memref<1x640xf32, #tpu.memory_space<vmem>>
      %dma_wait3A_101 = tpu.memref_squeeze %dma_wait3A_100 : memref<1x640xf32, #tpu.memory_space<vmem>> -> memref<640xf32, #tpu.memory_space<vmem>>
      %dma_wait3A_102 = tpu.memref_slice %arg6[%run_scoped3A, %mul3A_14] : memref<16x10240xf32, #tpu.memory_space<vmem_shared>> -> memref<1x640xf32, #tpu.memory_space<vmem_shared>>
      %dma_wait3A_103 = tpu.memref_squeeze %dma_wait3A_102 : memref<1x640xf32, #tpu.memory_space<vmem_shared>> -> memref<640xf32, #tpu.memory_space<vmem_shared>>
      tpu.wait_dma2 semaphore(%run_scoped3A_85 : memref<!tpu.dma_semaphore, #tpu.memory_space<semaphore_mem>>) src(%dma_wait3A_103 : memref<640xf32, #tpu.memory_space<vmem_shared>>) dst(%dma_wait3A_101 : memref<640xf32, #tpu.memory_space<vmem>>)
      tpu.yield
    }) : () -> ()
    %mul3A_16 = arith.constant 640 : i32
    %mul3A_17 = arith.muli %arg1, %mul3A_16 : i32
    %run_scoped3A_18 = arith.constant 1 : i32
    %run_scoped3A_19 = arith.constant 1 : i32
    "tpu.region"() ({
      %run_scoped3A_85 = tpu.sem_alloc : memref<!tpu.dma_semaphore, #tpu.memory_space<semaphore_mem>>
      %dma_start3A = arith.constant 0 : i32
      %dma_start3A_86 = tpu.memref_slice %arg7[%run_scoped3A_19, %dma_start3A] : memref<16x640xf32, #tpu.memory_space<vmem>> -> memref<1x640xf32, #tpu.memory_space<vmem>>
      %dma_start3A_87 = tpu.memref_squeeze %dma_start3A_86 : memref<1x640xf32, #tpu.memory_space<vmem>> -> memref<640xf32, #tpu.memory_space<vmem>>
      %dma_start3A_88 = tpu.memref_slice %arg6[%run_scoped3A_18, %mul3A_17] : memref<16x10240xf32, #tpu.memory_space<vmem_shared>> -> memref<1x640xf32, #tpu.memory_space<vmem_shared>>
      %dma_start3A_89 = tpu.memref_squeeze %dma_start3A_88 : memref<1x640xf32, #tpu.memory_space<vmem_shared>> -> memref<640xf32, #tpu.memory_space<vmem_shared>>
      %dma_start3A_90 = arith.constant 0 : i32
      %dma_start3A_91 = tpu.memref_slice %arg7[%run_scoped3A_19, %dma_start3A_90] : memref<16x640xf32, #tpu.memory_space<vmem>> -> memref<1x640xf32, #tpu.memory_space<vmem>>
      %dma_start3A_92 = tpu.memref_squeeze %dma_start3A_91 : memref<1x640xf32, #tpu.memory_space<vmem>> -> memref<640xf32, #tpu.memory_space<vmem>>
      %dma_start3A_93 = tpu.memref_slice %arg6[%run_scoped3A_18, %mul3A_17] : memref<16x10240xf32, #tpu.memory_space<vmem_shared>> -> memref<1x640xf32, #tpu.memory_space<vmem_shared>>
      %dma_start3A_94 = tpu.memref_squeeze %dma_start3A_93 : memref<1x640xf32, #tpu.memory_space<vmem_shared>> -> memref<640xf32, #tpu.memory_space<vmem_shared>>
      tpu.enqueue_dma source(%dma_start3A_94 : memref<640xf32, #tpu.memory_space<vmem_shared>>) target(%dma_start3A_92 : memref<640xf32, #tpu.memory_space<vmem>>) target_semaphore(%run_scoped3A_85 : memref<!tpu.dma_semaphore, #tpu.memory_space<semaphore_mem>>)
      %dma_wait3A = arith.constant 0 : i32
      %dma_wait3A_95 = tpu.memref_slice %arg7[%run_scoped3A_19, %dma_wait3A] : memref<16x640xf32, #tpu.memory_space<vmem>> -> memref<1x640xf32, #tpu.memory_space<vmem>>
      %dma_wait3A_96 = tpu.memref_squeeze %dma_wait3A_95 : memref<1x640xf32, #tpu.memory_space<vmem>> -> memref<640xf32, #tpu.memory_space<vmem>>
      %dma_wait3A_97 = tpu.memref_slice %arg6[%run_scoped3A_18, %mul3A_17] : memref<16x10240xf32, #tpu.memory_space<vmem_shared>> -> memref<1x640xf32, #tpu.memory_space<vmem_shared>>
      %dma_wait3A_98 = tpu.memref_squeeze %dma_wait3A_97 : memref<1x640xf32, #tpu.memory_space<vmem_shared>> -> memref<640xf32, #tpu.memory_space<vmem_shared>>
      %dma_wait3A_99 = arith.constant 0 : i32
      %dma_wait3A_100 = tpu.memref_slice %arg7[%run_scoped3A_19, %dma_wait3A_99] : memref<16x640xf32, #tpu.memory_space<vmem>> -> memref<1x640xf32, #tpu.memory_space<vmem>>
      %dma_wait3A_101 = tpu.memref_squeeze %dma_wait3A_100 : memref<1x640xf32, #tpu.memory_space<vmem>> -> memref<640xf32, #tpu.memory_space<vmem>>
      %dma_wait3A_102 = tpu.memref_slice %arg6[%run_scoped3A_18, %mul3A_17] : memref<16x10240xf32, #tpu.memory_space<vmem_shared>> -> memref<1x640xf32, #tpu.memory_space<vmem_shared>>
      %dma_wait3A_103 = tpu.memref_squeeze %dma_wait3A_102 : memref<1x640xf32, #tpu.memory_space<vmem_shared>> -> memref<640xf32, #tpu.memory_space<vmem_shared>>
      tpu.wait_dma2 semaphore(%run_scoped3A_85 : memref<!tpu.dma_semaphore, #tpu.memory_space<semaphore_mem>>) src(%dma_wait3A_103 : memref<640xf32, #tpu.memory_space<vmem_shared>>) dst(%dma_wait3A_101 : memref<640xf32, #tpu.memory_space<vmem>>)
      tpu.yield
    }) : () -> ()
    %mul3A_20 = arith.constant 640 : i32
    %mul3A_21 = arith.muli %arg1, %mul3A_20 : i32
    %run_scoped3A_22 = arith.constant 2 : i32
    %run_scoped3A_23 = arith.constant 2 : i32
    "tpu.region"() ({
      %run_scoped3A_85 = tpu.sem_alloc : memref<!tpu.dma_semaphore, #tpu.memory_space<semaphore_mem>>
      %dma_start3A = arith.constant 0 : i32
      %dma_start3A_86 = tpu.memref_slice %arg7[%run_scoped3A_23, %dma_start3A] : memref<16x640xf32, #tpu.memory_space<vmem>> -> memref<1x640xf32, #tpu.memory_space<vmem>>
      %dma_start3A_87 = tpu.memref_squeeze %dma_start3A_86 : memref<1x640xf32, #tpu.memory_space<vmem>> -> memref<640xf32, #tpu.memory_space<vmem>>
      %dma_start3A_88 = tpu.memref_slice %arg6[%run_scoped3A_22, %mul3A_21] : memref<16x10240xf32, #tpu.memory_space<vmem_shared>> -> memref<1x640xf32, #tpu.memory_space<vmem_shared>>
      %dma_start3A_89 = tpu.memref_squeeze %dma_start3A_88 : memref<1x640xf32, #tpu.memory_space<vmem_shared>> -> memref<640xf32, #tpu.memory_space<vmem_shared>>
      %dma_start3A_90 = arith.constant 0 : i32
      %dma_start3A_91 = tpu.memref_slice %arg7[%run_scoped3A_23, %dma_start3A_90] : memref<16x640xf32, #tpu.memory_space<vmem>> -> memref<1x640xf32, #tpu.memory_space<vmem>>
      %dma_start3A_92 = tpu.memref_squeeze %dma_start3A_91 : memref<1x640xf32, #tpu.memory_space<vmem>> -> memref<640xf32, #tpu.memory_space<vmem>>
      %dma_start3A_93 = tpu.memref_slice %arg6[%run_scoped3A_22, %mul3A_21] : memref<16x10240xf32, #tpu.memory_space<vmem_shared>> -> memref<1x640xf32, #tpu.memory_space<vmem_shared>>
      %dma_start3A_94 = tpu.memref_squeeze %dma_start3A_93 : memref<1x640xf32, #tpu.memory_space<vmem_shared>> -> memref<640xf32, #tpu.memory_space<vmem_shared>>
      tpu.enqueue_dma source(%dma_start3A_94 : memref<640xf32, #tpu.memory_space<vmem_shared>>) target(%dma_start3A_92 : memref<640xf32, #tpu.memory_space<vmem>>) target_semaphore(%run_scoped3A_85 : memref<!tpu.dma_semaphore, #tpu.memory_space<semaphore_mem>>)
      %dma_wait3A = arith.constant 0 : i32
      %dma_wait3A_95 = tpu.memref_slice %arg7[%run_scoped3A_23, %dma_wait3A] : memref<16x640xf32, #tpu.memory_space<vmem>> -> memref<1x640xf32, #tpu.memory_space<vmem>>
      %dma_wait3A_96 = tpu.memref_squeeze %dma_wait3A_95 : memref<1x640xf32, #tpu.memory_space<vmem>> -> memref<640xf32, #tpu.memory_space<vmem>>
      %dma_wait3A_97 = tpu.memref_slice %arg6[%run_scoped3A_22, %mul3A_21] : memref<16x10240xf32, #tpu.memory_space<vmem_shared>> -> memref<1x640xf32, #tpu.memory_space<vmem_shared>>
      %dma_wait3A_98 = tpu.memref_squeeze %dma_wait3A_97 : memref<1x640xf32, #tpu.memory_space<vmem_shared>> -> memref<640xf32, #tpu.memory_space<vmem_shared>>
      %dma_wait3A_99 = arith.constant 0 : i32
      %dma_wait3A_100 = tpu.memref_slice %arg7[%run_scoped3A_23, %dma_wait3A_99] : memref<16x640xf32, #tpu.memory_space<vmem>> -> memref<1x640xf32, #tpu.memory_space<vmem>>
      %dma_wait3A_101 = tpu.memref_squeeze %dma_wait3A_100 : memref<1x640xf32, #tpu.memory_space<vmem>> -> memref<640xf32, #tpu.memory_space<vmem>>
      %dma_wait3A_102 = tpu.memref_slice %arg6[%run_scoped3A_22, %mul3A_21] : memref<16x10240xf32, #tpu.memory_space<vmem_shared>> -> memref<1x640xf32, #tpu.memory_space<vmem_shared>>
      %dma_wait3A_103 = tpu.memref_squeeze %dma_wait3A_102 : memref<1x640xf32, #tpu.memory_space<vmem_shared>> -> memref<640xf32, #tpu.memory_space<vmem_shared>>
      tpu.wait_dma2 semaphore(%run_scoped3A_85 : memref<!tpu.dma_semaphore, #tpu.memory_space<semaphore_mem>>) src(%dma_wait3A_103 : memref<640xf32, #tpu.memory_space<vmem_shared>>) dst(%dma_wait3A_101 : memref<640xf32, #tpu.memory_space<vmem>>)
      tpu.yield
    }) : () -> ()
    %mul3A_24 = arith.constant 640 : i32
    %mul3A_25 = arith.muli %arg1, %mul3A_24 : i32
    %run_scoped3A_26 = arith.constant 3 : i32
    %run_scoped3A_27 = arith.constant 3 : i32
    "tpu.region"() ({
      %run_scoped3A_85 = tpu.sem_alloc : memref<!tpu.dma_semaphore, #tpu.memory_space<semaphore_mem>>
      %dma_start3A = arith.constant 0 : i32
      %dma_start3A_86 = tpu.memref_slice %arg7[%run_scoped3A_27, %dma_start3A] : memref<16x640xf32, #tpu.memory_space<vmem>> -> memref<1x640xf32, #tpu.memory_space<vmem>>
      %dma_start3A_87 = tpu.memref_squeeze %dma_start3A_86 : memref<1x640xf32, #tpu.memory_space<vmem>> -> memref<640xf32, #tpu.memory_space<vmem>>
      %dma_start3A_88 = tpu.memref_slice %arg6[%run_scoped3A_26, %mul3A_25] : memref<16x10240xf32, #tpu.memory_space<vmem_shared>> -> memref<1x640xf32, #tpu.memory_space<vmem_shared>>
      %dma_start3A_89 = tpu.memref_squeeze %dma_start3A_88 : memref<1x640xf32, #tpu.memory_space<vmem_shared>> -> memref<640xf32, #tpu.memory_space<vmem_shared>>
      %dma_start3A_90 = arith.constant 0 : i32
      %dma_start3A_91 = tpu.memref_slice %arg7[%run_scoped3A_27, %dma_start3A_90] : memref<16x640xf32, #tpu.memory_space<vmem>> -> memref<1x640xf32, #tpu.memory_space<vmem>>
      %dma_start3A_92 = tpu.memref_squeeze %dma_start3A_91 : memref<1x640xf32, #tpu.memory_space<vmem>> -> memref<640xf32, #tpu.memory_space<vmem>>
      %dma_start3A_93 = tpu.memref_slice %arg6[%run_scoped3A_26, %mul3A_25] : memref<16x10240xf32, #tpu.memory_space<vmem_shared>> -> memref<1x640xf32, #tpu.memory_space<vmem_shared>>
      %dma_start3A_94 = tpu.memref_squeeze %dma_start3A_93 : memref<1x640xf32, #tpu.memory_space<vmem_shared>> -> memref<640xf32, #tpu.memory_space<vmem_shared>>
      tpu.enqueue_dma source(%dma_start3A_94 : memref<640xf32, #tpu.memory_space<vmem_shared>>) target(%dma_start3A_92 : memref<640xf32, #tpu.memory_space<vmem>>) target_semaphore(%run_scoped3A_85 : memref<!tpu.dma_semaphore, #tpu.memory_space<semaphore_mem>>)
      %dma_wait3A = arith.constant 0 : i32
      %dma_wait3A_95 = tpu.memref_slice %arg7[%run_scoped3A_27, %dma_wait3A] : memref<16x640xf32, #tpu.memory_space<vmem>> -> memref<1x640xf32, #tpu.memory_space<vmem>>
      %dma_wait3A_96 = tpu.memref_squeeze %dma_wait3A_95 : memref<1x640xf32, #tpu.memory_space<vmem>> -> memref<640xf32, #tpu.memory_space<vmem>>
      %dma_wait3A_97 = tpu.memref_slice %arg6[%run_scoped3A_26, %mul3A_25] : memref<16x10240xf32, #tpu.memory_space<vmem_shared>> -> memref<1x640xf32, #tpu.memory_space<vmem_shared>>
      %dma_wait3A_98 = tpu.memref_squeeze %dma_wait3A_97 : memref<1x640xf32, #tpu.memory_space<vmem_shared>> -> memref<640xf32, #tpu.memory_space<vmem_shared>>
      %dma_wait3A_99 = arith.constant 0 : i32
      %dma_wait3A_100 = tpu.memref_slice %arg7[%run_scoped3A_27, %dma_wait3A_99] : memref<16x640xf32, #tpu.memory_space<vmem>> -> memref<1x640xf32, #tpu.memory_space<vmem>>
      %dma_wait3A_101 = tpu.memref_squeeze %dma_wait3A_100 : memref<1x640xf32, #tpu.memory_space<vmem>> -> memref<640xf32, #tpu.memory_space<vmem>>
      %dma_wait3A_102 = tpu.memref_slice %arg6[%run_scoped3A_26, %mul3A_25] : memref<16x10240xf32, #tpu.memory_space<vmem_shared>> -> memref<1x640xf32, #tpu.memory_space<vmem_shared>>
      %dma_wait3A_103 = tpu.memref_squeeze %dma_wait3A_102 : memref<1x640xf32, #tpu.memory_space<vmem_shared>> -> memref<640xf32, #tpu.memory_space<vmem_shared>>
      tpu.wait_dma2 semaphore(%run_scoped3A_85 : memref<!tpu.dma_semaphore, #tpu.memory_space<semaphore_mem>>) src(%dma_wait3A_103 : memref<640xf32, #tpu.memory_space<vmem_shared>>) dst(%dma_wait3A_101 : memref<640xf32, #tpu.memory_space<vmem>>)
      tpu.yield
    }) : () -> ()
    %mul3A_28 = arith.constant 640 : i32
    %mul3A_29 = arith.muli %arg1, %mul3A_28 : i32
    %run_scoped3A_30 = arith.constant 4 : i32
    %run_scoped3A_31 = arith.constant 4 : i32
    "tpu.region"() ({
      %run_scoped3A_85 = tpu.sem_alloc : memref<!tpu.dma_semaphore, #tpu.memory_space<semaphore_mem>>
      %dma_start3A = arith.constant 0 : i32
      %dma_start3A_86 = tpu.memref_slice %arg7[%run_scoped3A_31, %dma_start3A] : memref<16x640xf32, #tpu.memory_space<vmem>> -> memref<1x640xf32, #tpu.memory_space<vmem>>
      %dma_start3A_87 = tpu.memref_squeeze %dma_start3A_86 : memref<1x640xf32, #tpu.memory_space<vmem>> -> memref<640xf32, #tpu.memory_space<vmem>>
      %dma_start3A_88 = tpu.memref_slice %arg6[%run_scoped3A_30, %mul3A_29] : memref<16x10240xf32, #tpu.memory_space<vmem_shared>> -> memref<1x640xf32, #tpu.memory_space<vmem_shared>>
      %dma_start3A_89 = tpu.memref_squeeze %dma_start3A_88 : memref<1x640xf32, #tpu.memory_space<vmem_shared>> -> memref<640xf32, #tpu.memory_space<vmem_shared>>
      %dma_start3A_90 = arith.constant 0 : i32
      %dma_start3A_91 = tpu.memref_slice %arg7[%run_scoped3A_31, %dma_start3A_90] : memref<16x640xf32, #tpu.memory_space<vmem>> -> memref<1x640xf32, #tpu.memory_space<vmem>>
      %dma_start3A_92 = tpu.memref_squeeze %dma_start3A_91 : memref<1x640xf32, #tpu.memory_space<vmem>> -> memref<640xf32, #tpu.memory_space<vmem>>
      %dma_start3A_93 = tpu.memref_slice %arg6[%run_scoped3A_30, %mul3A_29] : memref<16x10240xf32, #tpu.memory_space<vmem_shared>> -> memref<1x640xf32, #tpu.memory_space<vmem_shared>>
      %dma_start3A_94 = tpu.memref_squeeze %dma_start3A_93 : memref<1x640xf32, #tpu.memory_space<vmem_shared>> -> memref<640xf32, #tpu.memory_space<vmem_shared>>
      tpu.enqueue_dma source(%dma_start3A_94 : memref<640xf32, #tpu.memory_space<vmem_shared>>) target(%dma_start3A_92 : memref<640xf32, #tpu.memory_space<vmem>>) target_semaphore(%run_scoped3A_85 : memref<!tpu.dma_semaphore, #tpu.memory_space<semaphore_mem>>)
      %dma_wait3A = arith.constant 0 : i32
      %dma_wait3A_95 = tpu.memref_slice %arg7[%run_scoped3A_31, %dma_wait3A] : memref<16x640xf32, #tpu.memory_space<vmem>> -> memref<1x640xf32, #tpu.memory_space<vmem>>
      %dma_wait3A_96 = tpu.memref_squeeze %dma_wait3A_95 : memref<1x640xf32, #tpu.memory_space<vmem>> -> memref<640xf32, #tpu.memory_space<vmem>>
      %dma_wait3A_97 = tpu.memref_slice %arg6[%run_scoped3A_30, %mul3A_29] : memref<16x10240xf32, #tpu.memory_space<vmem_shared>> -> memref<1x640xf32, #tpu.memory_space<vmem_shared>>
      %dma_wait3A_98 = tpu.memref_squeeze %dma_wait3A_97 : memref<1x640xf32, #tpu.memory_space<vmem_shared>> -> memref<640xf32, #tpu.memory_space<vmem_shared>>
      %dma_wait3A_99 = arith.constant 0 : i32
      %dma_wait3A_100 = tpu.memref_slice %arg7[%run_scoped3A_31, %dma_wait3A_99] : memref<16x640xf32, #tpu.memory_space<vmem>> -> memref<1x640xf32, #tpu.memory_space<vmem>>
      %dma_wait3A_101 = tpu.memref_squeeze %dma_wait3A_100 : memref<1x640xf32, #tpu.memory_space<vmem>> -> memref<640xf32, #tpu.memory_space<vmem>>
      %dma_wait3A_102 = tpu.memref_slice %arg6[%run_scoped3A_30, %mul3A_29] : memref<16x10240xf32, #tpu.memory_space<vmem_shared>> -> memref<1x640xf32, #tpu.memory_space<vmem_shared>>
      %dma_wait3A_103 = tpu.memref_squeeze %dma_wait3A_102 : memref<1x640xf32, #tpu.memory_space<vmem_shared>> -> memref<640xf32, #tpu.memory_space<vmem_shared>>
      tpu.wait_dma2 semaphore(%run_scoped3A_85 : memref<!tpu.dma_semaphore, #tpu.memory_space<semaphore_mem>>) src(%dma_wait3A_103 : memref<640xf32, #tpu.memory_space<vmem_shared>>) dst(%dma_wait3A_101 : memref<640xf32, #tpu.memory_space<vmem>>)
      tpu.yield
    }) : () -> ()
    %mul3A_32 = arith.constant 640 : i32
    %mul3A_33 = arith.muli %arg1, %mul3A_32 : i32
    %run_scoped3A_34 = arith.constant 5 : i32
    %run_scoped3A_35 = arith.constant 5 : i32
    "tpu.region"() ({
      %run_scoped3A_85 = tpu.sem_alloc : memref<!tpu.dma_semaphore, #tpu.memory_space<semaphore_mem>>
      %dma_start3A = arith.constant 0 : i32
      %dma_start3A_86 = tpu.memref_slice %arg7[%run_scoped3A_35, %dma_start3A] : memref<16x640xf32, #tpu.memory_space<vmem>> -> memref<1x640xf32, #tpu.memory_space<vmem>>
      %dma_start3A_87 = tpu.memref_squeeze %dma_start3A_86 : memref<1x640xf32, #tpu.memory_space<vmem>> -> memref<640xf32, #tpu.memory_space<vmem>>
      %dma_start3A_88 = tpu.memref_slice %arg6[%run_scoped3A_34, %mul3A_33] : memref<16x10240xf32, #tpu.memory_space<vmem_shared>> -> memref<1x640xf32, #tpu.memory_space<vmem_shared>>
      %dma_start3A_89 = tpu.memref_squeeze %dma_start3A_88 : memref<1x640xf32, #tpu.memory_space<vmem_shared>> -> memref<640xf32, #tpu.memory_space<vmem_shared>>
      %dma_start3A_90 = arith.constant 0 : i32
      %dma_start3A_91 = tpu.memref_slice %arg7[%run_scoped3A_35, %dma_start3A_90] : memref<16x640xf32, #tpu.memory_space<vmem>> -> memref<1x640xf32, #tpu.memory_space<vmem>>
      %dma_start3A_92 = tpu.memref_squeeze %dma_start3A_91 : memref<1x640xf32, #tpu.memory_space<vmem>> -> memref<640xf32, #tpu.memory_space<vmem>>
      %dma_start3A_93 = tpu.memref_slice %arg6[%run_scoped3A_34, %mul3A_33] : memref<16x10240xf32, #tpu.memory_space<vmem_shared>> -> memref<1x640xf32, #tpu.memory_space<vmem_shared>>
      %dma_start3A_94 = tpu.memref_squeeze %dma_start3A_93 : memref<1x640xf32, #tpu.memory_space<vmem_shared>> -> memref<640xf32, #tpu.memory_space<vmem_shared>>
      tpu.enqueue_dma source(%dma_start3A_94 : memref<640xf32, #tpu.memory_space<vmem_shared>>) target(%dma_start3A_92 : memref<640xf32, #tpu.memory_space<vmem>>) target_semaphore(%run_scoped3A_85 : memref<!tpu.dma_semaphore, #tpu.memory_space<semaphore_mem>>)
      %dma_wait3A = arith.constant 0 : i32
      %dma_wait3A_95 = tpu.memref_slice %arg7[%run_scoped3A_35, %dma_wait3A] : memref<16x640xf32, #tpu.memory_space<vmem>> -> memref<1x640xf32, #tpu.memory_space<vmem>>
      %dma_wait3A_96 = tpu.memref_squeeze %dma_wait3A_95 : memref<1x640xf32, #tpu.memory_space<vmem>> -> memref<640xf32, #tpu.memory_space<vmem>>
      %dma_wait3A_97 = tpu.memref_slice %arg6[%run_scoped3A_34, %mul3A_33] : memref<16x10240xf32, #tpu.memory_space<vmem_shared>> -> memref<1x640xf32, #tpu.memory_space<vmem_shared>>
      %dma_wait3A_98 = tpu.memref_squeeze %dma_wait3A_97 : memref<1x640xf32, #tpu.memory_space<vmem_shared>> -> memref<640xf32, #tpu.memory_space<vmem_shared>>
      %dma_wait3A_99 = arith.constant 0 : i32
      %dma_wait3A_100 = tpu.memref_slice %arg7[%run_scoped3A_35, %dma_wait3A_99] : memref<16x640xf32, #tpu.memory_space<vmem>> -> memref<1x640xf32, #tpu.memory_space<vmem>>
      %dma_wait3A_101 = tpu.memref_squeeze %dma_wait3A_100 : memref<1x640xf32, #tpu.memory_space<vmem>> -> memref<640xf32, #tpu.memory_space<vmem>>
      %dma_wait3A_102 = tpu.memref_slice %arg6[%run_scoped3A_34, %mul3A_33] : memref<16x10240xf32, #tpu.memory_space<vmem_shared>> -> memref<1x640xf32, #tpu.memory_space<vmem_shared>>
      %dma_wait3A_103 = tpu.memref_squeeze %dma_wait3A_102 : memref<1x640xf32, #tpu.memory_space<vmem_shared>> -> memref<640xf32, #tpu.memory_space<vmem_shared>>
      tpu.wait_dma2 semaphore(%run_scoped3A_85 : memref<!tpu.dma_semaphore, #tpu.memory_space<semaphore_mem>>) src(%dma_wait3A_103 : memref<640xf32, #tpu.memory_space<vmem_shared>>) dst(%dma_wait3A_101 : memref<640xf32, #tpu.memory_space<vmem>>)
      tpu.yield
    }) : () -> ()
    %mul3A_36 = arith.constant 640 : i32
    %mul3A_37 = arith.muli %arg1, %mul3A_36 : i32
    %run_scoped3A_38 = arith.constant 6 : i32
    %run_scoped3A_39 = arith.constant 6 : i32
    "tpu.region"() ({
      %run_scoped3A_85 = tpu.sem_alloc : memref<!tpu.dma_semaphore, #tpu.memory_space<semaphore_mem>>
      %dma_start3A = arith.constant 0 : i32
      %dma_start3A_86 = tpu.memref_slice %arg7[%run_scoped3A_39, %dma_start3A] : memref<16x640xf32, #tpu.memory_space<vmem>> -> memref<1x640xf32, #tpu.memory_space<vmem>>
      %dma_start3A_87 = tpu.memref_squeeze %dma_start3A_86 : memref<1x640xf32, #tpu.memory_space<vmem>> -> memref<640xf32, #tpu.memory_space<vmem>>
      %dma_start3A_88 = tpu.memref_slice %arg6[%run_scoped3A_38, %mul3A_37] : memref<16x10240xf32, #tpu.memory_space<vmem_shared>> -> memref<1x640xf32, #tpu.memory_space<vmem_shared>>
      %dma_start3A_89 = tpu.memref_squeeze %dma_start3A_88 : memref<1x640xf32, #tpu.memory_space<vmem_shared>> -> memref<640xf32, #tpu.memory_space<vmem_shared>>
      %dma_start3A_90 = arith.constant 0 : i32
      %dma_start3A_91 = tpu.memref_slice %arg7[%run_scoped3A_39, %dma_start3A_90] : memref<16x640xf32, #tpu.memory_space<vmem>> -> memref<1x640xf32, #tpu.memory_space<vmem>>
      %dma_start3A_92 = tpu.memref_squeeze %dma_start3A_91 : memref<1x640xf32, #tpu.memory_space<vmem>> -> memref<640xf32, #tpu.memory_space<vmem>>
      %dma_start3A_93 = tpu.memref_slice %arg6[%run_scoped3A_38, %mul3A_37] : memref<16x10240xf32, #tpu.memory_space<vmem_shared>> -> memref<1x640xf32, #tpu.memory_space<vmem_shared>>
      %dma_start3A_94 = tpu.memref_squeeze %dma_start3A_93 : memref<1x640xf32, #tpu.memory_space<vmem_shared>> -> memref<640xf32, #tpu.memory_space<vmem_shared>>
      tpu.enqueue_dma source(%dma_start3A_94 : memref<640xf32, #tpu.memory_space<vmem_shared>>) target(%dma_start3A_92 : memref<640xf32, #tpu.memory_space<vmem>>) target_semaphore(%run_scoped3A_85 : memref<!tpu.dma_semaphore, #tpu.memory_space<semaphore_mem>>)
      %dma_wait3A = arith.constant 0 : i32
      %dma_wait3A_95 = tpu.memref_slice %arg7[%run_scoped3A_39, %dma_wait3A] : memref<16x640xf32, #tpu.memory_space<vmem>> -> memref<1x640xf32, #tpu.memory_space<vmem>>
      %dma_wait3A_96 = tpu.memref_squeeze %dma_wait3A_95 : memref<1x640xf32, #tpu.memory_space<vmem>> -> memref<640xf32, #tpu.memory_space<vmem>>
      %dma_wait3A_97 = tpu.memref_slice %arg6[%run_scoped3A_38, %mul3A_37] : memref<16x10240xf32, #tpu.memory_space<vmem_shared>> -> memref<1x640xf32, #tpu.memory_space<vmem_shared>>
      %dma_wait3A_98 = tpu.memref_squeeze %dma_wait3A_97 : memref<1x640xf32, #tpu.memory_space<vmem_shared>> -> memref<640xf32, #tpu.memory_space<vmem_shared>>
      %dma_wait3A_99 = arith.constant 0 : i32
      %dma_wait3A_100 = tpu.memref_slice %arg7[%run_scoped3A_39, %dma_wait3A_99] : memref<16x640xf32, #tpu.memory_space<vmem>> -> memref<1x640xf32, #tpu.memory_space<vmem>>
      %dma_wait3A_101 = tpu.memref_squeeze %dma_wait3A_100 : memref<1x640xf32, #tpu.memory_space<vmem>> -> memref<640xf32, #tpu.memory_space<vmem>>
      %dma_wait3A_102 = tpu.memref_slice %arg6[%run_scoped3A_38, %mul3A_37] : memref<16x10240xf32, #tpu.memory_space<vmem_shared>> -> memref<1x640xf32, #tpu.memory_space<vmem_shared>>
      %dma_wait3A_103 = tpu.memref_squeeze %dma_wait3A_102 : memref<1x640xf32, #tpu.memory_space<vmem_shared>> -> memref<640xf32, #tpu.memory_space<vmem_shared>>
      tpu.wait_dma2 semaphore(%run_scoped3A_85 : memref<!tpu.dma_semaphore, #tpu.memory_space<semaphore_mem>>) src(%dma_wait3A_103 : memref<640xf32, #tpu.memory_space<vmem_shared>>) dst(%dma_wait3A_101 : memref<640xf32, #tpu.memory_space<vmem>>)
      tpu.yield
    }) : () -> ()
    %mul3A_40 = arith.constant 640 : i32
    %mul3A_41 = arith.muli %arg1, %mul3A_40 : i32
    %run_scoped3A_42 = arith.constant 7 : i32
    %run_scoped3A_43 = arith.constant 7 : i32
    "tpu.region"() ({
      %run_scoped3A_85 = tpu.sem_alloc : memref<!tpu.dma_semaphore, #tpu.memory_space<semaphore_mem>>
      %dma_start3A = arith.constant 0 : i32
      %dma_start3A_86 = tpu.memref_slice %arg7[%run_scoped3A_43, %dma_start3A] : memref<16x640xf32, #tpu.memory_space<vmem>> -> memref<1x640xf32, #tpu.memory_space<vmem>>
      %dma_start3A_87 = tpu.memref_squeeze %dma_start3A_86 : memref<1x640xf32, #tpu.memory_space<vmem>> -> memref<640xf32, #tpu.memory_space<vmem>>
      %dma_start3A_88 = tpu.memref_slice %arg6[%run_scoped3A_42, %mul3A_41] : memref<16x10240xf32, #tpu.memory_space<vmem_shared>> -> memref<1x640xf32, #tpu.memory_space<vmem_shared>>
      %dma_start3A_89 = tpu.memref_squeeze %dma_start3A_88 : memref<1x640xf32, #tpu.memory_space<vmem_shared>> -> memref<640xf32, #tpu.memory_space<vmem_shared>>
      %dma_start3A_90 = arith.constant 0 : i32
      %dma_start3A_91 = tpu.memref_slice %arg7[%run_scoped3A_43, %dma_start3A_90] : memref<16x640xf32, #tpu.memory_space<vmem>> -> memref<1x640xf32, #tpu.memory_space<vmem>>
      %dma_start3A_92 = tpu.memref_squeeze %dma_start3A_91 : memref<1x640xf32, #tpu.memory_space<vmem>> -> memref<640xf32, #tpu.memory_space<vmem>>
      %dma_start3A_93 = tpu.memref_slice %arg6[%run_scoped3A_42, %mul3A_41] : memref<16x10240xf32, #tpu.memory_space<vmem_shared>> -> memref<1x640xf32, #tpu.memory_space<vmem_shared>>
      %dma_start3A_94 = tpu.memref_squeeze %dma_start3A_93 : memref<1x640xf32, #tpu.memory_space<vmem_shared>> -> memref<640xf32, #tpu.memory_space<vmem_shared>>
      tpu.enqueue_dma source(%dma_start3A_94 : memref<640xf32, #tpu.memory_space<vmem_shared>>) target(%dma_start3A_92 : memref<640xf32, #tpu.memory_space<vmem>>) target_semaphore(%run_scoped3A_85 : memref<!tpu.dma_semaphore, #tpu.memory_space<semaphore_mem>>)
      %dma_wait3A = arith.constant 0 : i32
      %dma_wait3A_95 = tpu.memref_slice %arg7[%run_scoped3A_43, %dma_wait3A] : memref<16x640xf32, #tpu.memory_space<vmem>> -> memref<1x640xf32, #tpu.memory_space<vmem>>
      %dma_wait3A_96 = tpu.memref_squeeze %dma_wait3A_95 : memref<1x640xf32, #tpu.memory_space<vmem>> -> memref<640xf32, #tpu.memory_space<vmem>>
      %dma_wait3A_97 = tpu.memref_slice %arg6[%run_scoped3A_42, %mul3A_41] : memref<16x10240xf32, #tpu.memory_space<vmem_shared>> -> memref<1x640xf32, #tpu.memory_space<vmem_shared>>
      %dma_wait3A_98 = tpu.memref_squeeze %dma_wait3A_97 : memref<1x640xf32, #tpu.memory_space<vmem_shared>> -> memref<640xf32, #tpu.memory_space<vmem_shared>>
      %dma_wait3A_99 = arith.constant 0 : i32
      %dma_wait3A_100 = tpu.memref_slice %arg7[%run_scoped3A_43, %dma_wait3A_99] : memref<16x640xf32, #tpu.memory_space<vmem>> -> memref<1x640xf32, #tpu.memory_space<vmem>>
      %dma_wait3A_101 = tpu.memref_squeeze %dma_wait3A_100 : memref<1x640xf32, #tpu.memory_space<vmem>> -> memref<640xf32, #tpu.memory_space<vmem>>
      %dma_wait3A_102 = tpu.memref_slice %arg6[%run_scoped3A_42, %mul3A_41] : memref<16x10240xf32, #tpu.memory_space<vmem_shared>> -> memref<1x640xf32, #tpu.memory_space<vmem_shared>>
      %dma_wait3A_103 = tpu.memref_squeeze %dma_wait3A_102 : memref<1x640xf32, #tpu.memory_space<vmem_shared>> -> memref<640xf32, #tpu.memory_space<vmem_shared>>
      tpu.wait_dma2 semaphore(%run_scoped3A_85 : memref<!tpu.dma_semaphore, #tpu.memory_space<semaphore_mem>>) src(%dma_wait3A_103 : memref<640xf32, #tpu.memory_space<vmem_shared>>) dst(%dma_wait3A_101 : memref<640xf32, #tpu.memory_space<vmem>>)
      tpu.yield
    }) : () -> ()
    %mul3A_44 = arith.constant 640 : i32
    %mul3A_45 = arith.muli %arg1, %mul3A_44 : i32
    %run_scoped3A_46 = arith.constant 8 : i32
    %run_scoped3A_47 = arith.constant 8 : i32
    "tpu.region"() ({
      %run_scoped3A_85 = tpu.sem_alloc : memref<!tpu.dma_semaphore, #tpu.memory_space<semaphore_mem>>
      %dma_start3A = arith.constant 0 : i32
      %dma_start3A_86 = tpu.memref_slice %arg7[%run_scoped3A_47, %dma_start3A] : memref<16x640xf32, #tpu.memory_space<vmem>> -> memref<1x640xf32, #tpu.memory_space<vmem>>
      %dma_start3A_87 = tpu.memref_squeeze %dma_start3A_86 : memref<1x640xf32, #tpu.memory_space<vmem>> -> memref<640xf32, #tpu.memory_space<vmem>>
      %dma_start3A_88 = tpu.memref_slice %arg6[%run_scoped3A_46, %mul3A_45] : memref<16x10240xf32, #tpu.memory_space<vmem_shared>> -> memref<1x640xf32, #tpu.memory_space<vmem_shared>>
      %dma_start3A_89 = tpu.memref_squeeze %dma_start3A_88 : memref<1x640xf32, #tpu.memory_space<vmem_shared>> -> memref<640xf32, #tpu.memory_space<vmem_shared>>
      %dma_start3A_90 = arith.constant 0 : i32
      %dma_start3A_91 = tpu.memref_slice %arg7[%run_scoped3A_47, %dma_start3A_90] : memref<16x640xf32, #tpu.memory_space<vmem>> -> memref<1x640xf32, #tpu.memory_space<vmem>>
      %dma_start3A_92 = tpu.memref_squeeze %dma_start3A_91 : memref<1x640xf32, #tpu.memory_space<vmem>> -> memref<640xf32, #tpu.memory_space<vmem>>
      %dma_start3A_93 = tpu.memref_slice %arg6[%run_scoped3A_46, %mul3A_45] : memref<16x10240xf32, #tpu.memory_space<vmem_shared>> -> memref<1x640xf32, #tpu.memory_space<vmem_shared>>
      %dma_start3A_94 = tpu.memref_squeeze %dma_start3A_93 : memref<1x640xf32, #tpu.memory_space<vmem_shared>> -> memref<640xf32, #tpu.memory_space<vmem_shared>>
      tpu.enqueue_dma source(%dma_start3A_94 : memref<640xf32, #tpu.memory_space<vmem_shared>>) target(%dma_start3A_92 : memref<640xf32, #tpu.memory_space<vmem>>) target_semaphore(%run_scoped3A_85 : memref<!tpu.dma_semaphore, #tpu.memory_space<semaphore_mem>>)
      %dma_wait3A = arith.constant 0 : i32
      %dma_wait3A_95 = tpu.memref_slice %arg7[%run_scoped3A_47, %dma_wait3A] : memref<16x640xf32, #tpu.memory_space<vmem>> -> memref<1x640xf32, #tpu.memory_space<vmem>>
      %dma_wait3A_96 = tpu.memref_squeeze %dma_wait3A_95 : memref<1x640xf32, #tpu.memory_space<vmem>> -> memref<640xf32, #tpu.memory_space<vmem>>
      %dma_wait3A_97 = tpu.memref_slice %arg6[%run_scoped3A_46, %mul3A_45] : memref<16x10240xf32, #tpu.memory_space<vmem_shared>> -> memref<1x640xf32, #tpu.memory_space<vmem_shared>>
      %dma_wait3A_98 = tpu.memref_squeeze %dma_wait3A_97 : memref<1x640xf32, #tpu.memory_space<vmem_shared>> -> memref<640xf32, #tpu.memory_space<vmem_shared>>
      %dma_wait3A_99 = arith.constant 0 : i32
      %dma_wait3A_100 = tpu.memref_slice %arg7[%run_scoped3A_47, %dma_wait3A_99] : memref<16x640xf32, #tpu.memory_space<vmem>> -> memref<1x640xf32, #tpu.memory_space<vmem>>
      %dma_wait3A_101 = tpu.memref_squeeze %dma_wait3A_100 : memref<1x640xf32, #tpu.memory_space<vmem>> -> memref<640xf32, #tpu.memory_space<vmem>>
      %dma_wait3A_102 = tpu.memref_slice %arg6[%run_scoped3A_46, %mul3A_45] : memref<16x10240xf32, #tpu.memory_space<vmem_shared>> -> memref<1x640xf32, #tpu.memory_space<vmem_shared>>
      %dma_wait3A_103 = tpu.memref_squeeze %dma_wait3A_102 : memref<1x640xf32, #tpu.memory_space<vmem_shared>> -> memref<640xf32, #tpu.memory_space<vmem_shared>>
      tpu.wait_dma2 semaphore(%run_scoped3A_85 : memref<!tpu.dma_semaphore, #tpu.memory_space<semaphore_mem>>) src(%dma_wait3A_103 : memref<640xf32, #tpu.memory_space<vmem_shared>>) dst(%dma_wait3A_101 : memref<640xf32, #tpu.memory_space<vmem>>)
      tpu.yield
    }) : () -> ()
    %mul3A_48 = arith.constant 640 : i32
    %mul3A_49 = arith.muli %arg1, %mul3A_48 : i32
    %run_scoped3A_50 = arith.constant 9 : i32
    %run_scoped3A_51 = arith.constant 9 : i32
    "tpu.region"() ({
      %run_scoped3A_85 = tpu.sem_alloc : memref<!tpu.dma_semaphore, #tpu.memory_space<semaphore_mem>>
      %dma_start3A = arith.constant 0 : i32
      %dma_start3A_86 = tpu.memref_slice %arg7[%run_scoped3A_51, %dma_start3A] : memref<16x640xf32, #tpu.memory_space<vmem>> -> memref<1x640xf32, #tpu.memory_space<vmem>>
      %dma_start3A_87 = tpu.memref_squeeze %dma_start3A_86 : memref<1x640xf32, #tpu.memory_space<vmem>> -> memref<640xf32, #tpu.memory_space<vmem>>
      %dma_start3A_88 = tpu.memref_slice %arg6[%run_scoped3A_50, %mul3A_49] : memref<16x10240xf32, #tpu.memory_space<vmem_shared>> -> memref<1x640xf32, #tpu.memory_space<vmem_shared>>
      %dma_start3A_89 = tpu.memref_squeeze %dma_start3A_88 : memref<1x640xf32, #tpu.memory_space<vmem_shared>> -> memref<640xf32, #tpu.memory_space<vmem_shared>>
      %dma_start3A_90 = arith.constant 0 : i32
      %dma_start3A_91 = tpu.memref_slice %arg7[%run_scoped3A_51, %dma_start3A_90] : memref<16x640xf32, #tpu.memory_space<vmem>> -> memref<1x640xf32, #tpu.memory_space<vmem>>
      %dma_start3A_92 = tpu.memref_squeeze %dma_start3A_91 : memref<1x640xf32, #tpu.memory_space<vmem>> -> memref<640xf32, #tpu.memory_space<vmem>>
      %dma_start3A_93 = tpu.memref_slice %arg6[%run_scoped3A_50, %mul3A_49] : memref<16x10240xf32, #tpu.memory_space<vmem_shared>> -> memref<1x640xf32, #tpu.memory_space<vmem_shared>>
      %dma_start3A_94 = tpu.memref_squeeze %dma_start3A_93 : memref<1x640xf32, #tpu.memory_space<vmem_shared>> -> memref<640xf32, #tpu.memory_space<vmem_shared>>
      tpu.enqueue_dma source(%dma_start3A_94 : memref<640xf32, #tpu.memory_space<vmem_shared>>) target(%dma_start3A_92 : memref<640xf32, #tpu.memory_space<vmem>>) target_semaphore(%run_scoped3A_85 : memref<!tpu.dma_semaphore, #tpu.memory_space<semaphore_mem>>)
      %dma_wait3A = arith.constant 0 : i32
      %dma_wait3A_95 = tpu.memref_slice %arg7[%run_scoped3A_51, %dma_wait3A] : memref<16x640xf32, #tpu.memory_space<vmem>> -> memref<1x640xf32, #tpu.memory_space<vmem>>
      %dma_wait3A_96 = tpu.memref_squeeze %dma_wait3A_95 : memref<1x640xf32, #tpu.memory_space<vmem>> -> memref<640xf32, #tpu.memory_space<vmem>>
      %dma_wait3A_97 = tpu.memref_slice %arg6[%run_scoped3A_50, %mul3A_49] : memref<16x10240xf32, #tpu.memory_space<vmem_shared>> -> memref<1x640xf32, #tpu.memory_space<vmem_shared>>
      %dma_wait3A_98 = tpu.memref_squeeze %dma_wait3A_97 : memref<1x640xf32, #tpu.memory_space<vmem_shared>> -> memref<640xf32, #tpu.memory_space<vmem_shared>>
      %dma_wait3A_99 = arith.constant 0 : i32
      %dma_wait3A_100 = tpu.memref_slice %arg7[%run_scoped3A_51, %dma_wait3A_99] : memref<16x640xf32, #tpu.memory_space<vmem>> -> memref<1x640xf32, #tpu.memory_space<vmem>>
      %dma_wait3A_101 = tpu.memref_squeeze %dma_wait3A_100 : memref<1x640xf32, #tpu.memory_space<vmem>> -> memref<640xf32, #tpu.memory_space<vmem>>
      %dma_wait3A_102 = tpu.memref_slice %arg6[%run_scoped3A_50, %mul3A_49] : memref<16x10240xf32, #tpu.memory_space<vmem_shared>> -> memref<1x640xf32, #tpu.memory_space<vmem_shared>>
      %dma_wait3A_103 = tpu.memref_squeeze %dma_wait3A_102 : memref<1x640xf32, #tpu.memory_space<vmem_shared>> -> memref<640xf32, #tpu.memory_space<vmem_shared>>
      tpu.wait_dma2 semaphore(%run_scoped3A_85 : memref<!tpu.dma_semaphore, #tpu.memory_space<semaphore_mem>>) src(%dma_wait3A_103 : memref<640xf32, #tpu.memory_space<vmem_shared>>) dst(%dma_wait3A_101 : memref<640xf32, #tpu.memory_space<vmem>>)
      tpu.yield
    }) : () -> ()
    %mul3A_52 = arith.constant 640 : i32
    %mul3A_53 = arith.muli %arg1, %mul3A_52 : i32
    %run_scoped3A_54 = arith.constant 10 : i32
    %run_scoped3A_55 = arith.constant 10 : i32
    "tpu.region"() ({
      %run_scoped3A_85 = tpu.sem_alloc : memref<!tpu.dma_semaphore, #tpu.memory_space<semaphore_mem>>
      %dma_start3A = arith.constant 0 : i32
      %dma_start3A_86 = tpu.memref_slice %arg7[%run_scoped3A_55, %dma_start3A] : memref<16x640xf32, #tpu.memory_space<vmem>> -> memref<1x640xf32, #tpu.memory_space<vmem>>
      %dma_start3A_87 = tpu.memref_squeeze %dma_start3A_86 : memref<1x640xf32, #tpu.memory_space<vmem>> -> memref<640xf32, #tpu.memory_space<vmem>>
      %dma_start3A_88 = tpu.memref_slice %arg6[%run_scoped3A_54, %mul3A_53] : memref<16x10240xf32, #tpu.memory_space<vmem_shared>> -> memref<1x640xf32, #tpu.memory_space<vmem_shared>>
      %dma_start3A_89 = tpu.memref_squeeze %dma_start3A_88 : memref<1x640xf32, #tpu.memory_space<vmem_shared>> -> memref<640xf32, #tpu.memory_space<vmem_shared>>
      %dma_start3A_90 = arith.constant 0 : i32
      %dma_start3A_91 = tpu.memref_slice %arg7[%run_scoped3A_55, %dma_start3A_90] : memref<16x640xf32, #tpu.memory_space<vmem>> -> memref<1x640xf32, #tpu.memory_space<vmem>>
      %dma_start3A_92 = tpu.memref_squeeze %dma_start3A_91 : memref<1x640xf32, #tpu.memory_space<vmem>> -> memref<640xf32, #tpu.memory_space<vmem>>
      %dma_start3A_93 = tpu.memref_slice %arg6[%run_scoped3A_54, %mul3A_53] : memref<16x10240xf32, #tpu.memory_space<vmem_shared>> -> memref<1x640xf32, #tpu.memory_space<vmem_shared>>
      %dma_start3A_94 = tpu.memref_squeeze %dma_start3A_93 : memref<1x640xf32, #tpu.memory_space<vmem_shared>> -> memref<640xf32, #tpu.memory_space<vmem_shared>>
      tpu.enqueue_dma source(%dma_start3A_94 : memref<640xf32, #tpu.memory_space<vmem_shared>>) target(%dma_start3A_92 : memref<640xf32, #tpu.memory_space<vmem>>) target_semaphore(%run_scoped3A_85 : memref<!tpu.dma_semaphore, #tpu.memory_space<semaphore_mem>>)
      %dma_wait3A = arith.constant 0 : i32
      %dma_wait3A_95 = tpu.memref_slice %arg7[%run_scoped3A_55, %dma_wait3A] : memref<16x640xf32, #tpu.memory_space<vmem>> -> memref<1x640xf32, #tpu.memory_space<vmem>>
      %dma_wait3A_96 = tpu.memref_squeeze %dma_wait3A_95 : memref<1x640xf32, #tpu.memory_space<vmem>> -> memref<640xf32, #tpu.memory_space<vmem>>
      %dma_wait3A_97 = tpu.memref_slice %arg6[%run_scoped3A_54, %mul3A_53] : memref<16x10240xf32, #tpu.memory_space<vmem_shared>> -> memref<1x640xf32, #tpu.memory_space<vmem_shared>>
      %dma_wait3A_98 = tpu.memref_squeeze %dma_wait3A_97 : memref<1x640xf32, #tpu.memory_space<vmem_shared>> -> memref<640xf32, #tpu.memory_space<vmem_shared>>
      %dma_wait3A_99 = arith.constant 0 : i32
      %dma_wait3A_100 = tpu.memref_slice %arg7[%run_scoped3A_55, %dma_wait3A_99] : memref<16x640xf32, #tpu.memory_space<vmem>> -> memref<1x640xf32, #tpu.memory_space<vmem>>
      %dma_wait3A_101 = tpu.memref_squeeze %dma_wait3A_100 : memref<1x640xf32, #tpu.memory_space<vmem>> -> memref<640xf32, #tpu.memory_space<vmem>>
      %dma_wait3A_102 = tpu.memref_slice %arg6[%run_scoped3A_54, %mul3A_53] : memref<16x10240xf32, #tpu.memory_space<vmem_shared>> -> memref<1x640xf32, #tpu.memory_space<vmem_shared>>
      %dma_wait3A_103 = tpu.memref_squeeze %dma_wait3A_102 : memref<1x640xf32, #tpu.memory_space<vmem_shared>> -> memref<640xf32, #tpu.memory_space<vmem_shared>>
      tpu.wait_dma2 semaphore(%run_scoped3A_85 : memref<!tpu.dma_semaphore, #tpu.memory_space<semaphore_mem>>) src(%dma_wait3A_103 : memref<640xf32, #tpu.memory_space<vmem_shared>>) dst(%dma_wait3A_101 : memref<640xf32, #tpu.memory_space<vmem>>)
      tpu.yield
    }) : () -> ()
    %mul3A_56 = arith.constant 640 : i32
    %mul3A_57 = arith.muli %arg1, %mul3A_56 : i32
    %run_scoped3A_58 = arith.constant 11 : i32
    %run_scoped3A_59 = arith.constant 11 : i32
    "tpu.region"() ({
      %run_scoped3A_85 = tpu.sem_alloc : memref<!tpu.dma_semaphore, #tpu.memory_space<semaphore_mem>>
      %dma_start3A = arith.constant 0 : i32
      %dma_start3A_86 = tpu.memref_slice %arg7[%run_scoped3A_59, %dma_start3A] : memref<16x640xf32, #tpu.memory_space<vmem>> -> memref<1x640xf32, #tpu.memory_space<vmem>>
      %dma_start3A_87 = tpu.memref_squeeze %dma_start3A_86 : memref<1x640xf32, #tpu.memory_space<vmem>> -> memref<640xf32, #tpu.memory_space<vmem>>
      %dma_start3A_88 = tpu.memref_slice %arg6[%run_scoped3A_58, %mul3A_57] : memref<16x10240xf32, #tpu.memory_space<vmem_shared>> -> memref<1x640xf32, #tpu.memory_space<vmem_shared>>
      %dma_start3A_89 = tpu.memref_squeeze %dma_start3A_88 : memref<1x640xf32, #tpu.memory_space<vmem_shared>> -> memref<640xf32, #tpu.memory_space<vmem_shared>>
      %dma_start3A_90 = arith.constant 0 : i32
      %dma_start3A_91 = tpu.memref_slice %arg7[%run_scoped3A_59, %dma_start3A_90] : memref<16x640xf32, #tpu.memory_space<vmem>> -> memref<1x640xf32, #tpu.memory_space<vmem>>
      %dma_start3A_92 = tpu.memref_squeeze %dma_start3A_91 : memref<1x640xf32, #tpu.memory_space<vmem>> -> memref<640xf32, #tpu.memory_space<vmem>>
      %dma_start3A_93 = tpu.memref_slice %arg6[%run_scoped3A_58, %mul3A_57] : memref<16x10240xf32, #tpu.memory_space<vmem_shared>> -> memref<1x640xf32, #tpu.memory_space<vmem_shared>>
      %dma_start3A_94 = tpu.memref_squeeze %dma_start3A_93 : memref<1x640xf32, #tpu.memory_space<vmem_shared>> -> memref<640xf32, #tpu.memory_space<vmem_shared>>
      tpu.enqueue_dma source(%dma_start3A_94 : memref<640xf32, #tpu.memory_space<vmem_shared>>) target(%dma_start3A_92 : memref<640xf32, #tpu.memory_space<vmem>>) target_semaphore(%run_scoped3A_85 : memref<!tpu.dma_semaphore, #tpu.memory_space<semaphore_mem>>)
      %dma_wait3A = arith.constant 0 : i32
      %dma_wait3A_95 = tpu.memref_slice %arg7[%run_scoped3A_59, %dma_wait3A] : memref<16x640xf32, #tpu.memory_space<vmem>> -> memref<1x640xf32, #tpu.memory_space<vmem>>
      %dma_wait3A_96 = tpu.memref_squeeze %dma_wait3A_95 : memref<1x640xf32, #tpu.memory_space<vmem>> -> memref<640xf32, #tpu.memory_space<vmem>>
      %dma_wait3A_97 = tpu.memref_slice %arg6[%run_scoped3A_58, %mul3A_57] : memref<16x10240xf32, #tpu.memory_space<vmem_shared>> -> memref<1x640xf32, #tpu.memory_space<vmem_shared>>
      %dma_wait3A_98 = tpu.memref_squeeze %dma_wait3A_97 : memref<1x640xf32, #tpu.memory_space<vmem_shared>> -> memref<640xf32, #tpu.memory_space<vmem_shared>>
      %dma_wait3A_99 = arith.constant 0 : i32
      %dma_wait3A_100 = tpu.memref_slice %arg7[%run_scoped3A_59, %dma_wait3A_99] : memref<16x640xf32, #tpu.memory_space<vmem>> -> memref<1x640xf32, #tpu.memory_space<vmem>>
      %dma_wait3A_101 = tpu.memref_squeeze %dma_wait3A_100 : memref<1x640xf32, #tpu.memory_space<vmem>> -> memref<640xf32, #tpu.memory_space<vmem>>
      %dma_wait3A_102 = tpu.memref_slice %arg6[%run_scoped3A_58, %mul3A_57] : memref<16x10240xf32, #tpu.memory_space<vmem_shared>> -> memref<1x640xf32, #tpu.memory_space<vmem_shared>>
      %dma_wait3A_103 = tpu.memref_squeeze %dma_wait3A_102 : memref<1x640xf32, #tpu.memory_space<vmem_shared>> -> memref<640xf32, #tpu.memory_space<vmem_shared>>
      tpu.wait_dma2 semaphore(%run_scoped3A_85 : memref<!tpu.dma_semaphore, #tpu.memory_space<semaphore_mem>>) src(%dma_wait3A_103 : memref<640xf32, #tpu.memory_space<vmem_shared>>) dst(%dma_wait3A_101 : memref<640xf32, #tpu.memory_space<vmem>>)
      tpu.yield
    }) : () -> ()
    %mul3A_60 = arith.constant 640 : i32
    %mul3A_61 = arith.muli %arg1, %mul3A_60 : i32
    %run_scoped3A_62 = arith.constant 12 : i32
    %run_scoped3A_63 = arith.constant 12 : i32
    "tpu.region"() ({
      %run_scoped3A_85 = tpu.sem_alloc : memref<!tpu.dma_semaphore, #tpu.memory_space<semaphore_mem>>
      %dma_start3A = arith.constant 0 : i32
      %dma_start3A_86 = tpu.memref_slice %arg7[%run_scoped3A_63, %dma_start3A] : memref<16x640xf32, #tpu.memory_space<vmem>> -> memref<1x640xf32, #tpu.memory_space<vmem>>
      %dma_start3A_87 = tpu.memref_squeeze %dma_start3A_86 : memref<1x640xf32, #tpu.memory_space<vmem>> -> memref<640xf32, #tpu.memory_space<vmem>>
      %dma_start3A_88 = tpu.memref_slice %arg6[%run_scoped3A_62, %mul3A_61] : memref<16x10240xf32, #tpu.memory_space<vmem_shared>> -> memref<1x640xf32, #tpu.memory_space<vmem_shared>>
      %dma_start3A_89 = tpu.memref_squeeze %dma_start3A_88 : memref<1x640xf32, #tpu.memory_space<vmem_shared>> -> memref<640xf32, #tpu.memory_space<vmem_shared>>
      %dma_start3A_90 = arith.constant 0 : i32
      %dma_start3A_91 = tpu.memref_slice %arg7[%run_scoped3A_63, %dma_start3A_90] : memref<16x640xf32, #tpu.memory_space<vmem>> -> memref<1x640xf32, #tpu.memory_space<vmem>>
      %dma_start3A_92 = tpu.memref_squeeze %dma_start3A_91 : memref<1x640xf32, #tpu.memory_space<vmem>> -> memref<640xf32, #tpu.memory_space<vmem>>
      %dma_start3A_93 = tpu.memref_slice %arg6[%run_scoped3A_62, %mul3A_61] : memref<16x10240xf32, #tpu.memory_space<vmem_shared>> -> memref<1x640xf32, #tpu.memory_space<vmem_shared>>
      %dma_start3A_94 = tpu.memref_squeeze %dma_start3A_93 : memref<1x640xf32, #tpu.memory_space<vmem_shared>> -> memref<640xf32, #tpu.memory_space<vmem_shared>>
      tpu.enqueue_dma source(%dma_start3A_94 : memref<640xf32, #tpu.memory_space<vmem_shared>>) target(%dma_start3A_92 : memref<640xf32, #tpu.memory_space<vmem>>) target_semaphore(%run_scoped3A_85 : memref<!tpu.dma_semaphore, #tpu.memory_space<semaphore_mem>>)
      %dma_wait3A = arith.constant 0 : i32
      %dma_wait3A_95 = tpu.memref_slice %arg7[%run_scoped3A_63, %dma_wait3A] : memref<16x640xf32, #tpu.memory_space<vmem>> -> memref<1x640xf32, #tpu.memory_space<vmem>>
      %dma_wait3A_96 = tpu.memref_squeeze %dma_wait3A_95 : memref<1x640xf32, #tpu.memory_space<vmem>> -> memref<640xf32, #tpu.memory_space<vmem>>
      %dma_wait3A_97 = tpu.memref_slice %arg6[%run_scoped3A_62, %mul3A_61] : memref<16x10240xf32, #tpu.memory_space<vmem_shared>> -> memref<1x640xf32, #tpu.memory_space<vmem_shared>>
      %dma_wait3A_98 = tpu.memref_squeeze %dma_wait3A_97 : memref<1x640xf32, #tpu.memory_space<vmem_shared>> -> memref<640xf32, #tpu.memory_space<vmem_shared>>
      %dma_wait3A_99 = arith.constant 0 : i32
      %dma_wait3A_100 = tpu.memref_slice %arg7[%run_scoped3A_63, %dma_wait3A_99] : memref<16x640xf32, #tpu.memory_space<vmem>> -> memref<1x640xf32, #tpu.memory_space<vmem>>
      %dma_wait3A_101 = tpu.memref_squeeze %dma_wait3A_100 : memref<1x640xf32, #tpu.memory_space<vmem>> -> memref<640xf32, #tpu.memory_space<vmem>>
      %dma_wait3A_102 = tpu.memref_slice %arg6[%run_scoped3A_62, %mul3A_61] : memref<16x10240xf32, #tpu.memory_space<vmem_shared>> -> memref<1x640xf32, #tpu.memory_space<vmem_shared>>
      %dma_wait3A_103 = tpu.memref_squeeze %dma_wait3A_102 : memref<1x640xf32, #tpu.memory_space<vmem_shared>> -> memref<640xf32, #tpu.memory_space<vmem_shared>>
      tpu.wait_dma2 semaphore(%run_scoped3A_85 : memref<!tpu.dma_semaphore, #tpu.memory_space<semaphore_mem>>) src(%dma_wait3A_103 : memref<640xf32, #tpu.memory_space<vmem_shared>>) dst(%dma_wait3A_101 : memref<640xf32, #tpu.memory_space<vmem>>)
      tpu.yield
    }) : () -> ()
    %mul3A_64 = arith.constant 640 : i32
    %mul3A_65 = arith.muli %arg1, %mul3A_64 : i32
    %run_scoped3A_66 = arith.constant 13 : i32
    %run_scoped3A_67 = arith.constant 13 : i32
    "tpu.region"() ({
      %run_scoped3A_85 = tpu.sem_alloc : memref<!tpu.dma_semaphore, #tpu.memory_space<semaphore_mem>>
      %dma_start3A = arith.constant 0 : i32
      %dma_start3A_86 = tpu.memref_slice %arg7[%run_scoped3A_67, %dma_start3A] : memref<16x640xf32, #tpu.memory_space<vmem>> -> memref<1x640xf32, #tpu.memory_space<vmem>>
      %dma_start3A_87 = tpu.memref_squeeze %dma_start3A_86 : memref<1x640xf32, #tpu.memory_space<vmem>> -> memref<640xf32, #tpu.memory_space<vmem>>
      %dma_start3A_88 = tpu.memref_slice %arg6[%run_scoped3A_66, %mul3A_65] : memref<16x10240xf32, #tpu.memory_space<vmem_shared>> -> memref<1x640xf32, #tpu.memory_space<vmem_shared>>
      %dma_start3A_89 = tpu.memref_squeeze %dma_start3A_88 : memref<1x640xf32, #tpu.memory_space<vmem_shared>> -> memref<640xf32, #tpu.memory_space<vmem_shared>>
      %dma_start3A_90 = arith.constant 0 : i32
      %dma_start3A_91 = tpu.memref_slice %arg7[%run_scoped3A_67, %dma_start3A_90] : memref<16x640xf32, #tpu.memory_space<vmem>> -> memref<1x640xf32, #tpu.memory_space<vmem>>
      %dma_start3A_92 = tpu.memref_squeeze %dma_start3A_91 : memref<1x640xf32, #tpu.memory_space<vmem>> -> memref<640xf32, #tpu.memory_space<vmem>>
      %dma_start3A_93 = tpu.memref_slice %arg6[%run_scoped3A_66, %mul3A_65] : memref<16x10240xf32, #tpu.memory_space<vmem_shared>> -> memref<1x640xf32, #tpu.memory_space<vmem_shared>>
      %dma_start3A_94 = tpu.memref_squeeze %dma_start3A_93 : memref<1x640xf32, #tpu.memory_space<vmem_shared>> -> memref<640xf32, #tpu.memory_space<vmem_shared>>
      tpu.enqueue_dma source(%dma_start3A_94 : memref<640xf32, #tpu.memory_space<vmem_shared>>) target(%dma_start3A_92 : memref<640xf32, #tpu.memory_space<vmem>>) target_semaphore(%run_scoped3A_85 : memref<!tpu.dma_semaphore, #tpu.memory_space<semaphore_mem>>)
      %dma_wait3A = arith.constant 0 : i32
      %dma_wait3A_95 = tpu.memref_slice %arg7[%run_scoped3A_67, %dma_wait3A] : memref<16x640xf32, #tpu.memory_space<vmem>> -> memref<1x640xf32, #tpu.memory_space<vmem>>
      %dma_wait3A_96 = tpu.memref_squeeze %dma_wait3A_95 : memref<1x640xf32, #tpu.memory_space<vmem>> -> memref<640xf32, #tpu.memory_space<vmem>>
      %dma_wait3A_97 = tpu.memref_slice %arg6[%run_scoped3A_66, %mul3A_65] : memref<16x10240xf32, #tpu.memory_space<vmem_shared>> -> memref<1x640xf32, #tpu.memory_space<vmem_shared>>
      %dma_wait3A_98 = tpu.memref_squeeze %dma_wait3A_97 : memref<1x640xf32, #tpu.memory_space<vmem_shared>> -> memref<640xf32, #tpu.memory_space<vmem_shared>>
      %dma_wait3A_99 = arith.constant 0 : i32
      %dma_wait3A_100 = tpu.memref_slice %arg7[%run_scoped3A_67, %dma_wait3A_99] : memref<16x640xf32, #tpu.memory_space<vmem>> -> memref<1x640xf32, #tpu.memory_space<vmem>>
      %dma_wait3A_101 = tpu.memref_squeeze %dma_wait3A_100 : memref<1x640xf32, #tpu.memory_space<vmem>> -> memref<640xf32, #tpu.memory_space<vmem>>
      %dma_wait3A_102 = tpu.memref_slice %arg6[%run_scoped3A_66, %mul3A_65] : memref<16x10240xf32, #tpu.memory_space<vmem_shared>> -> memref<1x640xf32, #tpu.memory_space<vmem_shared>>
      %dma_wait3A_103 = tpu.memref_squeeze %dma_wait3A_102 : memref<1x640xf32, #tpu.memory_space<vmem_shared>> -> memref<640xf32, #tpu.memory_space<vmem_shared>>
      tpu.wait_dma2 semaphore(%run_scoped3A_85 : memref<!tpu.dma_semaphore, #tpu.memory_space<semaphore_mem>>) src(%dma_wait3A_103 : memref<640xf32, #tpu.memory_space<vmem_shared>>) dst(%dma_wait3A_101 : memref<640xf32, #tpu.memory_space<vmem>>)
      tpu.yield
    }) : () -> ()
    %mul3A_68 = arith.constant 640 : i32
    %mul3A_69 = arith.muli %arg1, %mul3A_68 : i32
    %run_scoped3A_70 = arith.constant 14 : i32
    %run_scoped3A_71 = arith.constant 14 : i32
    "tpu.region"() ({
      %run_scoped3A_85 = tpu.sem_alloc : memref<!tpu.dma_semaphore, #tpu.memory_space<semaphore_mem>>
      %dma_start3A = arith.constant 0 : i32
      %dma_start3A_86 = tpu.memref_slice %arg7[%run_scoped3A_71, %dma_start3A] : memref<16x640xf32, #tpu.memory_space<vmem>> -> memref<1x640xf32, #tpu.memory_space<vmem>>
      %dma_start3A_87 = tpu.memref_squeeze %dma_start3A_86 : memref<1x640xf32, #tpu.memory_space<vmem>> -> memref<640xf32, #tpu.memory_space<vmem>>
      %dma_start3A_88 = tpu.memref_slice %arg6[%run_scoped3A_70, %mul3A_69] : memref<16x10240xf32, #tpu.memory_space<vmem_shared>> -> memref<1x640xf32, #tpu.memory_space<vmem_shared>>
      %dma_start3A_89 = tpu.memref_squeeze %dma_start3A_88 : memref<1x640xf32, #tpu.memory_space<vmem_shared>> -> memref<640xf32, #tpu.memory_space<vmem_shared>>
      %dma_start3A_90 = arith.constant 0 : i32
      %dma_start3A_91 = tpu.memref_slice %arg7[%run_scoped3A_71, %dma_start3A_90] : memref<16x640xf32, #tpu.memory_space<vmem>> -> memref<1x640xf32, #tpu.memory_space<vmem>>
      %dma_start3A_92 = tpu.memref_squeeze %dma_start3A_91 : memref<1x640xf32, #tpu.memory_space<vmem>> -> memref<640xf32, #tpu.memory_space<vmem>>
      %dma_start3A_93 = tpu.memref_slice %arg6[%run_scoped3A_70, %mul3A_69] : memref<16x10240xf32, #tpu.memory_space<vmem_shared>> -> memref<1x640xf32, #tpu.memory_space<vmem_shared>>
      %dma_start3A_94 = tpu.memref_squeeze %dma_start3A_93 : memref<1x640xf32, #tpu.memory_space<vmem_shared>> -> memref<640xf32, #tpu.memory_space<vmem_shared>>
      tpu.enqueue_dma source(%dma_start3A_94 : memref<640xf32, #tpu.memory_space<vmem_shared>>) target(%dma_start3A_92 : memref<640xf32, #tpu.memory_space<vmem>>) target_semaphore(%run_scoped3A_85 : memref<!tpu.dma_semaphore, #tpu.memory_space<semaphore_mem>>)
      %dma_wait3A = arith.constant 0 : i32
      %dma_wait3A_95 = tpu.memref_slice %arg7[%run_scoped3A_71, %dma_wait3A] : memref<16x640xf32, #tpu.memory_space<vmem>> -> memref<1x640xf32, #tpu.memory_space<vmem>>
      %dma_wait3A_96 = tpu.memref_squeeze %dma_wait3A_95 : memref<1x640xf32, #tpu.memory_space<vmem>> -> memref<640xf32, #tpu.memory_space<vmem>>
      %dma_wait3A_97 = tpu.memref_slice %arg6[%run_scoped3A_70, %mul3A_69] : memref<16x10240xf32, #tpu.memory_space<vmem_shared>> -> memref<1x640xf32, #tpu.memory_space<vmem_shared>>
      %dma_wait3A_98 = tpu.memref_squeeze %dma_wait3A_97 : memref<1x640xf32, #tpu.memory_space<vmem_shared>> -> memref<640xf32, #tpu.memory_space<vmem_shared>>
      %dma_wait3A_99 = arith.constant 0 : i32
      %dma_wait3A_100 = tpu.memref_slice %arg7[%run_scoped3A_71, %dma_wait3A_99] : memref<16x640xf32, #tpu.memory_space<vmem>> -> memref<1x640xf32, #tpu.memory_space<vmem>>
      %dma_wait3A_101 = tpu.memref_squeeze %dma_wait3A_100 : memref<1x640xf32, #tpu.memory_space<vmem>> -> memref<640xf32, #tpu.memory_space<vmem>>
      %dma_wait3A_102 = tpu.memref_slice %arg6[%run_scoped3A_70, %mul3A_69] : memref<16x10240xf32, #tpu.memory_space<vmem_shared>> -> memref<1x640xf32, #tpu.memory_space<vmem_shared>>
      %dma_wait3A_103 = tpu.memref_squeeze %dma_wait3A_102 : memref<1x640xf32, #tpu.memory_space<vmem_shared>> -> memref<640xf32, #tpu.memory_space<vmem_shared>>
      tpu.wait_dma2 semaphore(%run_scoped3A_85 : memref<!tpu.dma_semaphore, #tpu.memory_space<semaphore_mem>>) src(%dma_wait3A_103 : memref<640xf32, #tpu.memory_space<vmem_shared>>) dst(%dma_wait3A_101 : memref<640xf32, #tpu.memory_space<vmem>>)
      tpu.yield
    }) : () -> ()
    %mul3A_72 = arith.constant 640 : i32
    %mul3A_73 = arith.muli %arg1, %mul3A_72 : i32
    %run_scoped3A_74 = arith.constant 15 : i32
    %run_scoped3A_75 = arith.constant 15 : i32
    "tpu.region"() ({
      %run_scoped3A_85 = tpu.sem_alloc : memref<!tpu.dma_semaphore, #tpu.memory_space<semaphore_mem>>
      %dma_start3A = arith.constant 0 : i32
      %dma_start3A_86 = tpu.memref_slice %arg7[%run_scoped3A_75, %dma_start3A] : memref<16x640xf32, #tpu.memory_space<vmem>> -> memref<1x640xf32, #tpu.memory_space<vmem>>
      %dma_start3A_87 = tpu.memref_squeeze %dma_start3A_86 : memref<1x640xf32, #tpu.memory_space<vmem>> -> memref<640xf32, #tpu.memory_space<vmem>>
      %dma_start3A_88 = tpu.memref_slice %arg6[%run_scoped3A_74, %mul3A_73] : memref<16x10240xf32, #tpu.memory_space<vmem_shared>> -> memref<1x640xf32, #tpu.memory_space<vmem_shared>>
      %dma_start3A_89 = tpu.memref_squeeze %dma_start3A_88 : memref<1x640xf32, #tpu.memory_space<vmem_shared>> -> memref<640xf32, #tpu.memory_space<vmem_shared>>
      %dma_start3A_90 = arith.constant 0 : i32
      %dma_start3A_91 = tpu.memref_slice %arg7[%run_scoped3A_75, %dma_start3A_90] : memref<16x640xf32, #tpu.memory_space<vmem>> -> memref<1x640xf32, #tpu.memory_space<vmem>>
      %dma_start3A_92 = tpu.memref_squeeze %dma_start3A_91 : memref<1x640xf32, #tpu.memory_space<vmem>> -> memref<640xf32, #tpu.memory_space<vmem>>
      %dma_start3A_93 = tpu.memref_slice %arg6[%run_scoped3A_74, %mul3A_73] : memref<16x10240xf32, #tpu.memory_space<vmem_shared>> -> memref<1x640xf32, #tpu.memory_space<vmem_shared>>
      %dma_start3A_94 = tpu.memref_squeeze %dma_start3A_93 : memref<1x640xf32, #tpu.memory_space<vmem_shared>> -> memref<640xf32, #tpu.memory_space<vmem_shared>>
      tpu.enqueue_dma source(%dma_start3A_94 : memref<640xf32, #tpu.memory_space<vmem_shared>>) target(%dma_start3A_92 : memref<640xf32, #tpu.memory_space<vmem>>) target_semaphore(%run_scoped3A_85 : memref<!tpu.dma_semaphore, #tpu.memory_space<semaphore_mem>>)
      %dma_wait3A = arith.constant 0 : i32
      %dma_wait3A_95 = tpu.memref_slice %arg7[%run_scoped3A_75, %dma_wait3A] : memref<16x640xf32, #tpu.memory_space<vmem>> -> memref<1x640xf32, #tpu.memory_space<vmem>>
      %dma_wait3A_96 = tpu.memref_squeeze %dma_wait3A_95 : memref<1x640xf32, #tpu.memory_space<vmem>> -> memref<640xf32, #tpu.memory_space<vmem>>
      %dma_wait3A_97 = tpu.memref_slice %arg6[%run_scoped3A_74, %mul3A_73] : memref<16x10240xf32, #tpu.memory_space<vmem_shared>> -> memref<1x640xf32, #tpu.memory_space<vmem_shared>>
      %dma_wait3A_98 = tpu.memref_squeeze %dma_wait3A_97 : memref<1x640xf32, #tpu.memory_space<vmem_shared>> -> memref<640xf32, #tpu.memory_space<vmem_shared>>
      %dma_wait3A_99 = arith.constant 0 : i32
      %dma_wait3A_100 = tpu.memref_slice %arg7[%run_scoped3A_75, %dma_wait3A_99] : memref<16x640xf32, #tpu.memory_space<vmem>> -> memref<1x640xf32, #tpu.memory_space<vmem>>
      %dma_wait3A_101 = tpu.memref_squeeze %dma_wait3A_100 : memref<1x640xf32, #tpu.memory_space<vmem>> -> memref<640xf32, #tpu.memory_space<vmem>>
      %dma_wait3A_102 = tpu.memref_slice %arg6[%run_scoped3A_74, %mul3A_73] : memref<16x10240xf32, #tpu.memory_space<vmem_shared>> -> memref<1x640xf32, #tpu.memory_space<vmem_shared>>
      %dma_wait3A_103 = tpu.memref_squeeze %dma_wait3A_102 : memref<1x640xf32, #tpu.memory_space<vmem_shared>> -> memref<640xf32, #tpu.memory_space<vmem_shared>>
      tpu.wait_dma2 semaphore(%run_scoped3A_85 : memref<!tpu.dma_semaphore, #tpu.memory_space<semaphore_mem>>) src(%dma_wait3A_103 : memref<640xf32, #tpu.memory_space<vmem_shared>>) dst(%dma_wait3A_101 : memref<640xf32, #tpu.memory_space<vmem>>)
      tpu.yield
    }) : () -> ()
    %scan3A_76 = arith.constant 0 : i32
    %scan3A_77 = arith.constant 0 : i32
    %scan3A_78 = arith.constant 40 : i32
    %scan3A_79 = arith.addi %scan3A_77, %scan3A_78 : i32
    %scan3A_80 = arith.constant 1 : i32
    %scan3A_81 = scf.for %scan3A_85 = %scan3A_77 to %scan3A_79 step %scan3A_80 iter_args(%scan3A_86 = %scan3A_76) -> (i32)  : i32 {
      %mul3A_87 = arith.constant 16 : i32
      %mul3A_88 = arith.muli %scan3A_85, %mul3A_87 : i32
      %get3A = arith.constant 0 : i32
      %get3A_89 = arith.index_cast %get3A : i32 to index
      %get3A_90 = arith.index_cast %mul3A_88 : i32 to index
      %get3A_91 = tpu.vector_load %arg7[%get3A_89, %get3A_90] {strides = array<i32>} : memref<16x640xf32, #tpu.memory_space<vmem>>, vector<16xf32>,
      %mul3A_92 = arith.constant 16 : i32
      %mul3A_93 = arith.muli %scan3A_85, %mul3A_92 : i32
      %get3A_94 = arith.constant 1 : i32
      %get3A_95 = arith.index_cast %get3A_94 : i32 to index
      %get3A_96 = arith.index_cast %mul3A_93 : i32 to index
      %get3A_97 = tpu.vector_load %arg7[%get3A_95, %get3A_96] {strides = array<i32>} : memref<16x640xf32, #tpu.memory_space<vmem>>, vector<16xf32>,
      %add3A = arith.addf %get3A_91, %get3A_97 : vector<16xf32>
      %mul3A_98 = arith.constant 16 : i32
      %mul3A_99 = arith.muli %scan3A_85, %mul3A_98 : i32
      %get3A_100 = arith.constant 2 : i32
      %get3A_101 = arith.index_cast %get3A_100 : i32 to index
      %get3A_102 = arith.index_cast %mul3A_99 : i32 to index
      %get3A_103 = tpu.vector_load %arg7[%get3A_101, %get3A_102] {strides = array<i32>} : memref<16x640xf32, #tpu.memory_space<vmem>>, vector<16xf32>,
      %add3A_104 = arith.addf %add3A, %get3A_103 : vector<16xf32>
      %mul3A_105 = arith.constant 16 : i32
      %mul3A_106 = arith.muli %scan3A_85, %mul3A_105 : i32
      %get3A_107 = arith.constant 3 : i32
      %get3A_108 = arith.index_cast %get3A_107 : i32 to index
      %get3A_109 = arith.index_cast %mul3A_106 : i32 to index
      %get3A_110 = tpu.vector_load %arg7[%get3A_108, %get3A_109] {strides = array<i32>} : memref<16x640xf32, #tpu.memory_space<vmem>>, vector<16xf32>,
      %add3A_111 = arith.addf %add3A_104, %get3A_110 : vector<16xf32>
      %mul3A_112 = arith.constant 16 : i32
      %mul3A_113 = arith.muli %scan3A_85, %mul3A_112 : i32
      %get3A_114 = arith.constant 4 : i32
      %get3A_115 = arith.index_cast %get3A_114 : i32 to index
      %get3A_116 = arith.index_cast %mul3A_113 : i32 to index
      %get3A_117 = tpu.vector_load %arg7[%get3A_115, %get3A_116] {strides = array<i32>} : memref<16x640xf32, #tpu.memory_space<vmem>>, vector<16xf32>,
      %add3A_118 = arith.addf %add3A_111, %get3A_117 : vector<16xf32>
      %mul3A_119 = arith.constant 16 : i32
      %mul3A_120 = arith.muli %scan3A_85, %mul3A_119 : i32
      %get3A_121 = arith.constant 5 : i32
      %get3A_122 = arith.index_cast %get3A_121 : i32 to index
      %get3A_123 = arith.index_cast %mul3A_120 : i32 to index
      %get3A_124 = tpu.vector_load %arg7[%get3A_122, %get3A_123] {strides = array<i32>} : memref<16x640xf32, #tpu.memory_space<vmem>>, vector<16xf32>,
      %add3A_125 = arith.addf %add3A_118, %get3A_124 : vector<16xf32>
      %mul3A_126 = arith.constant 16 : i32
      %mul3A_127 = arith.muli %scan3A_85, %mul3A_126 : i32
      %get3A_128 = arith.constant 6 : i32
      %get3A_129 = arith.index_cast %get3A_128 : i32 to index
      %get3A_130 = arith.index_cast %mul3A_127 : i32 to index
      %get3A_131 = tpu.vector_load %arg7[%get3A_129, %get3A_130] {strides = array<i32>} : memref<16x640xf32, #tpu.memory_space<vmem>>, vector<16xf32>,
      %add3A_132 = arith.addf %add3A_125, %get3A_131 : vector<16xf32>
      %mul3A_133 = arith.constant 16 : i32
      %mul3A_134 = arith.muli %scan3A_85, %mul3A_133 : i32
      %get3A_135 = arith.constant 7 : i32
      %get3A_136 = arith.index_cast %get3A_135 : i32 to index
      %get3A_137 = arith.index_cast %mul3A_134 : i32 to index
      %get3A_138 = tpu.vector_load %arg7[%get3A_136, %get3A_137] {strides = array<i32>} : memref<16x640xf32, #tpu.memory_space<vmem>>, vector<16xf32>,
      %add3A_139 = arith.addf %add3A_132, %get3A_138 : vector<16xf32>
      %mul3A_140 = arith.constant 16 : i32
      %mul3A_141 = arith.muli %scan3A_85, %mul3A_140 : i32
      %get3A_142 = arith.constant 8 : i32
      %get3A_143 = arith.index_cast %get3A_142 : i32 to index
      %get3A_144 = arith.index_cast %mul3A_141 : i32 to index
      %get3A_145 = tpu.vector_load %arg7[%get3A_143, %get3A_144] {strides = array<i32>} : memref<16x640xf32, #tpu.memory_space<vmem>>, vector<16xf32>,
      %add3A_146 = arith.addf %add3A_139, %get3A_145 : vector<16xf32>
      %mul3A_147 = arith.constant 16 : i32
      %mul3A_148 = arith.muli %scan3A_85, %mul3A_147 : i32
      %get3A_149 = arith.constant 9 : i32
      %get3A_150 = arith.index_cast %get3A_149 : i32 to index
      %get3A_151 = arith.index_cast %mul3A_148 : i32 to index
      %get3A_152 = tpu.vector_load %arg7[%get3A_150, %get3A_151] {strides = array<i32>} : memref<16x640xf32, #tpu.memory_space<vmem>>, vector<16xf32>,
      %add3A_153 = arith.addf %add3A_146, %get3A_152 : vector<16xf32>
      %mul3A_154 = arith.constant 16 : i32
      %mul3A_155 = arith.muli %scan3A_85, %mul3A_154 : i32
      %get3A_156 = arith.constant 10 : i32
      %get3A_157 = arith.index_cast %get3A_156 : i32 to index
      %get3A_158 = arith.index_cast %mul3A_155 : i32 to index
      %get3A_159 = tpu.vector_load %arg7[%get3A_157, %get3A_158] {strides = array<i32>} : memref<16x640xf32, #tpu.memory_space<vmem>>, vector<16xf32>,
      %add3A_160 = arith.addf %add3A_153, %get3A_159 : vector<16xf32>
      %mul3A_161 = arith.constant 16 : i32
      %mul3A_162 = arith.muli %scan3A_85, %mul3A_161 : i32
      %get3A_163 = arith.constant 11 : i32
      %get3A_164 = arith.index_cast %get3A_163 : i32 to index
      %get3A_165 = arith.index_cast %mul3A_162 : i32 to index
      %get3A_166 = tpu.vector_load %arg7[%get3A_164, %get3A_165] {strides = array<i32>} : memref<16x640xf32, #tpu.memory_space<vmem>>, vector<16xf32>,
      %add3A_167 = arith.addf %add3A_160, %get3A_166 : vector<16xf32>
      %mul3A_168 = arith.constant 16 : i32
      %mul3A_169 = arith.muli %scan3A_85, %mul3A_168 : i32
      %get3A_170 = arith.constant 12 : i32
      %get3A_171 = arith.index_cast %get3A_170 : i32 to index
      %get3A_172 = arith.index_cast %mul3A_169 : i32 to index
      %get3A_173 = tpu.vector_load %arg7[%get3A_171, %get3A_172] {strides = array<i32>} : memref<16x640xf32, #tpu.memory_space<vmem>>, vector<16xf32>,
      %add3A_174 = arith.addf %add3A_167, %get3A_173 : vector<16xf32>
      %mul3A_175 = arith.constant 16 : i32
      %mul3A_176 = arith.muli %scan3A_85, %mul3A_175 : i32
      %get3A_177 = arith.constant 13 : i32
      %get3A_178 = arith.index_cast %get3A_177 : i32 to index
      %get3A_179 = arith.index_cast %mul3A_176 : i32 to index
      %get3A_180 = tpu.vector_load %arg7[%get3A_178, %get3A_179] {strides = array<i32>} : memref<16x640xf32, #tpu.memory_space<vmem>>, vector<16xf32>,
      %add3A_181 = arith.addf %add3A_174, %get3A_180 : vector<16xf32>
      %mul3A_182 = arith.constant 16 : i32
      %mul3A_183 = arith.muli %scan3A_85, %mul3A_182 : i32
      %get3A_184 = arith.constant 14 : i32
      %get3A_185 = arith.index_cast %get3A_184 : i32 to index
      %get3A_186 = arith.index_cast %mul3A_183 : i32 to index
      %get3A_187 = tpu.vector_load %arg7[%get3A_185, %get3A_186] {strides = array<i32>} : memref<16x640xf32, #tpu.memory_space<vmem>>, vector<16xf32>,
      %add3A_188 = arith.addf %add3A_181, %get3A_187 : vector<16xf32>
      %mul3A_189 = arith.constant 16 : i32
      %mul3A_190 = arith.muli %scan3A_85, %mul3A_189 : i32
      %get3A_191 = arith.constant 15 : i32
      %get3A_192 = arith.index_cast %get3A_191 : i32 to index
      %get3A_193 = arith.index_cast %mul3A_190 : i32 to index
      %get3A_194 = tpu.vector_load %arg7[%get3A_192, %get3A_193] {strides = array<i32>} : memref<16x640xf32, #tpu.memory_space<vmem>>, vector<16xf32>,
      %add3A_195 = arith.addf %add3A_188, %get3A_194 : vector<16xf32>
      %mul3A_196 = arith.constant 16 : i32
      %mul3A_197 = arith.muli %scan3A_85, %mul3A_196 : i32
      %swap3A = arith.index_cast %mul3A_197 : i32 to index
      %swap3A_198 = tpu.vector_load %arg8[%swap3A] {strides = array<i32>} : memref<640xf32, #tpu.memory_space<vmem>>, vector<16xf32>,
      tpu.vector_store %arg8[%swap3A], %add3A_195 {strides = array<i32>} : memref<640xf32, #tpu.memory_space<vmem>>, vector<16xf32>,
      %scan3A_199 = arith.constant 0 : i32
      scf.yield %scan3A_199 : i32
    }
    %scan3A_82 = arith.constant 40 : i32
    %mul3A_83 = arith.constant 640 : i32
    %mul3A_84 = arith.muli %arg1, %mul3A_83 : i32
    "tpu.region"() ({
      %run_scoped3A_85 = tpu.sem_alloc : memref<!tpu.dma_semaphore, #tpu.memory_space<semaphore_mem>>
      %dma_start3A = tpu.memref_slice %arg3[%arg0, %mul3A_84] : memref<2x10240xf32, #tpu.memory_space<hbm>> -> memref<1x640xf32, #tpu.memory_space<hbm>>
      %dma_start3A_86 = tpu.memref_squeeze %dma_start3A : memref<1x640xf32, #tpu.memory_space<hbm>> -> memref<640xf32, #tpu.memory_space<hbm>>
      %dma_start3A_87 = tpu.memref_slice %arg3[%arg0, %mul3A_84] : memref<2x10240xf32, #tpu.memory_space<hbm>> -> memref<1x640xf32, #tpu.memory_space<hbm>>
      %dma_start3A_88 = tpu.memref_squeeze %dma_start3A_87 : memref<1x640xf32, #tpu.memory_space<hbm>> -> memref<640xf32, #tpu.memory_space<hbm>>
      tpu.enqueue_dma source(%arg8 : memref<640xf32, #tpu.memory_space<vmem>>) target(%dma_start3A_88 : memref<640xf32, #tpu.memory_space<hbm>>) target_semaphore(%run_scoped3A_85 : memref<!tpu.dma_semaphore, #tpu.memory_space<semaphore_mem>>)
      %dma_wait3A = tpu.memref_slice %arg3[%arg0, %mul3A_84] : memref<2x10240xf32, #tpu.memory_space<hbm>> -> memref<1x640xf32, #tpu.memory_space<hbm>>
      %dma_wait3A_89 = tpu.memref_squeeze %dma_wait3A : memref<1x640xf32, #tpu.memory_space<hbm>> -> memref<640xf32, #tpu.memory_space<hbm>>
      %dma_wait3A_90 = tpu.memref_slice %arg3[%arg0, %mul3A_84] : memref<2x10240xf32, #tpu.memory_space<hbm>> -> memref<1x640xf32, #tpu.memory_space<hbm>>
      %dma_wait3A_91 = tpu.memref_squeeze %dma_wait3A_90 : memref<1x640xf32, #tpu.memory_space<hbm>> -> memref<640xf32, #tpu.memory_space<hbm>>
      tpu.wait_dma2 semaphore(%run_scoped3A_85 : memref<!tpu.dma_semaphore, #tpu.memory_space<semaphore_mem>>) src(%arg8 : memref<640xf32, #tpu.memory_space<vmem>>) dst(%dma_wait3A_91 : memref<640xf32, #tpu.memory_space<hbm>>)
      tpu.yield
    }) : () -> ()
    return
  }
}

#map = affine_map<(d0, d1) -> (0, 0, 0, 0)>
#map1 = affine_map<(d0, d1) -> (0, 0)>
module attributes {stable_mosaic.version = 14 : i64} {
  func.func @_edge_body(%arg0: i32, %arg1: i32, %arg2: memref<2x40x2x4096xi32, #tpu.memory_space<hbm>>, %arg3: memref<20480x128xf32, #tpu.memory_space<hbm>>, %arg4: memref<2x2621440xf32, #tpu.memory_space<hbm>>, %arg5: memref<2x2x4096xi32, #tpu.memory_space<vmem>>, %arg6: memref<4112xi32, #tpu.memory_space<vmem>>, %arg7: memref<4112xi32, #tpu.memory_space<vmem>>, %arg8: memref<128x128xf32, #tpu.memory_space<vmem>>, %arg9: memref<81920xf32, #tpu.memory_space<vmem>>, %arg10: memref<!tpu.dma_semaphore, #tpu.memory_space<semaphore_mem>>, %arg11: memref<!tpu.dma_semaphore, #tpu.memory_space<semaphore_mem>>) attributes {dimension_semantics = [#tpu.dimension_semantics<core_parallel>, #tpu.dimension_semantics<subcore_parallel>], iteration_bounds = array<i64: 2, 16>, scalar_prefetch = 0 : i64, scratch_operands = 7 : i64, tpu.core_type = #tpu.core_type<sc_vector_subcore>, window_params = [{transform_indices = #map}, {transform_indices = #map1}, {transform_indices = #map1}]} {
    %scan3A = arith.constant 0 : i32
    %scan3A_0 = arith.constant 0 : i32
    %scan3A_1 = arith.constant 257 : i32
    %scan3A_2 = arith.addi %scan3A_0, %scan3A_1 : i32
    %scan3A_3 = arith.constant 1 : i32
    %scan3A_4 = scf.for %scan3A_79 = %scan3A_0 to %scan3A_2 step %scan3A_3 iter_args(%scan3A_80 = %scan3A) -> (i32)  : i32 {
      %broadcast_in_dim3A = arith.constant 0 : i32
      %broadcast_in_dim3A_81 = vector.broadcast %broadcast_in_dim3A : i32 to vector<16xi32>
      %mul3A_82 = arith.constant 16 : i32
      %mul3A_83 = arith.muli %scan3A_79, %mul3A_82 : i32
      %swap3A = arith.index_cast %mul3A_83 : i32 to index
      %swap3A_84 = tpu.vector_load %arg6[%swap3A] {strides = array<i32>} : memref<4112xi32, #tpu.memory_space<vmem>>, vector<16xi32>,
      tpu.vector_store %arg6[%swap3A], %broadcast_in_dim3A_81 {strides = array<i32>} : memref<4112xi32, #tpu.memory_space<vmem>>, vector<16xi32>,
      %scan3A_85 = arith.constant 0 : i32
      scf.yield %scan3A_85 : i32
    }
    %scan3A_5 = arith.constant 257 : i32
    %add3A = arith.constant 0 : i32
    %add3A_6 = arith.addi %add3A, %arg1 : i32
    %mul3A = arith.constant 320 : i32
    %mul3A_7 = arith.muli %add3A_6, %mul3A : i32
    %scan3A_8 = arith.constant 0 : i32
    %scan3A_9 = arith.constant 0 : i32
    %scan3A_10 = arith.constant 5120 : i32
    %scan3A_11 = arith.addi %scan3A_9, %scan3A_10 : i32
    %scan3A_12 = arith.constant 1 : i32
    %scan3A_13 = scf.for %scan3A_79 = %scan3A_9 to %scan3A_11 step %scan3A_12 iter_args(%scan3A_80 = %scan3A_8) -> (i32)  : i32 {
      %broadcast_in_dim3A = arith.constant 0.000000e+00 : f32
      %broadcast_in_dim3A_81 = vector.broadcast %broadcast_in_dim3A : f32 to vector<16xf32>
      %mul3A_82 = arith.constant 16 : i32
      %mul3A_83 = arith.muli %scan3A_79, %mul3A_82 : i32
      %swap3A = arith.index_cast %mul3A_83 : i32 to index
      %swap3A_84 = tpu.vector_load %arg9[%swap3A] {strides = array<i32>} : memref<81920xf32, #tpu.memory_space<vmem>>, vector<16xf32>,
      tpu.vector_store %arg9[%swap3A], %broadcast_in_dim3A_81 {strides = array<i32>} : memref<81920xf32, #tpu.memory_space<vmem>>, vector<16xf32>,
      %scan3A_85 = arith.constant 0 : i32
      scf.yield %scan3A_85 : i32
    }
    %scan3A_14 = arith.constant 5120 : i32
    %dma_start3A = arith.constant 0 : i32
    %dma_start3A_15 = arith.constant 0 : i32
    %dma_start3A_16 = arith.constant 0 : i32
    %dma_start3A_17 = arith.constant 0 : i32
    %dma_start3A_18 = tpu.memref_slice %arg5[%dma_start3A_15, %dma_start3A_16, %dma_start3A_17] : memref<2x2x4096xi32, #tpu.memory_space<vmem>> -> memref<1x2x4096xi32, #tpu.memory_space<vmem>>
    %dma_start3A_19 = tpu.memref_squeeze %dma_start3A_18 : memref<1x2x4096xi32, #tpu.memory_space<vmem>> -> memref<2x4096xi32, #tpu.memory_space<vmem>>
    %dma_start3A_20 = arith.constant 0 : i32
    %dma_start3A_21 = arith.constant 0 : i32
    %dma_start3A_22 = tpu.memref_slice %arg2[%arg0, %dma_start3A, %dma_start3A_20, %dma_start3A_21] : memref<2x40x2x4096xi32, #tpu.memory_space<hbm>> -> memref<1x1x2x4096xi32, #tpu.memory_space<hbm>>
    %dma_start3A_23 = tpu.memref_squeeze %dma_start3A_22 : memref<1x1x2x4096xi32, #tpu.memory_space<hbm>> -> memref<2x4096xi32, #tpu.memory_space<hbm>>
    %dma_start3A_24 = arith.constant 0 : i32
    %dma_start3A_25 = arith.constant 0 : i32
    %dma_start3A_26 = tpu.memref_slice %arg5[%dma_start3A_15, %dma_start3A_24, %dma_start3A_25] : memref<2x2x4096xi32, #tpu.memory_space<vmem>> -> memref<1x2x4096xi32, #tpu.memory_space<vmem>>
    %dma_start3A_27 = tpu.memref_squeeze %dma_start3A_26 : memref<1x2x4096xi32, #tpu.memory_space<vmem>> -> memref<2x4096xi32, #tpu.memory_space<vmem>>
    %dma_start3A_28 = arith.constant 0 : i32
    %dma_start3A_29 = arith.constant 0 : i32
    %dma_start3A_30 = tpu.memref_slice %arg2[%arg0, %dma_start3A, %dma_start3A_28, %dma_start3A_29] : memref<2x40x2x4096xi32, #tpu.memory_space<hbm>> -> memref<1x1x2x4096xi32, #tpu.memory_space<hbm>>
    %dma_start3A_31 = tpu.memref_squeeze %dma_start3A_30 : memref<1x1x2x4096xi32, #tpu.memory_space<hbm>> -> memref<2x4096xi32, #tpu.memory_space<hbm>>
    tpu.enqueue_dma source(%dma_start3A_31 : memref<2x4096xi32, #tpu.memory_space<hbm>>) target(%dma_start3A_27 : memref<2x4096xi32, #tpu.memory_space<vmem>>) target_semaphore(%arg11 : memref<!tpu.dma_semaphore, #tpu.memory_space<semaphore_mem>>)
    %scan3A_32 = arith.constant 0 : i32
    %scan3A_33 = arith.constant 0 : i32
    %scan3A_34 = arith.constant 40 : i32
    %scan3A_35 = arith.addi %scan3A_33, %scan3A_34 : i32
    %scan3A_36 = arith.constant 1 : i32
    %scan3A_37 = scf.for %scan3A_79 = %scan3A_33 to %scan3A_35 step %scan3A_36 iter_args(%scan3A_80 = %scan3A_32) -> (i32)  : i32 {
      %dma_wait3A = arith.constant 0 : i32
      %dma_wait3A_81 = arith.constant 0 : i32
      %dma_wait3A_82 = arith.constant 0 : i32
      %dma_wait3A_83 = arith.constant 0 : i32
      %dma_wait3A_84 = tpu.memref_slice %arg5[%dma_wait3A_81, %dma_wait3A_82, %dma_wait3A_83] : memref<2x2x4096xi32, #tpu.memory_space<vmem>> -> memref<1x2x4096xi32, #tpu.memory_space<vmem>>
      %dma_wait3A_85 = tpu.memref_squeeze %dma_wait3A_84 : memref<1x2x4096xi32, #tpu.memory_space<vmem>> -> memref<2x4096xi32, #tpu.memory_space<vmem>>
      %dma_wait3A_86 = arith.constant 0 : i32
      %dma_wait3A_87 = arith.constant 0 : i32
      %dma_wait3A_88 = tpu.memref_slice %arg2[%arg0, %dma_wait3A, %dma_wait3A_86, %dma_wait3A_87] : memref<2x40x2x4096xi32, #tpu.memory_space<hbm>> -> memref<1x1x2x4096xi32, #tpu.memory_space<hbm>>
      %dma_wait3A_89 = tpu.memref_squeeze %dma_wait3A_88 : memref<1x1x2x4096xi32, #tpu.memory_space<hbm>> -> memref<2x4096xi32, #tpu.memory_space<hbm>>
      %dma_wait3A_90 = arith.constant 0 : i32
      %dma_wait3A_91 = arith.constant 0 : i32
      %dma_wait3A_92 = tpu.memref_slice %arg5[%dma_wait3A_81, %dma_wait3A_90, %dma_wait3A_91] : memref<2x2x4096xi32, #tpu.memory_space<vmem>> -> memref<1x2x4096xi32, #tpu.memory_space<vmem>>
      %dma_wait3A_93 = tpu.memref_squeeze %dma_wait3A_92 : memref<1x2x4096xi32, #tpu.memory_space<vmem>> -> memref<2x4096xi32, #tpu.memory_space<vmem>>
      %dma_wait3A_94 = arith.constant 0 : i32
      %dma_wait3A_95 = arith.constant 0 : i32
      %dma_wait3A_96 = tpu.memref_slice %arg2[%arg0, %dma_wait3A, %dma_wait3A_94, %dma_wait3A_95] : memref<2x40x2x4096xi32, #tpu.memory_space<hbm>> -> memref<1x1x2x4096xi32, #tpu.memory_space<hbm>>
      %dma_wait3A_97 = tpu.memref_squeeze %dma_wait3A_96 : memref<1x1x2x4096xi32, #tpu.memory_space<hbm>> -> memref<2x4096xi32, #tpu.memory_space<hbm>>
      tpu.wait_dma2 semaphore(%arg11 : memref<!tpu.dma_semaphore, #tpu.memory_space<semaphore_mem>>) src(%dma_wait3A_97 : memref<2x4096xi32, #tpu.memory_space<hbm>>) dst(%dma_wait3A_93 : memref<2x4096xi32, #tpu.memory_space<vmem>>)
      %add3A_98 = arith.constant 1 : i32
      %add3A_99 = arith.addi %scan3A_79, %add3A_98 : i32
      %lt3A = arith.constant 40 : i32
      %lt3A_100 = arith.cmpi slt, %add3A_99, %lt3A : i32
      %convert_element_type3A = arith.extui %lt3A_100 : i1 to i32
      %cond3A = arith.constant 0 : i32
      %cond3A_101 = arith.cmpi ne, %convert_element_type3A, %cond3A : i32
      scf.if %cond3A_101 {
        %add3A_143 = arith.constant 1 : i32
        %add3A_144 = arith.addi %scan3A_79, %add3A_143 : i32
        %add3A_145 = arith.constant 1 : i32
        %add3A_146 = arith.addi %scan3A_79, %add3A_145 : i32
        %rem3A_147 = arith.constant 2 : i32
        %rem3A_148 = arith.remsi %add3A_146, %rem3A_147 : i32
        %dma_start3A_149 = arith.constant 0 : i32
        %dma_start3A_150 = arith.constant 0 : i32
        %dma_start3A_151 = tpu.memref_slice %arg5[%rem3A_148, %dma_start3A_149, %dma_start3A_150] : memref<2x2x4096xi32, #tpu.memory_space<vmem>> -> memref<1x2x4096xi32, #tpu.memory_space<vmem>>
        %dma_start3A_152 = tpu.memref_squeeze %dma_start3A_151 : memref<1x2x4096xi32, #tpu.memory_space<vmem>> -> memref<2x4096xi32, #tpu.memory_space<vmem>>
        %dma_start3A_153 = arith.constant 0 : i32
        %dma_start3A_154 = arith.constant 0 : i32
        %dma_start3A_155 = tpu.memref_slice %arg2[%arg0, %add3A_144, %dma_start3A_153, %dma_start3A_154] : memref<2x40x2x4096xi32, #tpu.memory_space<hbm>> -> memref<1x1x2x4096xi32, #tpu.memory_space<hbm>>
        %dma_start3A_156 = tpu.memref_squeeze %dma_start3A_155 : memref<1x1x2x4096xi32, #tpu.memory_space<hbm>> -> memref<2x4096xi32, #tpu.memory_space<hbm>>
        %dma_start3A_157 = arith.constant 0 : i32
        %dma_start3A_158 = arith.constant 0 : i32
        %dma_start3A_159 = tpu.memref_slice %arg5[%rem3A_148, %dma_start3A_157, %dma_start3A_158] : memref<2x2x4096xi32, #tpu.memory_space<vmem>> -> memref<1x2x4096xi32, #tpu.memory_space<vmem>>
        %dma_start3A_160 = tpu.memref_squeeze %dma_start3A_159 : memref<1x2x4096xi32, #tpu.memory_space<vmem>> -> memref<2x4096xi32, #tpu.memory_space<vmem>>
        %dma_start3A_161 = arith.constant 0 : i32
        %dma_start3A_162 = arith.constant 0 : i32
        %dma_start3A_163 = tpu.memref_slice %arg2[%arg0, %add3A_144, %dma_start3A_161, %dma_start3A_162] : memref<2x40x2x4096xi32, #tpu.memory_space<hbm>> -> memref<1x1x2x4096xi32, #tpu.memory_space<hbm>>
        %dma_start3A_164 = tpu.memref_squeeze %dma_start3A_163 : memref<1x1x2x4096xi32, #tpu.memory_space<hbm>> -> memref<2x4096xi32, #tpu.memory_space<hbm>>
        tpu.enqueue_dma source(%dma_start3A_164 : memref<2x4096xi32, #tpu.memory_space<hbm>>) target(%dma_start3A_160 : memref<2x4096xi32, #tpu.memory_space<vmem>>) target_semaphore(%arg11 : memref<!tpu.dma_semaphore, #tpu.memory_space<semaphore_mem>>)
      } else {
      }
      %rem3A = arith.constant 2 : i32
      %rem3A_102 = arith.remsi %scan3A_79, %rem3A : i32
      %scan3A_103 = arith.constant 0 : i32
      %scan3A_104 = arith.constant 0 : i32
      %scan3A_105 = arith.constant 256 : i32
      %scan3A_106 = arith.addi %scan3A_104, %scan3A_105 : i32
      %scan3A_107 = arith.constant 1 : i32
      %scan3A_108 = scf.for %scan3A_143 = %scan3A_104 to %scan3A_106 step %scan3A_107 iter_args(%scan3A_144 = %scan3A_103) -> (i32)  : i32 {
        %mul3A_145 = arith.constant 16 : i32
        %mul3A_146 = arith.muli %scan3A_143, %mul3A_145 : i32
        %get3A = arith.constant 0 : i32
        %get3A_147 = arith.index_cast %rem3A_102 : i32 to index
        %get3A_148 = arith.index_cast %get3A : i32 to index
        %get3A_149 = arith.index_cast %mul3A_146 : i32 to index
        %get3A_150 = tpu.vector_load %arg5[%get3A_147, %get3A_148, %get3A_149] {strides = array<i32>} : memref<2x2x4096xi32, #tpu.memory_space<vmem>>, vector<16xi32>,
        %mul3A_151 = arith.constant 16 : i32
        %mul3A_152 = arith.muli %scan3A_143, %mul3A_151 : i32
        %get3A_153 = arith.constant 1 : i32
        %get3A_154 = arith.index_cast %rem3A_102 : i32 to index
        %get3A_155 = arith.index_cast %get3A_153 : i32 to index
        %get3A_156 = arith.index_cast %mul3A_152 : i32 to index
        %get3A_157 = tpu.vector_load %arg5[%get3A_154, %get3A_155, %get3A_156] {strides = array<i32>} : memref<2x2x4096xi32, #tpu.memory_space<vmem>>, vector<16xi32>,
        %sub3A_158 = vector.broadcast %mul3A_7 : i32 to vector<16xi32>
        %sub3A_159 = arith.subi %get3A_157, %sub3A_158 : vector<16xi32>
        %ge3A = arith.constant 0 : i32
        %ge3A_160 = vector.broadcast %ge3A : i32 to vector<16xi32>
        %ge3A_161 = arith.cmpi sge, %sub3A_159, %ge3A_160 : vector<16xi32>
        %lt3A_162 = arith.constant 320 : i32
        %lt3A_163 = vector.broadcast %lt3A_162 : i32 to vector<16xi32>
        %lt3A_164 = arith.cmpi slt, %sub3A_159, %lt3A_163 : vector<16xi32>
        %and3A_165 = arith.andi %ge3A_161, %lt3A_164 : vector<16xi1>
        %swap3A = arith.index_cast %scan3A_144 : i32 to index
        %swap3A_166 = tpu.vector_load %arg6[%swap3A] masked %and3A_165 {strides = array<i32>} : memref<4112xi32, #tpu.memory_space<vmem>>, vector<16xi32>, vector<16xi1>
        tpu.vector_store %arg6[%swap3A], %get3A_150 masked %and3A_165 {strides = array<i32>} : memref<4112xi32, #tpu.memory_space<vmem>>, vector<16xi32>, vector<16xi1>
        %swap3A_167 = arith.index_cast %scan3A_144 : i32 to index
        %swap3A_168 = tpu.vector_load %arg7[%swap3A_167] masked %and3A_165 {strides = array<i32>} : memref<4112xi32, #tpu.memory_space<vmem>>, vector<16xi32>, vector<16xi1>
        tpu.vector_store %arg7[%swap3A_167], %sub3A_159 masked %and3A_165 {strides = array<i32>} : memref<4112xi32, #tpu.memory_space<vmem>>, vector<16xi32>, vector<16xi1>
        %all_reduce_population_count3A = tpu.all_reduce %and3A_165 {dim = 0 : i64, kind = #tpu.reduction_kind<sum>} : vector<16xi1> -> vector<16xi32>
        %slice3A = vector.extract_strided_slice %all_reduce_population_count3A {offsets = [0], sizes = [1], strides = [1]} : vector<16xi32> to vector<1xi32>
        %squeeze3A = vector.extract %slice3A[0] : i32 from vector<1xi32>
        %add3A_169 = arith.addi %scan3A_144, %squeeze3A : i32
        scf.yield %add3A_169 : i32
      }
      %scan3A_109 = arith.constant 256 : i32
      %add3A_110 = arith.constant 128 : i32
      %add3A_111 = arith.addi %scan3A_108, %add3A_110 : i32
      %sub3A = arith.constant 1 : i32
      %sub3A_112 = arith.subi %add3A_111, %sub3A : i32
      %jit3A = arith.constant 128 : i32
      %div3A = arith.divsi %sub3A_112, %jit3A : i32
      %sign3A = arith.constant 0 : i32
      %sign3A_113 = arith.cmpi sgt, %sub3A_112, %sign3A : i32
      %sign3A_114 = arith.extui %sign3A_113 : i1 to i32
      %sign3A_115 = arith.constant 0 : i32
      %sign3A_116 = arith.cmpi slt, %sub3A_112, %sign3A_115 : i32
      %sign3A_117 = arith.extui %sign3A_116 : i1 to i32
      %sign3A_118 = arith.subi %sign3A_114, %sign3A_117 : i32
      %sign3A_119 = arith.constant 0 : i32
      %sign3A_120 = arith.cmpi sgt, %jit3A, %sign3A_119 : i32
      %sign3A_121 = arith.extui %sign3A_120 : i1 to i32
      %sign3A_122 = arith.constant 0 : i32
      %sign3A_123 = arith.cmpi slt, %jit3A, %sign3A_122 : i32
      %sign3A_124 = arith.extui %sign3A_123 : i1 to i32
      %sign3A_125 = arith.subi %sign3A_121, %sign3A_124 : i32
      %ne3A = arith.cmpi ne, %sign3A_118, %sign3A_125 : i32
      %rem3A_126 = arith.remsi %sub3A_112, %jit3A : i32
      %ne3A_127 = arith.constant 0 : i32
      %ne3A_128 = arith.cmpi ne, %rem3A_126, %ne3A_127 : i32
      %and3A = arith.andi %ne3A, %ne3A_128 : i1
      %sub3A_129 = arith.constant 1 : i32
      %sub3A_130 = arith.subi %div3A, %sub3A_129 : i32
      %select_n3A = arith.select %and3A, %sub3A_130, %div3A : i32
      %while3A = arith.constant 0 : i32
      %while3A_131 = arith.constant 0 : i32
      %while3A_132 = arith.subi %select_n3A, %while3A : i32
      %while3A_133 = arith.addi %while3A, %while3A_132 : i32
      %while3A_134 = arith.constant 1 : i32
      %while3A_135 = arith.divsi %while3A_132, %while3A_134 : i32
      %while3A_136 = arith.muli %while3A_135, %while3A_134 : i32
      %while3A_137 = arith.addi %while3A, %while3A_136 : i32
      %while3A_138 = arith.constant 1 : i32
      %while3A_139 = scf.for %while3A_143 = %while3A to %while3A_137 step %while3A_138 iter_args(%while3A_144 = %while3A_131) -> (i32)  : i32 {
        %mul3A_145 = arith.constant 128 : i32
        %mul3A_146 = arith.muli %while3A_143, %mul3A_145 : i32
        %sub3A_147 = arith.subi %scan3A_108, %mul3A_146 : i32
        %min3A = arith.constant 128 : i32
        %min3A_148 = arith.minsi %sub3A_147, %min3A : i32
        %add3A_149 = arith.constant 8 : i32
        %add3A_150 = arith.addi %min3A_148, %add3A_149 : i32
        %sub3A_151 = arith.constant 1 : i32
        %sub3A_152 = arith.subi %add3A_150, %sub3A_151 : i32
        %jit3A_153 = arith.constant 8 : i32
        %div3A_154 = arith.divsi %sub3A_152, %jit3A_153 : i32
        %sign3A_155 = arith.constant 0 : i32
        %sign3A_156 = arith.cmpi sgt, %sub3A_152, %sign3A_155 : i32
        %sign3A_157 = arith.extui %sign3A_156 : i1 to i32
        %sign3A_158 = arith.constant 0 : i32
        %sign3A_159 = arith.cmpi slt, %sub3A_152, %sign3A_158 : i32
        %sign3A_160 = arith.extui %sign3A_159 : i1 to i32
        %sign3A_161 = arith.subi %sign3A_157, %sign3A_160 : i32
        %sign3A_162 = arith.constant 0 : i32
        %sign3A_163 = arith.cmpi sgt, %jit3A_153, %sign3A_162 : i32
        %sign3A_164 = arith.extui %sign3A_163 : i1 to i32
        %sign3A_165 = arith.constant 0 : i32
        %sign3A_166 = arith.cmpi slt, %jit3A_153, %sign3A_165 : i32
        %sign3A_167 = arith.extui %sign3A_166 : i1 to i32
        %sign3A_168 = arith.subi %sign3A_164, %sign3A_167 : i32
        %ne3A_169 = arith.cmpi ne, %sign3A_161, %sign3A_168 : i32
        %rem3A_170 = arith.remsi %sub3A_152, %jit3A_153 : i32
        %ne3A_171 = arith.constant 0 : i32
        %ne3A_172 = arith.cmpi ne, %rem3A_170, %ne3A_171 : i32
        %and3A_173 = arith.andi %ne3A_169, %ne3A_172 : i1
        %sub3A_174 = arith.constant 1 : i32
        %sub3A_175 = arith.subi %div3A_154, %sub3A_174 : i32
        %select_n3A_176 = arith.select %and3A_173, %sub3A_175, %div3A_154 : i32
        %while3A_177 = arith.constant 0 : i32
        %while3A_178 = arith.constant 0 : i32
        %while3A_179 = arith.subi %select_n3A_176, %while3A_177 : i32
        %while3A_180 = arith.addi %while3A_177, %while3A_179 : i32
        %while3A_181 = arith.constant 1 : i32
        %while3A_182 = arith.divsi %while3A_179, %while3A_181 : i32
        %while3A_183 = arith.muli %while3A_182, %while3A_181 : i32
        %while3A_184 = arith.addi %while3A_177, %while3A_183 : i32
        %while3A_185 = arith.constant 1 : i32
        %while3A_186 = scf.for %while3A_214 = %while3A_177 to %while3A_184 step %while3A_185 iter_args(%while3A_215 = %while3A_178) -> (i32)  : i32 {
          %mul3A_216 = arith.constant 128 : i32
          %mul3A_217 = arith.muli %while3A_143, %mul3A_216 : i32
          %mul3A_218 = arith.constant 8 : i32
          %mul3A_219 = arith.muli %while3A_214, %mul3A_218 : i32
          %add3A_220 = arith.addi %mul3A_217, %mul3A_219 : i32
          %mul3A_221 = arith.constant 8 : i32
          %mul3A_222 = arith.muli %while3A_214, %mul3A_221 : i32
          %dma_start3A_223 = arith.constant 0 : i32
          %dma_start3A_224 = tpu.memref_slice %arg8[%mul3A_222, %dma_start3A_223] : memref<128x128xf32, #tpu.memory_space<vmem>> -> memref<8x128xf32, #tpu.memory_space<vmem>>
          %dma_start3A_225 = tpu.memref_slice %arg6[%add3A_220] : memref<4112xi32, #tpu.memory_space<vmem>> -> memref<8xi32, #tpu.memory_space<vmem>>
          %dma_start3A_226 = arith.constant 0 : i32
          %dma_start3A_227 = arith.constant 0 : i32
          %dma_start3A_228 = tpu.memref_slice %arg3[%dma_start3A_226, %dma_start3A_227] : memref<20480x128xf32, #tpu.memory_space<hbm>> -> memref<20480x128xf32, #tpu.memory_space<hbm>>
          tpu.enqueue_indirect_dma source(%dma_start3A_228 : memref<20480x128xf32, #tpu.memory_space<hbm>>) target(%dma_start3A_224 : memref<8x128xf32, #tpu.memory_space<vmem>>) offsets(%dma_start3A_225 : memref<8xi32, #tpu.memory_space<vmem>>) semaphore(%arg10 : memref<!tpu.dma_semaphore, #tpu.memory_space<semaphore_mem>>)
          %while3A_229 = arith.constant 0 : i32
          scf.yield %while3A_229 : i32
        }
        %while3A_187 = arith.constant 1 : i32
        %while3A_188 = scf.for %while3A_214 = %while3A_184 to %while3A_180 step %while3A_187 iter_args(%while3A_215 = %while3A_186) -> (i32)  : i32 {
          %mul3A_216 = arith.constant 128 : i32
          %mul3A_217 = arith.muli %while3A_143, %mul3A_216 : i32
          %mul3A_218 = arith.constant 8 : i32
          %mul3A_219 = arith.muli %while3A_214, %mul3A_218 : i32
          %add3A_220 = arith.addi %mul3A_217, %mul3A_219 : i32
          %mul3A_221 = arith.constant 8 : i32
          %mul3A_222 = arith.muli %while3A_214, %mul3A_221 : i32
          %dma_start3A_223 = arith.constant 0 : i32
          %dma_start3A_224 = tpu.memref_slice %arg8[%mul3A_222, %dma_start3A_223] : memref<128x128xf32, #tpu.memory_space<vmem>> -> memref<8x128xf32, #tpu.memory_space<vmem>>
          %dma_start3A_225 = tpu.memref_slice %arg6[%add3A_220] : memref<4112xi32, #tpu.memory_space<vmem>> -> memref<8xi32, #tpu.memory_space<vmem>>
          %dma_start3A_226 = arith.constant 0 : i32
          %dma_start3A_227 = arith.constant 0 : i32
          %dma_start3A_228 = tpu.memref_slice %arg3[%dma_start3A_226, %dma_start3A_227] : memref<20480x128xf32, #tpu.memory_space<hbm>> -> memref<20480x128xf32, #tpu.memory_space<hbm>>
          tpu.enqueue_indirect_dma source(%dma_start3A_228 : memref<20480x128xf32, #tpu.memory_space<hbm>>) target(%dma_start3A_224 : memref<8x128xf32, #tpu.memory_space<vmem>>) offsets(%dma_start3A_225 : memref<8xi32, #tpu.memory_space<vmem>>) semaphore(%arg10 : memref<!tpu.dma_semaphore, #tpu.memory_space<semaphore_mem>>)
          %while3A_229 = arith.constant 0 : i32
          scf.yield %while3A_229 : i32
        }
        %while3A_189 = arith.constant 0 : i32
        %while3A_190 = arith.constant 0 : i32
        %while3A_191 = arith.subi %select_n3A_176, %while3A_189 : i32
        %while3A_192 = arith.addi %while3A_189, %while3A_191 : i32
        %while3A_193 = arith.constant 1 : i32
        %while3A_194 = arith.divsi %while3A_191, %while3A_193 : i32
        %while3A_195 = arith.muli %while3A_194, %while3A_193 : i32
        %while3A_196 = arith.addi %while3A_189, %while3A_195 : i32
        %while3A_197 = arith.constant 1 : i32
        %while3A_198 = scf.for %while3A_214 = %while3A_189 to %while3A_196 step %while3A_197 iter_args(%while3A_215 = %while3A_190) -> (i32)  : i32 {
          %dma_wait3A_216 = arith.constant 0 : i32
          %dma_wait3A_217 = arith.constant 0 : i32
          %dma_wait3A_218 = tpu.memref_slice %arg8[%dma_wait3A_216, %dma_wait3A_217] : memref<128x128xf32, #tpu.memory_space<vmem>> -> memref<8x128xf32, #tpu.memory_space<vmem>>
          %dma_wait3A_219 = arith.constant 0 : i32
          %dma_wait3A_220 = tpu.memref_slice %arg6[%dma_wait3A_219] : memref<4112xi32, #tpu.memory_space<vmem>> -> memref<8xi32, #tpu.memory_space<vmem>>
          %dma_wait3A_221 = arith.constant 0 : i32
          %dma_wait3A_222 = arith.constant 0 : i32
          %dma_wait3A_223 = tpu.memref_slice %arg3[%dma_wait3A_221, %dma_wait3A_222] : memref<20480x128xf32, #tpu.memory_space<hbm>> -> memref<20480x128xf32, #tpu.memory_space<hbm>>
          tpu.wait_indirect_dma semaphore(%arg10 : memref<!tpu.dma_semaphore, #tpu.memory_space<semaphore_mem>>) src(%dma_wait3A_223 : memref<20480x128xf32, #tpu.memory_space<hbm>>) dst(%dma_wait3A_218 : memref<8x128xf32, #tpu.memory_space<vmem>>)
          %while3A_224 = arith.constant 0 : i32
          scf.yield %while3A_224 : i32
        }
        %while3A_199 = arith.constant 1 : i32
        %while3A_200 = scf.for %while3A_214 = %while3A_196 to %while3A_192 step %while3A_199 iter_args(%while3A_215 = %while3A_198) -> (i32)  : i32 {
          %dma_wait3A_216 = arith.constant 0 : i32
          %dma_wait3A_217 = arith.constant 0 : i32
          %dma_wait3A_218 = tpu.memref_slice %arg8[%dma_wait3A_216, %dma_wait3A_217] : memref<128x128xf32, #tpu.memory_space<vmem>> -> memref<8x128xf32, #tpu.memory_space<vmem>>
          %dma_wait3A_219 = arith.constant 0 : i32
          %dma_wait3A_220 = tpu.memref_slice %arg6[%dma_wait3A_219] : memref<4112xi32, #tpu.memory_space<vmem>> -> memref<8xi32, #tpu.memory_space<vmem>>
          %dma_wait3A_221 = arith.constant 0 : i32
          %dma_wait3A_222 = arith.constant 0 : i32
          %dma_wait3A_223 = tpu.memref_slice %arg3[%dma_wait3A_221, %dma_wait3A_222] : memref<20480x128xf32, #tpu.memory_space<hbm>> -> memref<20480x128xf32, #tpu.memory_space<hbm>>
          tpu.wait_indirect_dma semaphore(%arg10 : memref<!tpu.dma_semaphore, #tpu.memory_space<semaphore_mem>>) src(%dma_wait3A_223 : memref<20480x128xf32, #tpu.memory_space<hbm>>) dst(%dma_wait3A_218 : memref<8x128xf32, #tpu.memory_space<vmem>>)
          %while3A_224 = arith.constant 0 : i32
          scf.yield %while3A_224 : i32
        }
        %while3A_201 = arith.constant 0 : i32
        %while3A_202 = arith.constant 0 : i32
        %while3A_203 = arith.subi %min3A_148, %while3A_201 : i32
        %while3A_204 = arith.addi %while3A_201, %while3A_203 : i32
        %while3A_205 = arith.constant 1 : i32
        %while3A_206 = arith.divsi %while3A_203, %while3A_205 : i32
        %while3A_207 = arith.muli %while3A_206, %while3A_205 : i32
        %while3A_208 = arith.addi %while3A_201, %while3A_207 : i32
        %while3A_209 = arith.constant 1 : i32
        %while3A_210 = scf.for %while3A_214 = %while3A_201 to %while3A_208 step %while3A_209 iter_args(%while3A_215 = %while3A_202) -> (i32)  : i32 {
          %mul3A_216 = arith.constant 128 : i32
          %mul3A_217 = arith.muli %while3A_143, %mul3A_216 : i32
          %add3A_218 = arith.addi %mul3A_217, %while3A_214 : i32
          %get3A = arith.index_cast %add3A_218 : i32 to index
          %get3A_219 = tpu.vector_load %arg7[%get3A] {strides = array<i32>} : memref<4112xi32, #tpu.memory_space<vmem>>, vector<16xi32>,
          %slice3A = vector.extract_strided_slice %get3A_219 {offsets = [0], sizes = [1], strides = [1]} : vector<16xi32> to vector<1xi32>
          %squeeze3A = vector.extract %slice3A[0] : i32 from vector<1xi32>
          %mul3A_220 = arith.constant 256 : i32
          %mul3A_221 = arith.muli %squeeze3A, %mul3A_220 : i32
          %get3A_222 = arith.index_cast %while3A_214 : i32 to index
          %get3A_223 = arith.constant 0 : index
          %get3A_224 = tpu.vector_load %arg8[%get3A_222, %get3A_223] {strides = array<i32>} : memref<128x128xf32, #tpu.memory_space<vmem>>, vector<16xf32>,
          %bitcast3A = vector.bitcast %get3A_224 : vector<16xf32> to vector<32xbf16>
          %unpack3A = tpu.unpack_subelements %bitcast3A, 0 {pack_format = #tpu.pack_format<interleaved>} : vector<32xbf16> -> vector<16xf32>
          %unpack3A_225 = tpu.unpack_subelements %bitcast3A, 1 {pack_format = #tpu.pack_format<interleaved>} : vector<32xbf16> -> vector<16xf32>
          %add3A_226 = arith.constant 0 : i32
          %add3A_227 = arith.addi %mul3A_221, %add3A_226 : i32
          %swap3A = arith.index_cast %add3A_227 : i32 to index
          %swap3A_228 = tpu.vector_load %arg9[%swap3A] {strides = array<i32>} : memref<81920xf32, #tpu.memory_space<vmem>>, vector<16xf32>,
          tpu.vector_store %arg9[%swap3A], %unpack3A {add = true, strides = array<i32>} : memref<81920xf32, #tpu.memory_space<vmem>>, vector<16xf32>,
          %add3A_229 = arith.constant 0 : i32
          %add3A_230 = arith.addi %mul3A_221, %add3A_229 : i32
          %add3A_231 = arith.constant 16 : i32
          %add3A_232 = arith.addi %add3A_230, %add3A_231 : i32
          %swap3A_233 = arith.index_cast %add3A_232 : i32 to index
          %swap3A_234 = tpu.vector_load %arg9[%swap3A_233] {strides = array<i32>} : memref<81920xf32, #tpu.memory_space<vmem>>, vector<16xf32>,
          tpu.vector_store %arg9[%swap3A_233], %unpack3A_225 {add = true, strides = array<i32>} : memref<81920xf32, #tpu.memory_space<vmem>>, vector<16xf32>,
          %get3A_235 = arith.index_cast %while3A_214 : i32 to index
          %get3A_236 = arith.constant 16 : index
          %get3A_237 = tpu.vector_load %arg8[%get3A_235, %get3A_236] {strides = array<i32>} : memref<128x128xf32, #tpu.memory_space<vmem>>, vector<16xf32>,
          %bitcast3A_238 = vector.bitcast %get3A_237 : vector<16xf32> to vector<32xbf16>
          %unpack3A_239 = tpu.unpack_subelements %bitcast3A_238, 0 {pack_format = #tpu.pack_format<interleaved>} : vector<32xbf16> -> vector<16xf32>
          %unpack3A_240 = tpu.unpack_subelements %bitcast3A_238, 1 {pack_format = #tpu.pack_format<interleaved>} : vector<32xbf16> -> vector<16xf32>
          %add3A_241 = arith.constant 32 : i32
          %add3A_242 = arith.addi %mul3A_221, %add3A_241 : i32
          %swap3A_243 = arith.index_cast %add3A_242 : i32 to index
          %swap3A_244 = tpu.vector_load %arg9[%swap3A_243] {strides = array<i32>} : memref<81920xf32, #tpu.memory_space<vmem>>, vector<16xf32>,
          tpu.vector_store %arg9[%swap3A_243], %unpack3A_239 {add = true, strides = array<i32>} : memref<81920xf32, #tpu.memory_space<vmem>>, vector<16xf32>,
          %add3A_245 = arith.constant 32 : i32
          %add3A_246 = arith.addi %mul3A_221, %add3A_245 : i32
          %add3A_247 = arith.constant 16 : i32
          %add3A_248 = arith.addi %add3A_246, %add3A_247 : i32
          %swap3A_249 = arith.index_cast %add3A_248 : i32 to index
          %swap3A_250 = tpu.vector_load %arg9[%swap3A_249] {strides = array<i32>} : memref<81920xf32, #tpu.memory_space<vmem>>, vector<16xf32>,
          tpu.vector_store %arg9[%swap3A_249], %unpack3A_240 {add = true, strides = array<i32>} : memref<81920xf32, #tpu.memory_space<vmem>>, vector<16xf32>,
          %get3A_251 = arith.index_cast %while3A_214 : i32 to index
          %get3A_252 = arith.constant 32 : index
          %get3A_253 = tpu.vector_load %arg8[%get3A_251, %get3A_252] {strides = array<i32>} : memref<128x128xf32, #tpu.memory_space<vmem>>, vector<16xf32>,
          %bitcast3A_254 = vector.bitcast %get3A_253 : vector<16xf32> to vector<32xbf16>
          %unpack3A_255 = tpu.unpack_subelements %bitcast3A_254, 0 {pack_format = #tpu.pack_format<interleaved>} : vector<32xbf16> -> vector<16xf32>
          %unpack3A_256 = tpu.unpack_subelements %bitcast3A_254, 1 {pack_format = #tpu.pack_format<interleaved>} : vector<32xbf16> -> vector<16xf32>
          %add3A_257 = arith.constant 64 : i32
          %add3A_258 = arith.addi %mul3A_221, %add3A_257 : i32
          %swap3A_259 = arith.index_cast %add3A_258 : i32 to index
          %swap3A_260 = tpu.vector_load %arg9[%swap3A_259] {strides = array<i32>} : memref<81920xf32, #tpu.memory_space<vmem>>, vector<16xf32>,
          tpu.vector_store %arg9[%swap3A_259], %unpack3A_255 {add = true, strides = array<i32>} : memref<81920xf32, #tpu.memory_space<vmem>>, vector<16xf32>,
          %add3A_261 = arith.constant 64 : i32
          %add3A_262 = arith.addi %mul3A_221, %add3A_261 : i32
          %add3A_263 = arith.constant 16 : i32
          %add3A_264 = arith.addi %add3A_262, %add3A_263 : i32
          %swap3A_265 = arith.index_cast %add3A_264 : i32 to index
          %swap3A_266 = tpu.vector_load %arg9[%swap3A_265] {strides = array<i32>} : memref<81920xf32, #tpu.memory_space<vmem>>, vector<16xf32>,
          tpu.vector_store %arg9[%swap3A_265], %unpack3A_256 {add = true, strides = array<i32>} : memref<81920xf32, #tpu.memory_space<vmem>>, vector<16xf32>,
          %get3A_267 = arith.index_cast %while3A_214 : i32 to index
          %get3A_268 = arith.constant 48 : index
          %get3A_269 = tpu.vector_load %arg8[%get3A_267, %get3A_268] {strides = array<i32>} : memref<128x128xf32, #tpu.memory_space<vmem>>, vector<16xf32>,
          %bitcast3A_270 = vector.bitcast %get3A_269 : vector<16xf32> to vector<32xbf16>
          %unpack3A_271 = tpu.unpack_subelements %bitcast3A_270, 0 {pack_format = #tpu.pack_format<interleaved>} : vector<32xbf16> -> vector<16xf32>
          %unpack3A_272 = tpu.unpack_subelements %bitcast3A_270, 1 {pack_format = #tpu.pack_format<interleaved>} : vector<32xbf16> -> vector<16xf32>
          %add3A_273 = arith.constant 96 : i32
          %add3A_274 = arith.addi %mul3A_221, %add3A_273 : i32
          %swap3A_275 = arith.index_cast %add3A_274 : i32 to index
          %swap3A_276 = tpu.vector_load %arg9[%swap3A_275] {strides = array<i32>} : memref<81920xf32, #tpu.memory_space<vmem>>, vector<16xf32>,
          tpu.vector_store %arg9[%swap3A_275], %unpack3A_271 {add = true, strides = array<i32>} : memref<81920xf32, #tpu.memory_space<vmem>>, vector<16xf32>,
          %add3A_277 = arith.constant 96 : i32
          %add3A_278 = arith.addi %mul3A_221, %add3A_277 : i32
          %add3A_279 = arith.constant 16 : i32
          %add3A_280 = arith.addi %add3A_278, %add3A_279 : i32
          %swap3A_281 = arith.index_cast %add3A_280 : i32 to index
          %swap3A_282 = tpu.vector_load %arg9[%swap3A_281] {strides = array<i32>} : memref<81920xf32, #tpu.memory_space<vmem>>, vector<16xf32>,
          tpu.vector_store %arg9[%swap3A_281], %unpack3A_272 {add = true, strides = array<i32>} : memref<81920xf32, #tpu.memory_space<vmem>>, vector<16xf32>,
          %get3A_283 = arith.index_cast %while3A_214 : i32 to index
          %get3A_284 = arith.constant 64 : index
          %get3A_285 = tpu.vector_load %arg8[%get3A_283, %get3A_284] {strides = array<i32>} : memref<128x128xf32, #tpu.memory_space<vmem>>, vector<16xf32>,
          %bitcast3A_286 = vector.bitcast %get3A_285 : vector<16xf32> to vector<32xbf16>
          %unpack3A_287 = tpu.unpack_subelements %bitcast3A_286, 0 {pack_format = #tpu.pack_format<interleaved>} : vector<32xbf16> -> vector<16xf32>
          %unpack3A_288 = tpu.unpack_subelements %bitcast3A_286, 1 {pack_format = #tpu.pack_format<interleaved>} : vector<32xbf16> -> vector<16xf32>
          %add3A_289 = arith.constant 128 : i32
          %add3A_290 = arith.addi %mul3A_221, %add3A_289 : i32
          %swap3A_291 = arith.index_cast %add3A_290 : i32 to index
          %swap3A_292 = tpu.vector_load %arg9[%swap3A_291] {strides = array<i32>} : memref<81920xf32, #tpu.memory_space<vmem>>, vector<16xf32>,
          tpu.vector_store %arg9[%swap3A_291], %unpack3A_287 {add = true, strides = array<i32>} : memref<81920xf32, #tpu.memory_space<vmem>>, vector<16xf32>,
          %add3A_293 = arith.constant 128 : i32
          %add3A_294 = arith.addi %mul3A_221, %add3A_293 : i32
          %add3A_295 = arith.constant 16 : i32
          %add3A_296 = arith.addi %add3A_294, %add3A_295 : i32
          %swap3A_297 = arith.index_cast %add3A_296 : i32 to index
          %swap3A_298 = tpu.vector_load %arg9[%swap3A_297] {strides = array<i32>} : memref<81920xf32, #tpu.memory_space<vmem>>, vector<16xf32>,
          tpu.vector_store %arg9[%swap3A_297], %unpack3A_288 {add = true, strides = array<i32>} : memref<81920xf32, #tpu.memory_space<vmem>>, vector<16xf32>,
          %get3A_299 = arith.index_cast %while3A_214 : i32 to index
          %get3A_300 = arith.constant 80 : index
          %get3A_301 = tpu.vector_load %arg8[%get3A_299, %get3A_300] {strides = array<i32>} : memref<128x128xf32, #tpu.memory_space<vmem>>, vector<16xf32>,
          %bitcast3A_302 = vector.bitcast %get3A_301 : vector<16xf32> to vector<32xbf16>
          %unpack3A_303 = tpu.unpack_subelements %bitcast3A_302, 0 {pack_format = #tpu.pack_format<interleaved>} : vector<32xbf16> -> vector<16xf32>
          %unpack3A_304 = tpu.unpack_subelements %bitcast3A_302, 1 {pack_format = #tpu.pack_format<interleaved>} : vector<32xbf16> -> vector<16xf32>
          %add3A_305 = arith.constant 160 : i32
          %add3A_306 = arith.addi %mul3A_221, %add3A_305 : i32
          %swap3A_307 = arith.index_cast %add3A_306 : i32 to index
          %swap3A_308 = tpu.vector_load %arg9[%swap3A_307] {strides = array<i32>} : memref<81920xf32, #tpu.memory_space<vmem>>, vector<16xf32>,
          tpu.vector_store %arg9[%swap3A_307], %unpack3A_303 {add = true, strides = array<i32>} : memref<81920xf32, #tpu.memory_space<vmem>>, vector<16xf32>,
          %add3A_309 = arith.constant 160 : i32
          %add3A_310 = arith.addi %mul3A_221, %add3A_309 : i32
          %add3A_311 = arith.constant 16 : i32
          %add3A_312 = arith.addi %add3A_310, %add3A_311 : i32
          %swap3A_313 = arith.index_cast %add3A_312 : i32 to index
          %swap3A_314 = tpu.vector_load %arg9[%swap3A_313] {strides = array<i32>} : memref<81920xf32, #tpu.memory_space<vmem>>, vector<16xf32>,
          tpu.vector_store %arg9[%swap3A_313], %unpack3A_304 {add = true, strides = array<i32>} : memref<81920xf32, #tpu.memory_space<vmem>>, vector<16xf32>,
          %get3A_315 = arith.index_cast %while3A_214 : i32 to index
          %get3A_316 = arith.constant 96 : index
          %get3A_317 = tpu.vector_load %arg8[%get3A_315, %get3A_316] {strides = array<i32>} : memref<128x128xf32, #tpu.memory_space<vmem>>, vector<16xf32>,
          %bitcast3A_318 = vector.bitcast %get3A_317 : vector<16xf32> to vector<32xbf16>
          %unpack3A_319 = tpu.unpack_subelements %bitcast3A_318, 0 {pack_format = #tpu.pack_format<interleaved>} : vector<32xbf16> -> vector<16xf32>
          %unpack3A_320 = tpu.unpack_subelements %bitcast3A_318, 1 {pack_format = #tpu.pack_format<interleaved>} : vector<32xbf16> -> vector<16xf32>
          %add3A_321 = arith.constant 192 : i32
          %add3A_322 = arith.addi %mul3A_221, %add3A_321 : i32
          %swap3A_323 = arith.index_cast %add3A_322 : i32 to index
          %swap3A_324 = tpu.vector_load %arg9[%swap3A_323] {strides = array<i32>} : memref<81920xf32, #tpu.memory_space<vmem>>, vector<16xf32>,
          tpu.vector_store %arg9[%swap3A_323], %unpack3A_319 {add = true, strides = array<i32>} : memref<81920xf32, #tpu.memory_space<vmem>>, vector<16xf32>,
          %add3A_325 = arith.constant 192 : i32
          %add3A_326 = arith.addi %mul3A_221, %add3A_325 : i32
          %add3A_327 = arith.constant 16 : i32
          %add3A_328 = arith.addi %add3A_326, %add3A_327 : i32
          %swap3A_329 = arith.index_cast %add3A_328 : i32 to index
          %swap3A_330 = tpu.vector_load %arg9[%swap3A_329] {strides = array<i32>} : memref<81920xf32, #tpu.memory_space<vmem>>, vector<16xf32>,
          tpu.vector_store %arg9[%swap3A_329], %unpack3A_320 {add = true, strides = array<i32>} : memref<81920xf32, #tpu.memory_space<vmem>>, vector<16xf32>,
          %get3A_331 = arith.index_cast %while3A_214 : i32 to index
          %get3A_332 = arith.constant 112 : index
          %get3A_333 = tpu.vector_load %arg8[%get3A_331, %get3A_332] {strides = array<i32>} : memref<128x128xf32, #tpu.memory_space<vmem>>, vector<16xf32>,
          %bitcast3A_334 = vector.bitcast %get3A_333 : vector<16xf32> to vector<32xbf16>
          %unpack3A_335 = tpu.unpack_subelements %bitcast3A_334, 0 {pack_format = #tpu.pack_format<interleaved>} : vector<32xbf16> -> vector<16xf32>
          %unpack3A_336 = tpu.unpack_subelements %bitcast3A_334, 1 {pack_format = #tpu.pack_format<interleaved>} : vector<32xbf16> -> vector<16xf32>
          %add3A_337 = arith.constant 224 : i32
          %add3A_338 = arith.addi %mul3A_221, %add3A_337 : i32
          %swap3A_339 = arith.index_cast %add3A_338 : i32 to index
          %swap3A_340 = tpu.vector_load %arg9[%swap3A_339] {strides = array<i32>} : memref<81920xf32, #tpu.memory_space<vmem>>, vector<16xf32>,
          tpu.vector_store %arg9[%swap3A_339], %unpack3A_335 {add = true, strides = array<i32>} : memref<81920xf32, #tpu.memory_space<vmem>>, vector<16xf32>,
          %add3A_341 = arith.constant 224 : i32
          %add3A_342 = arith.addi %mul3A_221, %add3A_341 : i32
          %add3A_343 = arith.constant 16 : i32
          %add3A_344 = arith.addi %add3A_342, %add3A_343 : i32
          %swap3A_345 = arith.index_cast %add3A_344 : i32 to index
          %swap3A_346 = tpu.vector_load %arg9[%swap3A_345] {strides = array<i32>} : memref<81920xf32, #tpu.memory_space<vmem>>, vector<16xf32>,
          tpu.vector_store %arg9[%swap3A_345], %unpack3A_336 {add = true, strides = array<i32>} : memref<81920xf32, #tpu.memory_space<vmem>>, vector<16xf32>,
          %while3A_347 = arith.constant 0 : i32
          scf.yield %while3A_347 : i32
        }
        %while3A_211 = arith.constant 1 : i32
        %while3A_212 = scf.for %while3A_214 = %while3A_208 to %while3A_204 step %while3A_211 iter_args(%while3A_215 = %while3A_210) -> (i32)  : i32 {
          %mul3A_216 = arith.constant 128 : i32
          %mul3A_217 = arith.muli %while3A_143, %mul3A_216 : i32
          %add3A_218 = arith.addi %mul3A_217, %while3A_214 : i32
          %get3A = arith.index_cast %add3A_218 : i32 to index
          %get3A_219 = tpu.vector_load %arg7[%get3A] {strides = array<i32>} : memref<4112xi32, #tpu.memory_space<vmem>>, vector<16xi32>,
          %slice3A = vector.extract_strided_slice %get3A_219 {offsets = [0], sizes = [1], strides = [1]} : vector<16xi32> to vector<1xi32>
          %squeeze3A = vector.extract %slice3A[0] : i32 from vector<1xi32>
          %mul3A_220 = arith.constant 256 : i32
          %mul3A_221 = arith.muli %squeeze3A, %mul3A_220 : i32
          %get3A_222 = arith.index_cast %while3A_214 : i32 to index
          %get3A_223 = arith.constant 0 : index
          %get3A_224 = tpu.vector_load %arg8[%get3A_222, %get3A_223] {strides = array<i32>} : memref<128x128xf32, #tpu.memory_space<vmem>>, vector<16xf32>,
          %bitcast3A = vector.bitcast %get3A_224 : vector<16xf32> to vector<32xbf16>
          %unpack3A = tpu.unpack_subelements %bitcast3A, 0 {pack_format = #tpu.pack_format<interleaved>} : vector<32xbf16> -> vector<16xf32>
          %unpack3A_225 = tpu.unpack_subelements %bitcast3A, 1 {pack_format = #tpu.pack_format<interleaved>} : vector<32xbf16> -> vector<16xf32>
          %add3A_226 = arith.constant 0 : i32
          %add3A_227 = arith.addi %mul3A_221, %add3A_226 : i32
          %swap3A = arith.index_cast %add3A_227 : i32 to index
          %swap3A_228 = tpu.vector_load %arg9[%swap3A] {strides = array<i32>} : memref<81920xf32, #tpu.memory_space<vmem>>, vector<16xf32>,
          tpu.vector_store %arg9[%swap3A], %unpack3A {add = true, strides = array<i32>} : memref<81920xf32, #tpu.memory_space<vmem>>, vector<16xf32>,
          %add3A_229 = arith.constant 0 : i32
          %add3A_230 = arith.addi %mul3A_221, %add3A_229 : i32
          %add3A_231 = arith.constant 16 : i32
          %add3A_232 = arith.addi %add3A_230, %add3A_231 : i32
          %swap3A_233 = arith.index_cast %add3A_232 : i32 to index
          %swap3A_234 = tpu.vector_load %arg9[%swap3A_233] {strides = array<i32>} : memref<81920xf32, #tpu.memory_space<vmem>>, vector<16xf32>,
          tpu.vector_store %arg9[%swap3A_233], %unpack3A_225 {add = true, strides = array<i32>} : memref<81920xf32, #tpu.memory_space<vmem>>, vector<16xf32>,
          %get3A_235 = arith.index_cast %while3A_214 : i32 to index
          %get3A_236 = arith.constant 16 : index
          %get3A_237 = tpu.vector_load %arg8[%get3A_235, %get3A_236] {strides = array<i32>} : memref<128x128xf32, #tpu.memory_space<vmem>>, vector<16xf32>,
          %bitcast3A_238 = vector.bitcast %get3A_237 : vector<16xf32> to vector<32xbf16>
          %unpack3A_239 = tpu.unpack_subelements %bitcast3A_238, 0 {pack_format = #tpu.pack_format<interleaved>} : vector<32xbf16> -> vector<16xf32>
          %unpack3A_240 = tpu.unpack_subelements %bitcast3A_238, 1 {pack_format = #tpu.pack_format<interleaved>} : vector<32xbf16> -> vector<16xf32>
          %add3A_241 = arith.constant 32 : i32
          %add3A_242 = arith.addi %mul3A_221, %add3A_241 : i32
          %swap3A_243 = arith.index_cast %add3A_242 : i32 to index
          %swap3A_244 = tpu.vector_load %arg9[%swap3A_243] {strides = array<i32>} : memref<81920xf32, #tpu.memory_space<vmem>>, vector<16xf32>,
          tpu.vector_store %arg9[%swap3A_243], %unpack3A_239 {add = true, strides = array<i32>} : memref<81920xf32, #tpu.memory_space<vmem>>, vector<16xf32>,
          %add3A_245 = arith.constant 32 : i32
          %add3A_246 = arith.addi %mul3A_221, %add3A_245 : i32
          %add3A_247 = arith.constant 16 : i32
          %add3A_248 = arith.addi %add3A_246, %add3A_247 : i32
          %swap3A_249 = arith.index_cast %add3A_248 : i32 to index
          %swap3A_250 = tpu.vector_load %arg9[%swap3A_249] {strides = array<i32>} : memref<81920xf32, #tpu.memory_space<vmem>>, vector<16xf32>,
          tpu.vector_store %arg9[%swap3A_249], %unpack3A_240 {add = true, strides = array<i32>} : memref<81920xf32, #tpu.memory_space<vmem>>, vector<16xf32>,
          %get3A_251 = arith.index_cast %while3A_214 : i32 to index
          %get3A_252 = arith.constant 32 : index
          %get3A_253 = tpu.vector_load %arg8[%get3A_251, %get3A_252] {strides = array<i32>} : memref<128x128xf32, #tpu.memory_space<vmem>>, vector<16xf32>,
          %bitcast3A_254 = vector.bitcast %get3A_253 : vector<16xf32> to vector<32xbf16>
          %unpack3A_255 = tpu.unpack_subelements %bitcast3A_254, 0 {pack_format = #tpu.pack_format<interleaved>} : vector<32xbf16> -> vector<16xf32>
          %unpack3A_256 = tpu.unpack_subelements %bitcast3A_254, 1 {pack_format = #tpu.pack_format<interleaved>} : vector<32xbf16> -> vector<16xf32>
          %add3A_257 = arith.constant 64 : i32
          %add3A_258 = arith.addi %mul3A_221, %add3A_257 : i32
          %swap3A_259 = arith.index_cast %add3A_258 : i32 to index
          %swap3A_260 = tpu.vector_load %arg9[%swap3A_259] {strides = array<i32>} : memref<81920xf32, #tpu.memory_space<vmem>>, vector<16xf32>,
          tpu.vector_store %arg9[%swap3A_259], %unpack3A_255 {add = true, strides = array<i32>} : memref<81920xf32, #tpu.memory_space<vmem>>, vector<16xf32>,
          %add3A_261 = arith.constant 64 : i32
          %add3A_262 = arith.addi %mul3A_221, %add3A_261 : i32
          %add3A_263 = arith.constant 16 : i32
          %add3A_264 = arith.addi %add3A_262, %add3A_263 : i32
          %swap3A_265 = arith.index_cast %add3A_264 : i32 to index
          %swap3A_266 = tpu.vector_load %arg9[%swap3A_265] {strides = array<i32>} : memref<81920xf32, #tpu.memory_space<vmem>>, vector<16xf32>,
          tpu.vector_store %arg9[%swap3A_265], %unpack3A_256 {add = true, strides = array<i32>} : memref<81920xf32, #tpu.memory_space<vmem>>, vector<16xf32>,
          %get3A_267 = arith.index_cast %while3A_214 : i32 to index
          %get3A_268 = arith.constant 48 : index
          %get3A_269 = tpu.vector_load %arg8[%get3A_267, %get3A_268] {strides = array<i32>} : memref<128x128xf32, #tpu.memory_space<vmem>>, vector<16xf32>,
          %bitcast3A_270 = vector.bitcast %get3A_269 : vector<16xf32> to vector<32xbf16>
          %unpack3A_271 = tpu.unpack_subelements %bitcast3A_270, 0 {pack_format = #tpu.pack_format<interleaved>} : vector<32xbf16> -> vector<16xf32>
          %unpack3A_272 = tpu.unpack_subelements %bitcast3A_270, 1 {pack_format = #tpu.pack_format<interleaved>} : vector<32xbf16> -> vector<16xf32>
          %add3A_273 = arith.constant 96 : i32
          %add3A_274 = arith.addi %mul3A_221, %add3A_273 : i32
          %swap3A_275 = arith.index_cast %add3A_274 : i32 to index
          %swap3A_276 = tpu.vector_load %arg9[%swap3A_275] {strides = array<i32>} : memref<81920xf32, #tpu.memory_space<vmem>>, vector<16xf32>,
          tpu.vector_store %arg9[%swap3A_275], %unpack3A_271 {add = true, strides = array<i32>} : memref<81920xf32, #tpu.memory_space<vmem>>, vector<16xf32>,
          %add3A_277 = arith.constant 96 : i32
          %add3A_278 = arith.addi %mul3A_221, %add3A_277 : i32
          %add3A_279 = arith.constant 16 : i32
          %add3A_280 = arith.addi %add3A_278, %add3A_279 : i32
          %swap3A_281 = arith.index_cast %add3A_280 : i32 to index
          %swap3A_282 = tpu.vector_load %arg9[%swap3A_281] {strides = array<i32>} : memref<81920xf32, #tpu.memory_space<vmem>>, vector<16xf32>,
          tpu.vector_store %arg9[%swap3A_281], %unpack3A_272 {add = true, strides = array<i32>} : memref<81920xf32, #tpu.memory_space<vmem>>, vector<16xf32>,
          %get3A_283 = arith.index_cast %while3A_214 : i32 to index
          %get3A_284 = arith.constant 64 : index
          %get3A_285 = tpu.vector_load %arg8[%get3A_283, %get3A_284] {strides = array<i32>} : memref<128x128xf32, #tpu.memory_space<vmem>>, vector<16xf32>,
          %bitcast3A_286 = vector.bitcast %get3A_285 : vector<16xf32> to vector<32xbf16>
          %unpack3A_287 = tpu.unpack_subelements %bitcast3A_286, 0 {pack_format = #tpu.pack_format<interleaved>} : vector<32xbf16> -> vector<16xf32>
          %unpack3A_288 = tpu.unpack_subelements %bitcast3A_286, 1 {pack_format = #tpu.pack_format<interleaved>} : vector<32xbf16> -> vector<16xf32>
          %add3A_289 = arith.constant 128 : i32
          %add3A_290 = arith.addi %mul3A_221, %add3A_289 : i32
          %swap3A_291 = arith.index_cast %add3A_290 : i32 to index
          %swap3A_292 = tpu.vector_load %arg9[%swap3A_291] {strides = array<i32>} : memref<81920xf32, #tpu.memory_space<vmem>>, vector<16xf32>,
          tpu.vector_store %arg9[%swap3A_291], %unpack3A_287 {add = true, strides = array<i32>} : memref<81920xf32, #tpu.memory_space<vmem>>, vector<16xf32>,
          %add3A_293 = arith.constant 128 : i32
          %add3A_294 = arith.addi %mul3A_221, %add3A_293 : i32
          %add3A_295 = arith.constant 16 : i32
          %add3A_296 = arith.addi %add3A_294, %add3A_295 : i32
          %swap3A_297 = arith.index_cast %add3A_296 : i32 to index
          %swap3A_298 = tpu.vector_load %arg9[%swap3A_297] {strides = array<i32>} : memref<81920xf32, #tpu.memory_space<vmem>>, vector<16xf32>,
          tpu.vector_store %arg9[%swap3A_297], %unpack3A_288 {add = true, strides = array<i32>} : memref<81920xf32, #tpu.memory_space<vmem>>, vector<16xf32>,
          %get3A_299 = arith.index_cast %while3A_214 : i32 to index
          %get3A_300 = arith.constant 80 : index
          %get3A_301 = tpu.vector_load %arg8[%get3A_299, %get3A_300] {strides = array<i32>} : memref<128x128xf32, #tpu.memory_space<vmem>>, vector<16xf32>,
          %bitcast3A_302 = vector.bitcast %get3A_301 : vector<16xf32> to vector<32xbf16>
          %unpack3A_303 = tpu.unpack_subelements %bitcast3A_302, 0 {pack_format = #tpu.pack_format<interleaved>} : vector<32xbf16> -> vector<16xf32>
          %unpack3A_304 = tpu.unpack_subelements %bitcast3A_302, 1 {pack_format = #tpu.pack_format<interleaved>} : vector<32xbf16> -> vector<16xf32>
          %add3A_305 = arith.constant 160 : i32
          %add3A_306 = arith.addi %mul3A_221, %add3A_305 : i32
          %swap3A_307 = arith.index_cast %add3A_306 : i32 to index
          %swap3A_308 = tpu.vector_load %arg9[%swap3A_307] {strides = array<i32>} : memref<81920xf32, #tpu.memory_space<vmem>>, vector<16xf32>,
          tpu.vector_store %arg9[%swap3A_307], %unpack3A_303 {add = true, strides = array<i32>} : memref<81920xf32, #tpu.memory_space<vmem>>, vector<16xf32>,
          %add3A_309 = arith.constant 160 : i32
          %add3A_310 = arith.addi %mul3A_221, %add3A_309 : i32
          %add3A_311 = arith.constant 16 : i32
          %add3A_312 = arith.addi %add3A_310, %add3A_311 : i32
          %swap3A_313 = arith.index_cast %add3A_312 : i32 to index
          %swap3A_314 = tpu.vector_load %arg9[%swap3A_313] {strides = array<i32>} : memref<81920xf32, #tpu.memory_space<vmem>>, vector<16xf32>,
          tpu.vector_store %arg9[%swap3A_313], %unpack3A_304 {add = true, strides = array<i32>} : memref<81920xf32, #tpu.memory_space<vmem>>, vector<16xf32>,
          %get3A_315 = arith.index_cast %while3A_214 : i32 to index
          %get3A_316 = arith.constant 96 : index
          %get3A_317 = tpu.vector_load %arg8[%get3A_315, %get3A_316] {strides = array<i32>} : memref<128x128xf32, #tpu.memory_space<vmem>>, vector<16xf32>,
          %bitcast3A_318 = vector.bitcast %get3A_317 : vector<16xf32> to vector<32xbf16>
          %unpack3A_319 = tpu.unpack_subelements %bitcast3A_318, 0 {pack_format = #tpu.pack_format<interleaved>} : vector<32xbf16> -> vector<16xf32>
          %unpack3A_320 = tpu.unpack_subelements %bitcast3A_318, 1 {pack_format = #tpu.pack_format<interleaved>} : vector<32xbf16> -> vector<16xf32>
          %add3A_321 = arith.constant 192 : i32
          %add3A_322 = arith.addi %mul3A_221, %add3A_321 : i32
          %swap3A_323 = arith.index_cast %add3A_322 : i32 to index
          %swap3A_324 = tpu.vector_load %arg9[%swap3A_323] {strides = array<i32>} : memref<81920xf32, #tpu.memory_space<vmem>>, vector<16xf32>,
          tpu.vector_store %arg9[%swap3A_323], %unpack3A_319 {add = true, strides = array<i32>} : memref<81920xf32, #tpu.memory_space<vmem>>, vector<16xf32>,
          %add3A_325 = arith.constant 192 : i32
          %add3A_326 = arith.addi %mul3A_221, %add3A_325 : i32
          %add3A_327 = arith.constant 16 : i32
          %add3A_328 = arith.addi %add3A_326, %add3A_327 : i32
          %swap3A_329 = arith.index_cast %add3A_328 : i32 to index
          %swap3A_330 = tpu.vector_load %arg9[%swap3A_329] {strides = array<i32>} : memref<81920xf32, #tpu.memory_space<vmem>>, vector<16xf32>,
          tpu.vector_store %arg9[%swap3A_329], %unpack3A_320 {add = true, strides = array<i32>} : memref<81920xf32, #tpu.memory_space<vmem>>, vector<16xf32>,
          %get3A_331 = arith.index_cast %while3A_214 : i32 to index
          %get3A_332 = arith.constant 112 : index
          %get3A_333 = tpu.vector_load %arg8[%get3A_331, %get3A_332] {strides = array<i32>} : memref<128x128xf32, #tpu.memory_space<vmem>>, vector<16xf32>,
          %bitcast3A_334 = vector.bitcast %get3A_333 : vector<16xf32> to vector<32xbf16>
          %unpack3A_335 = tpu.unpack_subelements %bitcast3A_334, 0 {pack_format = #tpu.pack_format<interleaved>} : vector<32xbf16> -> vector<16xf32>
          %unpack3A_336 = tpu.unpack_subelements %bitcast3A_334, 1 {pack_format = #tpu.pack_format<interleaved>} : vector<32xbf16> -> vector<16xf32>
          %add3A_337 = arith.constant 224 : i32
          %add3A_338 = arith.addi %mul3A_221, %add3A_337 : i32
          %swap3A_339 = arith.index_cast %add3A_338 : i32 to index
          %swap3A_340 = tpu.vector_load %arg9[%swap3A_339] {strides = array<i32>} : memref<81920xf32, #tpu.memory_space<vmem>>, vector<16xf32>,
          tpu.vector_store %arg9[%swap3A_339], %unpack3A_335 {add = true, strides = array<i32>} : memref<81920xf32, #tpu.memory_space<vmem>>, vector<16xf32>,
          %add3A_341 = arith.constant 224 : i32
          %add3A_342 = arith.addi %mul3A_221, %add3A_341 : i32
          %add3A_343 = arith.constant 16 : i32
          %add3A_344 = arith.addi %add3A_342, %add3A_343 : i32
          %swap3A_345 = arith.index_cast %add3A_344 : i32 to index
          %swap3A_346 = tpu.vector_load %arg9[%swap3A_345] {strides = array<i32>} : memref<81920xf32, #tpu.memory_space<vmem>>, vector<16xf32>,
          tpu.vector_store %arg9[%swap3A_345], %unpack3A_336 {add = true, strides = array<i32>} : memref<81920xf32, #tpu.memory_space<vmem>>, vector<16xf32>,
          %while3A_347 = arith.constant 0 : i32
          scf.yield %while3A_347 : i32
        }
        %while3A_213 = arith.constant 0 : i32
        scf.yield %while3A_213 : i32
      }
      %while3A_140 = arith.constant 1 : i32
      %while3A_141 = scf.for %while3A_143 = %while3A_137 to %while3A_133 step %while3A_140 iter_args(%while3A_144 = %while3A_139) -> (i32)  : i32 {
        %mul3A_145 = arith.constant 128 : i32
        %mul3A_146 = arith.muli %while3A_143, %mul3A_145 : i32
        %sub3A_147 = arith.subi %scan3A_108, %mul3A_146 : i32
        %min3A = arith.constant 128 : i32
        %min3A_148 = arith.minsi %sub3A_147, %min3A : i32
        %add3A_149 = arith.constant 8 : i32
        %add3A_150 = arith.addi %min3A_148, %add3A_149 : i32
        %sub3A_151 = arith.constant 1 : i32
        %sub3A_152 = arith.subi %add3A_150, %sub3A_151 : i32
        %jit3A_153 = arith.constant 8 : i32
        %div3A_154 = arith.divsi %sub3A_152, %jit3A_153 : i32
        %sign3A_155 = arith.constant 0 : i32
        %sign3A_156 = arith.cmpi sgt, %sub3A_152, %sign3A_155 : i32
        %sign3A_157 = arith.extui %sign3A_156 : i1 to i32
        %sign3A_158 = arith.constant 0 : i32
        %sign3A_159 = arith.cmpi slt, %sub3A_152, %sign3A_158 : i32
        %sign3A_160 = arith.extui %sign3A_159 : i1 to i32
        %sign3A_161 = arith.subi %sign3A_157, %sign3A_160 : i32
        %sign3A_162 = arith.constant 0 : i32
        %sign3A_163 = arith.cmpi sgt, %jit3A_153, %sign3A_162 : i32
        %sign3A_164 = arith.extui %sign3A_163 : i1 to i32
        %sign3A_165 = arith.constant 0 : i32
        %sign3A_166 = arith.cmpi slt, %jit3A_153, %sign3A_165 : i32
        %sign3A_167 = arith.extui %sign3A_166 : i1 to i32
        %sign3A_168 = arith.subi %sign3A_164, %sign3A_167 : i32
        %ne3A_169 = arith.cmpi ne, %sign3A_161, %sign3A_168 : i32
        %rem3A_170 = arith.remsi %sub3A_152, %jit3A_153 : i32
        %ne3A_171 = arith.constant 0 : i32
        %ne3A_172 = arith.cmpi ne, %rem3A_170, %ne3A_171 : i32
        %and3A_173 = arith.andi %ne3A_169, %ne3A_172 : i1
        %sub3A_174 = arith.constant 1 : i32
        %sub3A_175 = arith.subi %div3A_154, %sub3A_174 : i32
        %select_n3A_176 = arith.select %and3A_173, %sub3A_175, %div3A_154 : i32
        %while3A_177 = arith.constant 0 : i32
        %while3A_178 = arith.constant 0 : i32
        %while3A_179 = arith.subi %select_n3A_176, %while3A_177 : i32
        %while3A_180 = arith.addi %while3A_177, %while3A_179 : i32
        %while3A_181 = arith.constant 1 : i32
        %while3A_182 = arith.divsi %while3A_179, %while3A_181 : i32
        %while3A_183 = arith.muli %while3A_182, %while3A_181 : i32
        %while3A_184 = arith.addi %while3A_177, %while3A_183 : i32
        %while3A_185 = arith.constant 1 : i32
        %while3A_186 = scf.for %while3A_214 = %while3A_177 to %while3A_184 step %while3A_185 iter_args(%while3A_215 = %while3A_178) -> (i32)  : i32 {
          %mul3A_216 = arith.constant 128 : i32
          %mul3A_217 = arith.muli %while3A_143, %mul3A_216 : i32
          %mul3A_218 = arith.constant 8 : i32
          %mul3A_219 = arith.muli %while3A_214, %mul3A_218 : i32
          %add3A_220 = arith.addi %mul3A_217, %mul3A_219 : i32
          %mul3A_221 = arith.constant 8 : i32
          %mul3A_222 = arith.muli %while3A_214, %mul3A_221 : i32
          %dma_start3A_223 = arith.constant 0 : i32
          %dma_start3A_224 = tpu.memref_slice %arg8[%mul3A_222, %dma_start3A_223] : memref<128x128xf32, #tpu.memory_space<vmem>> -> memref<8x128xf32, #tpu.memory_space<vmem>>
          %dma_start3A_225 = tpu.memref_slice %arg6[%add3A_220] : memref<4112xi32, #tpu.memory_space<vmem>> -> memref<8xi32, #tpu.memory_space<vmem>>
          %dma_start3A_226 = arith.constant 0 : i32
          %dma_start3A_227 = arith.constant 0 : i32
          %dma_start3A_228 = tpu.memref_slice %arg3[%dma_start3A_226, %dma_start3A_227] : memref<20480x128xf32, #tpu.memory_space<hbm>> -> memref<20480x128xf32, #tpu.memory_space<hbm>>
          tpu.enqueue_indirect_dma source(%dma_start3A_228 : memref<20480x128xf32, #tpu.memory_space<hbm>>) target(%dma_start3A_224 : memref<8x128xf32, #tpu.memory_space<vmem>>) offsets(%dma_start3A_225 : memref<8xi32, #tpu.memory_space<vmem>>) semaphore(%arg10 : memref<!tpu.dma_semaphore, #tpu.memory_space<semaphore_mem>>)
          %while3A_229 = arith.constant 0 : i32
          scf.yield %while3A_229 : i32
        }
        %while3A_187 = arith.constant 1 : i32
        %while3A_188 = scf.for %while3A_214 = %while3A_184 to %while3A_180 step %while3A_187 iter_args(%while3A_215 = %while3A_186) -> (i32)  : i32 {
          %mul3A_216 = arith.constant 128 : i32
          %mul3A_217 = arith.muli %while3A_143, %mul3A_216 : i32
          %mul3A_218 = arith.constant 8 : i32
          %mul3A_219 = arith.muli %while3A_214, %mul3A_218 : i32
          %add3A_220 = arith.addi %mul3A_217, %mul3A_219 : i32
          %mul3A_221 = arith.constant 8 : i32
          %mul3A_222 = arith.muli %while3A_214, %mul3A_221 : i32
          %dma_start3A_223 = arith.constant 0 : i32
          %dma_start3A_224 = tpu.memref_slice %arg8[%mul3A_222, %dma_start3A_223] : memref<128x128xf32, #tpu.memory_space<vmem>> -> memref<8x128xf32, #tpu.memory_space<vmem>>
          %dma_start3A_225 = tpu.memref_slice %arg6[%add3A_220] : memref<4112xi32, #tpu.memory_space<vmem>> -> memref<8xi32, #tpu.memory_space<vmem>>
          %dma_start3A_226 = arith.constant 0 : i32
          %dma_start3A_227 = arith.constant 0 : i32
          %dma_start3A_228 = tpu.memref_slice %arg3[%dma_start3A_226, %dma_start3A_227] : memref<20480x128xf32, #tpu.memory_space<hbm>> -> memref<20480x128xf32, #tpu.memory_space<hbm>>
          tpu.enqueue_indirect_dma source(%dma_start3A_228 : memref<20480x128xf32, #tpu.memory_space<hbm>>) target(%dma_start3A_224 : memref<8x128xf32, #tpu.memory_space<vmem>>) offsets(%dma_start3A_225 : memref<8xi32, #tpu.memory_space<vmem>>) semaphore(%arg10 : memref<!tpu.dma_semaphore, #tpu.memory_space<semaphore_mem>>)
          %while3A_229 = arith.constant 0 : i32
          scf.yield %while3A_229 : i32
        }
        %while3A_189 = arith.constant 0 : i32
        %while3A_190 = arith.constant 0 : i32
        %while3A_191 = arith.subi %select_n3A_176, %while3A_189 : i32
        %while3A_192 = arith.addi %while3A_189, %while3A_191 : i32
        %while3A_193 = arith.constant 1 : i32
        %while3A_194 = arith.divsi %while3A_191, %while3A_193 : i32
        %while3A_195 = arith.muli %while3A_194, %while3A_193 : i32
        %while3A_196 = arith.addi %while3A_189, %while3A_195 : i32
        %while3A_197 = arith.constant 1 : i32
        %while3A_198 = scf.for %while3A_214 = %while3A_189 to %while3A_196 step %while3A_197 iter_args(%while3A_215 = %while3A_190) -> (i32)  : i32 {
          %dma_wait3A_216 = arith.constant 0 : i32
          %dma_wait3A_217 = arith.constant 0 : i32
          %dma_wait3A_218 = tpu.memref_slice %arg8[%dma_wait3A_216, %dma_wait3A_217] : memref<128x128xf32, #tpu.memory_space<vmem>> -> memref<8x128xf32, #tpu.memory_space<vmem>>
          %dma_wait3A_219 = arith.constant 0 : i32
          %dma_wait3A_220 = tpu.memref_slice %arg6[%dma_wait3A_219] : memref<4112xi32, #tpu.memory_space<vmem>> -> memref<8xi32, #tpu.memory_space<vmem>>
          %dma_wait3A_221 = arith.constant 0 : i32
          %dma_wait3A_222 = arith.constant 0 : i32
          %dma_wait3A_223 = tpu.memref_slice %arg3[%dma_wait3A_221, %dma_wait3A_222] : memref<20480x128xf32, #tpu.memory_space<hbm>> -> memref<20480x128xf32, #tpu.memory_space<hbm>>
          tpu.wait_indirect_dma semaphore(%arg10 : memref<!tpu.dma_semaphore, #tpu.memory_space<semaphore_mem>>) src(%dma_wait3A_223 : memref<20480x128xf32, #tpu.memory_space<hbm>>) dst(%dma_wait3A_218 : memref<8x128xf32, #tpu.memory_space<vmem>>)
          %while3A_224 = arith.constant 0 : i32
          scf.yield %while3A_224 : i32
        }
        %while3A_199 = arith.constant 1 : i32
        %while3A_200 = scf.for %while3A_214 = %while3A_196 to %while3A_192 step %while3A_199 iter_args(%while3A_215 = %while3A_198) -> (i32)  : i32 {
          %dma_wait3A_216 = arith.constant 0 : i32
          %dma_wait3A_217 = arith.constant 0 : i32
          %dma_wait3A_218 = tpu.memref_slice %arg8[%dma_wait3A_216, %dma_wait3A_217] : memref<128x128xf32, #tpu.memory_space<vmem>> -> memref<8x128xf32, #tpu.memory_space<vmem>>
          %dma_wait3A_219 = arith.constant 0 : i32
          %dma_wait3A_220 = tpu.memref_slice %arg6[%dma_wait3A_219] : memref<4112xi32, #tpu.memory_space<vmem>> -> memref<8xi32, #tpu.memory_space<vmem>>
          %dma_wait3A_221 = arith.constant 0 : i32
          %dma_wait3A_222 = arith.constant 0 : i32
          %dma_wait3A_223 = tpu.memref_slice %arg3[%dma_wait3A_221, %dma_wait3A_222] : memref<20480x128xf32, #tpu.memory_space<hbm>> -> memref<20480x128xf32, #tpu.memory_space<hbm>>
          tpu.wait_indirect_dma semaphore(%arg10 : memref<!tpu.dma_semaphore, #tpu.memory_space<semaphore_mem>>) src(%dma_wait3A_223 : memref<20480x128xf32, #tpu.memory_space<hbm>>) dst(%dma_wait3A_218 : memref<8x128xf32, #tpu.memory_space<vmem>>)
          %while3A_224 = arith.constant 0 : i32
          scf.yield %while3A_224 : i32
        }
        %while3A_201 = arith.constant 0 : i32
        %while3A_202 = arith.constant 0 : i32
        %while3A_203 = arith.subi %min3A_148, %while3A_201 : i32
        %while3A_204 = arith.addi %while3A_201, %while3A_203 : i32
        %while3A_205 = arith.constant 1 : i32
        %while3A_206 = arith.divsi %while3A_203, %while3A_205 : i32
        %while3A_207 = arith.muli %while3A_206, %while3A_205 : i32
        %while3A_208 = arith.addi %while3A_201, %while3A_207 : i32
        %while3A_209 = arith.constant 1 : i32
        %while3A_210 = scf.for %while3A_214 = %while3A_201 to %while3A_208 step %while3A_209 iter_args(%while3A_215 = %while3A_202) -> (i32)  : i32 {
          %mul3A_216 = arith.constant 128 : i32
          %mul3A_217 = arith.muli %while3A_143, %mul3A_216 : i32
          %add3A_218 = arith.addi %mul3A_217, %while3A_214 : i32
          %get3A = arith.index_cast %add3A_218 : i32 to index
          %get3A_219 = tpu.vector_load %arg7[%get3A] {strides = array<i32>} : memref<4112xi32, #tpu.memory_space<vmem>>, vector<16xi32>,
          %slice3A = vector.extract_strided_slice %get3A_219 {offsets = [0], sizes = [1], strides = [1]} : vector<16xi32> to vector<1xi32>
          %squeeze3A = vector.extract %slice3A[0] : i32 from vector<1xi32>
          %mul3A_220 = arith.constant 256 : i32
          %mul3A_221 = arith.muli %squeeze3A, %mul3A_220 : i32
          %get3A_222 = arith.index_cast %while3A_214 : i32 to index
          %get3A_223 = arith.constant 0 : index
          %get3A_224 = tpu.vector_load %arg8[%get3A_222, %get3A_223] {strides = array<i32>} : memref<128x128xf32, #tpu.memory_space<vmem>>, vector<16xf32>,
          %bitcast3A = vector.bitcast %get3A_224 : vector<16xf32> to vector<32xbf16>
          %unpack3A = tpu.unpack_subelements %bitcast3A, 0 {pack_format = #tpu.pack_format<interleaved>} : vector<32xbf16> -> vector<16xf32>
          %unpack3A_225 = tpu.unpack_subelements %bitcast3A, 1 {pack_format = #tpu.pack_format<interleaved>} : vector<32xbf16> -> vector<16xf32>
          %add3A_226 = arith.constant 0 : i32
          %add3A_227 = arith.addi %mul3A_221, %add3A_226 : i32
          %swap3A = arith.index_cast %add3A_227 : i32 to index
          %swap3A_228 = tpu.vector_load %arg9[%swap3A] {strides = array<i32>} : memref<81920xf32, #tpu.memory_space<vmem>>, vector<16xf32>,
          tpu.vector_store %arg9[%swap3A], %unpack3A {add = true, strides = array<i32>} : memref<81920xf32, #tpu.memory_space<vmem>>, vector<16xf32>,
          %add3A_229 = arith.constant 0 : i32
          %add3A_230 = arith.addi %mul3A_221, %add3A_229 : i32
          %add3A_231 = arith.constant 16 : i32
          %add3A_232 = arith.addi %add3A_230, %add3A_231 : i32
          %swap3A_233 = arith.index_cast %add3A_232 : i32 to index
          %swap3A_234 = tpu.vector_load %arg9[%swap3A_233] {strides = array<i32>} : memref<81920xf32, #tpu.memory_space<vmem>>, vector<16xf32>,
          tpu.vector_store %arg9[%swap3A_233], %unpack3A_225 {add = true, strides = array<i32>} : memref<81920xf32, #tpu.memory_space<vmem>>, vector<16xf32>,
          %get3A_235 = arith.index_cast %while3A_214 : i32 to index
          %get3A_236 = arith.constant 16 : index
          %get3A_237 = tpu.vector_load %arg8[%get3A_235, %get3A_236] {strides = array<i32>} : memref<128x128xf32, #tpu.memory_space<vmem>>, vector<16xf32>,
          %bitcast3A_238 = vector.bitcast %get3A_237 : vector<16xf32> to vector<32xbf16>
          %unpack3A_239 = tpu.unpack_subelements %bitcast3A_238, 0 {pack_format = #tpu.pack_format<interleaved>} : vector<32xbf16> -> vector<16xf32>
          %unpack3A_240 = tpu.unpack_subelements %bitcast3A_238, 1 {pack_format = #tpu.pack_format<interleaved>} : vector<32xbf16> -> vector<16xf32>
          %add3A_241 = arith.constant 32 : i32
          %add3A_242 = arith.addi %mul3A_221, %add3A_241 : i32
          %swap3A_243 = arith.index_cast %add3A_242 : i32 to index
          %swap3A_244 = tpu.vector_load %arg9[%swap3A_243] {strides = array<i32>} : memref<81920xf32, #tpu.memory_space<vmem>>, vector<16xf32>,
          tpu.vector_store %arg9[%swap3A_243], %unpack3A_239 {add = true, strides = array<i32>} : memref<81920xf32, #tpu.memory_space<vmem>>, vector<16xf32>,
          %add3A_245 = arith.constant 32 : i32
          %add3A_246 = arith.addi %mul3A_221, %add3A_245 : i32
          %add3A_247 = arith.constant 16 : i32
          %add3A_248 = arith.addi %add3A_246, %add3A_247 : i32
          %swap3A_249 = arith.index_cast %add3A_248 : i32 to index
          %swap3A_250 = tpu.vector_load %arg9[%swap3A_249] {strides = array<i32>} : memref<81920xf32, #tpu.memory_space<vmem>>, vector<16xf32>,
          tpu.vector_store %arg9[%swap3A_249], %unpack3A_240 {add = true, strides = array<i32>} : memref<81920xf32, #tpu.memory_space<vmem>>, vector<16xf32>,
          %get3A_251 = arith.index_cast %while3A_214 : i32 to index
          %get3A_252 = arith.constant 32 : index
          %get3A_253 = tpu.vector_load %arg8[%get3A_251, %get3A_252] {strides = array<i32>} : memref<128x128xf32, #tpu.memory_space<vmem>>, vector<16xf32>,
          %bitcast3A_254 = vector.bitcast %get3A_253 : vector<16xf32> to vector<32xbf16>
          %unpack3A_255 = tpu.unpack_subelements %bitcast3A_254, 0 {pack_format = #tpu.pack_format<interleaved>} : vector<32xbf16> -> vector<16xf32>
          %unpack3A_256 = tpu.unpack_subelements %bitcast3A_254, 1 {pack_format = #tpu.pack_format<interleaved>} : vector<32xbf16> -> vector<16xf32>
          %add3A_257 = arith.constant 64 : i32
          %add3A_258 = arith.addi %mul3A_221, %add3A_257 : i32
          %swap3A_259 = arith.index_cast %add3A_258 : i32 to index
          %swap3A_260 = tpu.vector_load %arg9[%swap3A_259] {strides = array<i32>} : memref<81920xf32, #tpu.memory_space<vmem>>, vector<16xf32>,
          tpu.vector_store %arg9[%swap3A_259], %unpack3A_255 {add = true, strides = array<i32>} : memref<81920xf32, #tpu.memory_space<vmem>>, vector<16xf32>,
          %add3A_261 = arith.constant 64 : i32
          %add3A_262 = arith.addi %mul3A_221, %add3A_261 : i32
          %add3A_263 = arith.constant 16 : i32
          %add3A_264 = arith.addi %add3A_262, %add3A_263 : i32
          %swap3A_265 = arith.index_cast %add3A_264 : i32 to index
          %swap3A_266 = tpu.vector_load %arg9[%swap3A_265] {strides = array<i32>} : memref<81920xf32, #tpu.memory_space<vmem>>, vector<16xf32>,
          tpu.vector_store %arg9[%swap3A_265], %unpack3A_256 {add = true, strides = array<i32>} : memref<81920xf32, #tpu.memory_space<vmem>>, vector<16xf32>,
          %get3A_267 = arith.index_cast %while3A_214 : i32 to index
          %get3A_268 = arith.constant 48 : index
          %get3A_269 = tpu.vector_load %arg8[%get3A_267, %get3A_268] {strides = array<i32>} : memref<128x128xf32, #tpu.memory_space<vmem>>, vector<16xf32>,
          %bitcast3A_270 = vector.bitcast %get3A_269 : vector<16xf32> to vector<32xbf16>
          %unpack3A_271 = tpu.unpack_subelements %bitcast3A_270, 0 {pack_format = #tpu.pack_format<interleaved>} : vector<32xbf16> -> vector<16xf32>
          %unpack3A_272 = tpu.unpack_subelements %bitcast3A_270, 1 {pack_format = #tpu.pack_format<interleaved>} : vector<32xbf16> -> vector<16xf32>
          %add3A_273 = arith.constant 96 : i32
          %add3A_274 = arith.addi %mul3A_221, %add3A_273 : i32
          %swap3A_275 = arith.index_cast %add3A_274 : i32 to index
          %swap3A_276 = tpu.vector_load %arg9[%swap3A_275] {strides = array<i32>} : memref<81920xf32, #tpu.memory_space<vmem>>, vector<16xf32>,
          tpu.vector_store %arg9[%swap3A_275], %unpack3A_271 {add = true, strides = array<i32>} : memref<81920xf32, #tpu.memory_space<vmem>>, vector<16xf32>,
          %add3A_277 = arith.constant 96 : i32
          %add3A_278 = arith.addi %mul3A_221, %add3A_277 : i32
          %add3A_279 = arith.constant 16 : i32
          %add3A_280 = arith.addi %add3A_278, %add3A_279 : i32
          %swap3A_281 = arith.index_cast %add3A_280 : i32 to index
          %swap3A_282 = tpu.vector_load %arg9[%swap3A_281] {strides = array<i32>} : memref<81920xf32, #tpu.memory_space<vmem>>, vector<16xf32>,
          tpu.vector_store %arg9[%swap3A_281], %unpack3A_272 {add = true, strides = array<i32>} : memref<81920xf32, #tpu.memory_space<vmem>>, vector<16xf32>,
          %get3A_283 = arith.index_cast %while3A_214 : i32 to index
          %get3A_284 = arith.constant 64 : index
          %get3A_285 = tpu.vector_load %arg8[%get3A_283, %get3A_284] {strides = array<i32>} : memref<128x128xf32, #tpu.memory_space<vmem>>, vector<16xf32>,
          %bitcast3A_286 = vector.bitcast %get3A_285 : vector<16xf32> to vector<32xbf16>
          %unpack3A_287 = tpu.unpack_subelements %bitcast3A_286, 0 {pack_format = #tpu.pack_format<interleaved>} : vector<32xbf16> -> vector<16xf32>
          %unpack3A_288 = tpu.unpack_subelements %bitcast3A_286, 1 {pack_format = #tpu.pack_format<interleaved>} : vector<32xbf16> -> vector<16xf32>
          %add3A_289 = arith.constant 128 : i32
          %add3A_290 = arith.addi %mul3A_221, %add3A_289 : i32
          %swap3A_291 = arith.index_cast %add3A_290 : i32 to index
          %swap3A_292 = tpu.vector_load %arg9[%swap3A_291] {strides = array<i32>} : memref<81920xf32, #tpu.memory_space<vmem>>, vector<16xf32>,
          tpu.vector_store %arg9[%swap3A_291], %unpack3A_287 {add = true, strides = array<i32>} : memref<81920xf32, #tpu.memory_space<vmem>>, vector<16xf32>,
          %add3A_293 = arith.constant 128 : i32
          %add3A_294 = arith.addi %mul3A_221, %add3A_293 : i32
          %add3A_295 = arith.constant 16 : i32
          %add3A_296 = arith.addi %add3A_294, %add3A_295 : i32
          %swap3A_297 = arith.index_cast %add3A_296 : i32 to index
          %swap3A_298 = tpu.vector_load %arg9[%swap3A_297] {strides = array<i32>} : memref<81920xf32, #tpu.memory_space<vmem>>, vector<16xf32>,
          tpu.vector_store %arg9[%swap3A_297], %unpack3A_288 {add = true, strides = array<i32>} : memref<81920xf32, #tpu.memory_space<vmem>>, vector<16xf32>,
          %get3A_299 = arith.index_cast %while3A_214 : i32 to index
          %get3A_300 = arith.constant 80 : index
          %get3A_301 = tpu.vector_load %arg8[%get3A_299, %get3A_300] {strides = array<i32>} : memref<128x128xf32, #tpu.memory_space<vmem>>, vector<16xf32>,
          %bitcast3A_302 = vector.bitcast %get3A_301 : vector<16xf32> to vector<32xbf16>
          %unpack3A_303 = tpu.unpack_subelements %bitcast3A_302, 0 {pack_format = #tpu.pack_format<interleaved>} : vector<32xbf16> -> vector<16xf32>
          %unpack3A_304 = tpu.unpack_subelements %bitcast3A_302, 1 {pack_format = #tpu.pack_format<interleaved>} : vector<32xbf16> -> vector<16xf32>
          %add3A_305 = arith.constant 160 : i32
          %add3A_306 = arith.addi %mul3A_221, %add3A_305 : i32
          %swap3A_307 = arith.index_cast %add3A_306 : i32 to index
          %swap3A_308 = tpu.vector_load %arg9[%swap3A_307] {strides = array<i32>} : memref<81920xf32, #tpu.memory_space<vmem>>, vector<16xf32>,
          tpu.vector_store %arg9[%swap3A_307], %unpack3A_303 {add = true, strides = array<i32>} : memref<81920xf32, #tpu.memory_space<vmem>>, vector<16xf32>,
          %add3A_309 = arith.constant 160 : i32
          %add3A_310 = arith.addi %mul3A_221, %add3A_309 : i32
          %add3A_311 = arith.constant 16 : i32
          %add3A_312 = arith.addi %add3A_310, %add3A_311 : i32
          %swap3A_313 = arith.index_cast %add3A_312 : i32 to index
          %swap3A_314 = tpu.vector_load %arg9[%swap3A_313] {strides = array<i32>} : memref<81920xf32, #tpu.memory_space<vmem>>, vector<16xf32>,
          tpu.vector_store %arg9[%swap3A_313], %unpack3A_304 {add = true, strides = array<i32>} : memref<81920xf32, #tpu.memory_space<vmem>>, vector<16xf32>,
          %get3A_315 = arith.index_cast %while3A_214 : i32 to index
          %get3A_316 = arith.constant 96 : index
          %get3A_317 = tpu.vector_load %arg8[%get3A_315, %get3A_316] {strides = array<i32>} : memref<128x128xf32, #tpu.memory_space<vmem>>, vector<16xf32>,
          %bitcast3A_318 = vector.bitcast %get3A_317 : vector<16xf32> to vector<32xbf16>
          %unpack3A_319 = tpu.unpack_subelements %bitcast3A_318, 0 {pack_format = #tpu.pack_format<interleaved>} : vector<32xbf16> -> vector<16xf32>
          %unpack3A_320 = tpu.unpack_subelements %bitcast3A_318, 1 {pack_format = #tpu.pack_format<interleaved>} : vector<32xbf16> -> vector<16xf32>
          %add3A_321 = arith.constant 192 : i32
          %add3A_322 = arith.addi %mul3A_221, %add3A_321 : i32
          %swap3A_323 = arith.index_cast %add3A_322 : i32 to index
          %swap3A_324 = tpu.vector_load %arg9[%swap3A_323] {strides = array<i32>} : memref<81920xf32, #tpu.memory_space<vmem>>, vector<16xf32>,
          tpu.vector_store %arg9[%swap3A_323], %unpack3A_319 {add = true, strides = array<i32>} : memref<81920xf32, #tpu.memory_space<vmem>>, vector<16xf32>,
          %add3A_325 = arith.constant 192 : i32
          %add3A_326 = arith.addi %mul3A_221, %add3A_325 : i32
          %add3A_327 = arith.constant 16 : i32
          %add3A_328 = arith.addi %add3A_326, %add3A_327 : i32
          %swap3A_329 = arith.index_cast %add3A_328 : i32 to index
          %swap3A_330 = tpu.vector_load %arg9[%swap3A_329] {strides = array<i32>} : memref<81920xf32, #tpu.memory_space<vmem>>, vector<16xf32>,
          tpu.vector_store %arg9[%swap3A_329], %unpack3A_320 {add = true, strides = array<i32>} : memref<81920xf32, #tpu.memory_space<vmem>>, vector<16xf32>,
          %get3A_331 = arith.index_cast %while3A_214 : i32 to index
          %get3A_332 = arith.constant 112 : index
          %get3A_333 = tpu.vector_load %arg8[%get3A_331, %get3A_332] {strides = array<i32>} : memref<128x128xf32, #tpu.memory_space<vmem>>, vector<16xf32>,
          %bitcast3A_334 = vector.bitcast %get3A_333 : vector<16xf32> to vector<32xbf16>
          %unpack3A_335 = tpu.unpack_subelements %bitcast3A_334, 0 {pack_format = #tpu.pack_format<interleaved>} : vector<32xbf16> -> vector<16xf32>
          %unpack3A_336 = tpu.unpack_subelements %bitcast3A_334, 1 {pack_format = #tpu.pack_format<interleaved>} : vector<32xbf16> -> vector<16xf32>
          %add3A_337 = arith.constant 224 : i32
          %add3A_338 = arith.addi %mul3A_221, %add3A_337 : i32
          %swap3A_339 = arith.index_cast %add3A_338 : i32 to index
          %swap3A_340 = tpu.vector_load %arg9[%swap3A_339] {strides = array<i32>} : memref<81920xf32, #tpu.memory_space<vmem>>, vector<16xf32>,
          tpu.vector_store %arg9[%swap3A_339], %unpack3A_335 {add = true, strides = array<i32>} : memref<81920xf32, #tpu.memory_space<vmem>>, vector<16xf32>,
          %add3A_341 = arith.constant 224 : i32
          %add3A_342 = arith.addi %mul3A_221, %add3A_341 : i32
          %add3A_343 = arith.constant 16 : i32
          %add3A_344 = arith.addi %add3A_342, %add3A_343 : i32
          %swap3A_345 = arith.index_cast %add3A_344 : i32 to index
          %swap3A_346 = tpu.vector_load %arg9[%swap3A_345] {strides = array<i32>} : memref<81920xf32, #tpu.memory_space<vmem>>, vector<16xf32>,
          tpu.vector_store %arg9[%swap3A_345], %unpack3A_336 {add = true, strides = array<i32>} : memref<81920xf32, #tpu.memory_space<vmem>>, vector<16xf32>,
          %while3A_347 = arith.constant 0 : i32
          scf.yield %while3A_347 : i32
        }
        %while3A_211 = arith.constant 1 : i32
        %while3A_212 = scf.for %while3A_214 = %while3A_208 to %while3A_204 step %while3A_211 iter_args(%while3A_215 = %while3A_210) -> (i32)  : i32 {
          %mul3A_216 = arith.constant 128 : i32
          %mul3A_217 = arith.muli %while3A_143, %mul3A_216 : i32
          %add3A_218 = arith.addi %mul3A_217, %while3A_214 : i32
          %get3A = arith.index_cast %add3A_218 : i32 to index
          %get3A_219 = tpu.vector_load %arg7[%get3A] {strides = array<i32>} : memref<4112xi32, #tpu.memory_space<vmem>>, vector<16xi32>,
          %slice3A = vector.extract_strided_slice %get3A_219 {offsets = [0], sizes = [1], strides = [1]} : vector<16xi32> to vector<1xi32>
          %squeeze3A = vector.extract %slice3A[0] : i32 from vector<1xi32>
          %mul3A_220 = arith.constant 256 : i32
          %mul3A_221 = arith.muli %squeeze3A, %mul3A_220 : i32
          %get3A_222 = arith.index_cast %while3A_214 : i32 to index
          %get3A_223 = arith.constant 0 : index
          %get3A_224 = tpu.vector_load %arg8[%get3A_222, %get3A_223] {strides = array<i32>} : memref<128x128xf32, #tpu.memory_space<vmem>>, vector<16xf32>,
          %bitcast3A = vector.bitcast %get3A_224 : vector<16xf32> to vector<32xbf16>
          %unpack3A = tpu.unpack_subelements %bitcast3A, 0 {pack_format = #tpu.pack_format<interleaved>} : vector<32xbf16> -> vector<16xf32>
          %unpack3A_225 = tpu.unpack_subelements %bitcast3A, 1 {pack_format = #tpu.pack_format<interleaved>} : vector<32xbf16> -> vector<16xf32>
          %add3A_226 = arith.constant 0 : i32
          %add3A_227 = arith.addi %mul3A_221, %add3A_226 : i32
          %swap3A = arith.index_cast %add3A_227 : i32 to index
          %swap3A_228 = tpu.vector_load %arg9[%swap3A] {strides = array<i32>} : memref<81920xf32, #tpu.memory_space<vmem>>, vector<16xf32>,
          tpu.vector_store %arg9[%swap3A], %unpack3A {add = true, strides = array<i32>} : memref<81920xf32, #tpu.memory_space<vmem>>, vector<16xf32>,
          %add3A_229 = arith.constant 0 : i32
          %add3A_230 = arith.addi %mul3A_221, %add3A_229 : i32
          %add3A_231 = arith.constant 16 : i32
          %add3A_232 = arith.addi %add3A_230, %add3A_231 : i32
          %swap3A_233 = arith.index_cast %add3A_232 : i32 to index
          %swap3A_234 = tpu.vector_load %arg9[%swap3A_233] {strides = array<i32>} : memref<81920xf32, #tpu.memory_space<vmem>>, vector<16xf32>,
          tpu.vector_store %arg9[%swap3A_233], %unpack3A_225 {add = true, strides = array<i32>} : memref<81920xf32, #tpu.memory_space<vmem>>, vector<16xf32>,
          %get3A_235 = arith.index_cast %while3A_214 : i32 to index
          %get3A_236 = arith.constant 16 : index
          %get3A_237 = tpu.vector_load %arg8[%get3A_235, %get3A_236] {strides = array<i32>} : memref<128x128xf32, #tpu.memory_space<vmem>>, vector<16xf32>,
          %bitcast3A_238 = vector.bitcast %get3A_237 : vector<16xf32> to vector<32xbf16>
          %unpack3A_239 = tpu.unpack_subelements %bitcast3A_238, 0 {pack_format = #tpu.pack_format<interleaved>} : vector<32xbf16> -> vector<16xf32>
          %unpack3A_240 = tpu.unpack_subelements %bitcast3A_238, 1 {pack_format = #tpu.pack_format<interleaved>} : vector<32xbf16> -> vector<16xf32>
          %add3A_241 = arith.constant 32 : i32
          %add3A_242 = arith.addi %mul3A_221, %add3A_241 : i32
          %swap3A_243 = arith.index_cast %add3A_242 : i32 to index
          %swap3A_244 = tpu.vector_load %arg9[%swap3A_243] {strides = array<i32>} : memref<81920xf32, #tpu.memory_space<vmem>>, vector<16xf32>,
          tpu.vector_store %arg9[%swap3A_243], %unpack3A_239 {add = true, strides = array<i32>} : memref<81920xf32, #tpu.memory_space<vmem>>, vector<16xf32>,
          %add3A_245 = arith.constant 32 : i32
          %add3A_246 = arith.addi %mul3A_221, %add3A_245 : i32
          %add3A_247 = arith.constant 16 : i32
          %add3A_248 = arith.addi %add3A_246, %add3A_247 : i32
          %swap3A_249 = arith.index_cast %add3A_248 : i32 to index
          %swap3A_250 = tpu.vector_load %arg9[%swap3A_249] {strides = array<i32>} : memref<81920xf32, #tpu.memory_space<vmem>>, vector<16xf32>,
          tpu.vector_store %arg9[%swap3A_249], %unpack3A_240 {add = true, strides = array<i32>} : memref<81920xf32, #tpu.memory_space<vmem>>, vector<16xf32>,
          %get3A_251 = arith.index_cast %while3A_214 : i32 to index
          %get3A_252 = arith.constant 32 : index
          %get3A_253 = tpu.vector_load %arg8[%get3A_251, %get3A_252] {strides = array<i32>} : memref<128x128xf32, #tpu.memory_space<vmem>>, vector<16xf32>,
          %bitcast3A_254 = vector.bitcast %get3A_253 : vector<16xf32> to vector<32xbf16>
          %unpack3A_255 = tpu.unpack_subelements %bitcast3A_254, 0 {pack_format = #tpu.pack_format<interleaved>} : vector<32xbf16> -> vector<16xf32>
          %unpack3A_256 = tpu.unpack_subelements %bitcast3A_254, 1 {pack_format = #tpu.pack_format<interleaved>} : vector<32xbf16> -> vector<16xf32>
          %add3A_257 = arith.constant 64 : i32
          %add3A_258 = arith.addi %mul3A_221, %add3A_257 : i32
          %swap3A_259 = arith.index_cast %add3A_258 : i32 to index
          %swap3A_260 = tpu.vector_load %arg9[%swap3A_259] {strides = array<i32>} : memref<81920xf32, #tpu.memory_space<vmem>>, vector<16xf32>,
          tpu.vector_store %arg9[%swap3A_259], %unpack3A_255 {add = true, strides = array<i32>} : memref<81920xf32, #tpu.memory_space<vmem>>, vector<16xf32>,
          %add3A_261 = arith.constant 64 : i32
          %add3A_262 = arith.addi %mul3A_221, %add3A_261 : i32
          %add3A_263 = arith.constant 16 : i32
          %add3A_264 = arith.addi %add3A_262, %add3A_263 : i32
          %swap3A_265 = arith.index_cast %add3A_264 : i32 to index
          %swap3A_266 = tpu.vector_load %arg9[%swap3A_265] {strides = array<i32>} : memref<81920xf32, #tpu.memory_space<vmem>>, vector<16xf32>,
          tpu.vector_store %arg9[%swap3A_265], %unpack3A_256 {add = true, strides = array<i32>} : memref<81920xf32, #tpu.memory_space<vmem>>, vector<16xf32>,
          %get3A_267 = arith.index_cast %while3A_214 : i32 to index
          %get3A_268 = arith.constant 48 : index
          %get3A_269 = tpu.vector_load %arg8[%get3A_267, %get3A_268] {strides = array<i32>} : memref<128x128xf32, #tpu.memory_space<vmem>>, vector<16xf32>,
          %bitcast3A_270 = vector.bitcast %get3A_269 : vector<16xf32> to vector<32xbf16>
          %unpack3A_271 = tpu.unpack_subelements %bitcast3A_270, 0 {pack_format = #tpu.pack_format<interleaved>} : vector<32xbf16> -> vector<16xf32>
          %unpack3A_272 = tpu.unpack_subelements %bitcast3A_270, 1 {pack_format = #tpu.pack_format<interleaved>} : vector<32xbf16> -> vector<16xf32>
          %add3A_273 = arith.constant 96 : i32
          %add3A_274 = arith.addi %mul3A_221, %add3A_273 : i32
          %swap3A_275 = arith.index_cast %add3A_274 : i32 to index
          %swap3A_276 = tpu.vector_load %arg9[%swap3A_275] {strides = array<i32>} : memref<81920xf32, #tpu.memory_space<vmem>>, vector<16xf32>,
          tpu.vector_store %arg9[%swap3A_275], %unpack3A_271 {add = true, strides = array<i32>} : memref<81920xf32, #tpu.memory_space<vmem>>, vector<16xf32>,
          %add3A_277 = arith.constant 96 : i32
          %add3A_278 = arith.addi %mul3A_221, %add3A_277 : i32
          %add3A_279 = arith.constant 16 : i32
          %add3A_280 = arith.addi %add3A_278, %add3A_279 : i32
          %swap3A_281 = arith.index_cast %add3A_280 : i32 to index
          %swap3A_282 = tpu.vector_load %arg9[%swap3A_281] {strides = array<i32>} : memref<81920xf32, #tpu.memory_space<vmem>>, vector<16xf32>,
          tpu.vector_store %arg9[%swap3A_281], %unpack3A_272 {add = true, strides = array<i32>} : memref<81920xf32, #tpu.memory_space<vmem>>, vector<16xf32>,
          %get3A_283 = arith.index_cast %while3A_214 : i32 to index
          %get3A_284 = arith.constant 64 : index
          %get3A_285 = tpu.vector_load %arg8[%get3A_283, %get3A_284] {strides = array<i32>} : memref<128x128xf32, #tpu.memory_space<vmem>>, vector<16xf32>,
          %bitcast3A_286 = vector.bitcast %get3A_285 : vector<16xf32> to vector<32xbf16>
          %unpack3A_287 = tpu.unpack_subelements %bitcast3A_286, 0 {pack_format = #tpu.pack_format<interleaved>} : vector<32xbf16> -> vector<16xf32>
          %unpack3A_288 = tpu.unpack_subelements %bitcast3A_286, 1 {pack_format = #tpu.pack_format<interleaved>} : vector<32xbf16> -> vector<16xf32>
          %add3A_289 = arith.constant 128 : i32
          %add3A_290 = arith.addi %mul3A_221, %add3A_289 : i32
          %swap3A_291 = arith.index_cast %add3A_290 : i32 to index
          %swap3A_292 = tpu.vector_load %arg9[%swap3A_291] {strides = array<i32>} : memref<81920xf32, #tpu.memory_space<vmem>>, vector<16xf32>,
          tpu.vector_store %arg9[%swap3A_291], %unpack3A_287 {add = true, strides = array<i32>} : memref<81920xf32, #tpu.memory_space<vmem>>, vector<16xf32>,
          %add3A_293 = arith.constant 128 : i32
          %add3A_294 = arith.addi %mul3A_221, %add3A_293 : i32
          %add3A_295 = arith.constant 16 : i32
          %add3A_296 = arith.addi %add3A_294, %add3A_295 : i32
          %swap3A_297 = arith.index_cast %add3A_296 : i32 to index
          %swap3A_298 = tpu.vector_load %arg9[%swap3A_297] {strides = array<i32>} : memref<81920xf32, #tpu.memory_space<vmem>>, vector<16xf32>,
          tpu.vector_store %arg9[%swap3A_297], %unpack3A_288 {add = true, strides = array<i32>} : memref<81920xf32, #tpu.memory_space<vmem>>, vector<16xf32>,
          %get3A_299 = arith.index_cast %while3A_214 : i32 to index
          %get3A_300 = arith.constant 80 : index
          %get3A_301 = tpu.vector_load %arg8[%get3A_299, %get3A_300] {strides = array<i32>} : memref<128x128xf32, #tpu.memory_space<vmem>>, vector<16xf32>,
          %bitcast3A_302 = vector.bitcast %get3A_301 : vector<16xf32> to vector<32xbf16>
          %unpack3A_303 = tpu.unpack_subelements %bitcast3A_302, 0 {pack_format = #tpu.pack_format<interleaved>} : vector<32xbf16> -> vector<16xf32>
          %unpack3A_304 = tpu.unpack_subelements %bitcast3A_302, 1 {pack_format = #tpu.pack_format<interleaved>} : vector<32xbf16> -> vector<16xf32>
          %add3A_305 = arith.constant 160 : i32
          %add3A_306 = arith.addi %mul3A_221, %add3A_305 : i32
          %swap3A_307 = arith.index_cast %add3A_306 : i32 to index
          %swap3A_308 = tpu.vector_load %arg9[%swap3A_307] {strides = array<i32>} : memref<81920xf32, #tpu.memory_space<vmem>>, vector<16xf32>,
          tpu.vector_store %arg9[%swap3A_307], %unpack3A_303 {add = true, strides = array<i32>} : memref<81920xf32, #tpu.memory_space<vmem>>, vector<16xf32>,
          %add3A_309 = arith.constant 160 : i32
          %add3A_310 = arith.addi %mul3A_221, %add3A_309 : i32
          %add3A_311 = arith.constant 16 : i32
          %add3A_312 = arith.addi %add3A_310, %add3A_311 : i32
          %swap3A_313 = arith.index_cast %add3A_312 : i32 to index
          %swap3A_314 = tpu.vector_load %arg9[%swap3A_313] {strides = array<i32>} : memref<81920xf32, #tpu.memory_space<vmem>>, vector<16xf32>,
          tpu.vector_store %arg9[%swap3A_313], %unpack3A_304 {add = true, strides = array<i32>} : memref<81920xf32, #tpu.memory_space<vmem>>, vector<16xf32>,
          %get3A_315 = arith.index_cast %while3A_214 : i32 to index
          %get3A_316 = arith.constant 96 : index
          %get3A_317 = tpu.vector_load %arg8[%get3A_315, %get3A_316] {strides = array<i32>} : memref<128x128xf32, #tpu.memory_space<vmem>>, vector<16xf32>,
          %bitcast3A_318 = vector.bitcast %get3A_317 : vector<16xf32> to vector<32xbf16>
          %unpack3A_319 = tpu.unpack_subelements %bitcast3A_318, 0 {pack_format = #tpu.pack_format<interleaved>} : vector<32xbf16> -> vector<16xf32>
          %unpack3A_320 = tpu.unpack_subelements %bitcast3A_318, 1 {pack_format = #tpu.pack_format<interleaved>} : vector<32xbf16> -> vector<16xf32>
          %add3A_321 = arith.constant 192 : i32
          %add3A_322 = arith.addi %mul3A_221, %add3A_321 : i32
          %swap3A_323 = arith.index_cast %add3A_322 : i32 to index
          %swap3A_324 = tpu.vector_load %arg9[%swap3A_323] {strides = array<i32>} : memref<81920xf32, #tpu.memory_space<vmem>>, vector<16xf32>,
          tpu.vector_store %arg9[%swap3A_323], %unpack3A_319 {add = true, strides = array<i32>} : memref<81920xf32, #tpu.memory_space<vmem>>, vector<16xf32>,
          %add3A_325 = arith.constant 192 : i32
          %add3A_326 = arith.addi %mul3A_221, %add3A_325 : i32
          %add3A_327 = arith.constant 16 : i32
          %add3A_328 = arith.addi %add3A_326, %add3A_327 : i32
          %swap3A_329 = arith.index_cast %add3A_328 : i32 to index
          %swap3A_330 = tpu.vector_load %arg9[%swap3A_329] {strides = array<i32>} : memref<81920xf32, #tpu.memory_space<vmem>>, vector<16xf32>,
          tpu.vector_store %arg9[%swap3A_329], %unpack3A_320 {add = true, strides = array<i32>} : memref<81920xf32, #tpu.memory_space<vmem>>, vector<16xf32>,
          %get3A_331 = arith.index_cast %while3A_214 : i32 to index
          %get3A_332 = arith.constant 112 : index
          %get3A_333 = tpu.vector_load %arg8[%get3A_331, %get3A_332] {strides = array<i32>} : memref<128x128xf32, #tpu.memory_space<vmem>>, vector<16xf32>,
          %bitcast3A_334 = vector.bitcast %get3A_333 : vector<16xf32> to vector<32xbf16>
          %unpack3A_335 = tpu.unpack_subelements %bitcast3A_334, 0 {pack_format = #tpu.pack_format<interleaved>} : vector<32xbf16> -> vector<16xf32>
          %unpack3A_336 = tpu.unpack_subelements %bitcast3A_334, 1 {pack_format = #tpu.pack_format<interleaved>} : vector<32xbf16> -> vector<16xf32>
          %add3A_337 = arith.constant 224 : i32
          %add3A_338 = arith.addi %mul3A_221, %add3A_337 : i32
          %swap3A_339 = arith.index_cast %add3A_338 : i32 to index
          %swap3A_340 = tpu.vector_load %arg9[%swap3A_339] {strides = array<i32>} : memref<81920xf32, #tpu.memory_space<vmem>>, vector<16xf32>,
          tpu.vector_store %arg9[%swap3A_339], %unpack3A_335 {add = true, strides = array<i32>} : memref<81920xf32, #tpu.memory_space<vmem>>, vector<16xf32>,
          %add3A_341 = arith.constant 224 : i32
          %add3A_342 = arith.addi %mul3A_221, %add3A_341 : i32
          %add3A_343 = arith.constant 16 : i32
          %add3A_344 = arith.addi %add3A_342, %add3A_343 : i32
          %swap3A_345 = arith.index_cast %add3A_344 : i32 to index
          %swap3A_346 = tpu.vector_load %arg9[%swap3A_345] {strides = array<i32>} : memref<81920xf32, #tpu.memory_space<vmem>>, vector<16xf32>,
          tpu.vector_store %arg9[%swap3A_345], %unpack3A_336 {add = true, strides = array<i32>} : memref<81920xf32, #tpu.memory_space<vmem>>, vector<16xf32>,
          %while3A_347 = arith.constant 0 : i32
          scf.yield %while3A_347 : i32
        }
        %while3A_213 = arith.constant 0 : i32
        scf.yield %while3A_213 : i32
      }
      %scan3A_142 = arith.constant 0 : i32
      scf.yield %scan3A_142 : i32
    }
    %scan3A_38 = arith.constant 40 : i32
    %mul3A_39 = arith.constant 256 : i32
    %mul3A_40 = arith.muli %mul3A_7, %mul3A_39 : i32
    "tpu.region"() ({
      %run_scoped3A = tpu.sem_alloc : memref<!tpu.dma_semaphore, #tpu.memory_space<semaphore_mem>>
      %dma_start3A_79 = tpu.memref_slice %arg4[%arg0, %mul3A_40] : memref<2x2621440xf32, #tpu.memory_space<hbm>> -> memref<1x81920xf32, #tpu.memory_space<hbm>>
      %dma_start3A_80 = tpu.memref_squeeze %dma_start3A_79 : memref<1x81920xf32, #tpu.memory_space<hbm>> -> memref<81920xf32, #tpu.memory_space<hbm>>
      %dma_start3A_81 = tpu.memref_slice %arg4[%arg0, %mul3A_40] : memref<2x2621440xf32, #tpu.memory_space<hbm>> -> memref<1x81920xf32, #tpu.memory_space<hbm>>
      %dma_start3A_82 = tpu.memref_squeeze %dma_start3A_81 : memref<1x81920xf32, #tpu.memory_space<hbm>> -> memref<81920xf32, #tpu.memory_space<hbm>>
      tpu.enqueue_dma source(%arg9 : memref<81920xf32, #tpu.memory_space<vmem>>) target(%dma_start3A_82 : memref<81920xf32, #tpu.memory_space<hbm>>) target_semaphore(%run_scoped3A : memref<!tpu.dma_semaphore, #tpu.memory_space<semaphore_mem>>)
      %dma_wait3A = tpu.memref_slice %arg4[%arg0, %mul3A_40] : memref<2x2621440xf32, #tpu.memory_space<hbm>> -> memref<1x81920xf32, #tpu.memory_space<hbm>>
      %dma_wait3A_83 = tpu.memref_squeeze %dma_wait3A : memref<1x81920xf32, #tpu.memory_space<hbm>> -> memref<81920xf32, #tpu.memory_space<hbm>>
      %dma_wait3A_84 = tpu.memref_slice %arg4[%arg0, %mul3A_40] : memref<2x2621440xf32, #tpu.memory_space<hbm>> -> memref<1x81920xf32, #tpu.memory_space<hbm>>
      %dma_wait3A_85 = tpu.memref_squeeze %dma_wait3A_84 : memref<1x81920xf32, #tpu.memory_space<hbm>> -> memref<81920xf32, #tpu.memory_space<hbm>>
      tpu.wait_dma2 semaphore(%run_scoped3A : memref<!tpu.dma_semaphore, #tpu.memory_space<semaphore_mem>>) src(%arg9 : memref<81920xf32, #tpu.memory_space<vmem>>) dst(%dma_wait3A_85 : memref<81920xf32, #tpu.memory_space<hbm>>)
      tpu.yield
    }) : () -> ()
    %add3A_41 = arith.constant 16 : i32
    %add3A_42 = arith.addi %add3A_41, %arg1 : i32
    %mul3A_43 = arith.constant 320 : i32
    %mul3A_44 = arith.muli %add3A_42, %mul3A_43 : i32
    %scan3A_45 = arith.constant 0 : i32
    %scan3A_46 = arith.constant 0 : i32
    %scan3A_47 = arith.constant 5120 : i32
    %scan3A_48 = arith.addi %scan3A_46, %scan3A_47 : i32
    %scan3A_49 = arith.constant 1 : i32
    %scan3A_50 = scf.for %scan3A_79 = %scan3A_46 to %scan3A_48 step %scan3A_49 iter_args(%scan3A_80 = %scan3A_45) -> (i32)  : i32 {
      %broadcast_in_dim3A = arith.constant 0.000000e+00 : f32
      %broadcast_in_dim3A_81 = vector.broadcast %broadcast_in_dim3A : f32 to vector<16xf32>
      %mul3A_82 = arith.constant 16 : i32
      %mul3A_83 = arith.muli %scan3A_79, %mul3A_82 : i32
      %swap3A = arith.index_cast %mul3A_83 : i32 to index
      %swap3A_84 = tpu.vector_load %arg9[%swap3A] {strides = array<i32>} : memref<81920xf32, #tpu.memory_space<vmem>>, vector<16xf32>,
      tpu.vector_store %arg9[%swap3A], %broadcast_in_dim3A_81 {strides = array<i32>} : memref<81920xf32, #tpu.memory_space<vmem>>, vector<16xf32>,
      %scan3A_85 = arith.constant 0 : i32
      scf.yield %scan3A_85 : i32
    }
    %scan3A_51 = arith.constant 5120 : i32
    %dma_start3A_52 = arith.constant 0 : i32
    %dma_start3A_53 = arith.constant 0 : i32
    %dma_start3A_54 = arith.constant 0 : i32
    %dma_start3A_55 = arith.constant 0 : i32
    %dma_start3A_56 = tpu.memref_slice %arg5[%dma_start3A_53, %dma_start3A_54, %dma_start3A_55] : memref<2x2x4096xi32, #tpu.memory_space<vmem>> -> memref<1x2x4096xi32, #tpu.memory_space<vmem>>
    %dma_start3A_57 = tpu.memref_squeeze %dma_start3A_56 : memref<1x2x4096xi32, #tpu.memory_space<vmem>> -> memref<2x4096xi32, #tpu.memory_space<vmem>>
    %dma_start3A_58 = arith.constant 0 : i32
    %dma_start3A_59 = arith.constant 0 : i32
    %dma_start3A_60 = tpu.memref_slice %arg2[%arg0, %dma_start3A_52, %dma_start3A_58, %dma_start3A_59] : memref<2x40x2x4096xi32, #tpu.memory_space<hbm>> -> memref<1x1x2x4096xi32, #tpu.memory_space<hbm>>
    %dma_start3A_61 = tpu.memref_squeeze %dma_start3A_60 : memref<1x1x2x4096xi32, #tpu.memory_space<hbm>> -> memref<2x4096xi32, #tpu.memory_space<hbm>>
    %dma_start3A_62 = arith.constant 0 : i32
    %dma_start3A_63 = arith.constant 0 : i32
    %dma_start3A_64 = tpu.memref_slice %arg5[%dma_start3A_53, %dma_start3A_62, %dma_start3A_63] : memref<2x2x4096xi32, #tpu.memory_space<vmem>> -> memref<1x2x4096xi32, #tpu.memory_space<vmem>>
    %dma_start3A_65 = tpu.memref_squeeze %dma_start3A_64 : memref<1x2x4096xi32, #tpu.memory_space<vmem>> -> memref<2x4096xi32, #tpu.memory_space<vmem>>
    %dma_start3A_66 = arith.constant 0 : i32
    %dma_start3A_67 = arith.constant 0 : i32
    %dma_start3A_68 = tpu.memref_slice %arg2[%arg0, %dma_start3A_52, %dma_start3A_66, %dma_start3A_67] : memref<2x40x2x4096xi32, #tpu.memory_space<hbm>> -> memref<1x1x2x4096xi32, #tpu.memory_space<hbm>>
    %dma_start3A_69 = tpu.memref_squeeze %dma_start3A_68 : memref<1x1x2x4096xi32, #tpu.memory_space<hbm>> -> memref<2x4096xi32, #tpu.memory_space<hbm>>
    tpu.enqueue_dma source(%dma_start3A_69 : memref<2x4096xi32, #tpu.memory_space<hbm>>) target(%dma_start3A_65 : memref<2x4096xi32, #tpu.memory_space<vmem>>) target_semaphore(%arg11 : memref<!tpu.dma_semaphore, #tpu.memory_space<semaphore_mem>>)
    %scan3A_70 = arith.constant 0 : i32
    %scan3A_71 = arith.constant 0 : i32
    %scan3A_72 = arith.constant 40 : i32
    %scan3A_73 = arith.addi %scan3A_71, %scan3A_72 : i32
    %scan3A_74 = arith.constant 1 : i32
    %scan3A_75 = scf.for %scan3A_79 = %scan3A_71 to %scan3A_73 step %scan3A_74 iter_args(%scan3A_80 = %scan3A_70) -> (i32)  : i32 {
      %dma_wait3A = arith.constant 0 : i32
      %dma_wait3A_81 = arith.constant 0 : i32
      %dma_wait3A_82 = arith.constant 0 : i32
      %dma_wait3A_83 = arith.constant 0 : i32
      %dma_wait3A_84 = tpu.memref_slice %arg5[%dma_wait3A_81, %dma_wait3A_82, %dma_wait3A_83] : memref<2x2x4096xi32, #tpu.memory_space<vmem>> -> memref<1x2x4096xi32, #tpu.memory_space<vmem>>
      %dma_wait3A_85 = tpu.memref_squeeze %dma_wait3A_84 : memref<1x2x4096xi32, #tpu.memory_space<vmem>> -> memref<2x4096xi32, #tpu.memory_space<vmem>>
      %dma_wait3A_86 = arith.constant 0 : i32
      %dma_wait3A_87 = arith.constant 0 : i32
      %dma_wait3A_88 = tpu.memref_slice %arg2[%arg0, %dma_wait3A, %dma_wait3A_86, %dma_wait3A_87] : memref<2x40x2x4096xi32, #tpu.memory_space<hbm>> -> memref<1x1x2x4096xi32, #tpu.memory_space<hbm>>
      %dma_wait3A_89 = tpu.memref_squeeze %dma_wait3A_88 : memref<1x1x2x4096xi32, #tpu.memory_space<hbm>> -> memref<2x4096xi32, #tpu.memory_space<hbm>>
      %dma_wait3A_90 = arith.constant 0 : i32
      %dma_wait3A_91 = arith.constant 0 : i32
      %dma_wait3A_92 = tpu.memref_slice %arg5[%dma_wait3A_81, %dma_wait3A_90, %dma_wait3A_91] : memref<2x2x4096xi32, #tpu.memory_space<vmem>> -> memref<1x2x4096xi32, #tpu.memory_space<vmem>>
      %dma_wait3A_93 = tpu.memref_squeeze %dma_wait3A_92 : memref<1x2x4096xi32, #tpu.memory_space<vmem>> -> memref<2x4096xi32, #tpu.memory_space<vmem>>
      %dma_wait3A_94 = arith.constant 0 : i32
      %dma_wait3A_95 = arith.constant 0 : i32
      %dma_wait3A_96 = tpu.memref_slice %arg2[%arg0, %dma_wait3A, %dma_wait3A_94, %dma_wait3A_95] : memref<2x40x2x4096xi32, #tpu.memory_space<hbm>> -> memref<1x1x2x4096xi32, #tpu.memory_space<hbm>>
      %dma_wait3A_97 = tpu.memref_squeeze %dma_wait3A_96 : memref<1x1x2x4096xi32, #tpu.memory_space<hbm>> -> memref<2x4096xi32, #tpu.memory_space<hbm>>
      tpu.wait_dma2 semaphore(%arg11 : memref<!tpu.dma_semaphore, #tpu.memory_space<semaphore_mem>>) src(%dma_wait3A_97 : memref<2x4096xi32, #tpu.memory_space<hbm>>) dst(%dma_wait3A_93 : memref<2x4096xi32, #tpu.memory_space<vmem>>)
      %add3A_98 = arith.constant 1 : i32
      %add3A_99 = arith.addi %scan3A_79, %add3A_98 : i32
      %lt3A = arith.constant 40 : i32
      %lt3A_100 = arith.cmpi slt, %add3A_99, %lt3A : i32
      %convert_element_type3A = arith.extui %lt3A_100 : i1 to i32
      %cond3A = arith.constant 0 : i32
      %cond3A_101 = arith.cmpi ne, %convert_element_type3A, %cond3A : i32
      scf.if %cond3A_101 {
        %add3A_143 = arith.constant 1 : i32
        %add3A_144 = arith.addi %scan3A_79, %add3A_143 : i32
        %add3A_145 = arith.constant 1 : i32
        %add3A_146 = arith.addi %scan3A_79, %add3A_145 : i32
        %rem3A_147 = arith.constant 2 : i32
        %rem3A_148 = arith.remsi %add3A_146, %rem3A_147 : i32
        %dma_start3A_149 = arith.constant 0 : i32
        %dma_start3A_150 = arith.constant 0 : i32
        %dma_start3A_151 = tpu.memref_slice %arg5[%rem3A_148, %dma_start3A_149, %dma_start3A_150] : memref<2x2x4096xi32, #tpu.memory_space<vmem>> -> memref<1x2x4096xi32, #tpu.memory_space<vmem>>
        %dma_start3A_152 = tpu.memref_squeeze %dma_start3A_151 : memref<1x2x4096xi32, #tpu.memory_space<vmem>> -> memref<2x4096xi32, #tpu.memory_space<vmem>>
        %dma_start3A_153 = arith.constant 0 : i32
        %dma_start3A_154 = arith.constant 0 : i32
        %dma_start3A_155 = tpu.memref_slice %arg2[%arg0, %add3A_144, %dma_start3A_153, %dma_start3A_154] : memref<2x40x2x4096xi32, #tpu.memory_space<hbm>> -> memref<1x1x2x4096xi32, #tpu.memory_space<hbm>>
        %dma_start3A_156 = tpu.memref_squeeze %dma_start3A_155 : memref<1x1x2x4096xi32, #tpu.memory_space<hbm>> -> memref<2x4096xi32, #tpu.memory_space<hbm>>
        %dma_start3A_157 = arith.constant 0 : i32
        %dma_start3A_158 = arith.constant 0 : i32
        %dma_start3A_159 = tpu.memref_slice %arg5[%rem3A_148, %dma_start3A_157, %dma_start3A_158] : memref<2x2x4096xi32, #tpu.memory_space<vmem>> -> memref<1x2x4096xi32, #tpu.memory_space<vmem>>
        %dma_start3A_160 = tpu.memref_squeeze %dma_start3A_159 : memref<1x2x4096xi32, #tpu.memory_space<vmem>> -> memref<2x4096xi32, #tpu.memory_space<vmem>>
        %dma_start3A_161 = arith.constant 0 : i32
        %dma_start3A_162 = arith.constant 0 : i32
        %dma_start3A_163 = tpu.memref_slice %arg2[%arg0, %add3A_144, %dma_start3A_161, %dma_start3A_162] : memref<2x40x2x4096xi32, #tpu.memory_space<hbm>> -> memref<1x1x2x4096xi32, #tpu.memory_space<hbm>>
        %dma_start3A_164 = tpu.memref_squeeze %dma_start3A_163 : memref<1x1x2x4096xi32, #tpu.memory_space<hbm>> -> memref<2x4096xi32, #tpu.memory_space<hbm>>
        tpu.enqueue_dma source(%dma_start3A_164 : memref<2x4096xi32, #tpu.memory_space<hbm>>) target(%dma_start3A_160 : memref<2x4096xi32, #tpu.memory_space<vmem>>) target_semaphore(%arg11 : memref<!tpu.dma_semaphore, #tpu.memory_space<semaphore_mem>>)
      } else {
      }
      %rem3A = arith.constant 2 : i32
      %rem3A_102 = arith.remsi %scan3A_79, %rem3A : i32
      %scan3A_103 = arith.constant 0 : i32
      %scan3A_104 = arith.constant 0 : i32
      %scan3A_105 = arith.constant 256 : i32
      %scan3A_106 = arith.addi %scan3A_104, %scan3A_105 : i32
      %scan3A_107 = arith.constant 1 : i32
      %scan3A_108 = scf.for %scan3A_143 = %scan3A_104 to %scan3A_106 step %scan3A_107 iter_args(%scan3A_144 = %scan3A_103) -> (i32)  : i32 {
        %mul3A_145 = arith.constant 16 : i32
        %mul3A_146 = arith.muli %scan3A_143, %mul3A_145 : i32
        %get3A = arith.constant 0 : i32
        %get3A_147 = arith.index_cast %rem3A_102 : i32 to index
        %get3A_148 = arith.index_cast %get3A : i32 to index
        %get3A_149 = arith.index_cast %mul3A_146 : i32 to index
        %get3A_150 = tpu.vector_load %arg5[%get3A_147, %get3A_148, %get3A_149] {strides = array<i32>} : memref<2x2x4096xi32, #tpu.memory_space<vmem>>, vector<16xi32>,
        %mul3A_151 = arith.constant 16 : i32
        %mul3A_152 = arith.muli %scan3A_143, %mul3A_151 : i32
        %get3A_153 = arith.constant 1 : i32
        %get3A_154 = arith.index_cast %rem3A_102 : i32 to index
        %get3A_155 = arith.index_cast %get3A_153 : i32 to index
        %get3A_156 = arith.index_cast %mul3A_152 : i32 to index
        %get3A_157 = tpu.vector_load %arg5[%get3A_154, %get3A_155, %get3A_156] {strides = array<i32>} : memref<2x2x4096xi32, #tpu.memory_space<vmem>>, vector<16xi32>,
        %sub3A_158 = vector.broadcast %mul3A_44 : i32 to vector<16xi32>
        %sub3A_159 = arith.subi %get3A_157, %sub3A_158 : vector<16xi32>
        %ge3A = arith.constant 0 : i32
        %ge3A_160 = vector.broadcast %ge3A : i32 to vector<16xi32>
        %ge3A_161 = arith.cmpi sge, %sub3A_159, %ge3A_160 : vector<16xi32>
        %lt3A_162 = arith.constant 320 : i32
        %lt3A_163 = vector.broadcast %lt3A_162 : i32 to vector<16xi32>
        %lt3A_164 = arith.cmpi slt, %sub3A_159, %lt3A_163 : vector<16xi32>
        %and3A_165 = arith.andi %ge3A_161, %lt3A_164 : vector<16xi1>
        %swap3A = arith.index_cast %scan3A_144 : i32 to index
        %swap3A_166 = tpu.vector_load %arg6[%swap3A] masked %and3A_165 {strides = array<i32>} : memref<4112xi32, #tpu.memory_space<vmem>>, vector<16xi32>, vector<16xi1>
        tpu.vector_store %arg6[%swap3A], %get3A_150 masked %and3A_165 {strides = array<i32>} : memref<4112xi32, #tpu.memory_space<vmem>>, vector<16xi32>, vector<16xi1>
        %swap3A_167 = arith.index_cast %scan3A_144 : i32 to index
        %swap3A_168 = tpu.vector_load %arg7[%swap3A_167] masked %and3A_165 {strides = array<i32>} : memref<4112xi32, #tpu.memory_space<vmem>>, vector<16xi32>, vector<16xi1>
        tpu.vector_store %arg7[%swap3A_167], %sub3A_159 masked %and3A_165 {strides = array<i32>} : memref<4112xi32, #tpu.memory_space<vmem>>, vector<16xi32>, vector<16xi1>
        %all_reduce_population_count3A = tpu.all_reduce %and3A_165 {dim = 0 : i64, kind = #tpu.reduction_kind<sum>} : vector<16xi1> -> vector<16xi32>
        %slice3A = vector.extract_strided_slice %all_reduce_population_count3A {offsets = [0], sizes = [1], strides = [1]} : vector<16xi32> to vector<1xi32>
        %squeeze3A = vector.extract %slice3A[0] : i32 from vector<1xi32>
        %add3A_169 = arith.addi %scan3A_144, %squeeze3A : i32
        scf.yield %add3A_169 : i32
      }
      %scan3A_109 = arith.constant 256 : i32
      %add3A_110 = arith.constant 128 : i32
      %add3A_111 = arith.addi %scan3A_108, %add3A_110 : i32
      %sub3A = arith.constant 1 : i32
      %sub3A_112 = arith.subi %add3A_111, %sub3A : i32
      %jit3A = arith.constant 128 : i32
      %div3A = arith.divsi %sub3A_112, %jit3A : i32
      %sign3A = arith.constant 0 : i32
      %sign3A_113 = arith.cmpi sgt, %sub3A_112, %sign3A : i32
      %sign3A_114 = arith.extui %sign3A_113 : i1 to i32
      %sign3A_115 = arith.constant 0 : i32
      %sign3A_116 = arith.cmpi slt, %sub3A_112, %sign3A_115 : i32
      %sign3A_117 = arith.extui %sign3A_116 : i1 to i32
      %sign3A_118 = arith.subi %sign3A_114, %sign3A_117 : i32
      %sign3A_119 = arith.constant 0 : i32
      %sign3A_120 = arith.cmpi sgt, %jit3A, %sign3A_119 : i32
      %sign3A_121 = arith.extui %sign3A_120 : i1 to i32
      %sign3A_122 = arith.constant 0 : i32
      %sign3A_123 = arith.cmpi slt, %jit3A, %sign3A_122 : i32
      %sign3A_124 = arith.extui %sign3A_123 : i1 to i32
      %sign3A_125 = arith.subi %sign3A_121, %sign3A_124 : i32
      %ne3A = arith.cmpi ne, %sign3A_118, %sign3A_125 : i32
      %rem3A_126 = arith.remsi %sub3A_112, %jit3A : i32
      %ne3A_127 = arith.constant 0 : i32
      %ne3A_128 = arith.cmpi ne, %rem3A_126, %ne3A_127 : i32
      %and3A = arith.andi %ne3A, %ne3A_128 : i1
      %sub3A_129 = arith.constant 1 : i32
      %sub3A_130 = arith.subi %div3A, %sub3A_129 : i32
      %select_n3A = arith.select %and3A, %sub3A_130, %div3A : i32
      %while3A = arith.constant 0 : i32
      %while3A_131 = arith.constant 0 : i32
      %while3A_132 = arith.subi %select_n3A, %while3A : i32
      %while3A_133 = arith.addi %while3A, %while3A_132 : i32
      %while3A_134 = arith.constant 1 : i32
      %while3A_135 = arith.divsi %while3A_132, %while3A_134 : i32
      %while3A_136 = arith.muli %while3A_135, %while3A_134 : i32
      %while3A_137 = arith.addi %while3A, %while3A_136 : i32
      %while3A_138 = arith.constant 1 : i32
      %while3A_139 = scf.for %while3A_143 = %while3A to %while3A_137 step %while3A_138 iter_args(%while3A_144 = %while3A_131) -> (i32)  : i32 {
        %mul3A_145 = arith.constant 128 : i32
        %mul3A_146 = arith.muli %while3A_143, %mul3A_145 : i32
        %sub3A_147 = arith.subi %scan3A_108, %mul3A_146 : i32
        %min3A = arith.constant 128 : i32
        %min3A_148 = arith.minsi %sub3A_147, %min3A : i32
        %add3A_149 = arith.constant 8 : i32
        %add3A_150 = arith.addi %min3A_148, %add3A_149 : i32
        %sub3A_151 = arith.constant 1 : i32
        %sub3A_152 = arith.subi %add3A_150, %sub3A_151 : i32
        %jit3A_153 = arith.constant 8 : i32
        %div3A_154 = arith.divsi %sub3A_152, %jit3A_153 : i32
        %sign3A_155 = arith.constant 0 : i32
        %sign3A_156 = arith.cmpi sgt, %sub3A_152, %sign3A_155 : i32
        %sign3A_157 = arith.extui %sign3A_156 : i1 to i32
        %sign3A_158 = arith.constant 0 : i32
        %sign3A_159 = arith.cmpi slt, %sub3A_152, %sign3A_158 : i32
        %sign3A_160 = arith.extui %sign3A_159 : i1 to i32
        %sign3A_161 = arith.subi %sign3A_157, %sign3A_160 : i32
        %sign3A_162 = arith.constant 0 : i32
        %sign3A_163 = arith.cmpi sgt, %jit3A_153, %sign3A_162 : i32
        %sign3A_164 = arith.extui %sign3A_163 : i1 to i32
        %sign3A_165 = arith.constant 0 : i32
        %sign3A_166 = arith.cmpi slt, %jit3A_153, %sign3A_165 : i32
        %sign3A_167 = arith.extui %sign3A_166 : i1 to i32
        %sign3A_168 = arith.subi %sign3A_164, %sign3A_167 : i32
        %ne3A_169 = arith.cmpi ne, %sign3A_161, %sign3A_168 : i32
        %rem3A_170 = arith.remsi %sub3A_152, %jit3A_153 : i32
        %ne3A_171 = arith.constant 0 : i32
        %ne3A_172 = arith.cmpi ne, %rem3A_170, %ne3A_171 : i32
        %and3A_173 = arith.andi %ne3A_169, %ne3A_172 : i1
        %sub3A_174 = arith.constant 1 : i32
        %sub3A_175 = arith.subi %div3A_154, %sub3A_174 : i32
        %select_n3A_176 = arith.select %and3A_173, %sub3A_175, %div3A_154 : i32
        %while3A_177 = arith.constant 0 : i32
        %while3A_178 = arith.constant 0 : i32
        %while3A_179 = arith.subi %select_n3A_176, %while3A_177 : i32
        %while3A_180 = arith.addi %while3A_177, %while3A_179 : i32
        %while3A_181 = arith.constant 1 : i32
        %while3A_182 = arith.divsi %while3A_179, %while3A_181 : i32
        %while3A_183 = arith.muli %while3A_182, %while3A_181 : i32
        %while3A_184 = arith.addi %while3A_177, %while3A_183 : i32
        %while3A_185 = arith.constant 1 : i32
        %while3A_186 = scf.for %while3A_214 = %while3A_177 to %while3A_184 step %while3A_185 iter_args(%while3A_215 = %while3A_178) -> (i32)  : i32 {
          %mul3A_216 = arith.constant 128 : i32
          %mul3A_217 = arith.muli %while3A_143, %mul3A_216 : i32
          %mul3A_218 = arith.constant 8 : i32
          %mul3A_219 = arith.muli %while3A_214, %mul3A_218 : i32
          %add3A_220 = arith.addi %mul3A_217, %mul3A_219 : i32
          %mul3A_221 = arith.constant 8 : i32
          %mul3A_222 = arith.muli %while3A_214, %mul3A_221 : i32
          %dma_start3A_223 = arith.constant 0 : i32
          %dma_start3A_224 = tpu.memref_slice %arg8[%mul3A_222, %dma_start3A_223] : memref<128x128xf32, #tpu.memory_space<vmem>> -> memref<8x128xf32, #tpu.memory_space<vmem>>
          %dma_start3A_225 = tpu.memref_slice %arg6[%add3A_220] : memref<4112xi32, #tpu.memory_space<vmem>> -> memref<8xi32, #tpu.memory_space<vmem>>
          %dma_start3A_226 = arith.constant 0 : i32
          %dma_start3A_227 = arith.constant 0 : i32
          %dma_start3A_228 = tpu.memref_slice %arg3[%dma_start3A_226, %dma_start3A_227] : memref<20480x128xf32, #tpu.memory_space<hbm>> -> memref<20480x128xf32, #tpu.memory_space<hbm>>
          tpu.enqueue_indirect_dma source(%dma_start3A_228 : memref<20480x128xf32, #tpu.memory_space<hbm>>) target(%dma_start3A_224 : memref<8x128xf32, #tpu.memory_space<vmem>>) offsets(%dma_start3A_225 : memref<8xi32, #tpu.memory_space<vmem>>) semaphore(%arg10 : memref<!tpu.dma_semaphore, #tpu.memory_space<semaphore_mem>>)
          %while3A_229 = arith.constant 0 : i32
          scf.yield %while3A_229 : i32
        }
        %while3A_187 = arith.constant 1 : i32
        %while3A_188 = scf.for %while3A_214 = %while3A_184 to %while3A_180 step %while3A_187 iter_args(%while3A_215 = %while3A_186) -> (i32)  : i32 {
          %mul3A_216 = arith.constant 128 : i32
          %mul3A_217 = arith.muli %while3A_143, %mul3A_216 : i32
          %mul3A_218 = arith.constant 8 : i32
          %mul3A_219 = arith.muli %while3A_214, %mul3A_218 : i32
          %add3A_220 = arith.addi %mul3A_217, %mul3A_219 : i32
          %mul3A_221 = arith.constant 8 : i32
          %mul3A_222 = arith.muli %while3A_214, %mul3A_221 : i32
          %dma_start3A_223 = arith.constant 0 : i32
          %dma_start3A_224 = tpu.memref_slice %arg8[%mul3A_222, %dma_start3A_223] : memref<128x128xf32, #tpu.memory_space<vmem>> -> memref<8x128xf32, #tpu.memory_space<vmem>>
          %dma_start3A_225 = tpu.memref_slice %arg6[%add3A_220] : memref<4112xi32, #tpu.memory_space<vmem>> -> memref<8xi32, #tpu.memory_space<vmem>>
          %dma_start3A_226 = arith.constant 0 : i32
          %dma_start3A_227 = arith.constant 0 : i32
          %dma_start3A_228 = tpu.memref_slice %arg3[%dma_start3A_226, %dma_start3A_227] : memref<20480x128xf32, #tpu.memory_space<hbm>> -> memref<20480x128xf32, #tpu.memory_space<hbm>>
          tpu.enqueue_indirect_dma source(%dma_start3A_228 : memref<20480x128xf32, #tpu.memory_space<hbm>>) target(%dma_start3A_224 : memref<8x128xf32, #tpu.memory_space<vmem>>) offsets(%dma_start3A_225 : memref<8xi32, #tpu.memory_space<vmem>>) semaphore(%arg10 : memref<!tpu.dma_semaphore, #tpu.memory_space<semaphore_mem>>)
          %while3A_229 = arith.constant 0 : i32
          scf.yield %while3A_229 : i32
        }
        %while3A_189 = arith.constant 0 : i32
        %while3A_190 = arith.constant 0 : i32
        %while3A_191 = arith.subi %select_n3A_176, %while3A_189 : i32
        %while3A_192 = arith.addi %while3A_189, %while3A_191 : i32
        %while3A_193 = arith.constant 1 : i32
        %while3A_194 = arith.divsi %while3A_191, %while3A_193 : i32
        %while3A_195 = arith.muli %while3A_194, %while3A_193 : i32
        %while3A_196 = arith.addi %while3A_189, %while3A_195 : i32
        %while3A_197 = arith.constant 1 : i32
        %while3A_198 = scf.for %while3A_214 = %while3A_189 to %while3A_196 step %while3A_197 iter_args(%while3A_215 = %while3A_190) -> (i32)  : i32 {
          %dma_wait3A_216 = arith.constant 0 : i32
          %dma_wait3A_217 = arith.constant 0 : i32
          %dma_wait3A_218 = tpu.memref_slice %arg8[%dma_wait3A_216, %dma_wait3A_217] : memref<128x128xf32, #tpu.memory_space<vmem>> -> memref<8x128xf32, #tpu.memory_space<vmem>>
          %dma_wait3A_219 = arith.constant 0 : i32
          %dma_wait3A_220 = tpu.memref_slice %arg6[%dma_wait3A_219] : memref<4112xi32, #tpu.memory_space<vmem>> -> memref<8xi32, #tpu.memory_space<vmem>>
          %dma_wait3A_221 = arith.constant 0 : i32
          %dma_wait3A_222 = arith.constant 0 : i32
          %dma_wait3A_223 = tpu.memref_slice %arg3[%dma_wait3A_221, %dma_wait3A_222] : memref<20480x128xf32, #tpu.memory_space<hbm>> -> memref<20480x128xf32, #tpu.memory_space<hbm>>
          tpu.wait_indirect_dma semaphore(%arg10 : memref<!tpu.dma_semaphore, #tpu.memory_space<semaphore_mem>>) src(%dma_wait3A_223 : memref<20480x128xf32, #tpu.memory_space<hbm>>) dst(%dma_wait3A_218 : memref<8x128xf32, #tpu.memory_space<vmem>>)
          %while3A_224 = arith.constant 0 : i32
          scf.yield %while3A_224 : i32
        }
        %while3A_199 = arith.constant 1 : i32
        %while3A_200 = scf.for %while3A_214 = %while3A_196 to %while3A_192 step %while3A_199 iter_args(%while3A_215 = %while3A_198) -> (i32)  : i32 {
          %dma_wait3A_216 = arith.constant 0 : i32
          %dma_wait3A_217 = arith.constant 0 : i32
          %dma_wait3A_218 = tpu.memref_slice %arg8[%dma_wait3A_216, %dma_wait3A_217] : memref<128x128xf32, #tpu.memory_space<vmem>> -> memref<8x128xf32, #tpu.memory_space<vmem>>
          %dma_wait3A_219 = arith.constant 0 : i32
          %dma_wait3A_220 = tpu.memref_slice %arg6[%dma_wait3A_219] : memref<4112xi32, #tpu.memory_space<vmem>> -> memref<8xi32, #tpu.memory_space<vmem>>
          %dma_wait3A_221 = arith.constant 0 : i32
          %dma_wait3A_222 = arith.constant 0 : i32
          %dma_wait3A_223 = tpu.memref_slice %arg3[%dma_wait3A_221, %dma_wait3A_222] : memref<20480x128xf32, #tpu.memory_space<hbm>> -> memref<20480x128xf32, #tpu.memory_space<hbm>>
          tpu.wait_indirect_dma semaphore(%arg10 : memref<!tpu.dma_semaphore, #tpu.memory_space<semaphore_mem>>) src(%dma_wait3A_223 : memref<20480x128xf32, #tpu.memory_space<hbm>>) dst(%dma_wait3A_218 : memref<8x128xf32, #tpu.memory_space<vmem>>)
          %while3A_224 = arith.constant 0 : i32
          scf.yield %while3A_224 : i32
        }
        %while3A_201 = arith.constant 0 : i32
        %while3A_202 = arith.constant 0 : i32
        %while3A_203 = arith.subi %min3A_148, %while3A_201 : i32
        %while3A_204 = arith.addi %while3A_201, %while3A_203 : i32
        %while3A_205 = arith.constant 1 : i32
        %while3A_206 = arith.divsi %while3A_203, %while3A_205 : i32
        %while3A_207 = arith.muli %while3A_206, %while3A_205 : i32
        %while3A_208 = arith.addi %while3A_201, %while3A_207 : i32
        %while3A_209 = arith.constant 1 : i32
        %while3A_210 = scf.for %while3A_214 = %while3A_201 to %while3A_208 step %while3A_209 iter_args(%while3A_215 = %while3A_202) -> (i32)  : i32 {
          %mul3A_216 = arith.constant 128 : i32
          %mul3A_217 = arith.muli %while3A_143, %mul3A_216 : i32
          %add3A_218 = arith.addi %mul3A_217, %while3A_214 : i32
          %get3A = arith.index_cast %add3A_218 : i32 to index
          %get3A_219 = tpu.vector_load %arg7[%get3A] {strides = array<i32>} : memref<4112xi32, #tpu.memory_space<vmem>>, vector<16xi32>,
          %slice3A = vector.extract_strided_slice %get3A_219 {offsets = [0], sizes = [1], strides = [1]} : vector<16xi32> to vector<1xi32>
          %squeeze3A = vector.extract %slice3A[0] : i32 from vector<1xi32>
          %mul3A_220 = arith.constant 256 : i32
          %mul3A_221 = arith.muli %squeeze3A, %mul3A_220 : i32
          %get3A_222 = arith.index_cast %while3A_214 : i32 to index
          %get3A_223 = arith.constant 0 : index
          %get3A_224 = tpu.vector_load %arg8[%get3A_222, %get3A_223] {strides = array<i32>} : memref<128x128xf32, #tpu.memory_space<vmem>>, vector<16xf32>,
          %bitcast3A = vector.bitcast %get3A_224 : vector<16xf32> to vector<32xbf16>
          %unpack3A = tpu.unpack_subelements %bitcast3A, 0 {pack_format = #tpu.pack_format<interleaved>} : vector<32xbf16> -> vector<16xf32>
          %unpack3A_225 = tpu.unpack_subelements %bitcast3A, 1 {pack_format = #tpu.pack_format<interleaved>} : vector<32xbf16> -> vector<16xf32>
          %add3A_226 = arith.constant 0 : i32
          %add3A_227 = arith.addi %mul3A_221, %add3A_226 : i32
          %swap3A = arith.index_cast %add3A_227 : i32 to index
          %swap3A_228 = tpu.vector_load %arg9[%swap3A] {strides = array<i32>} : memref<81920xf32, #tpu.memory_space<vmem>>, vector<16xf32>,
          tpu.vector_store %arg9[%swap3A], %unpack3A {add = true, strides = array<i32>} : memref<81920xf32, #tpu.memory_space<vmem>>, vector<16xf32>,
          %add3A_229 = arith.constant 0 : i32
          %add3A_230 = arith.addi %mul3A_221, %add3A_229 : i32
          %add3A_231 = arith.constant 16 : i32
          %add3A_232 = arith.addi %add3A_230, %add3A_231 : i32
          %swap3A_233 = arith.index_cast %add3A_232 : i32 to index
          %swap3A_234 = tpu.vector_load %arg9[%swap3A_233] {strides = array<i32>} : memref<81920xf32, #tpu.memory_space<vmem>>, vector<16xf32>,
          tpu.vector_store %arg9[%swap3A_233], %unpack3A_225 {add = true, strides = array<i32>} : memref<81920xf32, #tpu.memory_space<vmem>>, vector<16xf32>,
          %get3A_235 = arith.index_cast %while3A_214 : i32 to index
          %get3A_236 = arith.constant 16 : index
          %get3A_237 = tpu.vector_load %arg8[%get3A_235, %get3A_236] {strides = array<i32>} : memref<128x128xf32, #tpu.memory_space<vmem>>, vector<16xf32>,
          %bitcast3A_238 = vector.bitcast %get3A_237 : vector<16xf32> to vector<32xbf16>
          %unpack3A_239 = tpu.unpack_subelements %bitcast3A_238, 0 {pack_format = #tpu.pack_format<interleaved>} : vector<32xbf16> -> vector<16xf32>
          %unpack3A_240 = tpu.unpack_subelements %bitcast3A_238, 1 {pack_format = #tpu.pack_format<interleaved>} : vector<32xbf16> -> vector<16xf32>
          %add3A_241 = arith.constant 32 : i32
          %add3A_242 = arith.addi %mul3A_221, %add3A_241 : i32
          %swap3A_243 = arith.index_cast %add3A_242 : i32 to index
          %swap3A_244 = tpu.vector_load %arg9[%swap3A_243] {strides = array<i32>} : memref<81920xf32, #tpu.memory_space<vmem>>, vector<16xf32>,
          tpu.vector_store %arg9[%swap3A_243], %unpack3A_239 {add = true, strides = array<i32>} : memref<81920xf32, #tpu.memory_space<vmem>>, vector<16xf32>,
          %add3A_245 = arith.constant 32 : i32
          %add3A_246 = arith.addi %mul3A_221, %add3A_245 : i32
          %add3A_247 = arith.constant 16 : i32
          %add3A_248 = arith.addi %add3A_246, %add3A_247 : i32
          %swap3A_249 = arith.index_cast %add3A_248 : i32 to index
          %swap3A_250 = tpu.vector_load %arg9[%swap3A_249] {strides = array<i32>} : memref<81920xf32, #tpu.memory_space<vmem>>, vector<16xf32>,
          tpu.vector_store %arg9[%swap3A_249], %unpack3A_240 {add = true, strides = array<i32>} : memref<81920xf32, #tpu.memory_space<vmem>>, vector<16xf32>,
          %get3A_251 = arith.index_cast %while3A_214 : i32 to index
          %get3A_252 = arith.constant 32 : index
          %get3A_253 = tpu.vector_load %arg8[%get3A_251, %get3A_252] {strides = array<i32>} : memref<128x128xf32, #tpu.memory_space<vmem>>, vector<16xf32>,
          %bitcast3A_254 = vector.bitcast %get3A_253 : vector<16xf32> to vector<32xbf16>
          %unpack3A_255 = tpu.unpack_subelements %bitcast3A_254, 0 {pack_format = #tpu.pack_format<interleaved>} : vector<32xbf16> -> vector<16xf32>
          %unpack3A_256 = tpu.unpack_subelements %bitcast3A_254, 1 {pack_format = #tpu.pack_format<interleaved>} : vector<32xbf16> -> vector<16xf32>
          %add3A_257 = arith.constant 64 : i32
          %add3A_258 = arith.addi %mul3A_221, %add3A_257 : i32
          %swap3A_259 = arith.index_cast %add3A_258 : i32 to index
          %swap3A_260 = tpu.vector_load %arg9[%swap3A_259] {strides = array<i32>} : memref<81920xf32, #tpu.memory_space<vmem>>, vector<16xf32>,
          tpu.vector_store %arg9[%swap3A_259], %unpack3A_255 {add = true, strides = array<i32>} : memref<81920xf32, #tpu.memory_space<vmem>>, vector<16xf32>,
          %add3A_261 = arith.constant 64 : i32
          %add3A_262 = arith.addi %mul3A_221, %add3A_261 : i32
          %add3A_263 = arith.constant 16 : i32
          %add3A_264 = arith.addi %add3A_262, %add3A_263 : i32
          %swap3A_265 = arith.index_cast %add3A_264 : i32 to index
          %swap3A_266 = tpu.vector_load %arg9[%swap3A_265] {strides = array<i32>} : memref<81920xf32, #tpu.memory_space<vmem>>, vector<16xf32>,
          tpu.vector_store %arg9[%swap3A_265], %unpack3A_256 {add = true, strides = array<i32>} : memref<81920xf32, #tpu.memory_space<vmem>>, vector<16xf32>,
          %get3A_267 = arith.index_cast %while3A_214 : i32 to index
          %get3A_268 = arith.constant 48 : index
          %get3A_269 = tpu.vector_load %arg8[%get3A_267, %get3A_268] {strides = array<i32>} : memref<128x128xf32, #tpu.memory_space<vmem>>, vector<16xf32>,
          %bitcast3A_270 = vector.bitcast %get3A_269 : vector<16xf32> to vector<32xbf16>
          %unpack3A_271 = tpu.unpack_subelements %bitcast3A_270, 0 {pack_format = #tpu.pack_format<interleaved>} : vector<32xbf16> -> vector<16xf32>
          %unpack3A_272 = tpu.unpack_subelements %bitcast3A_270, 1 {pack_format = #tpu.pack_format<interleaved>} : vector<32xbf16> -> vector<16xf32>
          %add3A_273 = arith.constant 96 : i32
          %add3A_274 = arith.addi %mul3A_221, %add3A_273 : i32
          %swap3A_275 = arith.index_cast %add3A_274 : i32 to index
          %swap3A_276 = tpu.vector_load %arg9[%swap3A_275] {strides = array<i32>} : memref<81920xf32, #tpu.memory_space<vmem>>, vector<16xf32>,
          tpu.vector_store %arg9[%swap3A_275], %unpack3A_271 {add = true, strides = array<i32>} : memref<81920xf32, #tpu.memory_space<vmem>>, vector<16xf32>,
          %add3A_277 = arith.constant 96 : i32
          %add3A_278 = arith.addi %mul3A_221, %add3A_277 : i32
          %add3A_279 = arith.constant 16 : i32
          %add3A_280 = arith.addi %add3A_278, %add3A_279 : i32
          %swap3A_281 = arith.index_cast %add3A_280 : i32 to index
          %swap3A_282 = tpu.vector_load %arg9[%swap3A_281] {strides = array<i32>} : memref<81920xf32, #tpu.memory_space<vmem>>, vector<16xf32>,
          tpu.vector_store %arg9[%swap3A_281], %unpack3A_272 {add = true, strides = array<i32>} : memref<81920xf32, #tpu.memory_space<vmem>>, vector<16xf32>,
          %get3A_283 = arith.index_cast %while3A_214 : i32 to index
          %get3A_284 = arith.constant 64 : index
          %get3A_285 = tpu.vector_load %arg8[%get3A_283, %get3A_284] {strides = array<i32>} : memref<128x128xf32, #tpu.memory_space<vmem>>, vector<16xf32>,
          %bitcast3A_286 = vector.bitcast %get3A_285 : vector<16xf32> to vector<32xbf16>
          %unpack3A_287 = tpu.unpack_subelements %bitcast3A_286, 0 {pack_format = #tpu.pack_format<interleaved>} : vector<32xbf16> -> vector<16xf32>
          %unpack3A_288 = tpu.unpack_subelements %bitcast3A_286, 1 {pack_format = #tpu.pack_format<interleaved>} : vector<32xbf16> -> vector<16xf32>
          %add3A_289 = arith.constant 128 : i32
          %add3A_290 = arith.addi %mul3A_221, %add3A_289 : i32
          %swap3A_291 = arith.index_cast %add3A_290 : i32 to index
          %swap3A_292 = tpu.vector_load %arg9[%swap3A_291] {strides = array<i32>} : memref<81920xf32, #tpu.memory_space<vmem>>, vector<16xf32>,
          tpu.vector_store %arg9[%swap3A_291], %unpack3A_287 {add = true, strides = array<i32>} : memref<81920xf32, #tpu.memory_space<vmem>>, vector<16xf32>,
          %add3A_293 = arith.constant 128 : i32
          %add3A_294 = arith.addi %mul3A_221, %add3A_293 : i32
          %add3A_295 = arith.constant 16 : i32
          %add3A_296 = arith.addi %add3A_294, %add3A_295 : i32
          %swap3A_297 = arith.index_cast %add3A_296 : i32 to index
          %swap3A_298 = tpu.vector_load %arg9[%swap3A_297] {strides = array<i32>} : memref<81920xf32, #tpu.memory_space<vmem>>, vector<16xf32>,
          tpu.vector_store %arg9[%swap3A_297], %unpack3A_288 {add = true, strides = array<i32>} : memref<81920xf32, #tpu.memory_space<vmem>>, vector<16xf32>,
          %get3A_299 = arith.index_cast %while3A_214 : i32 to index
          %get3A_300 = arith.constant 80 : index
          %get3A_301 = tpu.vector_load %arg8[%get3A_299, %get3A_300] {strides = array<i32>} : memref<128x128xf32, #tpu.memory_space<vmem>>, vector<16xf32>,
          %bitcast3A_302 = vector.bitcast %get3A_301 : vector<16xf32> to vector<32xbf16>
          %unpack3A_303 = tpu.unpack_subelements %bitcast3A_302, 0 {pack_format = #tpu.pack_format<interleaved>} : vector<32xbf16> -> vector<16xf32>
          %unpack3A_304 = tpu.unpack_subelements %bitcast3A_302, 1 {pack_format = #tpu.pack_format<interleaved>} : vector<32xbf16> -> vector<16xf32>
          %add3A_305 = arith.constant 160 : i32
          %add3A_306 = arith.addi %mul3A_221, %add3A_305 : i32
          %swap3A_307 = arith.index_cast %add3A_306 : i32 to index
          %swap3A_308 = tpu.vector_load %arg9[%swap3A_307] {strides = array<i32>} : memref<81920xf32, #tpu.memory_space<vmem>>, vector<16xf32>,
          tpu.vector_store %arg9[%swap3A_307], %unpack3A_303 {add = true, strides = array<i32>} : memref<81920xf32, #tpu.memory_space<vmem>>, vector<16xf32>,
          %add3A_309 = arith.constant 160 : i32
          %add3A_310 = arith.addi %mul3A_221, %add3A_309 : i32
          %add3A_311 = arith.constant 16 : i32
          %add3A_312 = arith.addi %add3A_310, %add3A_311 : i32
          %swap3A_313 = arith.index_cast %add3A_312 : i32 to index
          %swap3A_314 = tpu.vector_load %arg9[%swap3A_313] {strides = array<i32>} : memref<81920xf32, #tpu.memory_space<vmem>>, vector<16xf32>,
          tpu.vector_store %arg9[%swap3A_313], %unpack3A_304 {add = true, strides = array<i32>} : memref<81920xf32, #tpu.memory_space<vmem>>, vector<16xf32>,
          %get3A_315 = arith.index_cast %while3A_214 : i32 to index
          %get3A_316 = arith.constant 96 : index
          %get3A_317 = tpu.vector_load %arg8[%get3A_315, %get3A_316] {strides = array<i32>} : memref<128x128xf32, #tpu.memory_space<vmem>>, vector<16xf32>,
          %bitcast3A_318 = vector.bitcast %get3A_317 : vector<16xf32> to vector<32xbf16>
          %unpack3A_319 = tpu.unpack_subelements %bitcast3A_318, 0 {pack_format = #tpu.pack_format<interleaved>} : vector<32xbf16> -> vector<16xf32>
          %unpack3A_320 = tpu.unpack_subelements %bitcast3A_318, 1 {pack_format = #tpu.pack_format<interleaved>} : vector<32xbf16> -> vector<16xf32>
          %add3A_321 = arith.constant 192 : i32
          %add3A_322 = arith.addi %mul3A_221, %add3A_321 : i32
          %swap3A_323 = arith.index_cast %add3A_322 : i32 to index
          %swap3A_324 = tpu.vector_load %arg9[%swap3A_323] {strides = array<i32>} : memref<81920xf32, #tpu.memory_space<vmem>>, vector<16xf32>,
          tpu.vector_store %arg9[%swap3A_323], %unpack3A_319 {add = true, strides = array<i32>} : memref<81920xf32, #tpu.memory_space<vmem>>, vector<16xf32>,
          %add3A_325 = arith.constant 192 : i32
          %add3A_326 = arith.addi %mul3A_221, %add3A_325 : i32
          %add3A_327 = arith.constant 16 : i32
          %add3A_328 = arith.addi %add3A_326, %add3A_327 : i32
          %swap3A_329 = arith.index_cast %add3A_328 : i32 to index
          %swap3A_330 = tpu.vector_load %arg9[%swap3A_329] {strides = array<i32>} : memref<81920xf32, #tpu.memory_space<vmem>>, vector<16xf32>,
          tpu.vector_store %arg9[%swap3A_329], %unpack3A_320 {add = true, strides = array<i32>} : memref<81920xf32, #tpu.memory_space<vmem>>, vector<16xf32>,
          %get3A_331 = arith.index_cast %while3A_214 : i32 to index
          %get3A_332 = arith.constant 112 : index
          %get3A_333 = tpu.vector_load %arg8[%get3A_331, %get3A_332] {strides = array<i32>} : memref<128x128xf32, #tpu.memory_space<vmem>>, vector<16xf32>,
          %bitcast3A_334 = vector.bitcast %get3A_333 : vector<16xf32> to vector<32xbf16>
          %unpack3A_335 = tpu.unpack_subelements %bitcast3A_334, 0 {pack_format = #tpu.pack_format<interleaved>} : vector<32xbf16> -> vector<16xf32>
          %unpack3A_336 = tpu.unpack_subelements %bitcast3A_334, 1 {pack_format = #tpu.pack_format<interleaved>} : vector<32xbf16> -> vector<16xf32>
          %add3A_337 = arith.constant 224 : i32
          %add3A_338 = arith.addi %mul3A_221, %add3A_337 : i32
          %swap3A_339 = arith.index_cast %add3A_338 : i32 to index
          %swap3A_340 = tpu.vector_load %arg9[%swap3A_339] {strides = array<i32>} : memref<81920xf32, #tpu.memory_space<vmem>>, vector<16xf32>,
          tpu.vector_store %arg9[%swap3A_339], %unpack3A_335 {add = true, strides = array<i32>} : memref<81920xf32, #tpu.memory_space<vmem>>, vector<16xf32>,
          %add3A_341 = arith.constant 224 : i32
          %add3A_342 = arith.addi %mul3A_221, %add3A_341 : i32
          %add3A_343 = arith.constant 16 : i32
          %add3A_344 = arith.addi %add3A_342, %add3A_343 : i32
          %swap3A_345 = arith.index_cast %add3A_344 : i32 to index
          %swap3A_346 = tpu.vector_load %arg9[%swap3A_345] {strides = array<i32>} : memref<81920xf32, #tpu.memory_space<vmem>>, vector<16xf32>,
          tpu.vector_store %arg9[%swap3A_345], %unpack3A_336 {add = true, strides = array<i32>} : memref<81920xf32, #tpu.memory_space<vmem>>, vector<16xf32>,
          %while3A_347 = arith.constant 0 : i32
          scf.yield %while3A_347 : i32
        }
        %while3A_211 = arith.constant 1 : i32
        %while3A_212 = scf.for %while3A_214 = %while3A_208 to %while3A_204 step %while3A_211 iter_args(%while3A_215 = %while3A_210) -> (i32)  : i32 {
          %mul3A_216 = arith.constant 128 : i32
          %mul3A_217 = arith.muli %while3A_143, %mul3A_216 : i32
          %add3A_218 = arith.addi %mul3A_217, %while3A_214 : i32
          %get3A = arith.index_cast %add3A_218 : i32 to index
          %get3A_219 = tpu.vector_load %arg7[%get3A] {strides = array<i32>} : memref<4112xi32, #tpu.memory_space<vmem>>, vector<16xi32>,
          %slice3A = vector.extract_strided_slice %get3A_219 {offsets = [0], sizes = [1], strides = [1]} : vector<16xi32> to vector<1xi32>
          %squeeze3A = vector.extract %slice3A[0] : i32 from vector<1xi32>
          %mul3A_220 = arith.constant 256 : i32
          %mul3A_221 = arith.muli %squeeze3A, %mul3A_220 : i32
          %get3A_222 = arith.index_cast %while3A_214 : i32 to index
          %get3A_223 = arith.constant 0 : index
          %get3A_224 = tpu.vector_load %arg8[%get3A_222, %get3A_223] {strides = array<i32>} : memref<128x128xf32, #tpu.memory_space<vmem>>, vector<16xf32>,
          %bitcast3A = vector.bitcast %get3A_224 : vector<16xf32> to vector<32xbf16>
          %unpack3A = tpu.unpack_subelements %bitcast3A, 0 {pack_format = #tpu.pack_format<interleaved>} : vector<32xbf16> -> vector<16xf32>
          %unpack3A_225 = tpu.unpack_subelements %bitcast3A, 1 {pack_format = #tpu.pack_format<interleaved>} : vector<32xbf16> -> vector<16xf32>
          %add3A_226 = arith.constant 0 : i32
          %add3A_227 = arith.addi %mul3A_221, %add3A_226 : i32
          %swap3A = arith.index_cast %add3A_227 : i32 to index
          %swap3A_228 = tpu.vector_load %arg9[%swap3A] {strides = array<i32>} : memref<81920xf32, #tpu.memory_space<vmem>>, vector<16xf32>,
          tpu.vector_store %arg9[%swap3A], %unpack3A {add = true, strides = array<i32>} : memref<81920xf32, #tpu.memory_space<vmem>>, vector<16xf32>,
          %add3A_229 = arith.constant 0 : i32
          %add3A_230 = arith.addi %mul3A_221, %add3A_229 : i32
          %add3A_231 = arith.constant 16 : i32
          %add3A_232 = arith.addi %add3A_230, %add3A_231 : i32
          %swap3A_233 = arith.index_cast %add3A_232 : i32 to index
          %swap3A_234 = tpu.vector_load %arg9[%swap3A_233] {strides = array<i32>} : memref<81920xf32, #tpu.memory_space<vmem>>, vector<16xf32>,
          tpu.vector_store %arg9[%swap3A_233], %unpack3A_225 {add = true, strides = array<i32>} : memref<81920xf32, #tpu.memory_space<vmem>>, vector<16xf32>,
          %get3A_235 = arith.index_cast %while3A_214 : i32 to index
          %get3A_236 = arith.constant 16 : index
          %get3A_237 = tpu.vector_load %arg8[%get3A_235, %get3A_236] {strides = array<i32>} : memref<128x128xf32, #tpu.memory_space<vmem>>, vector<16xf32>,
          %bitcast3A_238 = vector.bitcast %get3A_237 : vector<16xf32> to vector<32xbf16>
          %unpack3A_239 = tpu.unpack_subelements %bitcast3A_238, 0 {pack_format = #tpu.pack_format<interleaved>} : vector<32xbf16> -> vector<16xf32>
          %unpack3A_240 = tpu.unpack_subelements %bitcast3A_238, 1 {pack_format = #tpu.pack_format<interleaved>} : vector<32xbf16> -> vector<16xf32>
          %add3A_241 = arith.constant 32 : i32
          %add3A_242 = arith.addi %mul3A_221, %add3A_241 : i32
          %swap3A_243 = arith.index_cast %add3A_242 : i32 to index
          %swap3A_244 = tpu.vector_load %arg9[%swap3A_243] {strides = array<i32>} : memref<81920xf32, #tpu.memory_space<vmem>>, vector<16xf32>,
          tpu.vector_store %arg9[%swap3A_243], %unpack3A_239 {add = true, strides = array<i32>} : memref<81920xf32, #tpu.memory_space<vmem>>, vector<16xf32>,
          %add3A_245 = arith.constant 32 : i32
          %add3A_246 = arith.addi %mul3A_221, %add3A_245 : i32
          %add3A_247 = arith.constant 16 : i32
          %add3A_248 = arith.addi %add3A_246, %add3A_247 : i32
          %swap3A_249 = arith.index_cast %add3A_248 : i32 to index
          %swap3A_250 = tpu.vector_load %arg9[%swap3A_249] {strides = array<i32>} : memref<81920xf32, #tpu.memory_space<vmem>>, vector<16xf32>,
          tpu.vector_store %arg9[%swap3A_249], %unpack3A_240 {add = true, strides = array<i32>} : memref<81920xf32, #tpu.memory_space<vmem>>, vector<16xf32>,
          %get3A_251 = arith.index_cast %while3A_214 : i32 to index
          %get3A_252 = arith.constant 32 : index
          %get3A_253 = tpu.vector_load %arg8[%get3A_251, %get3A_252] {strides = array<i32>} : memref<128x128xf32, #tpu.memory_space<vmem>>, vector<16xf32>,
          %bitcast3A_254 = vector.bitcast %get3A_253 : vector<16xf32> to vector<32xbf16>
          %unpack3A_255 = tpu.unpack_subelements %bitcast3A_254, 0 {pack_format = #tpu.pack_format<interleaved>} : vector<32xbf16> -> vector<16xf32>
          %unpack3A_256 = tpu.unpack_subelements %bitcast3A_254, 1 {pack_format = #tpu.pack_format<interleaved>} : vector<32xbf16> -> vector<16xf32>
          %add3A_257 = arith.constant 64 : i32
          %add3A_258 = arith.addi %mul3A_221, %add3A_257 : i32
          %swap3A_259 = arith.index_cast %add3A_258 : i32 to index
          %swap3A_260 = tpu.vector_load %arg9[%swap3A_259] {strides = array<i32>} : memref<81920xf32, #tpu.memory_space<vmem>>, vector<16xf32>,
          tpu.vector_store %arg9[%swap3A_259], %unpack3A_255 {add = true, strides = array<i32>} : memref<81920xf32, #tpu.memory_space<vmem>>, vector<16xf32>,
          %add3A_261 = arith.constant 64 : i32
          %add3A_262 = arith.addi %mul3A_221, %add3A_261 : i32
          %add3A_263 = arith.constant 16 : i32
          %add3A_264 = arith.addi %add3A_262, %add3A_263 : i32
          %swap3A_265 = arith.index_cast %add3A_264 : i32 to index
          %swap3A_266 = tpu.vector_load %arg9[%swap3A_265] {strides = array<i32>} : memref<81920xf32, #tpu.memory_space<vmem>>, vector<16xf32>,
          tpu.vector_store %arg9[%swap3A_265], %unpack3A_256 {add = true, strides = array<i32>} : memref<81920xf32, #tpu.memory_space<vmem>>, vector<16xf32>,
          %get3A_267 = arith.index_cast %while3A_214 : i32 to index
          %get3A_268 = arith.constant 48 : index
          %get3A_269 = tpu.vector_load %arg8[%get3A_267, %get3A_268] {strides = array<i32>} : memref<128x128xf32, #tpu.memory_space<vmem>>, vector<16xf32>,
          %bitcast3A_270 = vector.bitcast %get3A_269 : vector<16xf32> to vector<32xbf16>
          %unpack3A_271 = tpu.unpack_subelements %bitcast3A_270, 0 {pack_format = #tpu.pack_format<interleaved>} : vector<32xbf16> -> vector<16xf32>
          %unpack3A_272 = tpu.unpack_subelements %bitcast3A_270, 1 {pack_format = #tpu.pack_format<interleaved>} : vector<32xbf16> -> vector<16xf32>
          %add3A_273 = arith.constant 96 : i32
          %add3A_274 = arith.addi %mul3A_221, %add3A_273 : i32
          %swap3A_275 = arith.index_cast %add3A_274 : i32 to index
          %swap3A_276 = tpu.vector_load %arg9[%swap3A_275] {strides = array<i32>} : memref<81920xf32, #tpu.memory_space<vmem>>, vector<16xf32>,
          tpu.vector_store %arg9[%swap3A_275], %unpack3A_271 {add = true, strides = array<i32>} : memref<81920xf32, #tpu.memory_space<vmem>>, vector<16xf32>,
          %add3A_277 = arith.constant 96 : i32
          %add3A_278 = arith.addi %mul3A_221, %add3A_277 : i32
          %add3A_279 = arith.constant 16 : i32
          %add3A_280 = arith.addi %add3A_278, %add3A_279 : i32
          %swap3A_281 = arith.index_cast %add3A_280 : i32 to index
          %swap3A_282 = tpu.vector_load %arg9[%swap3A_281] {strides = array<i32>} : memref<81920xf32, #tpu.memory_space<vmem>>, vector<16xf32>,
          tpu.vector_store %arg9[%swap3A_281], %unpack3A_272 {add = true, strides = array<i32>} : memref<81920xf32, #tpu.memory_space<vmem>>, vector<16xf32>,
          %get3A_283 = arith.index_cast %while3A_214 : i32 to index
          %get3A_284 = arith.constant 64 : index
          %get3A_285 = tpu.vector_load %arg8[%get3A_283, %get3A_284] {strides = array<i32>} : memref<128x128xf32, #tpu.memory_space<vmem>>, vector<16xf32>,
          %bitcast3A_286 = vector.bitcast %get3A_285 : vector<16xf32> to vector<32xbf16>
          %unpack3A_287 = tpu.unpack_subelements %bitcast3A_286, 0 {pack_format = #tpu.pack_format<interleaved>} : vector<32xbf16> -> vector<16xf32>
          %unpack3A_288 = tpu.unpack_subelements %bitcast3A_286, 1 {pack_format = #tpu.pack_format<interleaved>} : vector<32xbf16> -> vector<16xf32>
          %add3A_289 = arith.constant 128 : i32
          %add3A_290 = arith.addi %mul3A_221, %add3A_289 : i32
          %swap3A_291 = arith.index_cast %add3A_290 : i32 to index
          %swap3A_292 = tpu.vector_load %arg9[%swap3A_291] {strides = array<i32>} : memref<81920xf32, #tpu.memory_space<vmem>>, vector<16xf32>,
          tpu.vector_store %arg9[%swap3A_291], %unpack3A_287 {add = true, strides = array<i32>} : memref<81920xf32, #tpu.memory_space<vmem>>, vector<16xf32>,
          %add3A_293 = arith.constant 128 : i32
          %add3A_294 = arith.addi %mul3A_221, %add3A_293 : i32
          %add3A_295 = arith.constant 16 : i32
          %add3A_296 = arith.addi %add3A_294, %add3A_295 : i32
          %swap3A_297 = arith.index_cast %add3A_296 : i32 to index
          %swap3A_298 = tpu.vector_load %arg9[%swap3A_297] {strides = array<i32>} : memref<81920xf32, #tpu.memory_space<vmem>>, vector<16xf32>,
          tpu.vector_store %arg9[%swap3A_297], %unpack3A_288 {add = true, strides = array<i32>} : memref<81920xf32, #tpu.memory_space<vmem>>, vector<16xf32>,
          %get3A_299 = arith.index_cast %while3A_214 : i32 to index
          %get3A_300 = arith.constant 80 : index
          %get3A_301 = tpu.vector_load %arg8[%get3A_299, %get3A_300] {strides = array<i32>} : memref<128x128xf32, #tpu.memory_space<vmem>>, vector<16xf32>,
          %bitcast3A_302 = vector.bitcast %get3A_301 : vector<16xf32> to vector<32xbf16>
          %unpack3A_303 = tpu.unpack_subelements %bitcast3A_302, 0 {pack_format = #tpu.pack_format<interleaved>} : vector<32xbf16> -> vector<16xf32>
          %unpack3A_304 = tpu.unpack_subelements %bitcast3A_302, 1 {pack_format = #tpu.pack_format<interleaved>} : vector<32xbf16> -> vector<16xf32>
          %add3A_305 = arith.constant 160 : i32
          %add3A_306 = arith.addi %mul3A_221, %add3A_305 : i32
          %swap3A_307 = arith.index_cast %add3A_306 : i32 to index
          %swap3A_308 = tpu.vector_load %arg9[%swap3A_307] {strides = array<i32>} : memref<81920xf32, #tpu.memory_space<vmem>>, vector<16xf32>,
          tpu.vector_store %arg9[%swap3A_307], %unpack3A_303 {add = true, strides = array<i32>} : memref<81920xf32, #tpu.memory_space<vmem>>, vector<16xf32>,
          %add3A_309 = arith.constant 160 : i32
          %add3A_310 = arith.addi %mul3A_221, %add3A_309 : i32
          %add3A_311 = arith.constant 16 : i32
          %add3A_312 = arith.addi %add3A_310, %add3A_311 : i32
          %swap3A_313 = arith.index_cast %add3A_312 : i32 to index
          %swap3A_314 = tpu.vector_load %arg9[%swap3A_313] {strides = array<i32>} : memref<81920xf32, #tpu.memory_space<vmem>>, vector<16xf32>,
          tpu.vector_store %arg9[%swap3A_313], %unpack3A_304 {add = true, strides = array<i32>} : memref<81920xf32, #tpu.memory_space<vmem>>, vector<16xf32>,
          %get3A_315 = arith.index_cast %while3A_214 : i32 to index
          %get3A_316 = arith.constant 96 : index
          %get3A_317 = tpu.vector_load %arg8[%get3A_315, %get3A_316] {strides = array<i32>} : memref<128x128xf32, #tpu.memory_space<vmem>>, vector<16xf32>,
          %bitcast3A_318 = vector.bitcast %get3A_317 : vector<16xf32> to vector<32xbf16>
          %unpack3A_319 = tpu.unpack_subelements %bitcast3A_318, 0 {pack_format = #tpu.pack_format<interleaved>} : vector<32xbf16> -> vector<16xf32>
          %unpack3A_320 = tpu.unpack_subelements %bitcast3A_318, 1 {pack_format = #tpu.pack_format<interleaved>} : vector<32xbf16> -> vector<16xf32>
          %add3A_321 = arith.constant 192 : i32
          %add3A_322 = arith.addi %mul3A_221, %add3A_321 : i32
          %swap3A_323 = arith.index_cast %add3A_322 : i32 to index
          %swap3A_324 = tpu.vector_load %arg9[%swap3A_323] {strides = array<i32>} : memref<81920xf32, #tpu.memory_space<vmem>>, vector<16xf32>,
          tpu.vector_store %arg9[%swap3A_323], %unpack3A_319 {add = true, strides = array<i32>} : memref<81920xf32, #tpu.memory_space<vmem>>, vector<16xf32>,
          %add3A_325 = arith.constant 192 : i32
          %add3A_326 = arith.addi %mul3A_221, %add3A_325 : i32
          %add3A_327 = arith.constant 16 : i32
          %add3A_328 = arith.addi %add3A_326, %add3A_327 : i32
          %swap3A_329 = arith.index_cast %add3A_328 : i32 to index
          %swap3A_330 = tpu.vector_load %arg9[%swap3A_329] {strides = array<i32>} : memref<81920xf32, #tpu.memory_space<vmem>>, vector<16xf32>,
          tpu.vector_store %arg9[%swap3A_329], %unpack3A_320 {add = true, strides = array<i32>} : memref<81920xf32, #tpu.memory_space<vmem>>, vector<16xf32>,
          %get3A_331 = arith.index_cast %while3A_214 : i32 to index
          %get3A_332 = arith.constant 112 : index
          %get3A_333 = tpu.vector_load %arg8[%get3A_331, %get3A_332] {strides = array<i32>} : memref<128x128xf32, #tpu.memory_space<vmem>>, vector<16xf32>,
          %bitcast3A_334 = vector.bitcast %get3A_333 : vector<16xf32> to vector<32xbf16>
          %unpack3A_335 = tpu.unpack_subelements %bitcast3A_334, 0 {pack_format = #tpu.pack_format<interleaved>} : vector<32xbf16> -> vector<16xf32>
          %unpack3A_336 = tpu.unpack_subelements %bitcast3A_334, 1 {pack_format = #tpu.pack_format<interleaved>} : vector<32xbf16> -> vector<16xf32>
          %add3A_337 = arith.constant 224 : i32
          %add3A_338 = arith.addi %mul3A_221, %add3A_337 : i32
          %swap3A_339 = arith.index_cast %add3A_338 : i32 to index
          %swap3A_340 = tpu.vector_load %arg9[%swap3A_339] {strides = array<i32>} : memref<81920xf32, #tpu.memory_space<vmem>>, vector<16xf32>,
          tpu.vector_store %arg9[%swap3A_339], %unpack3A_335 {add = true, strides = array<i32>} : memref<81920xf32, #tpu.memory_space<vmem>>, vector<16xf32>,
          %add3A_341 = arith.constant 224 : i32
          %add3A_342 = arith.addi %mul3A_221, %add3A_341 : i32
          %add3A_343 = arith.constant 16 : i32
          %add3A_344 = arith.addi %add3A_342, %add3A_343 : i32
          %swap3A_345 = arith.index_cast %add3A_344 : i32 to index
          %swap3A_346 = tpu.vector_load %arg9[%swap3A_345] {strides = array<i32>} : memref<81920xf32, #tpu.memory_space<vmem>>, vector<16xf32>,
          tpu.vector_store %arg9[%swap3A_345], %unpack3A_336 {add = true, strides = array<i32>} : memref<81920xf32, #tpu.memory_space<vmem>>, vector<16xf32>,
          %while3A_347 = arith.constant 0 : i32
          scf.yield %while3A_347 : i32
        }
        %while3A_213 = arith.constant 0 : i32
        scf.yield %while3A_213 : i32
      }
      %while3A_140 = arith.constant 1 : i32
      %while3A_141 = scf.for %while3A_143 = %while3A_137 to %while3A_133 step %while3A_140 iter_args(%while3A_144 = %while3A_139) -> (i32)  : i32 {
        %mul3A_145 = arith.constant 128 : i32
        %mul3A_146 = arith.muli %while3A_143, %mul3A_145 : i32
        %sub3A_147 = arith.subi %scan3A_108, %mul3A_146 : i32
        %min3A = arith.constant 128 : i32
        %min3A_148 = arith.minsi %sub3A_147, %min3A : i32
        %add3A_149 = arith.constant 8 : i32
        %add3A_150 = arith.addi %min3A_148, %add3A_149 : i32
        %sub3A_151 = arith.constant 1 : i32
        %sub3A_152 = arith.subi %add3A_150, %sub3A_151 : i32
        %jit3A_153 = arith.constant 8 : i32
        %div3A_154 = arith.divsi %sub3A_152, %jit3A_153 : i32
        %sign3A_155 = arith.constant 0 : i32
        %sign3A_156 = arith.cmpi sgt, %sub3A_152, %sign3A_155 : i32
        %sign3A_157 = arith.extui %sign3A_156 : i1 to i32
        %sign3A_158 = arith.constant 0 : i32
        %sign3A_159 = arith.cmpi slt, %sub3A_152, %sign3A_158 : i32
        %sign3A_160 = arith.extui %sign3A_159 : i1 to i32
        %sign3A_161 = arith.subi %sign3A_157, %sign3A_160 : i32
        %sign3A_162 = arith.constant 0 : i32
        %sign3A_163 = arith.cmpi sgt, %jit3A_153, %sign3A_162 : i32
        %sign3A_164 = arith.extui %sign3A_163 : i1 to i32
        %sign3A_165 = arith.constant 0 : i32
        %sign3A_166 = arith.cmpi slt, %jit3A_153, %sign3A_165 : i32
        %sign3A_167 = arith.extui %sign3A_166 : i1 to i32
        %sign3A_168 = arith.subi %sign3A_164, %sign3A_167 : i32
        %ne3A_169 = arith.cmpi ne, %sign3A_161, %sign3A_168 : i32
        %rem3A_170 = arith.remsi %sub3A_152, %jit3A_153 : i32
        %ne3A_171 = arith.constant 0 : i32
        %ne3A_172 = arith.cmpi ne, %rem3A_170, %ne3A_171 : i32
        %and3A_173 = arith.andi %ne3A_169, %ne3A_172 : i1
        %sub3A_174 = arith.constant 1 : i32
        %sub3A_175 = arith.subi %div3A_154, %sub3A_174 : i32
        %select_n3A_176 = arith.select %and3A_173, %sub3A_175, %div3A_154 : i32
        %while3A_177 = arith.constant 0 : i32
        %while3A_178 = arith.constant 0 : i32
        %while3A_179 = arith.subi %select_n3A_176, %while3A_177 : i32
        %while3A_180 = arith.addi %while3A_177, %while3A_179 : i32
        %while3A_181 = arith.constant 1 : i32
        %while3A_182 = arith.divsi %while3A_179, %while3A_181 : i32
        %while3A_183 = arith.muli %while3A_182, %while3A_181 : i32
        %while3A_184 = arith.addi %while3A_177, %while3A_183 : i32
        %while3A_185 = arith.constant 1 : i32
        %while3A_186 = scf.for %while3A_214 = %while3A_177 to %while3A_184 step %while3A_185 iter_args(%while3A_215 = %while3A_178) -> (i32)  : i32 {
          %mul3A_216 = arith.constant 128 : i32
          %mul3A_217 = arith.muli %while3A_143, %mul3A_216 : i32
          %mul3A_218 = arith.constant 8 : i32
          %mul3A_219 = arith.muli %while3A_214, %mul3A_218 : i32
          %add3A_220 = arith.addi %mul3A_217, %mul3A_219 : i32
          %mul3A_221 = arith.constant 8 : i32
          %mul3A_222 = arith.muli %while3A_214, %mul3A_221 : i32
          %dma_start3A_223 = arith.constant 0 : i32
          %dma_start3A_224 = tpu.memref_slice %arg8[%mul3A_222, %dma_start3A_223] : memref<128x128xf32, #tpu.memory_space<vmem>> -> memref<8x128xf32, #tpu.memory_space<vmem>>
          %dma_start3A_225 = tpu.memref_slice %arg6[%add3A_220] : memref<4112xi32, #tpu.memory_space<vmem>> -> memref<8xi32, #tpu.memory_space<vmem>>
          %dma_start3A_226 = arith.constant 0 : i32
          %dma_start3A_227 = arith.constant 0 : i32
          %dma_start3A_228 = tpu.memref_slice %arg3[%dma_start3A_226, %dma_start3A_227] : memref<20480x128xf32, #tpu.memory_space<hbm>> -> memref<20480x128xf32, #tpu.memory_space<hbm>>
          tpu.enqueue_indirect_dma source(%dma_start3A_228 : memref<20480x128xf32, #tpu.memory_space<hbm>>) target(%dma_start3A_224 : memref<8x128xf32, #tpu.memory_space<vmem>>) offsets(%dma_start3A_225 : memref<8xi32, #tpu.memory_space<vmem>>) semaphore(%arg10 : memref<!tpu.dma_semaphore, #tpu.memory_space<semaphore_mem>>)
          %while3A_229 = arith.constant 0 : i32
          scf.yield %while3A_229 : i32
        }
        %while3A_187 = arith.constant 1 : i32
        %while3A_188 = scf.for %while3A_214 = %while3A_184 to %while3A_180 step %while3A_187 iter_args(%while3A_215 = %while3A_186) -> (i32)  : i32 {
          %mul3A_216 = arith.constant 128 : i32
          %mul3A_217 = arith.muli %while3A_143, %mul3A_216 : i32
          %mul3A_218 = arith.constant 8 : i32
          %mul3A_219 = arith.muli %while3A_214, %mul3A_218 : i32
          %add3A_220 = arith.addi %mul3A_217, %mul3A_219 : i32
          %mul3A_221 = arith.constant 8 : i32
          %mul3A_222 = arith.muli %while3A_214, %mul3A_221 : i32
          %dma_start3A_223 = arith.constant 0 : i32
          %dma_start3A_224 = tpu.memref_slice %arg8[%mul3A_222, %dma_start3A_223] : memref<128x128xf32, #tpu.memory_space<vmem>> -> memref<8x128xf32, #tpu.memory_space<vmem>>
          %dma_start3A_225 = tpu.memref_slice %arg6[%add3A_220] : memref<4112xi32, #tpu.memory_space<vmem>> -> memref<8xi32, #tpu.memory_space<vmem>>
          %dma_start3A_226 = arith.constant 0 : i32
          %dma_start3A_227 = arith.constant 0 : i32
          %dma_start3A_228 = tpu.memref_slice %arg3[%dma_start3A_226, %dma_start3A_227] : memref<20480x128xf32, #tpu.memory_space<hbm>> -> memref<20480x128xf32, #tpu.memory_space<hbm>>
          tpu.enqueue_indirect_dma source(%dma_start3A_228 : memref<20480x128xf32, #tpu.memory_space<hbm>>) target(%dma_start3A_224 : memref<8x128xf32, #tpu.memory_space<vmem>>) offsets(%dma_start3A_225 : memref<8xi32, #tpu.memory_space<vmem>>) semaphore(%arg10 : memref<!tpu.dma_semaphore, #tpu.memory_space<semaphore_mem>>)
          %while3A_229 = arith.constant 0 : i32
          scf.yield %while3A_229 : i32
        }
        %while3A_189 = arith.constant 0 : i32
        %while3A_190 = arith.constant 0 : i32
        %while3A_191 = arith.subi %select_n3A_176, %while3A_189 : i32
        %while3A_192 = arith.addi %while3A_189, %while3A_191 : i32
        %while3A_193 = arith.constant 1 : i32
        %while3A_194 = arith.divsi %while3A_191, %while3A_193 : i32
        %while3A_195 = arith.muli %while3A_194, %while3A_193 : i32
        %while3A_196 = arith.addi %while3A_189, %while3A_195 : i32
        %while3A_197 = arith.constant 1 : i32
        %while3A_198 = scf.for %while3A_214 = %while3A_189 to %while3A_196 step %while3A_197 iter_args(%while3A_215 = %while3A_190) -> (i32)  : i32 {
          %dma_wait3A_216 = arith.constant 0 : i32
          %dma_wait3A_217 = arith.constant 0 : i32
          %dma_wait3A_218 = tpu.memref_slice %arg8[%dma_wait3A_216, %dma_wait3A_217] : memref<128x128xf32, #tpu.memory_space<vmem>> -> memref<8x128xf32, #tpu.memory_space<vmem>>
          %dma_wait3A_219 = arith.constant 0 : i32
          %dma_wait3A_220 = tpu.memref_slice %arg6[%dma_wait3A_219] : memref<4112xi32, #tpu.memory_space<vmem>> -> memref<8xi32, #tpu.memory_space<vmem>>
          %dma_wait3A_221 = arith.constant 0 : i32
          %dma_wait3A_222 = arith.constant 0 : i32
          %dma_wait3A_223 = tpu.memref_slice %arg3[%dma_wait3A_221, %dma_wait3A_222] : memref<20480x128xf32, #tpu.memory_space<hbm>> -> memref<20480x128xf32, #tpu.memory_space<hbm>>
          tpu.wait_indirect_dma semaphore(%arg10 : memref<!tpu.dma_semaphore, #tpu.memory_space<semaphore_mem>>) src(%dma_wait3A_223 : memref<20480x128xf32, #tpu.memory_space<hbm>>) dst(%dma_wait3A_218 : memref<8x128xf32, #tpu.memory_space<vmem>>)
          %while3A_224 = arith.constant 0 : i32
          scf.yield %while3A_224 : i32
        }
        %while3A_199 = arith.constant 1 : i32
        %while3A_200 = scf.for %while3A_214 = %while3A_196 to %while3A_192 step %while3A_199 iter_args(%while3A_215 = %while3A_198) -> (i32)  : i32 {
          %dma_wait3A_216 = arith.constant 0 : i32
          %dma_wait3A_217 = arith.constant 0 : i32
          %dma_wait3A_218 = tpu.memref_slice %arg8[%dma_wait3A_216, %dma_wait3A_217] : memref<128x128xf32, #tpu.memory_space<vmem>> -> memref<8x128xf32, #tpu.memory_space<vmem>>
          %dma_wait3A_219 = arith.constant 0 : i32
          %dma_wait3A_220 = tpu.memref_slice %arg6[%dma_wait3A_219] : memref<4112xi32, #tpu.memory_space<vmem>> -> memref<8xi32, #tpu.memory_space<vmem>>
          %dma_wait3A_221 = arith.constant 0 : i32
          %dma_wait3A_222 = arith.constant 0 : i32
          %dma_wait3A_223 = tpu.memref_slice %arg3[%dma_wait3A_221, %dma_wait3A_222] : memref<20480x128xf32, #tpu.memory_space<hbm>> -> memref<20480x128xf32, #tpu.memory_space<hbm>>
          tpu.wait_indirect_dma semaphore(%arg10 : memref<!tpu.dma_semaphore, #tpu.memory_space<semaphore_mem>>) src(%dma_wait3A_223 : memref<20480x128xf32, #tpu.memory_space<hbm>>) dst(%dma_wait3A_218 : memref<8x128xf32, #tpu.memory_space<vmem>>)
          %while3A_224 = arith.constant 0 : i32
          scf.yield %while3A_224 : i32
        }
        %while3A_201 = arith.constant 0 : i32
        %while3A_202 = arith.constant 0 : i32
        %while3A_203 = arith.subi %min3A_148, %while3A_201 : i32
        %while3A_204 = arith.addi %while3A_201, %while3A_203 : i32
        %while3A_205 = arith.constant 1 : i32
        %while3A_206 = arith.divsi %while3A_203, %while3A_205 : i32
        %while3A_207 = arith.muli %while3A_206, %while3A_205 : i32
        %while3A_208 = arith.addi %while3A_201, %while3A_207 : i32
        %while3A_209 = arith.constant 1 : i32
        %while3A_210 = scf.for %while3A_214 = %while3A_201 to %while3A_208 step %while3A_209 iter_args(%while3A_215 = %while3A_202) -> (i32)  : i32 {
          %mul3A_216 = arith.constant 128 : i32
          %mul3A_217 = arith.muli %while3A_143, %mul3A_216 : i32
          %add3A_218 = arith.addi %mul3A_217, %while3A_214 : i32
          %get3A = arith.index_cast %add3A_218 : i32 to index
          %get3A_219 = tpu.vector_load %arg7[%get3A] {strides = array<i32>} : memref<4112xi32, #tpu.memory_space<vmem>>, vector<16xi32>,
          %slice3A = vector.extract_strided_slice %get3A_219 {offsets = [0], sizes = [1], strides = [1]} : vector<16xi32> to vector<1xi32>
          %squeeze3A = vector.extract %slice3A[0] : i32 from vector<1xi32>
          %mul3A_220 = arith.constant 256 : i32
          %mul3A_221 = arith.muli %squeeze3A, %mul3A_220 : i32
          %get3A_222 = arith.index_cast %while3A_214 : i32 to index
          %get3A_223 = arith.constant 0 : index
          %get3A_224 = tpu.vector_load %arg8[%get3A_222, %get3A_223] {strides = array<i32>} : memref<128x128xf32, #tpu.memory_space<vmem>>, vector<16xf32>,
          %bitcast3A = vector.bitcast %get3A_224 : vector<16xf32> to vector<32xbf16>
          %unpack3A = tpu.unpack_subelements %bitcast3A, 0 {pack_format = #tpu.pack_format<interleaved>} : vector<32xbf16> -> vector<16xf32>
          %unpack3A_225 = tpu.unpack_subelements %bitcast3A, 1 {pack_format = #tpu.pack_format<interleaved>} : vector<32xbf16> -> vector<16xf32>
          %add3A_226 = arith.constant 0 : i32
          %add3A_227 = arith.addi %mul3A_221, %add3A_226 : i32
          %swap3A = arith.index_cast %add3A_227 : i32 to index
          %swap3A_228 = tpu.vector_load %arg9[%swap3A] {strides = array<i32>} : memref<81920xf32, #tpu.memory_space<vmem>>, vector<16xf32>,
          tpu.vector_store %arg9[%swap3A], %unpack3A {add = true, strides = array<i32>} : memref<81920xf32, #tpu.memory_space<vmem>>, vector<16xf32>,
          %add3A_229 = arith.constant 0 : i32
          %add3A_230 = arith.addi %mul3A_221, %add3A_229 : i32
          %add3A_231 = arith.constant 16 : i32
          %add3A_232 = arith.addi %add3A_230, %add3A_231 : i32
          %swap3A_233 = arith.index_cast %add3A_232 : i32 to index
          %swap3A_234 = tpu.vector_load %arg9[%swap3A_233] {strides = array<i32>} : memref<81920xf32, #tpu.memory_space<vmem>>, vector<16xf32>,
          tpu.vector_store %arg9[%swap3A_233], %unpack3A_225 {add = true, strides = array<i32>} : memref<81920xf32, #tpu.memory_space<vmem>>, vector<16xf32>,
          %get3A_235 = arith.index_cast %while3A_214 : i32 to index
          %get3A_236 = arith.constant 16 : index
          %get3A_237 = tpu.vector_load %arg8[%get3A_235, %get3A_236] {strides = array<i32>} : memref<128x128xf32, #tpu.memory_space<vmem>>, vector<16xf32>,
          %bitcast3A_238 = vector.bitcast %get3A_237 : vector<16xf32> to vector<32xbf16>
          %unpack3A_239 = tpu.unpack_subelements %bitcast3A_238, 0 {pack_format = #tpu.pack_format<interleaved>} : vector<32xbf16> -> vector<16xf32>
          %unpack3A_240 = tpu.unpack_subelements %bitcast3A_238, 1 {pack_format = #tpu.pack_format<interleaved>} : vector<32xbf16> -> vector<16xf32>
          %add3A_241 = arith.constant 32 : i32
          %add3A_242 = arith.addi %mul3A_221, %add3A_241 : i32
          %swap3A_243 = arith.index_cast %add3A_242 : i32 to index
          %swap3A_244 = tpu.vector_load %arg9[%swap3A_243] {strides = array<i32>} : memref<81920xf32, #tpu.memory_space<vmem>>, vector<16xf32>,
          tpu.vector_store %arg9[%swap3A_243], %unpack3A_239 {add = true, strides = array<i32>} : memref<81920xf32, #tpu.memory_space<vmem>>, vector<16xf32>,
          %add3A_245 = arith.constant 32 : i32
          %add3A_246 = arith.addi %mul3A_221, %add3A_245 : i32
          %add3A_247 = arith.constant 16 : i32
          %add3A_248 = arith.addi %add3A_246, %add3A_247 : i32
          %swap3A_249 = arith.index_cast %add3A_248 : i32 to index
          %swap3A_250 = tpu.vector_load %arg9[%swap3A_249] {strides = array<i32>} : memref<81920xf32, #tpu.memory_space<vmem>>, vector<16xf32>,
          tpu.vector_store %arg9[%swap3A_249], %unpack3A_240 {add = true, strides = array<i32>} : memref<81920xf32, #tpu.memory_space<vmem>>, vector<16xf32>,
          %get3A_251 = arith.index_cast %while3A_214 : i32 to index
          %get3A_252 = arith.constant 32 : index
          %get3A_253 = tpu.vector_load %arg8[%get3A_251, %get3A_252] {strides = array<i32>} : memref<128x128xf32, #tpu.memory_space<vmem>>, vector<16xf32>,
          %bitcast3A_254 = vector.bitcast %get3A_253 : vector<16xf32> to vector<32xbf16>
          %unpack3A_255 = tpu.unpack_subelements %bitcast3A_254, 0 {pack_format = #tpu.pack_format<interleaved>} : vector<32xbf16> -> vector<16xf32>
          %unpack3A_256 = tpu.unpack_subelements %bitcast3A_254, 1 {pack_format = #tpu.pack_format<interleaved>} : vector<32xbf16> -> vector<16xf32>
          %add3A_257 = arith.constant 64 : i32
          %add3A_258 = arith.addi %mul3A_221, %add3A_257 : i32
          %swap3A_259 = arith.index_cast %add3A_258 : i32 to index
          %swap3A_260 = tpu.vector_load %arg9[%swap3A_259] {strides = array<i32>} : memref<81920xf32, #tpu.memory_space<vmem>>, vector<16xf32>,
          tpu.vector_store %arg9[%swap3A_259], %unpack3A_255 {add = true, strides = array<i32>} : memref<81920xf32, #tpu.memory_space<vmem>>, vector<16xf32>,
          %add3A_261 = arith.constant 64 : i32
          %add3A_262 = arith.addi %mul3A_221, %add3A_261 : i32
          %add3A_263 = arith.constant 16 : i32
          %add3A_264 = arith.addi %add3A_262, %add3A_263 : i32
          %swap3A_265 = arith.index_cast %add3A_264 : i32 to index
          %swap3A_266 = tpu.vector_load %arg9[%swap3A_265] {strides = array<i32>} : memref<81920xf32, #tpu.memory_space<vmem>>, vector<16xf32>,
          tpu.vector_store %arg9[%swap3A_265], %unpack3A_256 {add = true, strides = array<i32>} : memref<81920xf32, #tpu.memory_space<vmem>>, vector<16xf32>,
          %get3A_267 = arith.index_cast %while3A_214 : i32 to index
          %get3A_268 = arith.constant 48 : index
          %get3A_269 = tpu.vector_load %arg8[%get3A_267, %get3A_268] {strides = array<i32>} : memref<128x128xf32, #tpu.memory_space<vmem>>, vector<16xf32>,
          %bitcast3A_270 = vector.bitcast %get3A_269 : vector<16xf32> to vector<32xbf16>
          %unpack3A_271 = tpu.unpack_subelements %bitcast3A_270, 0 {pack_format = #tpu.pack_format<interleaved>} : vector<32xbf16> -> vector<16xf32>
          %unpack3A_272 = tpu.unpack_subelements %bitcast3A_270, 1 {pack_format = #tpu.pack_format<interleaved>} : vector<32xbf16> -> vector<16xf32>
          %add3A_273 = arith.constant 96 : i32
          %add3A_274 = arith.addi %mul3A_221, %add3A_273 : i32
          %swap3A_275 = arith.index_cast %add3A_274 : i32 to index
          %swap3A_276 = tpu.vector_load %arg9[%swap3A_275] {strides = array<i32>} : memref<81920xf32, #tpu.memory_space<vmem>>, vector<16xf32>,
          tpu.vector_store %arg9[%swap3A_275], %unpack3A_271 {add = true, strides = array<i32>} : memref<81920xf32, #tpu.memory_space<vmem>>, vector<16xf32>,
          %add3A_277 = arith.constant 96 : i32
          %add3A_278 = arith.addi %mul3A_221, %add3A_277 : i32
          %add3A_279 = arith.constant 16 : i32
          %add3A_280 = arith.addi %add3A_278, %add3A_279 : i32
          %swap3A_281 = arith.index_cast %add3A_280 : i32 to index
          %swap3A_282 = tpu.vector_load %arg9[%swap3A_281] {strides = array<i32>} : memref<81920xf32, #tpu.memory_space<vmem>>, vector<16xf32>,
          tpu.vector_store %arg9[%swap3A_281], %unpack3A_272 {add = true, strides = array<i32>} : memref<81920xf32, #tpu.memory_space<vmem>>, vector<16xf32>,
          %get3A_283 = arith.index_cast %while3A_214 : i32 to index
          %get3A_284 = arith.constant 64 : index
          %get3A_285 = tpu.vector_load %arg8[%get3A_283, %get3A_284] {strides = array<i32>} : memref<128x128xf32, #tpu.memory_space<vmem>>, vector<16xf32>,
          %bitcast3A_286 = vector.bitcast %get3A_285 : vector<16xf32> to vector<32xbf16>
          %unpack3A_287 = tpu.unpack_subelements %bitcast3A_286, 0 {pack_format = #tpu.pack_format<interleaved>} : vector<32xbf16> -> vector<16xf32>
          %unpack3A_288 = tpu.unpack_subelements %bitcast3A_286, 1 {pack_format = #tpu.pack_format<interleaved>} : vector<32xbf16> -> vector<16xf32>
          %add3A_289 = arith.constant 128 : i32
          %add3A_290 = arith.addi %mul3A_221, %add3A_289 : i32
          %swap3A_291 = arith.index_cast %add3A_290 : i32 to index
          %swap3A_292 = tpu.vector_load %arg9[%swap3A_291] {strides = array<i32>} : memref<81920xf32, #tpu.memory_space<vmem>>, vector<16xf32>,
          tpu.vector_store %arg9[%swap3A_291], %unpack3A_287 {add = true, strides = array<i32>} : memref<81920xf32, #tpu.memory_space<vmem>>, vector<16xf32>,
          %add3A_293 = arith.constant 128 : i32
          %add3A_294 = arith.addi %mul3A_221, %add3A_293 : i32
          %add3A_295 = arith.constant 16 : i32
          %add3A_296 = arith.addi %add3A_294, %add3A_295 : i32
          %swap3A_297 = arith.index_cast %add3A_296 : i32 to index
          %swap3A_298 = tpu.vector_load %arg9[%swap3A_297] {strides = array<i32>} : memref<81920xf32, #tpu.memory_space<vmem>>, vector<16xf32>,
          tpu.vector_store %arg9[%swap3A_297], %unpack3A_288 {add = true, strides = array<i32>} : memref<81920xf32, #tpu.memory_space<vmem>>, vector<16xf32>,
          %get3A_299 = arith.index_cast %while3A_214 : i32 to index
          %get3A_300 = arith.constant 80 : index
          %get3A_301 = tpu.vector_load %arg8[%get3A_299, %get3A_300] {strides = array<i32>} : memref<128x128xf32, #tpu.memory_space<vmem>>, vector<16xf32>,
          %bitcast3A_302 = vector.bitcast %get3A_301 : vector<16xf32> to vector<32xbf16>
          %unpack3A_303 = tpu.unpack_subelements %bitcast3A_302, 0 {pack_format = #tpu.pack_format<interleaved>} : vector<32xbf16> -> vector<16xf32>
          %unpack3A_304 = tpu.unpack_subelements %bitcast3A_302, 1 {pack_format = #tpu.pack_format<interleaved>} : vector<32xbf16> -> vector<16xf32>
          %add3A_305 = arith.constant 160 : i32
          %add3A_306 = arith.addi %mul3A_221, %add3A_305 : i32
          %swap3A_307 = arith.index_cast %add3A_306 : i32 to index
          %swap3A_308 = tpu.vector_load %arg9[%swap3A_307] {strides = array<i32>} : memref<81920xf32, #tpu.memory_space<vmem>>, vector<16xf32>,
          tpu.vector_store %arg9[%swap3A_307], %unpack3A_303 {add = true, strides = array<i32>} : memref<81920xf32, #tpu.memory_space<vmem>>, vector<16xf32>,
          %add3A_309 = arith.constant 160 : i32
          %add3A_310 = arith.addi %mul3A_221, %add3A_309 : i32
          %add3A_311 = arith.constant 16 : i32
          %add3A_312 = arith.addi %add3A_310, %add3A_311 : i32
          %swap3A_313 = arith.index_cast %add3A_312 : i32 to index
          %swap3A_314 = tpu.vector_load %arg9[%swap3A_313] {strides = array<i32>} : memref<81920xf32, #tpu.memory_space<vmem>>, vector<16xf32>,
          tpu.vector_store %arg9[%swap3A_313], %unpack3A_304 {add = true, strides = array<i32>} : memref<81920xf32, #tpu.memory_space<vmem>>, vector<16xf32>,
          %get3A_315 = arith.index_cast %while3A_214 : i32 to index
          %get3A_316 = arith.constant 96 : index
          %get3A_317 = tpu.vector_load %arg8[%get3A_315, %get3A_316] {strides = array<i32>} : memref<128x128xf32, #tpu.memory_space<vmem>>, vector<16xf32>,
          %bitcast3A_318 = vector.bitcast %get3A_317 : vector<16xf32> to vector<32xbf16>
          %unpack3A_319 = tpu.unpack_subelements %bitcast3A_318, 0 {pack_format = #tpu.pack_format<interleaved>} : vector<32xbf16> -> vector<16xf32>
          %unpack3A_320 = tpu.unpack_subelements %bitcast3A_318, 1 {pack_format = #tpu.pack_format<interleaved>} : vector<32xbf16> -> vector<16xf32>
          %add3A_321 = arith.constant 192 : i32
          %add3A_322 = arith.addi %mul3A_221, %add3A_321 : i32
          %swap3A_323 = arith.index_cast %add3A_322 : i32 to index
          %swap3A_324 = tpu.vector_load %arg9[%swap3A_323] {strides = array<i32>} : memref<81920xf32, #tpu.memory_space<vmem>>, vector<16xf32>,
          tpu.vector_store %arg9[%swap3A_323], %unpack3A_319 {add = true, strides = array<i32>} : memref<81920xf32, #tpu.memory_space<vmem>>, vector<16xf32>,
          %add3A_325 = arith.constant 192 : i32
          %add3A_326 = arith.addi %mul3A_221, %add3A_325 : i32
          %add3A_327 = arith.constant 16 : i32
          %add3A_328 = arith.addi %add3A_326, %add3A_327 : i32
          %swap3A_329 = arith.index_cast %add3A_328 : i32 to index
          %swap3A_330 = tpu.vector_load %arg9[%swap3A_329] {strides = array<i32>} : memref<81920xf32, #tpu.memory_space<vmem>>, vector<16xf32>,
          tpu.vector_store %arg9[%swap3A_329], %unpack3A_320 {add = true, strides = array<i32>} : memref<81920xf32, #tpu.memory_space<vmem>>, vector<16xf32>,
          %get3A_331 = arith.index_cast %while3A_214 : i32 to index
          %get3A_332 = arith.constant 112 : index
          %get3A_333 = tpu.vector_load %arg8[%get3A_331, %get3A_332] {strides = array<i32>} : memref<128x128xf32, #tpu.memory_space<vmem>>, vector<16xf32>,
          %bitcast3A_334 = vector.bitcast %get3A_333 : vector<16xf32> to vector<32xbf16>
          %unpack3A_335 = tpu.unpack_subelements %bitcast3A_334, 0 {pack_format = #tpu.pack_format<interleaved>} : vector<32xbf16> -> vector<16xf32>
          %unpack3A_336 = tpu.unpack_subelements %bitcast3A_334, 1 {pack_format = #tpu.pack_format<interleaved>} : vector<32xbf16> -> vector<16xf32>
          %add3A_337 = arith.constant 224 : i32
          %add3A_338 = arith.addi %mul3A_221, %add3A_337 : i32
          %swap3A_339 = arith.index_cast %add3A_338 : i32 to index
          %swap3A_340 = tpu.vector_load %arg9[%swap3A_339] {strides = array<i32>} : memref<81920xf32, #tpu.memory_space<vmem>>, vector<16xf32>,
          tpu.vector_store %arg9[%swap3A_339], %unpack3A_335 {add = true, strides = array<i32>} : memref<81920xf32, #tpu.memory_space<vmem>>, vector<16xf32>,
          %add3A_341 = arith.constant 224 : i32
          %add3A_342 = arith.addi %mul3A_221, %add3A_341 : i32
          %add3A_343 = arith.constant 16 : i32
          %add3A_344 = arith.addi %add3A_342, %add3A_343 : i32
          %swap3A_345 = arith.index_cast %add3A_344 : i32 to index
          %swap3A_346 = tpu.vector_load %arg9[%swap3A_345] {strides = array<i32>} : memref<81920xf32, #tpu.memory_space<vmem>>, vector<16xf32>,
          tpu.vector_store %arg9[%swap3A_345], %unpack3A_336 {add = true, strides = array<i32>} : memref<81920xf32, #tpu.memory_space<vmem>>, vector<16xf32>,
          %while3A_347 = arith.constant 0 : i32
          scf.yield %while3A_347 : i32
        }
        %while3A_211 = arith.constant 1 : i32
        %while3A_212 = scf.for %while3A_214 = %while3A_208 to %while3A_204 step %while3A_211 iter_args(%while3A_215 = %while3A_210) -> (i32)  : i32 {
          %mul3A_216 = arith.constant 128 : i32
          %mul3A_217 = arith.muli %while3A_143, %mul3A_216 : i32
          %add3A_218 = arith.addi %mul3A_217, %while3A_214 : i32
          %get3A = arith.index_cast %add3A_218 : i32 to index
          %get3A_219 = tpu.vector_load %arg7[%get3A] {strides = array<i32>} : memref<4112xi32, #tpu.memory_space<vmem>>, vector<16xi32>,
          %slice3A = vector.extract_strided_slice %get3A_219 {offsets = [0], sizes = [1], strides = [1]} : vector<16xi32> to vector<1xi32>
          %squeeze3A = vector.extract %slice3A[0] : i32 from vector<1xi32>
          %mul3A_220 = arith.constant 256 : i32
          %mul3A_221 = arith.muli %squeeze3A, %mul3A_220 : i32
          %get3A_222 = arith.index_cast %while3A_214 : i32 to index
          %get3A_223 = arith.constant 0 : index
          %get3A_224 = tpu.vector_load %arg8[%get3A_222, %get3A_223] {strides = array<i32>} : memref<128x128xf32, #tpu.memory_space<vmem>>, vector<16xf32>,
          %bitcast3A = vector.bitcast %get3A_224 : vector<16xf32> to vector<32xbf16>
          %unpack3A = tpu.unpack_subelements %bitcast3A, 0 {pack_format = #tpu.pack_format<interleaved>} : vector<32xbf16> -> vector<16xf32>
          %unpack3A_225 = tpu.unpack_subelements %bitcast3A, 1 {pack_format = #tpu.pack_format<interleaved>} : vector<32xbf16> -> vector<16xf32>
          %add3A_226 = arith.constant 0 : i32
          %add3A_227 = arith.addi %mul3A_221, %add3A_226 : i32
          %swap3A = arith.index_cast %add3A_227 : i32 to index
          %swap3A_228 = tpu.vector_load %arg9[%swap3A] {strides = array<i32>} : memref<81920xf32, #tpu.memory_space<vmem>>, vector<16xf32>,
          tpu.vector_store %arg9[%swap3A], %unpack3A {add = true, strides = array<i32>} : memref<81920xf32, #tpu.memory_space<vmem>>, vector<16xf32>,
          %add3A_229 = arith.constant 0 : i32
          %add3A_230 = arith.addi %mul3A_221, %add3A_229 : i32
          %add3A_231 = arith.constant 16 : i32
          %add3A_232 = arith.addi %add3A_230, %add3A_231 : i32
          %swap3A_233 = arith.index_cast %add3A_232 : i32 to index
          %swap3A_234 = tpu.vector_load %arg9[%swap3A_233] {strides = array<i32>} : memref<81920xf32, #tpu.memory_space<vmem>>, vector<16xf32>,
          tpu.vector_store %arg9[%swap3A_233], %unpack3A_225 {add = true, strides = array<i32>} : memref<81920xf32, #tpu.memory_space<vmem>>, vector<16xf32>,
          %get3A_235 = arith.index_cast %while3A_214 : i32 to index
          %get3A_236 = arith.constant 16 : index
          %get3A_237 = tpu.vector_load %arg8[%get3A_235, %get3A_236] {strides = array<i32>} : memref<128x128xf32, #tpu.memory_space<vmem>>, vector<16xf32>,
          %bitcast3A_238 = vector.bitcast %get3A_237 : vector<16xf32> to vector<32xbf16>
          %unpack3A_239 = tpu.unpack_subelements %bitcast3A_238, 0 {pack_format = #tpu.pack_format<interleaved>} : vector<32xbf16> -> vector<16xf32>
          %unpack3A_240 = tpu.unpack_subelements %bitcast3A_238, 1 {pack_format = #tpu.pack_format<interleaved>} : vector<32xbf16> -> vector<16xf32>
          %add3A_241 = arith.constant 32 : i32
          %add3A_242 = arith.addi %mul3A_221, %add3A_241 : i32
          %swap3A_243 = arith.index_cast %add3A_242 : i32 to index
          %swap3A_244 = tpu.vector_load %arg9[%swap3A_243] {strides = array<i32>} : memref<81920xf32, #tpu.memory_space<vmem>>, vector<16xf32>,
          tpu.vector_store %arg9[%swap3A_243], %unpack3A_239 {add = true, strides = array<i32>} : memref<81920xf32, #tpu.memory_space<vmem>>, vector<16xf32>,
          %add3A_245 = arith.constant 32 : i32
          %add3A_246 = arith.addi %mul3A_221, %add3A_245 : i32
          %add3A_247 = arith.constant 16 : i32
          %add3A_248 = arith.addi %add3A_246, %add3A_247 : i32
          %swap3A_249 = arith.index_cast %add3A_248 : i32 to index
          %swap3A_250 = tpu.vector_load %arg9[%swap3A_249] {strides = array<i32>} : memref<81920xf32, #tpu.memory_space<vmem>>, vector<16xf32>,
          tpu.vector_store %arg9[%swap3A_249], %unpack3A_240 {add = true, strides = array<i32>} : memref<81920xf32, #tpu.memory_space<vmem>>, vector<16xf32>,
          %get3A_251 = arith.index_cast %while3A_214 : i32 to index
          %get3A_252 = arith.constant 32 : index
          %get3A_253 = tpu.vector_load %arg8[%get3A_251, %get3A_252] {strides = array<i32>} : memref<128x128xf32, #tpu.memory_space<vmem>>, vector<16xf32>,
          %bitcast3A_254 = vector.bitcast %get3A_253 : vector<16xf32> to vector<32xbf16>
          %unpack3A_255 = tpu.unpack_subelements %bitcast3A_254, 0 {pack_format = #tpu.pack_format<interleaved>} : vector<32xbf16> -> vector<16xf32>
          %unpack3A_256 = tpu.unpack_subelements %bitcast3A_254, 1 {pack_format = #tpu.pack_format<interleaved>} : vector<32xbf16> -> vector<16xf32>
          %add3A_257 = arith.constant 64 : i32
          %add3A_258 = arith.addi %mul3A_221, %add3A_257 : i32
          %swap3A_259 = arith.index_cast %add3A_258 : i32 to index
          %swap3A_260 = tpu.vector_load %arg9[%swap3A_259] {strides = array<i32>} : memref<81920xf32, #tpu.memory_space<vmem>>, vector<16xf32>,
          tpu.vector_store %arg9[%swap3A_259], %unpack3A_255 {add = true, strides = array<i32>} : memref<81920xf32, #tpu.memory_space<vmem>>, vector<16xf32>,
          %add3A_261 = arith.constant 64 : i32
          %add3A_262 = arith.addi %mul3A_221, %add3A_261 : i32
          %add3A_263 = arith.constant 16 : i32
          %add3A_264 = arith.addi %add3A_262, %add3A_263 : i32
          %swap3A_265 = arith.index_cast %add3A_264 : i32 to index
          %swap3A_266 = tpu.vector_load %arg9[%swap3A_265] {strides = array<i32>} : memref<81920xf32, #tpu.memory_space<vmem>>, vector<16xf32>,
          tpu.vector_store %arg9[%swap3A_265], %unpack3A_256 {add = true, strides = array<i32>} : memref<81920xf32, #tpu.memory_space<vmem>>, vector<16xf32>,
          %get3A_267 = arith.index_cast %while3A_214 : i32 to index
          %get3A_268 = arith.constant 48 : index
          %get3A_269 = tpu.vector_load %arg8[%get3A_267, %get3A_268] {strides = array<i32>} : memref<128x128xf32, #tpu.memory_space<vmem>>, vector<16xf32>,
          %bitcast3A_270 = vector.bitcast %get3A_269 : vector<16xf32> to vector<32xbf16>
          %unpack3A_271 = tpu.unpack_subelements %bitcast3A_270, 0 {pack_format = #tpu.pack_format<interleaved>} : vector<32xbf16> -> vector<16xf32>
          %unpack3A_272 = tpu.unpack_subelements %bitcast3A_270, 1 {pack_format = #tpu.pack_format<interleaved>} : vector<32xbf16> -> vector<16xf32>
          %add3A_273 = arith.constant 96 : i32
          %add3A_274 = arith.addi %mul3A_221, %add3A_273 : i32
          %swap3A_275 = arith.index_cast %add3A_274 : i32 to index
          %swap3A_276 = tpu.vector_load %arg9[%swap3A_275] {strides = array<i32>} : memref<81920xf32, #tpu.memory_space<vmem>>, vector<16xf32>,
          tpu.vector_store %arg9[%swap3A_275], %unpack3A_271 {add = true, strides = array<i32>} : memref<81920xf32, #tpu.memory_space<vmem>>, vector<16xf32>,
          %add3A_277 = arith.constant 96 : i32
          %add3A_278 = arith.addi %mul3A_221, %add3A_277 : i32
          %add3A_279 = arith.constant 16 : i32
          %add3A_280 = arith.addi %add3A_278, %add3A_279 : i32
          %swap3A_281 = arith.index_cast %add3A_280 : i32 to index
          %swap3A_282 = tpu.vector_load %arg9[%swap3A_281] {strides = array<i32>} : memref<81920xf32, #tpu.memory_space<vmem>>, vector<16xf32>,
          tpu.vector_store %arg9[%swap3A_281], %unpack3A_272 {add = true, strides = array<i32>} : memref<81920xf32, #tpu.memory_space<vmem>>, vector<16xf32>,
          %get3A_283 = arith.index_cast %while3A_214 : i32 to index
          %get3A_284 = arith.constant 64 : index
          %get3A_285 = tpu.vector_load %arg8[%get3A_283, %get3A_284] {strides = array<i32>} : memref<128x128xf32, #tpu.memory_space<vmem>>, vector<16xf32>,
          %bitcast3A_286 = vector.bitcast %get3A_285 : vector<16xf32> to vector<32xbf16>
          %unpack3A_287 = tpu.unpack_subelements %bitcast3A_286, 0 {pack_format = #tpu.pack_format<interleaved>} : vector<32xbf16> -> vector<16xf32>
          %unpack3A_288 = tpu.unpack_subelements %bitcast3A_286, 1 {pack_format = #tpu.pack_format<interleaved>} : vector<32xbf16> -> vector<16xf32>
          %add3A_289 = arith.constant 128 : i32
          %add3A_290 = arith.addi %mul3A_221, %add3A_289 : i32
          %swap3A_291 = arith.index_cast %add3A_290 : i32 to index
          %swap3A_292 = tpu.vector_load %arg9[%swap3A_291] {strides = array<i32>} : memref<81920xf32, #tpu.memory_space<vmem>>, vector<16xf32>,
          tpu.vector_store %arg9[%swap3A_291], %unpack3A_287 {add = true, strides = array<i32>} : memref<81920xf32, #tpu.memory_space<vmem>>, vector<16xf32>,
          %add3A_293 = arith.constant 128 : i32
          %add3A_294 = arith.addi %mul3A_221, %add3A_293 : i32
          %add3A_295 = arith.constant 16 : i32
          %add3A_296 = arith.addi %add3A_294, %add3A_295 : i32
          %swap3A_297 = arith.index_cast %add3A_296 : i32 to index
          %swap3A_298 = tpu.vector_load %arg9[%swap3A_297] {strides = array<i32>} : memref<81920xf32, #tpu.memory_space<vmem>>, vector<16xf32>,
          tpu.vector_store %arg9[%swap3A_297], %unpack3A_288 {add = true, strides = array<i32>} : memref<81920xf32, #tpu.memory_space<vmem>>, vector<16xf32>,
          %get3A_299 = arith.index_cast %while3A_214 : i32 to index
          %get3A_300 = arith.constant 80 : index
          %get3A_301 = tpu.vector_load %arg8[%get3A_299, %get3A_300] {strides = array<i32>} : memref<128x128xf32, #tpu.memory_space<vmem>>, vector<16xf32>,
          %bitcast3A_302 = vector.bitcast %get3A_301 : vector<16xf32> to vector<32xbf16>
          %unpack3A_303 = tpu.unpack_subelements %bitcast3A_302, 0 {pack_format = #tpu.pack_format<interleaved>} : vector<32xbf16> -> vector<16xf32>
          %unpack3A_304 = tpu.unpack_subelements %bitcast3A_302, 1 {pack_format = #tpu.pack_format<interleaved>} : vector<32xbf16> -> vector<16xf32>
          %add3A_305 = arith.constant 160 : i32
          %add3A_306 = arith.addi %mul3A_221, %add3A_305 : i32
          %swap3A_307 = arith.index_cast %add3A_306 : i32 to index
          %swap3A_308 = tpu.vector_load %arg9[%swap3A_307] {strides = array<i32>} : memref<81920xf32, #tpu.memory_space<vmem>>, vector<16xf32>,
          tpu.vector_store %arg9[%swap3A_307], %unpack3A_303 {add = true, strides = array<i32>} : memref<81920xf32, #tpu.memory_space<vmem>>, vector<16xf32>,
          %add3A_309 = arith.constant 160 : i32
          %add3A_310 = arith.addi %mul3A_221, %add3A_309 : i32
          %add3A_311 = arith.constant 16 : i32
          %add3A_312 = arith.addi %add3A_310, %add3A_311 : i32
          %swap3A_313 = arith.index_cast %add3A_312 : i32 to index
          %swap3A_314 = tpu.vector_load %arg9[%swap3A_313] {strides = array<i32>} : memref<81920xf32, #tpu.memory_space<vmem>>, vector<16xf32>,
          tpu.vector_store %arg9[%swap3A_313], %unpack3A_304 {add = true, strides = array<i32>} : memref<81920xf32, #tpu.memory_space<vmem>>, vector<16xf32>,
          %get3A_315 = arith.index_cast %while3A_214 : i32 to index
          %get3A_316 = arith.constant 96 : index
          %get3A_317 = tpu.vector_load %arg8[%get3A_315, %get3A_316] {strides = array<i32>} : memref<128x128xf32, #tpu.memory_space<vmem>>, vector<16xf32>,
          %bitcast3A_318 = vector.bitcast %get3A_317 : vector<16xf32> to vector<32xbf16>
          %unpack3A_319 = tpu.unpack_subelements %bitcast3A_318, 0 {pack_format = #tpu.pack_format<interleaved>} : vector<32xbf16> -> vector<16xf32>
          %unpack3A_320 = tpu.unpack_subelements %bitcast3A_318, 1 {pack_format = #tpu.pack_format<interleaved>} : vector<32xbf16> -> vector<16xf32>
          %add3A_321 = arith.constant 192 : i32
          %add3A_322 = arith.addi %mul3A_221, %add3A_321 : i32
          %swap3A_323 = arith.index_cast %add3A_322 : i32 to index
          %swap3A_324 = tpu.vector_load %arg9[%swap3A_323] {strides = array<i32>} : memref<81920xf32, #tpu.memory_space<vmem>>, vector<16xf32>,
          tpu.vector_store %arg9[%swap3A_323], %unpack3A_319 {add = true, strides = array<i32>} : memref<81920xf32, #tpu.memory_space<vmem>>, vector<16xf32>,
          %add3A_325 = arith.constant 192 : i32
          %add3A_326 = arith.addi %mul3A_221, %add3A_325 : i32
          %add3A_327 = arith.constant 16 : i32
          %add3A_328 = arith.addi %add3A_326, %add3A_327 : i32
          %swap3A_329 = arith.index_cast %add3A_328 : i32 to index
          %swap3A_330 = tpu.vector_load %arg9[%swap3A_329] {strides = array<i32>} : memref<81920xf32, #tpu.memory_space<vmem>>, vector<16xf32>,
          tpu.vector_store %arg9[%swap3A_329], %unpack3A_320 {add = true, strides = array<i32>} : memref<81920xf32, #tpu.memory_space<vmem>>, vector<16xf32>,
          %get3A_331 = arith.index_cast %while3A_214 : i32 to index
          %get3A_332 = arith.constant 112 : index
          %get3A_333 = tpu.vector_load %arg8[%get3A_331, %get3A_332] {strides = array<i32>} : memref<128x128xf32, #tpu.memory_space<vmem>>, vector<16xf32>,
          %bitcast3A_334 = vector.bitcast %get3A_333 : vector<16xf32> to vector<32xbf16>
          %unpack3A_335 = tpu.unpack_subelements %bitcast3A_334, 0 {pack_format = #tpu.pack_format<interleaved>} : vector<32xbf16> -> vector<16xf32>
          %unpack3A_336 = tpu.unpack_subelements %bitcast3A_334, 1 {pack_format = #tpu.pack_format<interleaved>} : vector<32xbf16> -> vector<16xf32>
          %add3A_337 = arith.constant 224 : i32
          %add3A_338 = arith.addi %mul3A_221, %add3A_337 : i32
          %swap3A_339 = arith.index_cast %add3A_338 : i32 to index
          %swap3A_340 = tpu.vector_load %arg9[%swap3A_339] {strides = array<i32>} : memref<81920xf32, #tpu.memory_space<vmem>>, vector<16xf32>,
          tpu.vector_store %arg9[%swap3A_339], %unpack3A_335 {add = true, strides = array<i32>} : memref<81920xf32, #tpu.memory_space<vmem>>, vector<16xf32>,
          %add3A_341 = arith.constant 224 : i32
          %add3A_342 = arith.addi %mul3A_221, %add3A_341 : i32
          %add3A_343 = arith.constant 16 : i32
          %add3A_344 = arith.addi %add3A_342, %add3A_343 : i32
          %swap3A_345 = arith.index_cast %add3A_344 : i32 to index
          %swap3A_346 = tpu.vector_load %arg9[%swap3A_345] {strides = array<i32>} : memref<81920xf32, #tpu.memory_space<vmem>>, vector<16xf32>,
          tpu.vector_store %arg9[%swap3A_345], %unpack3A_336 {add = true, strides = array<i32>} : memref<81920xf32, #tpu.memory_space<vmem>>, vector<16xf32>,
          %while3A_347 = arith.constant 0 : i32
          scf.yield %while3A_347 : i32
        }
        %while3A_213 = arith.constant 0 : i32
        scf.yield %while3A_213 : i32
      }
      %scan3A_142 = arith.constant 0 : i32
      scf.yield %scan3A_142 : i32
    }
    %scan3A_76 = arith.constant 40 : i32
    %mul3A_77 = arith.constant 256 : i32
    %mul3A_78 = arith.muli %mul3A_44, %mul3A_77 : i32
    "tpu.region"() ({
      %run_scoped3A = tpu.sem_alloc : memref<!tpu.dma_semaphore, #tpu.memory_space<semaphore_mem>>
      %dma_start3A_79 = tpu.memref_slice %arg4[%arg0, %mul3A_78] : memref<2x2621440xf32, #tpu.memory_space<hbm>> -> memref<1x81920xf32, #tpu.memory_space<hbm>>
      %dma_start3A_80 = tpu.memref_squeeze %dma_start3A_79 : memref<1x81920xf32, #tpu.memory_space<hbm>> -> memref<81920xf32, #tpu.memory_space<hbm>>
      %dma_start3A_81 = tpu.memref_slice %arg4[%arg0, %mul3A_78] : memref<2x2621440xf32, #tpu.memory_space<hbm>> -> memref<1x81920xf32, #tpu.memory_space<hbm>>
      %dma_start3A_82 = tpu.memref_squeeze %dma_start3A_81 : memref<1x81920xf32, #tpu.memory_space<hbm>> -> memref<81920xf32, #tpu.memory_space<hbm>>
      tpu.enqueue_dma source(%arg9 : memref<81920xf32, #tpu.memory_space<vmem>>) target(%dma_start3A_82 : memref<81920xf32, #tpu.memory_space<hbm>>) target_semaphore(%run_scoped3A : memref<!tpu.dma_semaphore, #tpu.memory_space<semaphore_mem>>)
      %dma_wait3A = tpu.memref_slice %arg4[%arg0, %mul3A_78] : memref<2x2621440xf32, #tpu.memory_space<hbm>> -> memref<1x81920xf32, #tpu.memory_space<hbm>>
      %dma_wait3A_83 = tpu.memref_squeeze %dma_wait3A : memref<1x81920xf32, #tpu.memory_space<hbm>> -> memref<81920xf32, #tpu.memory_space<hbm>>
      %dma_wait3A_84 = tpu.memref_slice %arg4[%arg0, %mul3A_78] : memref<2x2621440xf32, #tpu.memory_space<hbm>> -> memref<1x81920xf32, #tpu.memory_space<hbm>>
      %dma_wait3A_85 = tpu.memref_squeeze %dma_wait3A_84 : memref<1x81920xf32, #tpu.memory_space<hbm>> -> memref<81920xf32, #tpu.memory_space<hbm>>
      tpu.wait_dma2 semaphore(%run_scoped3A : memref<!tpu.dma_semaphore, #tpu.memory_space<semaphore_mem>>) src(%arg9 : memref<81920xf32, #tpu.memory_space<vmem>>) dst(%dma_wait3A_85 : memref<81920xf32, #tpu.memory_space<hbm>>)
      tpu.yield
    }) : () -> ()
    return
  }
}

module attributes {stable_mosaic.version = 14 : i64} {
  func.func @_matmul_body(%arg0: i32, %arg1: i32, %arg2: memref<256x256xf32, #tpu.memory_space<vmem>>, %arg3: memref<1x256x256xf32, #tpu.memory_space<vmem>>, %arg4: memref<1x256x1xf32, #tpu.memory_space<vmem>>, %arg5: memref<1x256x256xbf16, #tpu.memory_space<vmem>>) attributes {dimension_semantics = [#tpu.dimension_semantics<arbitrary>, #tpu.dimension_semantics<arbitrary>], iteration_bounds = array<i64: 2, 40>, scalar_prefetch = 0 : i64, scratch_operands = 0 : i64, tpu.core_type = #tpu.core_type<tc>, window_params = [{transform_indices = @transform_0, window_bounds = array<i64: 256, 256>}, {transform_indices = @transform_1, window_bounds = array<i64: 1, 256, 256>}, {transform_indices = @transform_2, window_bounds = array<i64: 1, 256, 1>}, {transform_indices = @transform_3, window_bounds = array<i64: 1, 256, 256>}]} {
    %get3A = arith.constant 0 : index
    %get3A_0 = arith.constant 0 : index
    %get3A_1 = vector.load %arg2[%get3A, %get3A_0] : memref<256x256xf32, #tpu.memory_space<vmem>>, vector<256x256xf32>
    %get3A_2 = arith.constant 0 : index
    %get3A_3 = arith.constant 0 : index
    %get3A_4 = arith.constant 0 : index
    %get3A_5 = vector.load %arg3[%get3A_2, %get3A_3, %get3A_4] : memref<1x256x256xf32, #tpu.memory_space<vmem>>, vector<1x256x256xf32>
    %get3A_6 = vector.shape_cast %get3A_5 : vector<1x256x256xf32> to vector<256x256xf32>
    %dot_general3A = arith.constant dense<0.000000e+00> : vector<256x256xf32>
    %dot_general3A_7 = tpu.matmul %get3A_1, %get3A_6, %dot_general3A {dimension_numbers = #tpu.dot_dimension_numbers<[1], [0], [0], [1], [0, 0, 1, 1], [], []>, transpose_lhs_hint = false} : vector<256x256xf32>, vector<256x256xf32>, vector<256x256xf32> -> vector<256x256xf32>
    %get3A_8 = arith.constant 0 : index
    %get3A_9 = arith.constant 0 : index
    %get3A_10 = arith.constant 0 : index
    %get3A_11 = vector.load %arg4[%get3A_8, %get3A_9, %get3A_10] : memref<1x256x1xf32, #tpu.memory_space<vmem>>, vector<1x256x1xf32>
    %reshape3A = vector.shape_cast %get3A_11 : vector<1x256x1xf32> to vector<256x1xf32>
    %gt3A = arith.constant 0.000000e+00 : f32
    %gt3A_12 = vector.broadcast %gt3A : f32 to vector<256x1xf32>
    %gt3A_13 = arith.cmpf ogt, %reshape3A, %gt3A_12 : vector<256x1xf32>
    %max3A = arith.constant 9.99999996E-13 : f32
    %max3A_14 = vector.broadcast %max3A : f32 to vector<256x1xf32>
    %max3A_15 = arith.maximumf %reshape3A, %max3A_14 : vector<256x1xf32>
    %rsqrt3A = math.rsqrt %max3A_15 : vector<256x1xf32>
    %jit3A = arith.constant 0.000000e+00 : f32
    %broadcast_in_dim3A = vector.broadcast %jit3A : f32 to vector<256x1xf32>
    %select_n3A = arith.select %gt3A_13, %rsqrt3A, %broadcast_in_dim3A : vector<256x1xi1>, vector<256x1xf32>
    %mul3A = vector.broadcast %select_n3A : vector<256x1xf32> to vector<256x256xf32>
    %mul3A_16 = arith.mulf %dot_general3A_7, %mul3A : vector<256x256xf32>
    %convert_element_type3A = arith.truncf %mul3A_16 : vector<256x256xf32> to vector<256x256xbf16>
    %swap3A = arith.constant 0 : index
    %swap3A_17 = arith.constant 0 : index
    %swap3A_18 = arith.constant 0 : index
    %swap3A_19 = vector.load %arg5[%swap3A, %swap3A_17, %swap3A_18] : memref<1x256x256xbf16, #tpu.memory_space<vmem>>, vector<1x256x256xbf16>
    %swap3A_20 = vector.shape_cast %swap3A_19 : vector<1x256x256xbf16> to vector<256x256xbf16>
    %swap3A_21 = vector.shape_cast %convert_element_type3A : vector<256x256xbf16> to vector<1x256x256xbf16>
    tpu.vector_store %arg5[%swap3A, %swap3A_17, %swap3A_18], %swap3A_21 {strides = array<i32>} : memref<1x256x256xbf16, #tpu.memory_space<vmem>>, vector<1x256x256xbf16>,
    return
  }
  func.func @transform_0(%arg0: i32, %arg1: i32) -> (i32, i32) {
    %c0_i32 = arith.constant 0 : i32
    %c0_i32_0 = arith.constant 0 : i32
    return %arg1, %c0_i32 : i32, i32
  }
  func.func @transform_1(%arg0: i32, %arg1: i32) -> (i32, i32, i32) {
    %c0_i32 = arith.constant 0 : i32
    %c0_i32_0 = arith.constant 0 : i32
    %c0_i32_1 = arith.constant 0 : i32
    return %arg0, %c0_i32, %c0_i32_0 : i32, i32, i32
  }
  func.func @transform_2(%arg0: i32, %arg1: i32) -> (i32, i32, i32) {
    %c0_i32 = arith.constant 0 : i32
    %c0_i32_0 = arith.constant 0 : i32
    return %arg0, %arg1, %c0_i32 : i32, i32, i32
  }
  func.func @transform_3(%arg0: i32, %arg1: i32) -> (i32, i32, i32) {
    %c0_i32 = arith.constant 0 : i32
    %c0_i32_0 = arith.constant 0 : i32
    return %arg0, %arg1, %c0_i32 : i32, i32, i32
  }
}

module attributes {stable_mosaic.version = 14 : i64} {
  func.func @_combine_body(%arg0: i32, %arg1: memref<256x256xf32, #tpu.memory_space<vmem>>, %arg2: memref<256x256xf32, #tpu.memory_space<vmem>>, %arg3: memref<1x256xf32, #tpu.memory_space<vmem>>, %arg4: memref<1x256xf32, #tpu.memory_space<vmem>>, %arg5: memref<1x256xf32, #tpu.memory_space<vmem>>, %arg6: memref<256x256xf32, #tpu.memory_space<vmem>>, %arg7: memref<256x256xf32, #tpu.memory_space<vmem>>, %arg8: memref<1x256x1xf32, #tpu.memory_space<vmem>>, %arg9: memref<1x256x1xf32, #tpu.memory_space<vmem>>, %arg10: memref<256x256xf32, #tpu.memory_space<vmem>>) attributes {dimension_semantics = [#tpu.dimension_semantics<arbitrary>], iteration_bounds = array<i64: 40>, scalar_prefetch = 0 : i64, scratch_operands = 0 : i64, tpu.core_type = #tpu.core_type<tc>, window_params = [{transform_indices = @transform_0, window_bounds = array<i64: 256, 256>}, {pipeline_mode = #tpu.pipeline_mode<synchronous>, transform_indices = @transform_1, window_bounds = array<i64: 256, 256>}, {pipeline_mode = #tpu.pipeline_mode<synchronous>, transform_indices = @transform_2, window_bounds = array<i64: 1, 256>}, {pipeline_mode = #tpu.pipeline_mode<synchronous>, transform_indices = @transform_3, window_bounds = array<i64: 1, 256>}, {pipeline_mode = #tpu.pipeline_mode<synchronous>, transform_indices = @transform_4, window_bounds = array<i64: 1, 256>}, {transform_indices = @transform_5, window_bounds = array<i64: 256, 256>}, {transform_indices = @transform_6, window_bounds = array<i64: 256, 256>}, {transform_indices = @transform_7, window_bounds = array<i64: 1, 256, 1>}, {transform_indices = @transform_8, window_bounds = array<i64: 1, 256, 1>}, {transform_indices = @transform_9, window_bounds = array<i64: 256, 256>}]} {
    %get3A = arith.constant 0 : index
    %get3A_0 = arith.constant 0 : index
    %get3A_1 = vector.load %arg1[%get3A, %get3A_0] : memref<256x256xf32, #tpu.memory_space<vmem>>, vector<256x256xf32>
    %get3A_2 = arith.constant 0 : index
    %get3A_3 = arith.constant 0 : index
    %get3A_4 = vector.load %arg2[%get3A_2, %get3A_3] : memref<256x256xf32, #tpu.memory_space<vmem>>, vector<256x256xf32>
    %dot_general3A = arith.constant dense<0.000000e+00> : vector<256x256xf32>
    %dot_general3A_5 = tpu.matmul %get3A_1, %get3A_4, %dot_general3A {dimension_numbers = #tpu.dot_dimension_numbers<[1], [0], [0], [1], [0, 0, 1, 1], [], []>, transpose_lhs_hint = false} : vector<256x256xf32>, vector<256x256xf32>, vector<256x256xf32> -> vector<256x256xf32>
    %get3A_6 = arith.constant 0 : index
    %get3A_7 = arith.constant 0 : index
    %get3A_8 = vector.load %arg3[%get3A_6, %get3A_7] : memref<1x256xf32, #tpu.memory_space<vmem>>, vector<1x256xf32>
    %get3A_9 = arith.constant 0 : index
    %get3A_10 = arith.constant 0 : index
    %get3A_11 = vector.load %arg4[%get3A_9, %get3A_10] : memref<1x256xf32, #tpu.memory_space<vmem>>, vector<1x256xf32>
    %add3A = arith.addf %get3A_8, %get3A_11 : vector<1x256xf32>
    %get3A_12 = arith.constant 0 : index
    %get3A_13 = arith.constant 0 : index
    %get3A_14 = vector.load %arg5[%get3A_12, %get3A_13] : memref<1x256xf32, #tpu.memory_space<vmem>>, vector<1x256xf32>
    %add3A_15 = arith.addf %add3A, %get3A_14 : vector<1x256xf32>
    %add3A_16 = vector.broadcast %add3A_15 : vector<1x256xf32> to vector<256x256xf32>
    %add3A_17 = arith.addf %dot_general3A_5, %add3A_16 : vector<256x256xf32>
    %get3A_18 = arith.constant 0 : index
    %get3A_19 = arith.constant 0 : index
    %get3A_20 = vector.load %arg6[%get3A_18, %get3A_19] : memref<256x256xf32, #tpu.memory_space<vmem>>, vector<256x256xf32>
    %get3A_21 = arith.constant 0 : index
    %get3A_22 = arith.constant 0 : index
    %get3A_23 = arith.constant 0 : index
    %get3A_24 = vector.load %arg8[%get3A_21, %get3A_22, %get3A_23] : memref<1x256x1xf32, #tpu.memory_space<vmem>>, vector<1x256x1xf32>
    %reshape3A = vector.shape_cast %get3A_24 : vector<1x256x1xf32> to vector<256x1xf32>
    %gt3A = arith.constant 0.000000e+00 : f32
    %gt3A_25 = vector.broadcast %gt3A : f32 to vector<256x1xf32>
    %gt3A_26 = arith.cmpf ogt, %reshape3A, %gt3A_25 : vector<256x1xf32>
    %max3A = arith.constant 9.99999996E-13 : f32
    %max3A_27 = vector.broadcast %max3A : f32 to vector<256x1xf32>
    %max3A_28 = arith.maximumf %reshape3A, %max3A_27 : vector<256x1xf32>
    %rsqrt3A = math.rsqrt %max3A_28 : vector<256x1xf32>
    %jit3A = arith.constant 0.000000e+00 : f32
    %broadcast_in_dim3A = vector.broadcast %jit3A : f32 to vector<256x1xf32>
    %select_n3A = arith.select %gt3A_26, %rsqrt3A, %broadcast_in_dim3A : vector<256x1xi1>, vector<256x1xf32>
    %mul3A = vector.broadcast %select_n3A : vector<256x1xf32> to vector<256x256xf32>
    %mul3A_29 = arith.mulf %get3A_20, %mul3A : vector<256x256xf32>
    %add3A_30 = arith.addf %add3A_17, %mul3A_29 : vector<256x256xf32>
    %get3A_31 = arith.constant 0 : index
    %get3A_32 = arith.constant 0 : index
    %get3A_33 = vector.load %arg7[%get3A_31, %get3A_32] : memref<256x256xf32, #tpu.memory_space<vmem>>, vector<256x256xf32>
    %get3A_34 = arith.constant 0 : index
    %get3A_35 = arith.constant 0 : index
    %get3A_36 = arith.constant 0 : index
    %get3A_37 = vector.load %arg9[%get3A_34, %get3A_35, %get3A_36] : memref<1x256x1xf32, #tpu.memory_space<vmem>>, vector<1x256x1xf32>
    %reshape3A_38 = vector.shape_cast %get3A_37 : vector<1x256x1xf32> to vector<256x1xf32>
    %gt3A_39 = arith.constant 0.000000e+00 : f32
    %gt3A_40 = vector.broadcast %gt3A_39 : f32 to vector<256x1xf32>
    %gt3A_41 = arith.cmpf ogt, %reshape3A_38, %gt3A_40 : vector<256x1xf32>
    %max3A_42 = arith.constant 9.99999996E-13 : f32
    %max3A_43 = vector.broadcast %max3A_42 : f32 to vector<256x1xf32>
    %max3A_44 = arith.maximumf %reshape3A_38, %max3A_43 : vector<256x1xf32>
    %rsqrt3A_45 = math.rsqrt %max3A_44 : vector<256x1xf32>
    %jit3A_46 = arith.constant 0.000000e+00 : f32
    %broadcast_in_dim3A_47 = vector.broadcast %jit3A_46 : f32 to vector<256x1xf32>
    %select_n3A_48 = arith.select %gt3A_41, %rsqrt3A_45, %broadcast_in_dim3A_47 : vector<256x1xi1>, vector<256x1xf32>
    %mul3A_49 = vector.broadcast %select_n3A_48 : vector<256x1xf32> to vector<256x256xf32>
    %mul3A_50 = arith.mulf %get3A_33, %mul3A_49 : vector<256x256xf32>
    %add3A_51 = arith.addf %add3A_30, %mul3A_50 : vector<256x256xf32>
    %swap3A = arith.constant 0 : index
    %swap3A_52 = arith.constant 0 : index
    %swap3A_53 = vector.load %arg10[%swap3A, %swap3A_52] : memref<256x256xf32, #tpu.memory_space<vmem>>, vector<256x256xf32>
    tpu.vector_store %arg10[%swap3A, %swap3A_52], %add3A_51 {strides = array<i32>} : memref<256x256xf32, #tpu.memory_space<vmem>>, vector<256x256xf32>,
    return
  }
  func.func @transform_0(%arg0: i32) -> (i32, i32) {
    %c0_i32 = arith.constant 0 : i32
    %c0_i32_0 = arith.constant 0 : i32
    return %arg0, %c0_i32 : i32, i32
  }
  func.func @transform_1(%arg0: i32) -> (i32, i32) {
    %c0_i32 = arith.constant 0 : i32
    %c0_i32_0 = arith.constant 0 : i32
    %c0_i32_1 = arith.constant 0 : i32
    return %c0_i32, %c0_i32_0 : i32, i32
  }
  func.func @transform_2(%arg0: i32) -> (i32, i32) {
    %c0_i32 = arith.constant 0 : i32
    %c0_i32_0 = arith.constant 0 : i32
    %c0_i32_1 = arith.constant 0 : i32
    return %c0_i32, %c0_i32_0 : i32, i32
  }
  func.func @transform_3(%arg0: i32) -> (i32, i32) {
    %c0_i32 = arith.constant 0 : i32
    %c0_i32_0 = arith.constant 0 : i32
    %c0_i32_1 = arith.constant 0 : i32
    return %c0_i32, %c0_i32_0 : i32, i32
  }
  func.func @transform_4(%arg0: i32) -> (i32, i32) {
    %c0_i32 = arith.constant 0 : i32
    %c0_i32_0 = arith.constant 0 : i32
    %c0_i32_1 = arith.constant 0 : i32
    return %c0_i32, %c0_i32_0 : i32, i32
  }
  func.func @transform_5(%arg0: i32) -> (i32, i32) {
    %c0_i32 = arith.constant 0 : i32
    %c0_i32_0 = arith.constant 0 : i32
    return %arg0, %c0_i32 : i32, i32
  }
  func.func @transform_6(%arg0: i32) -> (i32, i32) {
    %c0_i32 = arith.constant 0 : i32
    %c0_i32_0 = arith.constant 0 : i32
    return %arg0, %c0_i32 : i32, i32
  }
  func.func @transform_7(%arg0: i32) -> (i32, i32, i32) {
    %c0_i32 = arith.constant 0 : i32
    %c0_i32_0 = arith.constant 0 : i32
    %c0_i32_1 = arith.constant 0 : i32
    return %c0_i32, %arg0, %c0_i32_0 : i32, i32, i32
  }
  func.func @transform_8(%arg0: i32) -> (i32, i32, i32) {
    %c1_i32 = arith.constant 1 : i32
    %c0_i32 = arith.constant 0 : i32
    %c0_i32_0 = arith.constant 0 : i32
    return %c1_i32, %arg0, %c0_i32 : i32, i32, i32
  }
  func.func @transform_9(%arg0: i32) -> (i32, i32) {
    %c0_i32 = arith.constant 0 : i32
    %c0_i32_0 = arith.constant 0 : i32
    return %arg0, %c0_i32 : i32, i32
  }
}

</mosaic_0001>

<sc_bundles>
// kernel: kernel.6.cloned.1.call-start
scs
__scs_entry_jumppad:
0x0: {  	(pc) =	sbr.rel $0x88, $3  }
0x1: {  	(tag) =	ssettag $0x0;
	lr =	simm.s32 $0x1  }
0x2: {  	[smem:$0x3F98] =	sst lr;
	_ =	strace $0xD0000000  }
0x3: {  	_ = 	snop  }
0x4: {  	_ = 	snop  }
0x5: {  	_ = 	snop  }
0x6: {  	_ = 	snop  }
0x7: {  	_ = 	snop  }
__scs_overlays_trampoline_lowered:
0x8: {  	[smem:$0x3FA7] =	sst s0  }
0x9: {  	[smem:$0x3FA8] =	sst s1  }
0xa: {  	[smem:$0x3FA9] =	sst s2  }
0xb: {  	[smem:$0x3FAA] =	sst s3  }
0xc: {  	[smem:$0x3FAB] =	sst s4  }
0xd: {  	[smem:$0x3FAC] =	sst s5  }
0xe: {  	[smem:$0x3FAD] =	sst s6  }
0xf: {  	[smem:$0x3FAE] =	sst s7  }
0x10: {  	[smem:$0x3FAF] =	sst s8  }
0x11: {  	[smem:$0x3FB0] =	sst s9;
	s0 =	simm.s32 @!p0 $0x0  }
0x12: {  	s1 =	sld [smem:$0x3F96];
	s0 =	simm.s32 @p0 $0x1  }
0x13: {  	[smem:$0x3FB1] =	sst s0;
	s0 =	simm.s32 @!p1 $0x0  }
0x14: {  	s2 =	sld [smem:$0x3F95];
	s0 =	simm.s32 @p1 $0x1  }
0x15: {  	[smem:$0x3FB2] =	sst s0;
	s0 =	simm.s32 @!p2 $0x0  }
0x16: {  	s3 =	sld [smem:$0x3FDB];
	s0 =	simm.s32 @p2 $0x1  }
0x17: {  	s4 =	simm.s32 $0x1BF5;
	[smem:$0x3FB4] =	sst s0  }
0x18: {  	s0 =	sld [smem:$0x3F97];
	_ =	swait.ge [sflag:s4], $0x0  }
0x19: {  	s7 =	sld [smem:$0x3F98]  }
0x1a: {  	s8 =	sadd.s32 $0xFFFFE003, lr  }
0x1b: {  	s9 =	sadd.s32 $0xFFFFFEF7, lr;
	s5 =	simm.s32 $0xFFFFFFFF;
	p2 =	slt.u32 s8, $0xFFFFF086  }
0x1c: {  	p1 =	slt.u32 s9, $0xF7A;
	s5 =	simm.s32 @!p2 $0x0  }
0x1d: {  	s5 =	simm.s32 @p1 $0x1;
	p0 =	seq.s32 s7, s2  }
0x1e: {  	s7 =	smul.u32 @!p0 $0xF7A, s2;
	p2 =	seq.s32 @!p0 s5, $0x0  }
0x1f: {  	s9 =	smul.u32 $0xF7A, s1;
	s8 =	simm.s32 @!p0 $0x1BF5;
	p2 =	por !p2, p0  }
0x20: {  	[sflag:s8] =	ssyncset.s32 @!p0 $0xFFFFF086;
	s6 =	sadd.s32 @!p0 s3, s7;
	s7 =	simm.s32 @!p0 $0x108  }
0x21: {  	s3 =	sadd.s32 s3, s9;
	s6 =	sadd.s32 @!p0 $0x88, s6;
	s7 =	simm.s32 @p2 $0x1082  }
0x22: {  	[simem:s7], [sflag:s8] =	dma.local @!p0 [hbm:s6], $0xF7A  }
0x23: {  	s9 =	sor.u32 $0xD0000000, s2;
	s6 =	simm.s32 $0x108;
	_ =	swait.ge @!p0 [sflag:s8], $0x0  }
0x24: {  	s3 =	sadd.s32 $0x88, s3;
	s6 =	simm.s32 @!p1 $0x1082;
	[sflag:s4] =	ssyncset.s32 $0xFFFFF086  }
0x25: {  	[simem:s6], [sflag:s4] =	dma.local [hbm:s3], $0xF7A  }
0x26: {  	[smem:$0x3F98] =	sst s1;
	(tag) =	ssettag s2;
	_ =	strace s9  }
0x27: {  	s1 =	sld [smem:$0x3FA8]  }
0x28: {  	s2 =	sld [smem:$0x3FA9]  }
0x29: {  	s4 =	sld [smem:$0x3FAB]  }
0x2a: {  	p0 =	seq.s32 s5, $0x0;
	s5 =	sld [smem:$0x3FAC]  }
0x2b: {  	s6 =	sld [smem:$0x3FAD]  }
0x2c: {  	s7 =	sld [smem:$0x3FAE]  }
0x2d: {  	s3 =	simm.s32 $0x108;
	s8 =	sld [smem:$0x3FAF]  }
0x2e: {  	s3 =	simm.s32 @!p0 $0x1082;
	s9 =	sld [smem:$0x3FB0]  }
0x2f: {  	lr =	sadd.s32 s0, s3;
	s0 =	sld [smem:$0x3FA7]  }
0x30: {  	s3 =	sld [smem:$0x3FAA]  }
0x31: {  	[smem:$0x3FB3] =	sst s10  }
0x32: {  	s10 =	sld [smem:$0x3FB1];
	_ =	sdelay $0x3  }
0x33: {  	p0 =	seq.s32 s10, $0x1;
	s10 =	sld [smem:$0x3FB3];
	_ =	sdelay $0x3  }
0x34: {  	[smem:$0x3FB3] =	sst s10  }
0x35: {  	s10 =	sld [smem:$0x3FB2];
	_ =	sdelay $0x3  }
0x36: {  	p1 =	seq.s32 s10, $0x1;
	s10 =	sld [smem:$0x3FB3];
	_ =	sdelay $0x3  }
0x37: {  	[smem:$0x3FB3] =	sst s10  }
0x38: {  	s10 =	sld [smem:$0x3FB4]  }
0x39: {  	_ = 	snop;
	(pc) =	sbr.ind lr, $3  }
0x3a: {  	_ = 	snop  }
0x3b: {  	_ = 	snop  }
0x3c: {  	p2 =	seq.s32 s10, $0x1;
	s10 =	sld [smem:$0x3FB3]  }
0x3d: {  	_ =	shalt  }
0x3e: {  	_ =	shalt  }
0x3f: {  	_ =	shalt  }
0x40: {  	_ =	shalt  }
0x41: {  	_ =	shalt  }
0x42: {  	_ =	shalt  }
0x43: {  	_ =	shalt  }
0x44: {  	_ =	shalt  }
0x45: {  	_ =	shalt  }
0x46: {  	_ =	shalt  }
0x47: {  	_ =	shalt  }
0x48: {  	_ =	shalt  }
0x49: {  	_ =	shalt  }
0x4a: {  	_ =	shalt  }
0x4b: {  	_ =	shalt  }
0x4c: {  	_ =	shalt  }
0x4d: {  	_ =	shalt  }
0x4e: {  	_ =	shalt  }
0x4f: {  	_ =	shalt  }
0x50: {  	_ =	shalt  }
0x51: {  	_ =	shalt  }
0x52: {  	_ =	shalt  }
0x53: {  	_ =	shalt  }
0x54: {  	_ =	shalt  }
0x55: {  	_ =	shalt  }
0x56: {  	_ =	shalt  }
0x57: {  	_ =	shalt  }
0x58: {  	_ =	shalt  }
0x59: {  	_ =	shalt  }
0x5a: {  	_ =	shalt  }
0x5b: {  	_ =	shalt  }
0x5c: {  	_ =	shalt  }
0x5d: {  	_ =	shalt  }
0x5e: {  	_ =	shalt  }
0x5f: {  	_ =	shalt  }
0x60: {  	_ =	shalt  }
0x61: {  	_ =	shalt  }
0x62: {  	_ =	shalt  }
0x63: {  	_ =	shalt  }
0x64: {  	_ =	shalt  }
0x65: {  	_ =	shalt  }
0x66: {  	_ =	shalt  }
0x67: {  	_ =	shalt  }
0x68: {  	_ =	shalt  }
0x69: {  	_ =	shalt  }
0x6a: {  	_ =	shalt  }
0x6b: {  	_ =	shalt  }
0x6c: {  	_ =	shalt  }
0x6d: {  	_ =	shalt  }
0x6e: {  	_ =	shalt  }
0x6f: {  	_ =	shalt  }
0x70: {  	_ =	shalt  }
0x71: {  	_ =	shalt  }
0x72: {  	_ =	shalt  }
0x73: {  	_ =	shalt  }
0x74: {  	_ =	shalt  }
0x75: {  	_ =	shalt  }
0x76: {  	_ =	shalt  }
0x77: {  	_ =	shalt  }
0x78: {  	_ =	shalt  }
0x79: {  	_ =	shalt  }
0x7a: {  	_ =	shalt  }
0x7b: {  	_ =	shalt  }
0x7c: {  	_ =	shalt  }
0x7d: {  	_ =	shalt  }
0x7e: {  	_ =	shalt  }
0x7f: {  	_ =	shalt  }
0x80: {  	_ =	shalt  }
0x81: {  	_ =	shalt  }
0x82: {  	_ =	shalt  }
0x83: {  	_ =	shalt  }
0x84: {  	_ =	shalt  }
0x85: {  	_ =	shalt  }
0x86: {  	_ =	shalt  }
0x87: {  	_ =	shalt  }
.Lfunc_end0:
.L_simem_size_0:
called_computation_lowered:
.L_overlay_start_0:
0x88: {  	s2 =	sld [smem:$0x3FD9]  }
0x89: {  	s3 =	sld [smem:$0x3FFE];
	_ =	sdelay $0x1  }
0x8a: {  	s1 =	srdreg.scid  }
0x8b: {  	s0 =	sand.u32 $0x1, s1  }
0x8c: {  	s16 =	sshll.u32 s0, $0xA;
	s2 =	sadd.s32 s3, s2  }
0x8d: {  	s2 =	sadd.s32 s2, s16  }
0x8e: {  	[smem:$0x3FBF] =	sst s2  }
0x8f: {  	_ = 	snop  }
0x90: {  	(tm) =	ssettm $0x1  }
0x91: {  	s17 =	sld [smem:$0x3FFB];
	_ =	sdelay $0x3  }
0x92: {  	_ =	strace s17  }
0x93: {  	s2 =	sld [smem:$0x3FFC];
	_ =	sdelay $0x3  }
0x94: {  	_ =	strace s2  }
0x95: {  	s2 =	sld [smem:$0x3FFD];
	_ =	sdelay $0x3  }
0x96: {  	_ =	strace s2  }
0x97: {  	_ =	strace $0x8FFFFFFF  }
0x98: {  	s18 =	sld [smem:$0x3FDB];
	_ =	sdelay $0x1  }
0x99: {  	s19 =	simm.s32 $_scs_section_size  }
0x9a: {  	s4 =	simm.s32 $_size__tile_overlayer_lowered;
	s5 =	simm.s32 $_tile_overlayer_lowered  }
0x9b: {  	s22 =	simm.s32 $0x1BFF;
	s21 =	sshll.u32 s5, $0x1;
	s2 =	sadd.s32 s19, s18  }
0x9c: {  	s6 =	simm.s32 $0x0;
	s20 =	sshll.u32 s4, $0x1;
	s4 =	sadd.s32 s21, s2  }
0x9d: {  	[timem:s6], [sflag:s22] =	dma.local [hbm:s4], s20  }
0x9e: {  	_ =	swait.ge [sflag:s22], s20  }
0x9f: {  	s3 =	ssub.s32 $0x0, s20;
	[sflag:s22] =	ssyncset.done $0x0  }
0xa0: {  	[sflag:s22] =	ssyncadd.s32 s3;
	_ =	sdelay $0x1  }
0xa1: {  	s23 =	simm.s32 $0x1B8B  }
0xa2: {  	_ =	swait.ge [sflag:s23], $0x1  }
0xa3: {  	[sflag:s23] =	ssyncset.done $0x0  }
0xa4: {  	s25 =	simm.s32 $0x1B8E;
	s24 =	sld [smem:$0x3FFE];
	[sflag:s23] =	ssyncadd.s32 $0xFFFFFFFF  }
0xa5: {  	s26 =	simm.s32 $execute0_lowered;
	[smem:$0x3FD2] =	sst s25  }
0xa6: {  	s4 =	sshll.u32 s26, $0x1;
	_ =	strace $0x80000046;
	[dreg:$0x1] =	wrdreg $0xFFFFFFFF  }
0xa7: {  	s28 =	simm.s32 $_size_execute0_lowered;
	s2 =	sadd.s32 s2, s4;
	[dreg:$0x0] =	wrdreg $0x0  }
0xa8: {  	s4 =	sshll.u32 s28, $0x1;
	[dreg:$0x2] =	wrdreg s2  }
0xa9: {  	[dreg:$0x3] =	wrdreg s4  }
0xaa: {  	[dreg:$0x4] =	wrdreg $0xC0  }
0xab: {  	_ =	task [dreg:s6], $0x5FFFF  }
0xac: {  	[dreg:$0x1] =	wrdreg $0xFFFFFFFF  }
0xad: {  	[dreg:$0x0] =	wrdreg $0x60  }
0xae: {  	[dreg:$0x2] =	wrdreg s24  }
0xaf: {  	[dreg:$0x3] =	wrdreg $0x50000  }
0xb0: {  	[dreg:$0x4] =	wrdreg $0x9  }
0xb1: {  	_ =	task.clear_ibuf [dreg:s6], $0x5FFFF;
	_ =	strace $0x90000046  }
0xb2: {  	s29 =	simm.s32 $0x9;
	_ =	strace $0x80000048  }
0xb3: {  	_ =	swait.ge [sflag:s29], $0x1  }
0xb4: {  	[sflag:s29] =	ssyncadd.s32 $0xFFFFFFFF  }
0xb5: {  	_ =	strace $0x90000048  }
0xb6: {  	_ =	sfence  }
0xb7: {  	s30 =	sld [smem:$0x0];
	_ =	sdelay $0x2  }
0xb8: {  	s31 =	sshll.u32 s1, $0xD;
	s1 =	sshrl.u32 s1, $0x2  }
0xb9: {  	s3 =	sand.u32 $0x4000, s31;
	s1 =	sadd.s32 s1, s30  }
0xba: {  	s0 =	sor.u32 s3, s0;
	s1 =	sshll.u32 s1, $0x11  }
0xbb: {  	s0 =	sor.u32 s1, s0  }
0xbc: {  	s0 =	sadd.s32 $0x8F2B, s0  }
0xbd: {  	[sflag:s0] =	ssyncadd.remote.s32 $0x1  }
0xbe: {  	_ =	sfence.sel $0xFFFF  }
0xbf: {  	[dreg:$0x0] =	wrdreg $0xFFFFFFFF;
	(pc) =	sbr.abs _section_cstart, $3  }
0xc0: {  	[dreg:$0x1] =	wrdreg $0xFFFFFFFF  }
0xc1: {  	_ =	task.clear_ibuf [dreg:s6], $0x2FFFF;
	_ =	strace $0x9FFFFFFF  }
0xc2: {  	(tm) =	ssettm $0x7FFFFFFF  }
0xc3: {  	_ =	shalt  }
tec
execute0_lowered:
.L_overlay_start_1:
0x0: {  	(tag) =	ssettag $0x1  }
0x1: {  	s9 =	stileid.u32  }
0x2: {  	s0 =	srdreg.scid;
	s3 =	rddreg [dreg:$0x0]  }
0x3: {  	s4 =	rddreg [dreg:$0x1];
	s2 =	simm.s32 $0x0;
	s7 =	smul.u32 $0x500, s9  }
0x4: {  	s1 =	sshrl.u32 s9, $0x3;
	s0 =	sand.u32 $0x1, s0;
	s10 =	smul.u32 $0x5000, s9  }
0x5: {  	s6 =	sshll.u32 s9, $0x7;
	[smem:$0x7FF] =	sst s2;
	s1 =	smul.u32 $0x14000, s1  }
0x6: {  	s5 =	smul.u32 $0x28000, s0;
	s6 =	sand.u32 $0x380, s6;
	s8 =	sshll.u32 s0, $0x7  }
0x7: {  	_ =	strace $0x80000047;
	s0 =	ssub.s32 $0x2, s0;
	s7 =	sor.u32 s8, s7  }
0x8: {  	s11 =	sshrl.u32 s0, $0x1;
	s12 =	sshrl.u32 s10, $0x2;
	s5 =	sadd.s32 s5, s1  }
0x9: {  	s7 =	sshrl.u32 s7, $0x3;
	s1 =	sadd.s32 s1, s4;
	s5 =	sor.u32 s6, s5  }
0xa: {  	s0 =	ssub.s32 s0, s11;
	s1 =	sadd.s32 s6, s1;
	s5 =	sshrl.u32 s5, $0x3  }
0xb: {  	s0 =	smax.u32 s0, $0x1;
	[dreg:$0x4] =	wrdreg s1;
	s5 =	sadd.s32 s5, s3  }
0xc: {  	[dreg:$0x15] =	wrdreg s0;
	s3 =	sadd.s32 s7, s3;
	s5 =	sadd.s32 $0x1A00, s5  }
0xd: {  	s6 =	sadd.s32 $0xBA00, s3;
	[dreg:$0x3] =	wrdreg s5;
	s5 =	sadd.s32 s12, s4  }
0xe: {  	[dreg:$0x14] =	wrdreg s6;
	s13 =	sadd.s32 $0x80, s5  }
0xf: {  	s14 =	sadd.s32 $0x100, s5;
	[dreg:$0x5] =	wrdreg s13  }
0x10: {  	s15 =	sadd.s32 $0x180, s5;
	[dreg:$0x6] =	wrdreg s14  }
0x11: {  	s16 =	sadd.s32 $0x200, s5;
	[dreg:$0x7] =	wrdreg s15  }
0x12: {  	s17 =	sadd.s32 $0x280, s5;
	[dreg:$0x8] =	wrdreg s16  }
0x13: {  	s18 =	sadd.s32 $0x300, s5;
	[dreg:$0x9] =	wrdreg s17  }
0x14: {  	s19 =	sadd.s32 $0x380, s5;
	[dreg:$0xa] =	wrdreg s18  }
0x15: {  	s20 =	sadd.s32 $0x14000, s5;
	[dreg:$0xb] =	wrdreg s19  }
0x16: {  	s21 =	sadd.s32 $0x14080, s5;
	[dreg:$0xc] =	wrdreg s20  }
0x17: {  	s22 =	sadd.s32 $0x14100, s5;
	[dreg:$0xd] =	wrdreg s21  }
0x18: {  	s23 =	sadd.s32 $0x14180, s5;
	[dreg:$0xe] =	wrdreg s22  }
0x19: {  	s24 =	sadd.s32 $0x14200, s5;
	[dreg:$0xf] =	wrdreg s23  }
0x1a: {  	s25 =	sadd.s32 $0x14280, s5;
	[dreg:$0x10] =	wrdreg s24  }
0x1b: {  	s26 =	sadd.s32 $0x14300, s5;
	[dreg:$0x11] =	wrdreg s25  }
0x1c: {  	s4 =	sadd.s32 $0x14380, s5;
	[dreg:$0x12] =	wrdreg s26  }
0x1d: {  	s7 =	sadd.s32 $0x400, s5;
	[dreg:$0x13] =	wrdreg s4  }
0x1e: {  	s8 =	sadd.s32 $0x800, s5;
	[dreg:$0x16] =	wrdreg s7  }
0x1f: {  	s9 =	sadd.s32 $0xC00, s5;
	[dreg:$0x17] =	wrdreg s8  }
0x20: {  	s10 =	sadd.s32 $0x1000, s5;
	[dreg:$0x18] =	wrdreg s9  }
0x21: {  	s11 =	sadd.s32 $0x480, s5;
	[dreg:$0x19] =	wrdreg s10  }
0x22: {  	s12 =	sadd.s32 $0x880, s5;
	[dreg:$0x1a] =	wrdreg s11  }
0x23: {  	s1 =	sadd.s32 $0x680, s5;
	[dreg:$0x1b] =	wrdreg s12  }
0x24: {  	s3 =	sadd.s32 $0xA80, s5;
	[smem:$0x7E6] =	sst s1  }
0x25: {  	s6 =	sadd.s32 $0x1280, s5;
	[smem:$0x7E7] =	sst s3  }
0x26: {  	s13 =	sadd.s32 $0xC80, s5;
	[smem:$0x7E9] =	sst s6  }
0x27: {  	s14 =	sadd.s32 $0x1080, s5;
	[dreg:$0x1c] =	wrdreg s13  }
0x28: {  	s15 =	sadd.s32 $0x500, s5;
	[dreg:$0x1d] =	wrdreg s14  }
0x29: {  	s16 =	sadd.s32 $0x900, s5;
	[dreg:$0x1e] =	wrdreg s15  }
0x2a: {  	s17 =	sadd.s32 $0xD00, s5;
	[dreg:$0x1f] =	wrdreg s16  }
0x2b: {  	s18 =	sadd.s32 $0x1100, s5;
	[smem:$0x7DC] =	sst s17  }
0x2c: {  	s19 =	sadd.s32 $0x580, s5;
	[smem:$0x7DD] =	sst s18  }
0x2d: {  	s20 =	sadd.s32 $0x980, s5;
	[smem:$0x7DE] =	sst s19  }
0x2e: {  	s21 =	sadd.s32 $0xD80, s5;
	[smem:$0x7DF] =	sst s20  }
0x2f: {  	s22 =	sadd.s32 $0x1180, s5;
	[smem:$0x7E0] =	sst s21  }
0x30: {  	s23 =	sadd.s32 $0x600, s5;
	[smem:$0x7E1] =	sst s22  }
0x31: {  	s24 =	sadd.s32 $0xA00, s5;
	[smem:$0x7E2] =	sst s23  }
0x32: {  	s25 =	sadd.s32 $0xE00, s5;
	[smem:$0x7E3] =	sst s24  }
0x33: {  	s26 =	sadd.s32 $0x1200, s5;
	[smem:$0x7E4] =	sst s25  }
0x34: {  	s4 =	sadd.s32 $0xE80, s5;
	[smem:$0x7E5] =	sst s26  }
0x35: {  	s7 =	sadd.s32 $0x700, s5;
	[smem:$0x7E8] =	sst s4  }
0x36: {  	s8 =	sadd.s32 $0xB00, s5;
	[smem:$0x7EA] =	sst s7  }
0x37: {  	s9 =	sadd.s32 $0xF00, s5;
	[smem:$0x7EB] =	sst s8  }
0x38: {  	s10 =	sadd.s32 $0x1300, s5;
	[smem:$0x7EC] =	sst s9  }
0x39: {  	s11 =	sadd.s32 $0x780, s5;
	[smem:$0x7ED] =	sst s10  }
0x3a: {  	s12 =	sadd.s32 $0xB80, s5;
	[smem:$0x7EE] =	sst s11  }
0x3b: {  	[smem:$0x7EF] =	sst s12;
	s13 =	sadd.s32 $0xF80, s5  }
0x3c: {  	s14 =	sadd.s32 $0x1380, s5;
	[smem:$0x7F0] =	sst s13  }
0x3d: {  	s15 =	sadd.s32 $0x14400, s5;
	[smem:$0x7F1] =	sst s14  }
0x3e: {  	s16 =	sadd.s32 $0x14800, s5;
	[smem:$0x7F2] =	sst s15  }
0x3f: {  	s30 =	simm.s32 $0x80;
	s17 =	sadd.s32 $0x14C00, s5;
	[smem:$0x7F3] =	sst s16  }
0x40: {  	s31 =	simm.s32 $0x400;
	s18 =	sadd.s32 $0x15000, s5;
	[smem:$0x7F4] =	sst s17  }
0x41: {  	s0 =	simm.s32 $0x0;
	s19 =	sadd.s32 $0x14480, s5;
	[smem:$0x7F5] =	sst s18  }
0x42: {  	s28 =	sadd.s32 $0x14F80, s5;
	s20 =	sadd.s32 $0x14880, s5;
	[smem:$0x7F6] =	sst s19  }
0x43: {  	s29 =	sadd.s32 $0x15380, s5;
	s21 =	sadd.s32 $0x14C80, s5;
	[smem:$0x7F7] =	sst s20  }
0x44: {  	s1 =	simm.s32 $0x1;
	s22 =	sadd.s32 $0x15080, s5;
	[smem:$0x7F8] =	sst s21  }
0x45: {  	s23 =	sadd.s32 $0x14500, s5;
	s24 =	sadd.s32 $0x14900, s5;
	[smem:$0x7F9] =	sst s22  }
0x46: {  	s25 =	sadd.s32 $0x14D00, s5;
	s26 =	sadd.s32 $0x15100, s5;
	[smem:$0x7FA] =	sst s23  }
0x47: {  	s9 =	sadd.s32 $0x14580, s5;
	s10 =	sadd.s32 $0x14980, s5;
	[smem:$0x7FB] =	sst s24  }
0x48: {  	s11 =	sadd.s32 $0x14D80, s5;
	s12 =	sadd.s32 $0x15180, s5;
	[smem:$0x7FC] =	sst s25  }
0x49: {  	[smem:$0x7FD] =	sst s26;
	s13 =	sadd.s32 $0x14600, s5;
	s14 =	sadd.s32 $0x14A00, s5  }
0x4a: {  	s15 =	sadd.s32 $0x14E00, s5;
	s16 =	sadd.s32 $0x15200, s5;
	s17 =	sadd.s32 $0x14680, s5  }
0x4b: {  	s18 =	sadd.s32 $0x14A80, s5;
	s19 =	sadd.s32 $0x14E80, s5;
	s20 =	sadd.s32 $0x15280, s5  }
0x4c: {  	s21 =	sadd.s32 $0x14700, s5;
	s22 =	sadd.s32 $0x14B00, s5;
	s23 =	sadd.s32 $0x14F00, s5  }
0x4d: {  	v0 =	vimm.f32 $0.0e+00;
	v1 =	vimm.f32 $1.000000000e+00;
	s24 =	sadd.s32 $0x15300, s5;
	s25 =	sadd.s32 $0x14780, s5;
	s26 =	sadd.s32 $0x14B80, s5  }
.LBB2_1:
0x4e: {  	s3 =	simm.s32 $0x40;
	s4 =	simm.s32 $0x0  }
.LBB2_2:
0x4f: {  	p0 =	sne.s32 s3, $0x9FC0;
	[tilespmem:s4+$0x0] =	vst v0;
	s4 =	smov.u32 s3;
	s3 =	sadd.s32 $0x40, s3  }
.Ltmp0:
0x50: {  	(pc) =	sbr.rel @p0 .LBB2_2-.Ltmp0, $2  }
0x51: {  	_ =	sdelay $0x2  }
0x52: {  	s4 =	sshra.s32 s4, $0x2  }
0x53: {  	[tilespmem:s4+$0x0] =	vst v0;
	s3 =	rddreg [dreg:$0x3];
	s8 =	simm.s32 $0x2800  }
0x54: {  	[tilespmem:s8], [sflag:$0x1] =	stream.strided.gather [hbm4b:s3+s30], $0x2800, s31, s30, $0x38;
	[tilespmem:$0xA280] =	vst v63  }
0x55: {  	_ =	swait.ge [sflag:s1], $0x2800  }
0x56: {  	[sflag:s1] =	ssyncset.done $0x0  }
0x57: {  	s4 =	simm.s32 $0x0;
	s3 =	simm.s32 $0x40;
	[sflag:s1] =	ssyncadd.s32 $0xFFFFD800  }
.LBB2_4:
0x58: {  	p0 =	sne.s32 s3, $0x9FC0;
	v2 =	vld [tilespmem:s4+$0x2800];
	_ =	sdelay $0x3  }
.Ltmp1:
0x59: {  	(pc) =	sbr.rel @p0 .LBB2_4-.Ltmp1, $2  }
0x5a: {  	_ =	sdelay $0x2  }
0x5b: {  	s4 =	sshra.s32 s3, $0x2;
	s3 =	sadd.s32 $0x40, s3;
	[tilespmem:v2+s2+$0x0] =	vst.idx.add.f32.msk $0xffff, v1  }
0x5c: {  	v2 =	vld [tilespmem:s4+$0x2800];
	_ =	sdelay $0x7  }
0x5d: {  	s3 =	simm.s32 $0x0;
	s6 =	rddreg [dreg:$0x4];
	[tilespmem:v2+s2+$0x0] =	vst.idx.add.f32.msk $0xffff, v1  }
0x5e: {  	[spmem:s6] =	stream.strided.scatter [tilespmem:s3], [sflag:$0x1], $0x2800, s31, s30, $0x38;
	[tilespmem:$0xA280] =	vst v63  }
0x5f: {  	_ =	swait.ge [sflag:s1], $0x2800  }
0x60: {  	[sflag:s1] =	ssyncset.done $0x0  }
0x61: {  	[sflag:s1] =	ssyncadd.s32 $0xFFFFD800  }
0x62: {  	s7 =	simm.s32 $0x7800;
	[bflag:$0x0] =	sbarrier.arrive $0xFFFF  }
0x63: {  	[tilespmem:s7], [sflag:$0x1] =	stream.linear.gather [spmem:s5], $0x80, $0x38;
	[tilespmem:$0xA280] =	vst v63  }
0x64: {  	s6 =	simm.s32 $0x7C00;
	s8 =	rddreg [dreg:$0x16]  }
0x65: {  	[tilespmem:s6], [sflag:$0x1] =	stream.linear.gather [spmem:s8], $0x80, $0x38;
	[tilespmem:$0xA280] =	vst v63  }
0x66: {  	s7 =	rddreg [dreg:$0x17];
	s8 =	simm.s32 $0x8000  }
0x67: {  	[tilespmem:s8], [sflag:$0x1] =	stream.linear.gather [spmem:s7], $0x80, $0x38;
	[tilespmem:$0xA280] =	vst v63  }
0x68: {  	s7 =	rddreg [dreg:$0x18];
	s8 =	simm.s32 $0x8400  }
0x69: {  	[tilespmem:s8], [sflag:$0x1] =	stream.linear.gather [spmem:s7], $0x80, $0x38;
	[tilespmem:$0xA280] =	vst v63  }
0x6a: {  	s7 =	rddreg [dreg:$0x19];
	s8 =	simm.s32 $0x8800  }
0x6b: {  	[tilespmem:s8], [sflag:$0x1] =	stream.linear.gather [spmem:s7], $0x80, $0x38;
	[tilespmem:$0xA280] =	vst v63  }
0x6c: {  	_ =	swait.ge [sflag:s1], $0x280  }
0x6d: {  	[sflag:s1] =	ssyncset.done $0x0  }
0x6e: {  	s8 =	simm.s32 $0x7880;
	s7 =	rddreg [dreg:$0x5];
	[sflag:s1] =	ssyncadd.s32 $0xFFFFFD80  }
0x6f: {  	[tilespmem:s8], [sflag:$0x1] =	stream.linear.gather [spmem:s7], $0x80, $0x38;
	[tilespmem:$0xA280] =	vst v63  }
0x70: {  	s7 =	rddreg [dreg:$0x1a];
	s8 =	simm.s32 $0x7C80  }
0x71: {  	[tilespmem:s8], [sflag:$0x1] =	stream.linear.gather [spmem:s7], $0x80, $0x38;
	[tilespmem:$0xA280] =	vst v63  }
0x72: {  	s7 =	rddreg [dreg:$0x1b];
	s8 =	simm.s32 $0x8080  }
0x73: {  	[tilespmem:s8], [sflag:$0x1] =	stream.linear.gather [spmem:s7], $0x80, $0x38;
	[tilespmem:$0xA280] =	vst v63  }
0x74: {  	s7 =	rddreg [dreg:$0x1c];
	s8 =	simm.s32 $0x8480  }
0x75: {  	[tilespmem:s8], [sflag:$0x1] =	stream.linear.gather [spmem:s7], $0x80, $0x38;
	[tilespmem:$0xA280] =	vst v63  }
0x76: {  	s7 =	rddreg [dreg:$0x1d];
	s8 =	simm.s32 $0x8880  }
0x77: {  	[tilespmem:s8], [sflag:$0x1] =	stream.linear.gather [spmem:s7], $0x80, $0x38;
	[tilespmem:$0xA280] =	vst v63  }
0x78: {  	_ =	swait.ge [sflag:s1], $0x280  }
0x79: {  	[sflag:s1] =	ssyncset.done $0x0  }
0x7a: {  	s8 =	simm.s32 $0x7900;
	s7 =	rddreg [dreg:$0x6];
	[sflag:s1] =	ssyncadd.s32 $0xFFFFFD80  }
0x7b: {  	[tilespmem:s8], [sflag:$0x1] =	stream.linear.gather [spmem:s7], $0x80, $0x38;
	[tilespmem:$0xA280] =	vst v63  }
0x7c: {  	s7 =	rddreg [dreg:$0x1e];
	s8 =	simm.s32 $0x7D00  }
0x7d: {  	[tilespmem:s8], [sflag:$0x1] =	stream.linear.gather [spmem:s7], $0x80, $0x38;
	[tilespmem:$0xA280] =	vst v63  }
0x7e: {  	s7 =	rddreg [dreg:$0x1f];
	s8 =	simm.s32 $0x8100  }
0x7f: {  	[tilespmem:s8], [sflag:$0x1] =	stream.linear.gather [spmem:s7], $0x80, $0x38;
	[tilespmem:$0xA280] =	vst v63  }
0x80: {  	s7 =	sld [smem:$0x7DC];
	_ =	sdelay $0x1  }
0x81: {  	s8 =	simm.s32 $0x8500  }
0x82: {  	[tilespmem:s8], [sflag:$0x1] =	stream.linear.gather [spmem:s7], $0x80, $0x38;
	[tilespmem:$0xA280] =	vst v63  }
0x83: {  	s7 =	sld [smem:$0x7DD];
	_ =	sdelay $0x1  }
0x84: {  	s8 =	simm.s32 $0x8900  }
0x85: {  	[tilespmem:s8], [sflag:$0x1] =	stream.linear.gather [spmem:s7], $0x80, $0x38;
	[tilespmem:$0xA280] =	vst v63  }
0x86: {  	_ =	swait.ge [sflag:s1], $0x280  }
0x87: {  	[sflag:s1] =	ssyncset.done $0x0  }
0x88: {  	s8 =	simm.s32 $0x7980;
	s7 =	rddreg [dreg:$0x7];
	[sflag:s1] =	ssyncadd.s32 $0xFFFFFD80  }
0x89: {  	[tilespmem:s8], [sflag:$0x1] =	stream.linear.gather [spmem:s7], $0x80, $0x38;
	[tilespmem:$0xA280] =	vst v63  }
0x8a: {  	s7 =	sld [smem:$0x7DE];
	_ =	sdelay $0x1  }
0x8b: {  	s8 =	simm.s32 $0x7D80  }
0x8c: {  	[tilespmem:s8], [sflag:$0x1] =	stream.linear.gather [spmem:s7], $0x80, $0x38;
	[tilespmem:$0xA280] =	vst v63  }
0x8d: {  	s7 =	sld [smem:$0x7DF];
	_ =	sdelay $0x1  }
0x8e: {  	s8 =	simm.s32 $0x8180  }
0x8f: {  	[tilespmem:s8], [sflag:$0x1] =	stream.linear.gather [spmem:s7], $0x80, $0x38;
	[tilespmem:$0xA280] =	vst v63  }
0x90: {  	s7 =	sld [smem:$0x7E0];
	_ =	sdelay $0x1  }
0x91: {  	s8 =	simm.s32 $0x8580  }
0x92: {  	[tilespmem:s8], [sflag:$0x1] =	stream.linear.gather [spmem:s7], $0x80, $0x38;
	[tilespmem:$0xA280] =	vst v63  }
0x93: {  	s7 =	sld [smem:$0x7E1];
	_ =	sdelay $0x1  }
0x94: {  	s8 =	simm.s32 $0x8980  }
0x95: {  	[tilespmem:s8], [sflag:$0x1] =	stream.linear.gather [spmem:s7], $0x80, $0x38;
	[tilespmem:$0xA280] =	vst v63  }
0x96: {  	_ =	swait.ge [sflag:s1], $0x280  }
0x97: {  	[sflag:s1] =	ssyncset.done $0x0  }
0x98: {  	s8 =	simm.s32 $0x7A00;
	s7 =	rddreg [dreg:$0x8];
	[sflag:s1] =	ssyncadd.s32 $0xFFFFFD80  }
0x99: {  	[tilespmem:s8], [sflag:$0x1] =	stream.linear.gather [spmem:s7], $0x80, $0x38;
	[tilespmem:$0xA280] =	vst v63  }
0x9a: {  	s7 =	sld [smem:$0x7E2];
	_ =	sdelay $0x1  }
0x9b: {  	s8 =	simm.s32 $0x7E00  }
0x9c: {  	[tilespmem:s8], [sflag:$0x1] =	stream.linear.gather [spmem:s7], $0x80, $0x38;
	[tilespmem:$0xA280] =	vst v63  }
0x9d: {  	s7 =	sld [smem:$0x7E3];
	_ =	sdelay $0x1  }
0x9e: {  	s8 =	simm.s32 $0x8200  }
0x9f: {  	[tilespmem:s8], [sflag:$0x1] =	stream.linear.gather [spmem:s7], $0x80, $0x38;
	[tilespmem:$0xA280] =	vst v63  }
0xa0: {  	s7 =	sld [smem:$0x7E4];
	_ =	sdelay $0x1  }
0xa1: {  	s8 =	simm.s32 $0x8600  }
0xa2: {  	[tilespmem:s8], [sflag:$0x1] =	stream.linear.gather [spmem:s7], $0x80, $0x38;
	[tilespmem:$0xA280] =	vst v63  }
0xa3: {  	s7 =	sld [smem:$0x7E5];
	_ =	sdelay $0x1  }
0xa4: {  	s8 =	simm.s32 $0x8A00  }
0xa5: {  	[tilespmem:s8], [sflag:$0x1] =	stream.linear.gather [spmem:s7], $0x80, $0x38;
	[tilespmem:$0xA280] =	vst v63  }
0xa6: {  	_ =	swait.ge [sflag:s1], $0x280  }
0xa7: {  	[sflag:s1] =	ssyncset.done $0x0  }
0xa8: {  	s8 =	simm.s32 $0x7A80;
	s7 =	rddreg [dreg:$0x9];
	[sflag:s1] =	ssyncadd.s32 $0xFFFFFD80  }
0xa9: {  	[tilespmem:s8], [sflag:$0x1] =	stream.linear.gather [spmem:s7], $0x80, $0x38;
	[tilespmem:$0xA280] =	vst v63  }
0xaa: {  	s7 =	sld [smem:$0x7E6];
	_ =	sdelay $0x1  }
0xab: {  	s8 =	simm.s32 $0x7E80  }
0xac: {  	[tilespmem:s8], [sflag:$0x1] =	stream.linear.gather [spmem:s7], $0x80, $0x38;
	[tilespmem:$0xA280] =	vst v63  }
0xad: {  	s7 =	sld [smem:$0x7E7];
	_ =	sdelay $0x1  }
0xae: {  	s8 =	simm.s32 $0x8280  }
0xaf: {  	[tilespmem:s8], [sflag:$0x1] =	stream.linear.gather [spmem:s7], $0x80, $0x38;
	[tilespmem:$0xA280] =	vst v63  }
0xb0: {  	s7 =	sld [smem:$0x7E8];
	_ =	sdelay $0x1  }
0xb1: {  	s8 =	simm.s32 $0x8680  }
0xb2: {  	[tilespmem:s8], [sflag:$0x1] =	stream.linear.gather [spmem:s7], $0x80, $0x38;
	[tilespmem:$0xA280] =	vst v63  }
0xb3: {  	s7 =	sld [smem:$0x7E9];
	_ =	sdelay $0x1  }
0xb4: {  	s8 =	simm.s32 $0x8A80  }
0xb5: {  	[tilespmem:s8], [sflag:$0x1] =	stream.linear.gather [spmem:s7], $0x80, $0x38;
	[tilespmem:$0xA280] =	vst v63  }
0xb6: {  	_ =	swait.ge [sflag:s1], $0x280  }
0xb7: {  	[sflag:s1] =	ssyncset.done $0x0  }
0xb8: {  	s8 =	simm.s32 $0x7B00;
	s7 =	rddreg [dreg:$0xa];
	[sflag:s1] =	ssyncadd.s32 $0xFFFFFD80  }
0xb9: {  	[tilespmem:s8], [sflag:$0x1] =	stream.linear.gather [spmem:s7], $0x80, $0x38;
	[tilespmem:$0xA280] =	vst v63  }
0xba: {  	s7 =	sld [smem:$0x7EA];
	_ =	sdelay $0x1  }
0xbb: {  	s8 =	simm.s32 $0x7F00  }
0xbc: {  	[tilespmem:s8], [sflag:$0x1] =	stream.linear.gather [spmem:s7], $0x80, $0x38;
	[tilespmem:$0xA280] =	vst v63  }
0xbd: {  	s7 =	sld [smem:$0x7EB];
	_ =	sdelay $0x1  }
0xbe: {  	s8 =	simm.s32 $0x8300  }
0xbf: {  	[tilespmem:s8], [sflag:$0x1] =	stream.linear.gather [spmem:s7], $0x80, $0x38;
	[tilespmem:$0xA280] =	vst v63  }
0xc0: {  	s7 =	sld [smem:$0x7EC];
	_ =	sdelay $0x1  }
0xc1: {  	s8 =	simm.s32 $0x8700  }
0xc2: {  	[tilespmem:s8], [sflag:$0x1] =	stream.linear.gather [spmem:s7], $0x80, $0x38;
	[tilespmem:$0xA280] =	vst v63  }
0xc3: {  	s7 =	sld [smem:$0x7ED];
	_ =	sdelay $0x1  }
0xc4: {  	s8 =	simm.s32 $0x8B00  }
0xc5: {  	[tilespmem:s8], [sflag:$0x1] =	stream.linear.gather [spmem:s7], $0x80, $0x38;
	[tilespmem:$0xA280] =	vst v63  }
0xc6: {  	_ =	swait.ge [sflag:s1], $0x280  }
0xc7: {  	[sflag:s1] =	ssyncset.done $0x0  }
0xc8: {  	s8 =	simm.s32 $0x7B80;
	s7 =	rddreg [dreg:$0xb];
	[sflag:s1] =	ssyncadd.s32 $0xFFFFFD80  }
0xc9: {  	[tilespmem:s8], [sflag:$0x1] =	stream.linear.gather [spmem:s7], $0x80, $0x38;
	[tilespmem:$0xA280] =	vst v63  }
0xca: {  	s7 =	sld [smem:$0x7EE];
	_ =	sdelay $0x1  }
0xcb: {  	s8 =	simm.s32 $0x7F80  }
0xcc: {  	[tilespmem:s8], [sflag:$0x1] =	stream.linear.gather [spmem:s7], $0x80, $0x38;
	[tilespmem:$0xA280] =	vst v63  }
0xcd: {  	s7 =	sld [smem:$0x7EF];
	_ =	sdelay $0x1  }
0xce: {  	s8 =	simm.s32 $0x8380  }
0xcf: {  	[tilespmem:s8], [sflag:$0x1] =	stream.linear.gather [spmem:s7], $0x80, $0x38;
	[tilespmem:$0xA280] =	vst v63  }
0xd0: {  	s7 =	sld [smem:$0x7F0];
	_ =	sdelay $0x1  }
0xd1: {  	s8 =	simm.s32 $0x8780  }
0xd2: {  	[tilespmem:s8], [sflag:$0x1] =	stream.linear.gather [spmem:s7], $0x80, $0x38;
	[tilespmem:$0xA280] =	vst v63  }
0xd3: {  	s7 =	sld [smem:$0x7F1];
	_ =	sdelay $0x1  }
0xd4: {  	s8 =	simm.s32 $0x8B80  }
0xd5: {  	[tilespmem:s8], [sflag:$0x1] =	stream.linear.gather [spmem:s7], $0x80, $0x38;
	[tilespmem:$0xA280] =	vst v63  }
0xd6: {  	_ =	swait.ge [sflag:s1], $0x280  }
0xd7: {  	[sflag:s1] =	ssyncset.done $0x0  }
0xd8: {  	s8 =	simm.s32 $0x8C00;
	s7 =	rddreg [dreg:$0xc];
	[sflag:s1] =	ssyncadd.s32 $0xFFFFFD80  }
0xd9: {  	[tilespmem:s8], [sflag:$0x1] =	stream.linear.gather [spmem:s7], $0x80, $0x38;
	[tilespmem:$0xA280] =	vst v63  }
0xda: {  	s7 =	sld [smem:$0x7F2];
	_ =	sdelay $0x1  }
0xdb: {  	s8 =	simm.s32 $0x9000  }
0xdc: {  	[tilespmem:s8], [sflag:$0x1] =	stream.linear.gather [spmem:s7], $0x80, $0x38;
	[tilespmem:$0xA280] =	vst v63  }
0xdd: {  	s7 =	sld [smem:$0x7F3];
	_ =	sdelay $0x1  }
0xde: {  	s8 =	simm.s32 $0x9400  }
0xdf: {  	[tilespmem:s8], [sflag:$0x1] =	stream.linear.gather [spmem:s7], $0x80, $0x38;
	[tilespmem:$0xA280] =	vst v63  }
0xe0: {  	s7 =	sld [smem:$0x7F4];
	_ =	sdelay $0x1  }
0xe1: {  	s8 =	simm.s32 $0x9800  }
0xe2: {  	[tilespmem:s8], [sflag:$0x1] =	stream.linear.gather [spmem:s7], $0x80, $0x38;
	[tilespmem:$0xA280] =	vst v63  }
0xe3: {  	s7 =	sld [smem:$0x7F5];
	_ =	sdelay $0x1  }
0xe4: {  	s8 =	simm.s32 $0x9C00  }
0xe5: {  	[tilespmem:s8], [sflag:$0x1] =	stream.linear.gather [spmem:s7], $0x80, $0x38;
	[tilespmem:$0xA280] =	vst v63  }
0xe6: {  	_ =	swait.ge [sflag:s1], $0x280  }
0xe7: {  	[sflag:s1] =	ssyncset.done $0x0  }
0xe8: {  	s8 =	simm.s32 $0x8C80;
	s7 =	rddreg [dreg:$0xd];
	[sflag:s1] =	ssyncadd.s32 $0xFFFFFD80  }
0xe9: {  	[tilespmem:s8], [sflag:$0x1] =	stream.linear.gather [spmem:s7], $0x80, $0x38;
	[tilespmem:$0xA280] =	vst v63  }
0xea: {  	s7 =	sld [smem:$0x7F6];
	_ =	sdelay $0x1  }
0xeb: {  	s8 =	simm.s32 $0x9080  }
0xec: {  	[tilespmem:s8], [sflag:$0x1] =	stream.linear.gather [spmem:s7], $0x80, $0x38;
	[tilespmem:$0xA280] =	vst v63  }
0xed: {  	s7 =	sld [smem:$0x7F7];
	_ =	sdelay $0x1  }
0xee: {  	s8 =	simm.s32 $0x9480  }
0xef: {  	[tilespmem:s8], [sflag:$0x1] =	stream.linear.gather [spmem:s7], $0x80, $0x38;
	[tilespmem:$0xA280] =	vst v63  }
0xf0: {  	s7 =	sld [smem:$0x7F8];
	_ =	sdelay $0x1  }
0xf1: {  	s8 =	simm.s32 $0x9880  }
0xf2: {  	[tilespmem:s8], [sflag:$0x1] =	stream.linear.gather [spmem:s7], $0x80, $0x38;
	[tilespmem:$0xA280] =	vst v63  }
0xf3: {  	s7 =	sld [smem:$0x7F9];
	_ =	sdelay $0x1  }
0xf4: {  	s8 =	simm.s32 $0x9C80  }
0xf5: {  	[tilespmem:s8], [sflag:$0x1] =	stream.linear.gather [spmem:s7], $0x80, $0x38;
	[tilespmem:$0xA280] =	vst v63  }
0xf6: {  	_ =	swait.ge [sflag:s1], $0x280  }
0xf7: {  	[sflag:s1] =	ssyncset.done $0x0  }
0xf8: {  	s8 =	simm.s32 $0x8D00;
	s7 =	rddreg [dreg:$0xe];
	[sflag:s1] =	ssyncadd.s32 $0xFFFFFD80  }
0xf9: {  	[tilespmem:s8], [sflag:$0x1] =	stream.linear.gather [spmem:s7], $0x80, $0x38;
	[tilespmem:$0xA280] =	vst v63  }
0xfa: {  	s7 =	sld [smem:$0x7FA];
	_ =	sdelay $0x1  }
0xfb: {  	s8 =	simm.s32 $0x9100  }
0xfc: {  	[tilespmem:s8], [sflag:$0x1] =	stream.linear.gather [spmem:s7], $0x80, $0x38;
	[tilespmem:$0xA280] =	vst v63  }
0xfd: {  	s7 =	sld [smem:$0x7FB];
	_ =	sdelay $0x1  }
0xfe: {  	s8 =	simm.s32 $0x9500  }
0xff: {  	[tilespmem:s8], [sflag:$0x1] =	stream.linear.gather [spmem:s7], $0x80, $0x38;
	[tilespmem:$0xA280] =	vst v63  }
0x100: {  	s7 =	sld [smem:$0x7FC];
	_ =	sdelay $0x1  }
0x101: {  	s8 =	simm.s32 $0x9900  }
0x102: {  	[tilespmem:s8], [sflag:$0x1] =	stream.linear.gather [spmem:s7], $0x80, $0x38;
	[tilespmem:$0xA280] =	vst v63  }
0x103: {  	s7 =	sld [smem:$0x7FD];
	_ =	sdelay $0x1  }
0x104: {  	s8 =	simm.s32 $0x9D00  }
0x105: {  	[tilespmem:s8], [sflag:$0x1] =	stream.linear.gather [spmem:s7], $0x80, $0x38;
	[tilespmem:$0xA280] =	vst v63  }
0x106: {  	_ =	swait.ge [sflag:s1], $0x280  }
0x107: {  	[sflag:s1] =	ssyncset.done $0x0  }
0x108: {  	s8 =	simm.s32 $0x8D80;
	s7 =	rddreg [dreg:$0xf];
	[sflag:s1] =	ssyncadd.s32 $0xFFFFFD80  }
0x109: {  	[tilespmem:s8], [sflag:$0x1] =	stream.linear.gather [spmem:s7], $0x80, $0x38;
	[tilespmem:$0xA280] =	vst v63  }
0x10a: {  	s6 =	simm.s32 $0x9180  }
0x10b: {  	[tilespmem:s6], [sflag:$0x1] =	stream.linear.gather [spmem:s9], $0x80, $0x38;
	[tilespmem:$0xA280] =	vst v63  }
0x10c: {  	s7 =	simm.s32 $0x9580  }
0x10d: {  	[tilespmem:s7], [sflag:$0x1] =	stream.linear.gather [spmem:s10], $0x80, $0x38;
	[tilespmem:$0xA280] =	vst v63  }
0x10e: {  	s8 =	simm.s32 $0x9980  }
0x10f: {  	[tilespmem:s8], [sflag:$0x1] =	stream.linear.gather [spmem:s11], $0x80, $0x38;
	[tilespmem:$0xA280] =	vst v63  }
0x110: {  	s6 =	simm.s32 $0x9D80  }
0x111: {  	[tilespmem:s6], [sflag:$0x1] =	stream.linear.gather [spmem:s12], $0x80, $0x38;
	[tilespmem:$0xA280] =	vst v63  }
0x112: {  	_ =	swait.ge [sflag:s1], $0x280  }
0x113: {  	[sflag:s1] =	ssyncset.done $0x0  }
0x114: {  	s8 =	simm.s32 $0x8E00;
	s7 =	rddreg [dreg:$0x10];
	[sflag:s1] =	ssyncadd.s32 $0xFFFFFD80  }
0x115: {  	[tilespmem:s8], [sflag:$0x1] =	stream.linear.gather [spmem:s7], $0x80, $0x38;
	[tilespmem:$0xA280] =	vst v63  }
0x116: {  	s6 =	simm.s32 $0x9200  }
0x117: {  	[tilespmem:s6], [sflag:$0x1] =	stream.linear.gather [spmem:s13], $0x80, $0x38;
	[tilespmem:$0xA280] =	vst v63  }
0x118: {  	s7 =	simm.s32 $0x9600  }
0x119: {  	[tilespmem:s7], [sflag:$0x1] =	stream.linear.gather [spmem:s14], $0x80, $0x38;
	[tilespmem:$0xA280] =	vst v63  }
0x11a: {  	s8 =	simm.s32 $0x9A00  }
0x11b: {  	[tilespmem:s8], [sflag:$0x1] =	stream.linear.gather [spmem:s15], $0x80, $0x38;
	[tilespmem:$0xA280] =	vst v63  }
0x11c: {  	s6 =	simm.s32 $0x9E00  }
0x11d: {  	[tilespmem:s6], [sflag:$0x1] =	stream.linear.gather [spmem:s16], $0x80, $0x38;
	[tilespmem:$0xA280] =	vst v63  }
0x11e: {  	_ =	swait.ge [sflag:s1], $0x280  }
0x11f: {  	[sflag:s1] =	ssyncset.done $0x0  }
0x120: {  	s8 =	simm.s32 $0x8E80;
	s7 =	rddreg [dreg:$0x11];
	[sflag:s1] =	ssyncadd.s32 $0xFFFFFD80  }
0x121: {  	[tilespmem:s8], [sflag:$0x1] =	stream.linear.gather [spmem:s7], $0x80, $0x38;
	[tilespmem:$0xA280] =	vst v63  }
0x122: {  	s6 =	simm.s32 $0x9280  }
0x123: {  	[tilespmem:s6], [sflag:$0x1] =	stream.linear.gather [spmem:s17], $0x80, $0x38;
	[tilespmem:$0xA280] =	vst v63  }
0x124: {  	s7 =	simm.s32 $0x9680  }
0x125: {  	[tilespmem:s7], [sflag:$0x1] =	stream.linear.gather [spmem:s18], $0x80, $0x38;
	[tilespmem:$0xA280] =	vst v63  }
0x126: {  	s8 =	simm.s32 $0x9A80  }
0x127: {  	[tilespmem:s8], [sflag:$0x1] =	stream.linear.gather [spmem:s19], $0x80, $0x38;
	[tilespmem:$0xA280] =	vst v63  }
0x128: {  	s6 =	simm.s32 $0x9E80  }
0x129: {  	[tilespmem:s6], [sflag:$0x1] =	stream.linear.gather [spmem:s20], $0x80, $0x38;
	[tilespmem:$0xA280] =	vst v63  }
0x12a: {  	_ =	swait.ge [sflag:s1], $0x280  }
0x12b: {  	[sflag:s1] =	ssyncset.done $0x0  }
0x12c: {  	s8 =	simm.s32 $0x8F00;
	s7 =	rddreg [dreg:$0x12];
	[sflag:s1] =	ssyncadd.s32 $0xFFFFFD80  }
0x12d: {  	[tilespmem:s8], [sflag:$0x1] =	stream.linear.gather [spmem:s7], $0x80, $0x38;
	[tilespmem:$0xA280] =	vst v63  }
0x12e: {  	s6 =	simm.s32 $0x9300  }
0x12f: {  	[tilespmem:s6], [sflag:$0x1] =	stream.linear.gather [spmem:s21], $0x80, $0x38;
	[tilespmem:$0xA280] =	vst v63  }
0x130: {  	s7 =	simm.s32 $0x9700  }
0x131: {  	[tilespmem:s7], [sflag:$0x1] =	stream.linear.gather [spmem:s22], $0x80, $0x38;
	[tilespmem:$0xA280] =	vst v63  }
0x132: {  	s8 =	simm.s32 $0x9B00  }
0x133: {  	[tilespmem:s8], [sflag:$0x1] =	stream.linear.gather [spmem:s23], $0x80, $0x38;
	[tilespmem:$0xA280] =	vst v63  }
0x134: {  	s6 =	simm.s32 $0x9F00  }
0x135: {  	[tilespmem:s6], [sflag:$0x1] =	stream.linear.gather [spmem:s24], $0x80, $0x38;
	[tilespmem:$0xA280] =	vst v63  }
0x136: {  	_ =	swait.ge [sflag:s1], $0x280  }
0x137: {  	[sflag:s1] =	ssyncset.done $0x0  }
0x138: {  	s8 =	simm.s32 $0x8F80;
	s7 =	rddreg [dreg:$0x13];
	[sflag:s1] =	ssyncadd.s32 $0xFFFFFD80  }
0x139: {  	[tilespmem:s8], [sflag:$0x1] =	stream.linear.gather [spmem:s7], $0x80, $0x38;
	[tilespmem:$0xA280] =	vst v63  }
0x13a: {  	s6 =	simm.s32 $0x9380  }
0x13b: {  	[tilespmem:s6], [sflag:$0x1] =	stream.linear.gather [spmem:s25], $0x80, $0x38;
	[tilespmem:$0xA280] =	vst v63  }
0x13c: {  	s7 =	simm.s32 $0x9780  }
0x13d: {  	[tilespmem:s7], [sflag:$0x1] =	stream.linear.gather [spmem:s26], $0x80, $0x38;
	[tilespmem:$0xA280] =	vst v63  }
0x13e: {  	s8 =	simm.s32 $0x9B80  }
0x13f: {  	[tilespmem:s8], [sflag:$0x1] =	stream.linear.gather [spmem:s28], $0x80, $0x38;
	[tilespmem:$0xA280] =	vst v63  }
0x140: {  	s6 =	simm.s32 $0x9F80  }
0x141: {  	[tilespmem:s6], [sflag:$0x1] =	stream.linear.gather [spmem:s29], $0x80, $0x38;
	[tilespmem:$0xA280] =	vst v63  }
0x142: {  	_ =	swait.ge [sflag:s1], $0x280  }
0x143: {  	s7 =	sand.u32 $0x70, s3;
	s3 =	sand.u32 $0x1C00, s3;
	[sflag:s1] =	ssyncset.done $0x0  }
0x144: {  	s3 =	sor.u32 s7, s3;
	[sflag:s1] =	ssyncadd.s32 $0xFFFFFD80  }
0x145: {  	v2 =	vld [tilespmem:s3+$0x7880]  }
0x146: {  	v3 =	vld [tilespmem:s3+$0x7800];
	_ =	sdelay $0x1  }
0x147: {  	v4 =	vld [tilespmem:s3+$0x7900];
	_ =	sdelay $0x1  }
0x148: {  	v5 =	vld [tilespmem:s3+$0x7980]  }
0x149: {  	v2 =	vadd.f32 v2, v3  }
0x14a: {  	v3 =	vld [tilespmem:s3+$0x7A00]  }
0x14b: {  	v2 =	vadd.f32 v4, v2  }
0x14c: {  	v56 =	vld [tilespmem:s3+$0x7A80]  }
0x14d: {  	v2 =	vadd.f32 v5, v2  }
0x14e: {  	v57 =	vld [tilespmem:s3+$0x7B00]  }
0x14f: {  	v2 =	vadd.f32 v3, v2  }
0x150: {  	v3 =	vld [tilespmem:s3+$0x7B80]  }
0x151: {  	v2 =	vadd.f32 v56, v2  }
0x152: {  	v58 =	vld [tilespmem:s3+$0x8C00]  }
0x153: {  	v2 =	vadd.f32 v57, v2  }
0x154: {  	v59 =	vld [tilespmem:s3+$0x8C80]  }
0x155: {  	v2 =	vadd.f32 v3, v2  }
0x156: {  	v3 =	vld [tilespmem:s3+$0x8D00]  }
0x157: {  	v2 =	vadd.f32 v58, v2  }
0x158: {  	v60 =	vld [tilespmem:s3+$0x8D80]  }
0x159: {  	v2 =	vadd.f32 v59, v2  }
0x15a: {  	v61 =	vld [tilespmem:s3+$0x8E00]  }
0x15b: {  	v2 =	vadd.f32 v3, v2  }
0x15c: {  	v3 =	vld [tilespmem:s3+$0x8E80]  }
0x15d: {  	v2 =	vadd.f32 v60, v2  }
0x15e: {  	v62 =	vld [tilespmem:s3+$0x8F00]  }
0x15f: {  	v2 =	vadd.f32 v61, v2  }
0x160: {  	v63 =	vld [tilespmem:s3+$0x8F80]  }
0x161: {  	v2 =	vadd.f32 v3, v2;
	_ =	sdelay $0x1  }
0x162: {  	v2 =	vadd.f32 v62, v2;
	_ =	sdelay $0x1  }
0x163: {  	s8 =	simm.s32 $0x10;
	s6 =	simm.s32 $0x80;
	v2 =	vadd.f32 v63, v2  }
0x164: {  	s4 =	sand.u32 $0x70, s8;
	s7 =	sand.u32 $0x1C00, s6;
	s3 =	simm.s32 $0xA000  }
0x165: {  	s4 =	sor.u32 s4, s7;
	s7 =	simm.s32 $0x20;
	[tilespmem:s3+$0x0] =	vst v2  }
.LBB2_6:
0x166: {  	p0 =	sne.s32 s7, $0x270;
	v2 =	vld [tilespmem:s4+$0x7880]  }
0x167: {  	v3 =	vld [tilespmem:s4+$0x7800];
	_ =	sdelay $0x1  }
0x168: {  	v4 =	vld [tilespmem:s4+$0x7900];
	_ =	sdelay $0x1  }
0x169: {  	v5 =	vld [tilespmem:s4+$0x7980]  }
0x16a: {  	v2 =	vadd.f32 v2, v3  }
0x16b: {  	v3 =	vld [tilespmem:s4+$0x7A00]  }
0x16c: {  	v2 =	vadd.f32 v4, v2  }
0x16d: {  	v4 =	vld [tilespmem:s4+$0x7A80]  }
0x16e: {  	v2 =	vadd.f32 v5, v2  }
0x16f: {  	v5 =	vld [tilespmem:s4+$0x7B00]  }
0x170: {  	v2 =	vadd.f32 v3, v2  }
0x171: {  	v3 =	vld [tilespmem:s4+$0x7B80]  }
0x172: {  	v2 =	vadd.f32 v4, v2  }
0x173: {  	v4 =	vld [tilespmem:s4+$0x8C00]  }
0x174: {  	v2 =	vadd.f32 v5, v2  }
0x175: {  	v5 =	vld [tilespmem:s4+$0x8C80]  }
0x176: {  	v2 =	vadd.f32 v3, v2  }
0x177: {  	v3 =	vld [tilespmem:s4+$0x8D00]  }
0x178: {  	v2 =	vadd.f32 v4, v2  }
0x179: {  	v4 =	vld [tilespmem:s4+$0x8D80]  }
0x17a: {  	v2 =	vadd.f32 v5, v2  }
0x17b: {  	v5 =	vld [tilespmem:s4+$0x8E00]  }
0x17c: {  	v2 =	vadd.f32 v3, v2  }
0x17d: {  	v3 =	vld [tilespmem:s4+$0x8E80]  }
0x17e: {  	v2 =	vadd.f32 v4, v2  }
0x17f: {  	v4 =	vld [tilespmem:s4+$0x8F00]  }
0x180: {  	v2 =	vadd.f32 v5, v2  }
0x181: {  	v5 =	vld [tilespmem:s4+$0x8F80]  }
0x182: {  	v2 =	vadd.f32 v3, v2;
	_ =	sdelay $0x1  }
.Ltmp2:
0x183: {  	v2 =	vadd.f32 v4, v2;
	(pc) =	sbr.rel @p0 .LBB2_6-.Ltmp2, $4  }
0x184: {  	_ = 	snop  }
0x185: {  	s6 =	sadd.s32 $0x80, s6;
	v2 =	vadd.f32 v5, v2  }
0x186: {  	s3 =	sadd.s32 $0x10, s3;
	s8 =	sand.u32 $0x1C00, s6;
	s4 =	sand.u32 $0x70, s7  }
0x187: {  	s7 =	sadd.s32 $0x10, s7;
	s4 =	sor.u32 s4, s8;
	[tilespmem:s3+$0x0] =	vst v2  }
0x188: {  	v2 =	vld [tilespmem:s4+$0x7880]  }
0x189: {  	v3 =	vld [tilespmem:s4+$0x7800];
	_ =	sdelay $0x1  }
0x18a: {  	v4 =	vld [tilespmem:s4+$0x7900];
	_ =	sdelay $0x1  }
0x18b: {  	v5 =	vld [tilespmem:s4+$0x7980]  }
0x18c: {  	v2 =	vadd.f32 v2, v3  }
0x18d: {  	v3 =	vld [tilespmem:s4+$0x7A00]  }
0x18e: {  	v2 =	vadd.f32 v4, v2  }
0x18f: {  	v56 =	vld [tilespmem:s4+$0x7A80]  }
0x190: {  	v2 =	vadd.f32 v5, v2  }
0x191: {  	v57 =	vld [tilespmem:s4+$0x7B00]  }
0x192: {  	v2 =	vadd.f32 v3, v2  }
0x193: {  	v3 =	vld [tilespmem:s4+$0x7B80]  }
0x194: {  	v2 =	vadd.f32 v56, v2  }
0x195: {  	v58 =	vld [tilespmem:s4+$0x8C00]  }
0x196: {  	v2 =	vadd.f32 v57, v2  }
0x197: {  	v59 =	vld [tilespmem:s4+$0x8C80]  }
0x198: {  	v2 =	vadd.f32 v3, v2  }
0x199: {  	v3 =	vld [tilespmem:s4+$0x8D00]  }
0x19a: {  	v2 =	vadd.f32 v58, v2  }
0x19b: {  	v60 =	vld [tilespmem:s4+$0x8D80]  }
0x19c: {  	v2 =	vadd.f32 v59, v2  }
0x19d: {  	v61 =	vld [tilespmem:s4+$0x8E00]  }
0x19e: {  	v2 =	vadd.f32 v3, v2  }
0x19f: {  	v3 =	vld [tilespmem:s4+$0x8E80]  }
0x1a0: {  	v2 =	vadd.f32 v60, v2  }
0x1a1: {  	v62 =	vld [tilespmem:s4+$0x8F00]  }
0x1a2: {  	v2 =	vadd.f32 v61, v2  }
0x1a3: {  	v63 =	vld [tilespmem:s4+$0x8F80]  }
0x1a4: {  	v2 =	vadd.f32 v3, v2;
	_ =	sdelay $0x1  }
0x1a5: {  	v2 =	vadd.f32 v62, v2;
	_ =	sdelay $0x1  }
0x1a6: {  	v2 =	vadd.f32 v63, v2  }
0x1a7: {  	s3 =	sadd.s32 $0x10, s3  }
0x1a8: {  	s7 =	simm.s32 $0x100;
	s6 =	simm.s32 $0xA000;
	s4 =	rddreg [dreg:$0x14];
	[tilespmem:s3+$0x0] =	vst v2  }
0x1a9: {  	[hbm4b:s4+s30] =	stream.strided.scatter [tilespmem:s6], [sflag:$0x1], $0x280, s7, s30, $0x38;
	[tilespmem:$0xA280] =	vst v63  }
0x1aa: {  	_ =	swait.ge [sflag:s1], $0x280  }
0x1ab: {  	s0 =	sadd.s32 $0x1, s0;
	s8 =	rddreg [dreg:$0x15]  }
0x1ac: {  	p0 =	sne.s32 s0, s8  }
.Ltmp3:
0x1ad: {  	_ = 	snop;
	(pc) =	sbr.rel @p0 .LBB2_1-.Ltmp3, $3  }
0x1ae: {  	_ =	sdelay $0x1  }
0x1af: {  	[sflag:s1] =	ssyncset.done $0x0  }
0x1b0: {  	[sflag:s1] =	ssyncadd.s32 $0xFFFFFD80  }
0x1b1: {  	_ =	sfence.sel $0x180000  }
0x1b2: {  	[bflag:$0x0] =	sbarrier.arrive $0xFFFF  }
0x1b3: {  	_ =	strace $0x90000047  }
0x1b4: {  	s0 =	stileid.u32;
	[bflag:$0x2] =	sbarrier.arrive $0xFFFF  }
0x1b5: {  	p0 =	sne.s32 s0, $0x0;
	s0 =	rddreg [dreg:$0x2]  }
0x1b6: {  	s0 =	sadd.s32 @!p0 $0x100000, s0  }
0x1b7: {  	[sflag:s0] =	ssyncadd.tile.s32 @!p0 $0x1;
	_ =	shalt  }
.Lfunc_end2:
_tile_overlayer_lowered:
.L_overlay_start_2:
0x1b8: {  	(tag) =	ssettag $0x2  }
0x1b9: {  	s0 =	rddreg [dreg:$0x0];
	s2 =	stileid.u32  }
0x1ba: {  	s1 =	rddreg [dreg:$0x1];
	p0 =	sne.s32 s2, $0x0  }
0x1bb: {  	s3 =	rddreg [dreg:$0x2];
	[bflag:$0x3] =	sbarrier.arrive $0xFFFF;
	s2 =	simm.s32 @!p0 $0x1C01  }
0x1bc: {  	[timem:s3], [sflag:s2] =	dma.local @!p0 [hbm:s0], s1  }
0x1bd: {  	s0 =	simm.s32 @!p0 $0x1  }
0x1be: {  	_ =	swait.ge @!p0 [sflag:s0], s1  }
0x1bf: {  	s1 =	ssub.s32 @!p0 $0x0, s1;
	[sflag:s0] =	ssyncset.done @!p0 $0x0  }
0x1c0: {  	[sflag:s0] =	ssyncadd.s32 @!p0 s1  }
0x1c1: {  	[bflag:$0x3] =	sbarrier.arrive $0xFFFF  }
0x1c2: {  	_ =	shalt  }

// kernel: kernel.9.cloned.1.call-start
scs
__scs_entry_jumppad:
0x0: {  	(pc) =	sbr.rel $0x88, $3  }
0x1: {  	(tag) =	ssettag $0x0;
	lr =	simm.s32 $0x1  }
0x2: {  	[smem:$0x3F98] =	sst lr;
	_ =	strace $0xD0000000  }
0x3: {  	_ = 	snop  }
0x4: {  	_ = 	snop  }
0x5: {  	_ = 	snop  }
0x6: {  	_ = 	snop  }
0x7: {  	_ = 	snop  }
__scs_overlays_trampoline_lowered:
0x8: {  	[smem:$0x3FA7] =	sst s0  }
0x9: {  	[smem:$0x3FA8] =	sst s1  }
0xa: {  	[smem:$0x3FA9] =	sst s2  }
0xb: {  	[smem:$0x3FAA] =	sst s3  }
0xc: {  	[smem:$0x3FAB] =	sst s4  }
0xd: {  	[smem:$0x3FAC] =	sst s5  }
0xe: {  	[smem:$0x3FAD] =	sst s6  }
0xf: {  	[smem:$0x3FAE] =	sst s7  }
0x10: {  	[smem:$0x3FAF] =	sst s8  }
0x11: {  	[smem:$0x3FB0] =	sst s9;
	s0 =	simm.s32 @!p0 $0x0  }
0x12: {  	s1 =	sld [smem:$0x3F96];
	s0 =	simm.s32 @p0 $0x1  }
0x13: {  	[smem:$0x3FB1] =	sst s0;
	s0 =	simm.s32 @!p1 $0x0  }
0x14: {  	s2 =	sld [smem:$0x3F95];
	s0 =	simm.s32 @p1 $0x1  }
0x15: {  	[smem:$0x3FB2] =	sst s0;
	s0 =	simm.s32 @!p2 $0x0  }
0x16: {  	s3 =	sld [smem:$0x3FDB];
	s0 =	simm.s32 @p2 $0x1  }
0x17: {  	s4 =	simm.s32 $0x1BF5;
	[smem:$0x3FB4] =	sst s0  }
0x18: {  	s0 =	sld [smem:$0x3F97];
	_ =	swait.ge [sflag:s4], $0x0  }
0x19: {  	s7 =	sld [smem:$0x3F98]  }
0x1a: {  	s8 =	sadd.s32 $0xFFFFE003, lr  }
0x1b: {  	s9 =	sadd.s32 $0xFFFFFEF7, lr;
	s5 =	simm.s32 $0xFFFFFFFF;
	p2 =	slt.u32 s8, $0xFFFFF086  }
0x1c: {  	p1 =	slt.u32 s9, $0xF7A;
	s5 =	simm.s32 @!p2 $0x0  }
0x1d: {  	s5 =	simm.s32 @p1 $0x1;
	p0 =	seq.s32 s7, s2  }
0x1e: {  	s7 =	smul.u32 @!p0 $0xF7A, s2;
	p2 =	seq.s32 @!p0 s5, $0x0  }
0x1f: {  	s9 =	smul.u32 $0xF7A, s1;
	s8 =	simm.s32 @!p0 $0x1BF5;
	p2 =	por !p2, p0  }
0x20: {  	[sflag:s8] =	ssyncset.s32 @!p0 $0xFFFFF086;
	s6 =	sadd.s32 @!p0 s3, s7;
	s7 =	simm.s32 @!p0 $0x108  }
0x21: {  	s3 =	sadd.s32 s3, s9;
	s6 =	sadd.s32 @!p0 $0x88, s6;
	s7 =	simm.s32 @p2 $0x1082  }
0x22: {  	[simem:s7], [sflag:s8] =	dma.local @!p0 [hbm:s6], $0xF7A  }
0x23: {  	s9 =	sor.u32 $0xD0000000, s2;
	s6 =	simm.s32 $0x108;
	_ =	swait.ge @!p0 [sflag:s8], $0x0  }
0x24: {  	s3 =	sadd.s32 $0x88, s3;
	s6 =	simm.s32 @!p1 $0x1082;
	[sflag:s4] =	ssyncset.s32 $0xFFFFF086  }
0x25: {  	[simem:s6], [sflag:s4] =	dma.local [hbm:s3], $0xF7A  }
0x26: {  	[smem:$0x3F98] =	sst s1;
	(tag) =	ssettag s2;
	_ =	strace s9  }
0x27: {  	s1 =	sld [smem:$0x3FA8]  }
0x28: {  	s2 =	sld [smem:$0x3FA9]  }
0x29: {  	s4 =	sld [smem:$0x3FAB]  }
0x2a: {  	p0 =	seq.s32 s5, $0x0;
	s5 =	sld [smem:$0x3FAC]  }
0x2b: {  	s6 =	sld [smem:$0x3FAD]  }
0x2c: {  	s7 =	sld [smem:$0x3FAE]  }
0x2d: {  	s3 =	simm.s32 $0x108;
	s8 =	sld [smem:$0x3FAF]  }
0x2e: {  	s3 =	simm.s32 @!p0 $0x1082;
	s9 =	sld [smem:$0x3FB0]  }
0x2f: {  	lr =	sadd.s32 s0, s3;
	s0 =	sld [smem:$0x3FA7]  }
0x30: {  	s3 =	sld [smem:$0x3FAA]  }
0x31: {  	[smem:$0x3FB3] =	sst s10  }
0x32: {  	s10 =	sld [smem:$0x3FB1];
	_ =	sdelay $0x3  }
0x33: {  	p0 =	seq.s32 s10, $0x1;
	s10 =	sld [smem:$0x3FB3];
	_ =	sdelay $0x3  }
0x34: {  	[smem:$0x3FB3] =	sst s10  }
0x35: {  	s10 =	sld [smem:$0x3FB2];
	_ =	sdelay $0x3  }
0x36: {  	p1 =	seq.s32 s10, $0x1;
	s10 =	sld [smem:$0x3FB3];
	_ =	sdelay $0x3  }
0x37: {  	[smem:$0x3FB3] =	sst s10  }
0x38: {  	s10 =	sld [smem:$0x3FB4]  }
0x39: {  	_ = 	snop;
	(pc) =	sbr.ind lr, $3  }
0x3a: {  	_ = 	snop  }
0x3b: {  	_ = 	snop  }
0x3c: {  	p2 =	seq.s32 s10, $0x1;
	s10 =	sld [smem:$0x3FB3]  }
0x3d: {  	_ =	shalt  }
0x3e: {  	_ =	shalt  }
0x3f: {  	_ =	shalt  }
0x40: {  	_ =	shalt  }
0x41: {  	_ =	shalt  }
0x42: {  	_ =	shalt  }
0x43: {  	_ =	shalt  }
0x44: {  	_ =	shalt  }
0x45: {  	_ =	shalt  }
0x46: {  	_ =	shalt  }
0x47: {  	_ =	shalt  }
0x48: {  	_ =	shalt  }
0x49: {  	_ =	shalt  }
0x4a: {  	_ =	shalt  }
0x4b: {  	_ =	shalt  }
0x4c: {  	_ =	shalt  }
0x4d: {  	_ =	shalt  }
0x4e: {  	_ =	shalt  }
0x4f: {  	_ =	shalt  }
0x50: {  	_ =	shalt  }
0x51: {  	_ =	shalt  }
0x52: {  	_ =	shalt  }
0x53: {  	_ =	shalt  }
0x54: {  	_ =	shalt  }
0x55: {  	_ =	shalt  }
0x56: {  	_ =	shalt  }
0x57: {  	_ =	shalt  }
0x58: {  	_ =	shalt  }
0x59: {  	_ =	shalt  }
0x5a: {  	_ =	shalt  }
0x5b: {  	_ =	shalt  }
0x5c: {  	_ =	shalt  }
0x5d: {  	_ =	shalt  }
0x5e: {  	_ =	shalt  }
0x5f: {  	_ =	shalt  }
0x60: {  	_ =	shalt  }
0x61: {  	_ =	shalt  }
0x62: {  	_ =	shalt  }
0x63: {  	_ =	shalt  }
0x64: {  	_ =	shalt  }
0x65: {  	_ =	shalt  }
0x66: {  	_ =	shalt  }
0x67: {  	_ =	shalt  }
0x68: {  	_ =	shalt  }
0x69: {  	_ =	shalt  }
0x6a: {  	_ =	shalt  }
0x6b: {  	_ =	shalt  }
0x6c: {  	_ =	shalt  }
0x6d: {  	_ =	shalt  }
0x6e: {  	_ =	shalt  }
0x6f: {  	_ =	shalt  }
0x70: {  	_ =	shalt  }
0x71: {  	_ =	shalt  }
0x72: {  	_ =	shalt  }
0x73: {  	_ =	shalt  }
0x74: {  	_ =	shalt  }
0x75: {  	_ =	shalt  }
0x76: {  	_ =	shalt  }
0x77: {  	_ =	shalt  }
0x78: {  	_ =	shalt  }
0x79: {  	_ =	shalt  }
0x7a: {  	_ =	shalt  }
0x7b: {  	_ =	shalt  }
0x7c: {  	_ =	shalt  }
0x7d: {  	_ =	shalt  }
0x7e: {  	_ =	shalt  }
0x7f: {  	_ =	shalt  }
0x80: {  	_ =	shalt  }
0x81: {  	_ =	shalt  }
0x82: {  	_ =	shalt  }
0x83: {  	_ =	shalt  }
0x84: {  	_ =	shalt  }
0x85: {  	_ =	shalt  }
0x86: {  	_ =	shalt  }
0x87: {  	_ =	shalt  }
.Lfunc_end0:
.L_simem_size_0:
called_computation.1_lowered:
.L_overlay_start_0:
0x88: {  	s2 =	sld [smem:$0x3FD9]  }
0x89: {  	s3 =	sld [smem:$0x3FFE];
	_ =	sdelay $0x1  }
0x8a: {  	s1 =	srdreg.scid  }
0x8b: {  	s0 =	sand.u32 $0x1, s1  }
0x8c: {  	s17 =	sshll.u32 s0, $0xA;
	s2 =	sadd.s32 s3, s2  }
0x8d: {  	s2 =	sadd.s32 s2, s17  }
0x8e: {  	[smem:$0x3FBF] =	sst s2  }
0x8f: {  	_ = 	snop  }
0x90: {  	s2 =	sld [smem:$0x3FD0];
	(tm) =	ssettm $0x1  }
0x91: {  	s18 =	sld [smem:$0x3FFB];
	_ =	sdelay $0x3  }
0x92: {  	_ =	strace s18  }
0x93: {  	s3 =	sld [smem:$0x3FFC];
	_ =	sdelay $0x3  }
0x94: {  	_ =	strace s3  }
0x95: {  	s3 =	sld [smem:$0x3FFD];
	_ =	sdelay $0x3  }
0x96: {  	_ =	strace s3  }
0x97: {  	_ =	strace $0x8FFFFFFF  }
0x98: {  	s19 =	sld [smem:$0x3FDB];
	_ =	sdelay $0x1  }
0x99: {  	s4 =	simm.s32 $_scs_section_size  }
0x9a: {  	s5 =	simm.s32 $_size__tile_overlayer_lowered;
	s6 =	simm.s32 $_tile_overlayer_lowered  }
0x9b: {  	s22 =	simm.s32 $0x1BFF;
	s21 =	sshll.u32 s6, $0x1;
	s3 =	sadd.s32 s4, s19  }
0x9c: {  	s7 =	simm.s32 $0x0;
	s20 =	sshll.u32 s5, $0x1;
	s5 =	sadd.s32 s21, s3  }
0x9d: {  	[timem:s7], [sflag:s22] =	dma.local [hbm:s5], s20  }
0x9e: {  	_ =	swait.ge [sflag:s22], s20  }
0x9f: {  	s4 =	ssub.s32 $0x0, s20;
	[sflag:s22] =	ssyncset.done $0x0  }
0xa0: {  	[sflag:s22] =	ssyncadd.s32 s4;
	_ =	sdelay $0x1  }
0xa1: {  	s23 =	simm.s32 $0x1B8B  }
0xa2: {  	_ =	swait.ge [sflag:s23], $0x1  }
0xa3: {  	[sflag:s23] =	ssyncset.done $0x0  }
0xa4: {  	s25 =	simm.s32 $0x1B8E;
	s24 =	sld [smem:$0x3FFE];
	[sflag:s23] =	ssyncadd.s32 $0xFFFFFFFF  }
0xa5: {  	s26 =	simm.s32 $execute0_lowered;
	[smem:$0x3FD2] =	sst s25  }
0xa6: {  	s5 =	sshll.u32 s26, $0x1;
	_ =	strace $0x80000049;
	[dreg:$0x1] =	wrdreg $0xFFFFFFFF  }
0xa7: {  	s28 =	simm.s32 $_size_execute0_lowered;
	s3 =	sadd.s32 s3, s5;
	[dreg:$0x0] =	wrdreg $0x0  }
0xa8: {  	s5 =	sshll.u32 s28, $0x1;
	[dreg:$0x2] =	wrdreg s3  }
0xa9: {  	[dreg:$0x3] =	wrdreg s5  }
0xaa: {  	[dreg:$0x4] =	wrdreg $0xC0  }
0xab: {  	_ =	task [dreg:s7], $0x5FFFF  }
0xac: {  	[dreg:$0x1] =	wrdreg $0xFFFFFFFF  }
0xad: {  	[dreg:$0x0] =	wrdreg $0x60  }
0xae: {  	[dreg:$0x2] =	wrdreg s2  }
0xaf: {  	[dreg:$0x3] =	wrdreg s24  }
0xb0: {  	[dreg:$0x4] =	wrdreg $0x9  }
0xb1: {  	_ =	task.clear_ibuf [dreg:s7], $0x5FFFF;
	_ =	strace $0x90000049  }
0xb2: {  	s29 =	simm.s32 $0x9;
	_ =	strace $0x8000004B  }
0xb3: {  	_ =	swait.ge [sflag:s29], $0x1  }
0xb4: {  	[sflag:s29] =	ssyncadd.s32 $0xFFFFFFFF  }
0xb5: {  	_ =	strace $0x9000004B  }
0xb6: {  	_ =	sfence  }
0xb7: {  	s30 =	sld [smem:$0x0];
	_ =	sdelay $0x2  }
0xb8: {  	s31 =	sshll.u32 s1, $0xD;
	s1 =	sshrl.u32 s1, $0x2  }
0xb9: {  	s3 =	sand.u32 $0x4000, s31;
	s1 =	sadd.s32 s1, s30  }
0xba: {  	s0 =	sor.u32 s3, s0;
	s1 =	sshll.u32 s1, $0x11  }
0xbb: {  	s0 =	sor.u32 s1, s0  }
0xbc: {  	s0 =	sadd.s32 $0x8F2B, s0  }
0xbd: {  	[sflag:s0] =	ssyncadd.remote.s32 $0x1  }
0xbe: {  	_ =	sfence.sel $0xFFFF  }
0xbf: {  	[dreg:$0x0] =	wrdreg $0xFFFFFFFF;
	(pc) =	sbr.abs _section_cstart, $3  }
0xc0: {  	[dreg:$0x1] =	wrdreg $0xFFFFFFFF  }
0xc1: {  	_ =	task.clear_ibuf [dreg:s7], $0x2FFFF;
	_ =	strace $0x9FFFFFFF  }
0xc2: {  	(tm) =	ssettm $0x7FFFFFFF  }
0xc3: {  	_ =	shalt  }
tec
execute0_lowered:
.L_overlay_start_1:
0x0: {  	(tag) =	ssettag $0x1  }
0x1: {  	s1 =	rddreg [dreg:$0x0]  }
0x2: {  	s3 =	rddreg [dreg:$0x1]  }
0x3: {  	s0 =	rddreg [dreg:$0x2];
	s2 =	simm.s32 $0x0;
	s5 =	srdreg.scid  }
0x4: {  	s15 =	simm.s32 $0xA100;
	s4 =	sadd.s32 $0x5C400, s3;
	s6 =	sand.u32 $0x1, s5  }
0x5: {  	s8 =	sadd.s32 $0xAC400, s3;
	s3 =	stileid.u32;
	s5 =	smul.u32 $0x50000, s6  }
0x6: {  	s16 =	simm.s32 $0x3;
	[smem:$0x7FF] =	sst s2;
	s10 =	smul.u32 $0x28000, s3  }
0x7: {  	_ =	strace $0x8000004A;
	s11 =	sor.u32 $0x10, s3;
	s13 =	smul.u32 $0xFFFFFEC0, s3  }
0x8: {  	s7 =	ssub.s32 $0x2, s6;
	s29 =	sshll.u32 s6, $0x7;
	s12 =	smul.u32 $0x28000, s11  }
0x9: {  	s9 =	sshrl.u32 s7, $0x1;
	s14 =	smul.u32 $0xFFFFFEC0, s11;
	s11 =	simm.s32 $0x1  }
.Ltmp0:
0xa: {  	s9 =	ssub.s32 s7, s9;
	s30 =	sshrl.u32 s5, $0x3;
	(pc) =	sbr.rel .LBB2_1-.Ltmp0, $4  }
0xb: {  	s10 =	sor.u32 s29, s10;
	v0 =	vmov s13;
	s13 =	simm.s32 $0x80;
	s6 =	sadd.s32 s1, s30  }
0xc: {  	s10 =	sshrl.u32 s10, $0x3;
	s12 =	sor.u32 s29, s12;
	s9 =	smax.u32 s9, $0x1  }
0xd: {  	v1 =	vmov s14;
	s14 =	simm.s32 $0x100;
	s7 =	sadd.s32 s8, s10;
	s31 =	sshrl.u32 s12, $0x3  }
0xe: {  	v2 =	vimm.s32 $0x0;
	v3 =	vimm.f32 $0.0e+00;
	s10 =	simm.s32 $0x2;
	s12 =	simm.s32 $0x8;
	s8 =	sadd.s32 s8, s31  }
.LBB2_41:
0xf: {  	s2 =	sadd.s32 $0x1, s2  }
0x10: {  	p0 =	sne.s32 s2, s9  }
.Ltmp1:
0x11: {  	_ = 	snop;
	(pc) =	sbr.rel @!p0 .LBB2_42-.Ltmp1, $4  }
0x12: {  	[hbm4b:s8+s13] =	stream.strided.scatter [tilespmem:s15], [sflag:$0x3], $0x14000, s14, s13, $0x38;
	[tilespmem:$0x1E100] =	vst v63  }
0x13: {  	_ =	swait.ge [sflag:s16], $0x14000  }
0x14: {  	[sflag:s16] =	ssyncset.done $0x0  }
0x15: {  	[sflag:s16] =	ssyncadd.s32 $0xFFFEC000  }
.LBB2_1:
0x16: {  	s17 =	simm.s32 $0x0  }
.LBB2_2:
0x17: {  	p0 =	sne.s32 s17, $0x4000  }
.Ltmp2:
0x18: {  	_ = 	snop;
	(pc) =	sbr.rel @p0 .LBB2_2-.Ltmp2, $3  }
0x19: {  	_ =	sdelay $0x1  }
0x1a: {  	s18 =	sshra.s32 s17, $0x2  }
0x1b: {  	s17 =	sadd.s32 $0x40, s17;
	[tilespmem:s18+$0x4000] =	vst v2  }
0x1c: {  	s17 =	simm.s32 $0x40;
	s18 =	simm.s32 $0x0  }
.LBB2_4:
0x1d: {  	p0 =	sne.s32 s17, $0x4FFC0;
	[tilespmem:s18+$0xA100] =	vst v3;
	s18 =	smov.u32 s17;
	s17 =	sadd.s32 $0x40, s17  }
.Ltmp3:
0x1e: {  	(pc) =	sbr.rel @p0 .LBB2_4-.Ltmp3, $2  }
0x1f: {  	_ =	sdelay $0x2  }
0x20: {  	s18 =	sshra.s32 s18, $0x2  }
.Ltmp4:
0x21: {  	(pc) =	sbr.rel .LBB2_7-.Ltmp4, $3  }
0x22: {  	_ =	sdelay $0x1  }
0x23: {  	[tilespmem:s18+$0xA100] =	vst v3;
	s17 =	simm.s32 $0x0;
	s18 =	simm.s32 $0x0  }
0x24: {  	[tilespmem:s17], [sflag:$0x2] =	stream.linear.gather [hbm4b:s6+s17], $0x2000, $0x38;
	[tilespmem:$0x1E100] =	vst v63  }
.LBB2_6:
0x25: {  	p0 =	seq.s32 s18, $0x28  }
.Ltmp5:
0x26: {  	_ = 	snop;
	(pc) =	sbr.rel @p0 .LBB2_22-.Ltmp5, $1  }
0x27: {  	_ =	sdelay $0x3  }
.LBB2_7:
0x28: {  	s19 =	smov.u32 s18  }
0x29: {  	s18 =	sadd.s32 $0x1, s18;
	p0 =	seq.s32 s19, $0x27  }
0x2a: {  	_ =	swait.ge [sflag:s10], $0x2000;
	s30 =	sand.u32 $0x1F00, s17;
	s20 =	sshll.u32 @!p0 s18, $0xD  }
0x2b: {  	[sflag:s10] =	ssyncset.done $0x0;
	s19 =	sshll.u32 s19, $0xD;
	s21 =	sadd.s32 @!p0 s5, s20  }
0x2c: {  	[sflag:s10] =	ssyncadd.s32 $0xFFFFE000;
	s22 =	simm.s32 @!p0 $0x0;
	s21 =	sshrl.u32 @!p0 s21, $0x3  }
0x2d: {  	s19 =	sand.u32 $0x2000, s19;
	s20 =	sand.u32 @!p0 $0x2000, s20;
	s21 =	sadd.s32 @!p0 s1, s21  }
0x2e: {  	[tilespmem:s20], [sflag:$0x2] =	stream.linear.gather @!p0 [hbm4b:s21+s22], $0x2000, $0x38;
	[tilespmem:$0x1E100] =	vst v63  }
0x2f: {  	s31 =	sand.u32 $0x70, s17;
	s20 =	sadd.s32 s30, s19  }
0x30: {  	s20 =	sadd.s32 s31, s20  }
0x31: {  	v4 =	vld [tilespmem:s20+$0x80];
	_ =	sdelay $0x4  }
0x32: {  	v4 =	vadd.s32 v0, v4  }
0x33: {  	vm0 =	vlt.u32 v4, $0x140  }
0x34: {  	v5 =	vld [tilespmem:s20+$0x0];
	v6 =	vmpcnt.ones.xlane vm0;
	_ =	sdelay $0x1  }
0x35: {  	(v2sf) =	vpush v6, $0x0;
	_ =	sdelay $0x2  }
0x36: {  	s23 =	simm.s32 $0x20;
	s21 =	simm.s32 $0x20;
	[tilespmem:s17+$0x4000] =	vst.msk vm0, v5  }
0x37: {  	s22 =	simm.s32 $0x10;
	s24 =	sand.u32 $0x1F00, s21;
	s20 =	simm.s32 $0x0;
	[tilespmem:s17+$0x5080] =	vst.msk vm0, v4  }
.LBB2_8:
0x38: {  	p0 =	sne.s32 s23, $0xFF0;
	s22 =	sand.u32 $0x70, s22;
	s24 =	sadd.s32 s24, s19  }
0x39: {  	s24 =	sadd.s32 s22, s24;
	s22 =	smov.u32 s23  }
0x3a: {  	v4 =	vld [tilespmem:s24+$0x80];
	_ =	sdelay $0x4  }
0x3b: {  	v5 =	vld [tilespmem:s24+$0x0];
	v4 =	vadd.s32 v0, v4  }
0x3c: {  	vm0 =	vlt.u32 v4, $0x140  }
0x3d: {  	v6 =	vmpcnt.ones.xlane vm0  }
0x3e: {  	s24 =	spop (v2sf)  }
.Ltmp6:
0x3f: {  	(v2sf) =	vpush v6, $0x0;
	s20 =	sadd.s32 s20, s24;
	(pc) =	sbr.rel @p0 .LBB2_8-.Ltmp6, $4  }
0x40: {  	[tilespmem:s20+$0x4000] =	vst.msk vm0, v5  }
0x41: {  	[tilespmem:s20+$0x5080] =	vst.msk vm0, v4  }
0x42: {  	s21 =	sadd.s32 $0x20, s21  }
0x43: {  	s23 =	sadd.s32 $0x10, s23;
	s24 =	sand.u32 $0x1F00, s21  }
0x44: {  	s21 =	sand.u32 $0x70, s22;
	s19 =	sadd.s32 s24, s19  }
0x45: {  	s21 =	sadd.s32 s21, s19  }
0x46: {  	v4 =	vld [tilespmem:s21+$0x80];
	_ =	sdelay $0x4  }
0x47: {  	v4 =	vadd.s32 v0, v4  }
0x48: {  	vm0 =	vlt.u32 v4, $0x140  }
0x49: {  	v5 =	vmpcnt.ones.xlane vm0;
	_ =	sdelay $0x1  }
0x4a: {  	(v2sf) =	vpush v5, $0x0;
	_ =	sdelay $0xd  }
0x4b: {  	s26 =	spop (v2sf)  }
0x4c: {  	s28 =	sadd.s32 s20, s26;
	s29 =	spop (v2sf)  }
0x4d: {  	s19 =	sadd.s32 s28, s29  }
0x4e: {  	s30 =	sadd.s32 $0x7F, s19  }
0x4f: {  	s23 =	sand.u32 $0x7F, s30  }
0x50: {  	s31 =	sshra.s32 s30, $0x1F;
	p1 =	slt.s32 s30, $0x1;
	p0 =	sne.s32 s23, $0x0  }
0x51: {  	v5 =	vld [tilespmem:s21+$0x0];
	s21 =	sshrl.u32 s31, $0x19;
	p0 =	por !p1, !p0  }
0x52: {  	s20 =	sadd.s32 s21, s30;
	s21 =	simm.s32 $0x1;
	p0 =	por !p0, !p0  }
0x53: {  	s20 =	sshra.s32 s20, $0x7;
	s21 =	simm.s32 @!p0 $0x0  }
0x54: {  	s20 =	ssub.s32 s20, s21  }
0x55: {  	p0 =	slt.s32 s20, $0x1  }
.Ltmp7:
0x56: {  	_ = 	snop;
	(pc) =	sbr.rel @p0 .LBB2_6-.Ltmp7, $3  }
0x57: {  	_ =	sdelay $0x1  }
0x58: {  	[tilespmem:s28+$0x4000] =	vst.msk vm0, v5  }
0x59: {  	[tilespmem:s28+$0x5080] =	vst.msk vm0, v4  }
.Ltmp8:
0x5a: {  	(pc) =	sbr.rel .LBB2_11-.Ltmp8, $3  }
0x5b: {  	_ =	sdelay $0x1  }
0x5c: {  	s21 =	simm.s32 $0x0  }
0x5d: {  	s22 =	simm.s32 $0x4000;
	s23 =	simm.s32 $0x5080;
	s24 =	smov.u32 s19  }
.LBB2_20:
0x5e: {  	[tilespmem:s26+$0xA1D0] =	vst.add.f32.msk $0xffff, v4  }
0x5f: {  	v4 =	vld [tilespmem:s25+$0x30];
	_ =	sdelay $0x4  }
0x60: {  	v5 =	vunpack.i.l.bf16.f32 v4  }
0x61: {  	v4 =	vunpack.i.u.bf16.f32 v4;
	[tilespmem:s26+$0xA1E0] =	vst.add.f32.msk $0xffff, v5  }
0x62: {  	[tilespmem:s26+$0xA1F0] =	vst.add.f32.msk $0xffff, v4  }
.LBB2_21:
0x63: {  	s21 =	sadd.s32 $0x1, s21  }
0x64: {  	p0 =	seq.s32 s21, s20  }
.Ltmp9:
0x65: {  	_ = 	snop;
	(pc) =	sbr.rel @p0 .LBB2_6-.Ltmp9, $2  }
0x66: {  	_ =	sdelay $0x2  }
0x67: {  	s24 =	sadd.s32 $0xFFFFFF80, s24;
	s22 =	sadd.s32 $0x80, s22;
	s23 =	sadd.s32 $0x80, s23  }
.LBB2_11:
0x68: {  	s25 =	sshll.u32 s21, $0x7  }
0x69: {  	s25 =	ssub.s32 s19, s25  }
0x6a: {  	p0 =	slt.s32 s25, $0x80;
	s26 =	smov.u32 s25  }
0x6b: {  	s26 =	simm.s32 @!p0 $0x80  }
0x6c: {  	s26 =	sadd.s32 $0x7, s26  }
0x6d: {  	s28 =	sand.u32 $0x7, s26  }
0x6e: {  	p1 =	slt.s32 s25, $0xFFFFFFFA;
	p6 =	sne.s32 s28, $0x0;
	s28 =	sshra.s32 s26, $0x1F  }
0x6f: {  	s28 =	sshrl.u32 s28, $0x1D;
	p0 =	por !p1, !p6  }
0x70: {  	s26 =	sadd.s32 s28, s26;
	p0 =	por !p0, !p0;
	s28 =	simm.s32 $0x1  }
0x71: {  	s26 =	sshra.s32 s26, $0x3;
	s28 =	simm.s32 @!p0 $0x0  }
0x72: {  	s26 =	ssub.s32 s26, s28  }
0x73: {  	p0 =	slt.s32 s26, $0x1  }
.Ltmp10:
0x74: {  	_ = 	snop;
	(pc) =	sbr.rel @p0 .LBB2_17-.Ltmp10, $2  }
0x75: {  	_ =	sdelay $0x2  }
0x76: {  	s28 =	simm.s32 $0x6100  }
0x77: {  	p0 =	seq.s32 s26, $0x1  }
.Ltmp11:
0x78: {  	_ = 	snop;
	(pc) =	sbr.rel @p0 .LBB2_14-.Ltmp11, $3  }
0x79: {  	_ =	sdelay $0x1  }
0x7a: {  	[tilespmem:s28], [sflag:$0x1] =	stream.indirect.gather [hbm4b:s4+s12], $0x80, s22, s12, $0xb8;
	[tilespmem:$0x1E100] =	vst v63  }
0x7b: {  	s29 =	sadd.s32 $0xFFFFFFFF, s26;
	s30 =	smov.u32 s22  }
.LBB2_13:
0x7c: {  	p0 =	seq.s32 s29, $0x1  }
.Ltmp12:
0x7d: {  	_ = 	snop;
	(pc) =	sbr.rel @!p0 .LBB2_13-.Ltmp12, $4  }
0x7e: {  	_ = 	snop  }
0x7f: {  	s30 =	sadd.s32 $0x8, s30;
	s28 =	sadd.s32 $0x400, s28  }
0x80: {  	s29 =	sadd.s32 $0xFFFFFFFF, s29  }
0x81: {  	[tilespmem:s28], [sflag:$0x1] =	stream.indirect.gather [hbm4b:s4+s12], $0x80, s30, s12, $0xb8;
	[tilespmem:$0x1E100] =	vst v63  }
.LBB2_14:
0x82: {  	p0 =	seq.s32 s26, $0x1  }
.Ltmp13:
0x83: {  	_ = 	snop;
	(pc) =	sbr.rel @p0 .LBB2_16-.Ltmp13, $3  }
0x84: {  	_ =	sdelay $0x1  }
0x85: {  	_ =	swait.ge [sflag:s11], $0x400  }
0x86: {  	s26 =	sadd.s32 $0xFFFFFFFF, s26;
	[sflag:s11] =	ssyncset.done $0x0  }
.LBB2_15:
0x87: {  	p0 =	seq.s32 s26, $0x1;
	s26 =	sadd.s32 $0xFFFFFFFF, s26;
	[sflag:s11] =	ssyncadd.s32 $0xFFFFFC00  }
.Ltmp14:
0x88: {  	(pc) =	sbr.rel @!p0 .LBB2_15-.Ltmp14, $3  }
0x89: {  	_ =	sdelay $0x1  }
0x8a: {  	_ =	swait.ge [sflag:s11], $0x400  }
0x8b: {  	[sflag:s11] =	ssyncset.done $0x0  }
.LBB2_16:
0x8c: {  	[sflag:s11] =	ssyncadd.s32 $0xFFFFFC00  }
.LBB2_17:
0x8d: {  	p0 =	sgt.s32 s25, $0x0  }
.Ltmp15:
0x8e: {  	_ = 	snop;
	(pc) =	sbr.rel @!p0 .LBB2_21-.Ltmp15, $1  }
0x8f: {  	_ =	sdelay $0x3  }
0x90: {  	v4 =	vld [tilespmem:s23+$0x0];
	_ =	sdelay $0x4  }
0x91: {  	(v2sf) =	vpush v4, $0x0;
	_ =	sdelay $0x8  }
0x92: {  	p0 =	sgt.s32 s24, $0x1;
	s25 =	smov.u32 s24  }
0x93: {  	s25 =	simm.s32 @!p0 $0x1  }
0x94: {  	s28 =	smin.u32 s25, $0x80;
	s25 =	simm.s32 $0x6140  }
0x95: {  	v4 =	vld [tilespmem:s25+$0xFFFFFFC0];
	_ =	sdelay $0x2  }
0x96: {  	s26 =	spop (v2sf)  }
0x97: {  	s26 =	sshll.u32 s26, $0xA  }
0x98: {  	v5 =	vunpack.i.l.bf16.f32 v4;
	s26 =	sshra.s32 s26, $0x2  }
0x99: {  	v4 =	vunpack.i.u.bf16.f32 v4;
	[tilespmem:s26+$0xA100] =	vst.add.f32.msk $0xffff, v5  }
0x9a: {  	[tilespmem:s26+$0xA110] =	vst.add.f32.msk $0xffff, v4  }
0x9b: {  	v4 =	vld [tilespmem:s25+$0xFFFFFFD0];
	_ =	sdelay $0x4  }
0x9c: {  	v5 =	vunpack.i.l.bf16.f32 v4  }
0x9d: {  	v4 =	vunpack.i.u.bf16.f32 v4;
	[tilespmem:s26+$0xA120] =	vst.add.f32.msk $0xffff, v5  }
0x9e: {  	[tilespmem:s26+$0xA130] =	vst.add.f32.msk $0xffff, v4  }
0x9f: {  	v4 =	vld [tilespmem:s25+$0xFFFFFFE0];
	_ =	sdelay $0x4  }
0xa0: {  	v5 =	vunpack.i.l.bf16.f32 v4  }
0xa1: {  	v4 =	vunpack.i.u.bf16.f32 v4;
	[tilespmem:s26+$0xA140] =	vst.add.f32.msk $0xffff, v5  }
0xa2: {  	[tilespmem:s26+$0xA150] =	vst.add.f32.msk $0xffff, v4  }
0xa3: {  	v4 =	vld [tilespmem:s25+$0xFFFFFFF0];
	_ =	sdelay $0x4  }
0xa4: {  	v5 =	vunpack.i.l.bf16.f32 v4  }
0xa5: {  	v4 =	vunpack.i.u.bf16.f32 v4;
	[tilespmem:s26+$0xA160] =	vst.add.f32.msk $0xffff, v5  }
0xa6: {  	[tilespmem:s26+$0xA170] =	vst.add.f32.msk $0xffff, v4  }
0xa7: {  	v4 =	vld [tilespmem:s25+$0x0];
	_ =	sdelay $0x4  }
0xa8: {  	v5 =	vunpack.i.l.bf16.f32 v4  }
0xa9: {  	v4 =	vunpack.i.u.bf16.f32 v4;
	[tilespmem:s26+$0xA180] =	vst.add.f32.msk $0xffff, v5  }
0xaa: {  	[tilespmem:s26+$0xA190] =	vst.add.f32.msk $0xffff, v4  }
0xab: {  	v4 =	vld [tilespmem:s25+$0x10];
	_ =	sdelay $0x4  }
0xac: {  	v5 =	vunpack.i.l.bf16.f32 v4  }
0xad: {  	v4 =	vunpack.i.u.bf16.f32 v4;
	[tilespmem:s26+$0xA1A0] =	vst.add.f32.msk $0xffff, v5  }
0xae: {  	[tilespmem:s26+$0xA1B0] =	vst.add.f32.msk $0xffff, v4  }
0xaf: {  	v4 =	vld [tilespmem:s25+$0x20]  }
0xb0: {  	p0 =	sne.s32 s28, $0x1  }
.Ltmp16:
0xb1: {  	_ = 	snop;
	(pc) =	sbr.rel @!p0 .LBB2_20-.Ltmp16, $3  }
0xb2: {  	_ =	sdelay $0x1  }
0xb3: {  	v5 =	vunpack.i.l.bf16.f32 v4  }
0xb4: {  	s29 =	smov.u32 s23;
	s30 =	simm.s32 $0x6140;
	s28 =	sadd.s32 $0xFFFFFFFF, s28;
	v4 =	vunpack.i.u.bf16.f32 v4;
	[tilespmem:s26+$0xA1C0] =	vst.add.f32.msk $0xffff, v5  }
.LBB2_19:
0xb5: {  	p0 =	sne.s32 s28, $0x1;
	[tilespmem:s26+$0xA1D0] =	vst.add.f32.msk $0xffff, v4;
	s29 =	sadd.s32 $0x1, s29;
	s30 =	sadd.s32 $0x80, s30  }
0xb6: {  	s28 =	sadd.s32 $0xFFFFFFFF, s28;
	v4 =	vld [tilespmem:s25+$0x30];
	s25 =	smov.u32 s30;
	_ =	sdelay $0x4  }
0xb7: {  	v5 =	vunpack.i.u.bf16.f32 v4;
	v4 =	vunpack.i.l.bf16.f32 v4  }
0xb8: {  	[tilespmem:s26+$0xA1E0] =	vst.add.f32.msk $0xffff, v4  }
0xb9: {  	[tilespmem:s26+$0xA1F0] =	vst.add.f32.msk $0xffff, v5  }
0xba: {  	v4 =	vld [tilespmem:s29+$0x0];
	_ =	sdelay $0x4  }
0xbb: {  	(v2sf) =	vpush v4, $0x0;
	_ =	sdelay $0xb  }
0xbc: {  	v4 =	vld [tilespmem:s30+$0xFFFFFFC0];
	_ =	sdelay $0x2  }
0xbd: {  	s26 =	spop (v2sf)  }
0xbe: {  	s26 =	sshll.u32 s26, $0xA  }
0xbf: {  	v5 =	vunpack.i.u.bf16.f32 v4;
	v4 =	vunpack.i.l.bf16.f32 v4;
	s26 =	sshra.s32 s26, $0x2  }
0xc0: {  	[tilespmem:s26+$0xA100] =	vst.add.f32.msk $0xffff, v4  }
0xc1: {  	[tilespmem:s26+$0xA110] =	vst.add.f32.msk $0xffff, v5  }
0xc2: {  	v4 =	vld [tilespmem:s30+$0xFFFFFFD0];
	_ =	sdelay $0x4  }
0xc3: {  	v5 =	vunpack.i.u.bf16.f32 v4;
	v4 =	vunpack.i.l.bf16.f32 v4  }
0xc4: {  	[tilespmem:s26+$0xA120] =	vst.add.f32.msk $0xffff, v4  }
0xc5: {  	[tilespmem:s26+$0xA130] =	vst.add.f32.msk $0xffff, v5  }
0xc6: {  	v4 =	vld [tilespmem:s30+$0xFFFFFFE0];
	_ =	sdelay $0x4  }
0xc7: {  	v5 =	vunpack.i.u.bf16.f32 v4;
	v4 =	vunpack.i.l.bf16.f32 v4  }
0xc8: {  	[tilespmem:s26+$0xA140] =	vst.add.f32.msk $0xffff, v4  }
0xc9: {  	[tilespmem:s26+$0xA150] =	vst.add.f32.msk $0xffff, v5  }
0xca: {  	v4 =	vld [tilespmem:s30+$0xFFFFFFF0];
	_ =	sdelay $0x4  }
0xcb: {  	v5 =	vunpack.i.u.bf16.f32 v4;
	v4 =	vunpack.i.l.bf16.f32 v4  }
0xcc: {  	[tilespmem:s26+$0xA160] =	vst.add.f32.msk $0xffff, v4  }
0xcd: {  	[tilespmem:s26+$0xA170] =	vst.add.f32.msk $0xffff, v5  }
0xce: {  	v4 =	vld [tilespmem:s30+$0x0];
	_ =	sdelay $0x4  }
0xcf: {  	v5 =	vunpack.i.u.bf16.f32 v4;
	v4 =	vunpack.i.l.bf16.f32 v4  }
0xd0: {  	[tilespmem:s26+$0xA180] =	vst.add.f32.msk $0xffff, v4  }
0xd1: {  	[tilespmem:s26+$0xA190] =	vst.add.f32.msk $0xffff, v5  }
0xd2: {  	v4 =	vld [tilespmem:s30+$0x10];
	_ =	sdelay $0x4  }
0xd3: {  	v5 =	vunpack.i.u.bf16.f32 v4;
	v4 =	vunpack.i.l.bf16.f32 v4  }
0xd4: {  	[tilespmem:s26+$0xA1A0] =	vst.add.f32.msk $0xffff, v4  }
0xd5: {  	[tilespmem:s26+$0xA1B0] =	vst.add.f32.msk $0xffff, v5  }
0xd6: {  	v5 =	vld [tilespmem:s30+$0x20];
	_ =	sdelay $0x1  }
.Ltmp17:
0xd7: {  	(pc) =	sbr.rel @p0 .LBB2_19-.Ltmp17, $3  }
0xd8: {  	_ =	sdelay $0x1  }
0xd9: {  	v4 =	vunpack.i.u.bf16.f32 v5;
	v5 =	vunpack.i.l.bf16.f32 v5  }
0xda: {  	[tilespmem:s26+$0xA1C0] =	vst.add.f32.msk $0xffff, v5  }
.Ltmp18:
0xdb: {  	_ = 	snop;
	(pc) =	sbr.rel .LBB2_20-.Ltmp18, $1  }
0xdc: {  	_ =	sdelay $0x3  }
.LBB2_22:
0xdd: {  	[hbm4b:s7+s13] =	stream.strided.scatter [tilespmem:s15], [sflag:$0x3], $0x14000, s14, s13, $0x38;
	[tilespmem:$0x1E100] =	vst v63  }
0xde: {  	_ =	swait.ge [sflag:s16], $0x14000  }
0xdf: {  	[sflag:s16] =	ssyncset.done $0x0  }
0xe0: {  	s17 =	simm.s32 $0x40;
	s18 =	simm.s32 $0x0;
	[sflag:s16] =	ssyncadd.s32 $0xFFFEC000  }
.LBB2_23:
0xe1: {  	p0 =	sne.s32 s17, $0x4FFC0;
	[tilespmem:s18+$0xA100] =	vst v3;
	s18 =	smov.u32 s17;
	s17 =	sadd.s32 $0x40, s17  }
.Ltmp19:
0xe2: {  	(pc) =	sbr.rel @p0 .LBB2_23-.Ltmp19, $2  }
0xe3: {  	_ =	sdelay $0x2  }
0xe4: {  	s18 =	sshra.s32 s18, $0x2  }
.Ltmp20:
0xe5: {  	(pc) =	sbr.rel .LBB2_26-.Ltmp20, $3  }
0xe6: {  	_ =	sdelay $0x1  }
0xe7: {  	[tilespmem:s18+$0xA100] =	vst v3;
	s17 =	simm.s32 $0x0;
	s18 =	simm.s32 $0x0  }
0xe8: {  	[tilespmem:s17], [sflag:$0x2] =	stream.linear.gather [hbm4b:s6+s17], $0x2000, $0x38;
	[tilespmem:$0x1E100] =	vst v63  }
.LBB2_25:
0xe9: {  	p0 =	seq.s32 s18, $0x28  }
.Ltmp21:
0xea: {  	_ = 	snop;
	(pc) =	sbr.rel @p0 .LBB2_41-.Ltmp21, $1  }
0xeb: {  	_ =	sdelay $0x3  }
.LBB2_26:
0xec: {  	s19 =	smov.u32 s18  }
0xed: {  	s18 =	sadd.s32 $0x1, s18;
	p0 =	seq.s32 s19, $0x27  }
0xee: {  	_ =	swait.ge [sflag:s10], $0x2000;
	s30 =	sand.u32 $0x1F00, s17;
	s20 =	sshll.u32 @!p0 s18, $0xD  }
0xef: {  	[sflag:s10] =	ssyncset.done $0x0;
	s19 =	sshll.u32 s19, $0xD;
	s21 =	sadd.s32 @!p0 s5, s20  }
0xf0: {  	[sflag:s10] =	ssyncadd.s32 $0xFFFFE000;
	s22 =	simm.s32 @!p0 $0x0;
	s21 =	sshrl.u32 @!p0 s21, $0x3  }
0xf1: {  	s19 =	sand.u32 $0x2000, s19;
	s20 =	sand.u32 @!p0 $0x2000, s20;
	s21 =	sadd.s32 @!p0 s1, s21  }
0xf2: {  	[tilespmem:s20], [sflag:$0x2] =	stream.linear.gather @!p0 [hbm4b:s21+s22], $0x2000, $0x38;
	[tilespmem:$0x1E100] =	vst v63  }
0xf3: {  	s31 =	sand.u32 $0x70, s17;
	s20 =	sadd.s32 s30, s19  }
0xf4: {  	s20 =	sadd.s32 s31, s20  }
0xf5: {  	v4 =	vld [tilespmem:s20+$0x80];
	_ =	sdelay $0x4  }
0xf6: {  	v4 =	vadd.s32 v1, v4  }
0xf7: {  	vm0 =	vlt.u32 v4, $0x140  }
0xf8: {  	v5 =	vld [tilespmem:s20+$0x0];
	v6 =	vmpcnt.ones.xlane vm0;
	_ =	sdelay $0x1  }
0xf9: {  	(v2sf) =	vpush v6, $0x0;
	_ =	sdelay $0x2  }
0xfa: {  	s23 =	simm.s32 $0x20;
	s21 =	simm.s32 $0x20;
	[tilespmem:s17+$0x4000] =	vst.msk vm0, v5  }
0xfb: {  	s22 =	simm.s32 $0x10;
	s24 =	sand.u32 $0x1F00, s21;
	s20 =	simm.s32 $0x0;
	[tilespmem:s17+$0x5080] =	vst.msk vm0, v4  }
.LBB2_27:
0xfc: {  	p0 =	sne.s32 s23, $0xFF0;
	s22 =	sand.u32 $0x70, s22;
	s24 =	sadd.s32 s24, s19  }
0xfd: {  	s24 =	sadd.s32 s22, s24;
	s22 =	smov.u32 s23  }
0xfe: {  	v4 =	vld [tilespmem:s24+$0x80];
	_ =	sdelay $0x4  }
0xff: {  	v5 =	vld [tilespmem:s24+$0x0];
	v4 =	vadd.s32 v1, v4  }
0x100: {  	vm0 =	vlt.u32 v4, $0x140  }
0x101: {  	v6 =	vmpcnt.ones.xlane vm0  }
0x102: {  	s24 =	spop (v2sf)  }
.Ltmp22:
0x103: {  	(v2sf) =	vpush v6, $0x0;
	s20 =	sadd.s32 s20, s24;
	(pc) =	sbr.rel @p0 .LBB2_27-.Ltmp22, $4  }
0x104: {  	[tilespmem:s20+$0x4000] =	vst.msk vm0, v5  }
0x105: {  	[tilespmem:s20+$0x5080] =	vst.msk vm0, v4  }
0x106: {  	s21 =	sadd.s32 $0x20, s21  }
0x107: {  	s23 =	sadd.s32 $0x10, s23;
	s24 =	sand.u32 $0x1F00, s21  }
0x108: {  	s21 =	sand.u32 $0x70, s22;
	s19 =	sadd.s32 s24, s19  }
0x109: {  	s21 =	sadd.s32 s21, s19  }
0x10a: {  	v4 =	vld [tilespmem:s21+$0x80];
	_ =	sdelay $0x4  }
0x10b: {  	v4 =	vadd.s32 v1, v4  }
0x10c: {  	vm0 =	vlt.u32 v4, $0x140  }
0x10d: {  	v5 =	vmpcnt.ones.xlane vm0;
	_ =	sdelay $0x1  }
0x10e: {  	(v2sf) =	vpush v5, $0x0;
	_ =	sdelay $0xd  }
0x10f: {  	s26 =	spop (v2sf)  }
0x110: {  	s28 =	sadd.s32 s20, s26;
	s29 =	spop (v2sf)  }
0x111: {  	s19 =	sadd.s32 s28, s29  }
0x112: {  	s30 =	sadd.s32 $0x7F, s19  }
0x113: {  	s23 =	sand.u32 $0x7F, s30  }
0x114: {  	s31 =	sshra.s32 s30, $0x1F;
	p1 =	slt.s32 s30, $0x1;
	p0 =	sne.s32 s23, $0x0  }
0x115: {  	v5 =	vld [tilespmem:s21+$0x0];
	s21 =	sshrl.u32 s31, $0x19;
	p0 =	por !p1, !p0  }
0x116: {  	s20 =	sadd.s32 s21, s30;
	s21 =	simm.s32 $0x1;
	p0 =	por !p0, !p0  }
0x117: {  	s20 =	sshra.s32 s20, $0x7;
	s21 =	simm.s32 @!p0 $0x0  }
0x118: {  	s20 =	ssub.s32 s20, s21  }
0x119: {  	p0 =	slt.s32 s20, $0x1  }
.Ltmp23:
0x11a: {  	_ = 	snop;
	(pc) =	sbr.rel @p0 .LBB2_25-.Ltmp23, $3  }
0x11b: {  	_ =	sdelay $0x1  }
0x11c: {  	[tilespmem:s28+$0x4000] =	vst.msk vm0, v5  }
0x11d: {  	[tilespmem:s28+$0x5080] =	vst.msk vm0, v4  }
.Ltmp24:
0x11e: {  	(pc) =	sbr.rel .LBB2_30-.Ltmp24, $3  }
0x11f: {  	_ =	sdelay $0x1  }
0x120: {  	s21 =	simm.s32 $0x0  }
0x121: {  	s22 =	simm.s32 $0x4000;
	s23 =	simm.s32 $0x5080;
	s24 =	smov.u32 s19  }
.LBB2_39:
0x122: {  	[tilespmem:s26+$0xA1D0] =	vst.add.f32.msk $0xffff, v4  }
0x123: {  	v4 =	vld [tilespmem:s25+$0x30];
	_ =	sdelay $0x4  }
0x124: {  	v5 =	vunpack.i.l.bf16.f32 v4  }
0x125: {  	v4 =	vunpack.i.u.bf16.f32 v4;
	[tilespmem:s26+$0xA1E0] =	vst.add.f32.msk $0xffff, v5  }
0x126: {  	[tilespmem:s26+$0xA1F0] =	vst.add.f32.msk $0xffff, v4  }
.LBB2_40:
0x127: {  	s21 =	sadd.s32 $0x1, s21  }
0x128: {  	p0 =	seq.s32 s21, s20  }
.Ltmp25:
0x129: {  	_ = 	snop;
	(pc) =	sbr.rel @p0 .LBB2_25-.Ltmp25, $2  }
0x12a: {  	_ =	sdelay $0x2  }
0x12b: {  	s24 =	sadd.s32 $0xFFFFFF80, s24;
	s22 =	sadd.s32 $0x80, s22;
	s23 =	sadd.s32 $0x80, s23  }
.LBB2_30:
0x12c: {  	s25 =	sshll.u32 s21, $0x7  }
0x12d: {  	s25 =	ssub.s32 s19, s25  }
0x12e: {  	p0 =	slt.s32 s25, $0x80;
	s26 =	smov.u32 s25  }
0x12f: {  	s26 =	simm.s32 @!p0 $0x80  }
0x130: {  	s26 =	sadd.s32 $0x7, s26  }
0x131: {  	s28 =	sand.u32 $0x7, s26  }
0x132: {  	p1 =	slt.s32 s25, $0xFFFFFFFA;
	p6 =	sne.s32 s28, $0x0;
	s28 =	sshra.s32 s26, $0x1F  }
0x133: {  	s28 =	sshrl.u32 s28, $0x1D;
	p0 =	por !p1, !p6  }
0x134: {  	s26 =	sadd.s32 s28, s26;
	p0 =	por !p0, !p0;
	s28 =	simm.s32 $0x1  }
0x135: {  	s26 =	sshra.s32 s26, $0x3;
	s28 =	simm.s32 @!p0 $0x0  }
0x136: {  	s26 =	ssub.s32 s26, s28  }
0x137: {  	p0 =	slt.s32 s26, $0x1  }
.Ltmp26:
0x138: {  	_ = 	snop;
	(pc) =	sbr.rel @p0 .LBB2_36-.Ltmp26, $2  }
0x139: {  	_ =	sdelay $0x2  }
0x13a: {  	s28 =	simm.s32 $0x6100  }
0x13b: {  	p0 =	seq.s32 s26, $0x1  }
.Ltmp27:
0x13c: {  	_ = 	snop;
	(pc) =	sbr.rel @p0 .LBB2_33-.Ltmp27, $3  }
0x13d: {  	_ =	sdelay $0x1  }
0x13e: {  	[tilespmem:s28], [sflag:$0x1] =	stream.indirect.gather [hbm4b:s4+s12], $0x80, s22, s12, $0xb8;
	[tilespmem:$0x1E100] =	vst v63  }
0x13f: {  	s29 =	sadd.s32 $0xFFFFFFFF, s26;
	s30 =	smov.u32 s22  }
.LBB2_32:
0x140: {  	p0 =	seq.s32 s29, $0x1  }
.Ltmp28:
0x141: {  	_ = 	snop;
	(pc) =	sbr.rel @!p0 .LBB2_32-.Ltmp28, $4  }
0x142: {  	_ = 	snop  }
0x143: {  	s30 =	sadd.s32 $0x8, s30;
	s28 =	sadd.s32 $0x400, s28  }
0x144: {  	s29 =	sadd.s32 $0xFFFFFFFF, s29  }
0x145: {  	[tilespmem:s28], [sflag:$0x1] =	stream.indirect.gather [hbm4b:s4+s12], $0x80, s30, s12, $0xb8;
	[tilespmem:$0x1E100] =	vst v63  }
.LBB2_33:
0x146: {  	p0 =	seq.s32 s26, $0x1  }
.Ltmp29:
0x147: {  	_ = 	snop;
	(pc) =	sbr.rel @p0 .LBB2_35-.Ltmp29, $3  }
0x148: {  	_ =	sdelay $0x1  }
0x149: {  	_ =	swait.ge [sflag:s11], $0x400  }
0x14a: {  	s26 =	sadd.s32 $0xFFFFFFFF, s26;
	[sflag:s11] =	ssyncset.done $0x0  }
.LBB2_34:
0x14b: {  	p0 =	seq.s32 s26, $0x1;
	s26 =	sadd.s32 $0xFFFFFFFF, s26;
	[sflag:s11] =	ssyncadd.s32 $0xFFFFFC00  }
.Ltmp30:
0x14c: {  	(pc) =	sbr.rel @!p0 .LBB2_34-.Ltmp30, $3  }
0x14d: {  	_ =	sdelay $0x1  }
0x14e: {  	_ =	swait.ge [sflag:s11], $0x400  }
0x14f: {  	[sflag:s11] =	ssyncset.done $0x0  }
.LBB2_35:
0x150: {  	[sflag:s11] =	ssyncadd.s32 $0xFFFFFC00  }
.LBB2_36:
0x151: {  	p0 =	sgt.s32 s25, $0x0  }
.Ltmp31:
0x152: {  	_ = 	snop;
	(pc) =	sbr.rel @!p0 .LBB2_40-.Ltmp31, $1  }
0x153: {  	_ =	sdelay $0x3  }
0x154: {  	v4 =	vld [tilespmem:s23+$0x0];
	_ =	sdelay $0x4  }
0x155: {  	(v2sf) =	vpush v4, $0x0;
	_ =	sdelay $0x8  }
0x156: {  	p0 =	sgt.s32 s24, $0x1;
	s25 =	smov.u32 s24  }
0x157: {  	s25 =	simm.s32 @!p0 $0x1  }
0x158: {  	s28 =	smin.u32 s25, $0x80;
	s25 =	simm.s32 $0x6140  }
0x159: {  	v4 =	vld [tilespmem:s25+$0xFFFFFFC0];
	_ =	sdelay $0x2  }
0x15a: {  	s26 =	spop (v2sf)  }
0x15b: {  	s26 =	sshll.u32 s26, $0xA  }
0x15c: {  	v5 =	vunpack.i.l.bf16.f32 v4;
	s26 =	sshra.s32 s26, $0x2  }
0x15d: {  	v4 =	vunpack.i.u.bf16.f32 v4;
	[tilespmem:s26+$0xA100] =	vst.add.f32.msk $0xffff, v5  }
0x15e: {  	[tilespmem:s26+$0xA110] =	vst.add.f32.msk $0xffff, v4  }
0x15f: {  	v4 =	vld [tilespmem:s25+$0xFFFFFFD0];
	_ =	sdelay $0x4  }
0x160: {  	v5 =	vunpack.i.l.bf16.f32 v4  }
0x161: {  	v4 =	vunpack.i.u.bf16.f32 v4;
	[tilespmem:s26+$0xA120] =	vst.add.f32.msk $0xffff, v5  }
0x162: {  	[tilespmem:s26+$0xA130] =	vst.add.f32.msk $0xffff, v4  }
0x163: {  	v4 =	vld [tilespmem:s25+$0xFFFFFFE0];
	_ =	sdelay $0x4  }
0x164: {  	v5 =	vunpack.i.l.bf16.f32 v4  }
0x165: {  	v4 =	vunpack.i.u.bf16.f32 v4;
	[tilespmem:s26+$0xA140] =	vst.add.f32.msk $0xffff, v5  }
0x166: {  	[tilespmem:s26+$0xA150] =	vst.add.f32.msk $0xffff, v4  }
0x167: {  	v4 =	vld [tilespmem:s25+$0xFFFFFFF0];
	_ =	sdelay $0x4  }
0x168: {  	v5 =	vunpack.i.l.bf16.f32 v4  }
0x169: {  	v4 =	vunpack.i.u.bf16.f32 v4;
	[tilespmem:s26+$0xA160] =	vst.add.f32.msk $0xffff, v5  }
0x16a: {  	[tilespmem:s26+$0xA170] =	vst.add.f32.msk $0xffff, v4  }
0x16b: {  	v4 =	vld [tilespmem:s25+$0x0];
	_ =	sdelay $0x4  }
0x16c: {  	v5 =	vunpack.i.l.bf16.f32 v4  }
0x16d: {  	v4 =	vunpack.i.u.bf16.f32 v4;
	[tilespmem:s26+$0xA180] =	vst.add.f32.msk $0xffff, v5  }
0x16e: {  	[tilespmem:s26+$0xA190] =	vst.add.f32.msk $0xffff, v4  }
0x16f: {  	v4 =	vld [tilespmem:s25+$0x10];
	_ =	sdelay $0x4  }
0x170: {  	v5 =	vunpack.i.l.bf16.f32 v4  }
0x171: {  	v4 =	vunpack.i.u.bf16.f32 v4;
	[tilespmem:s26+$0xA1A0] =	vst.add.f32.msk $0xffff, v5  }
0x172: {  	[tilespmem:s26+$0xA1B0] =	vst.add.f32.msk $0xffff, v4  }
0x173: {  	v4 =	vld [tilespmem:s25+$0x20]  }
0x174: {  	p0 =	sne.s32 s28, $0x1  }
.Ltmp32:
0x175: {  	_ = 	snop;
	(pc) =	sbr.rel @!p0 .LBB2_39-.Ltmp32, $3  }
0x176: {  	_ =	sdelay $0x1  }
0x177: {  	v5 =	vunpack.i.l.bf16.f32 v4  }
0x178: {  	s29 =	smov.u32 s23;
	s30 =	simm.s32 $0x6140;
	s28 =	sadd.s32 $0xFFFFFFFF, s28;
	v4 =	vunpack.i.u.bf16.f32 v4;
	[tilespmem:s26+$0xA1C0] =	vst.add.f32.msk $0xffff, v5  }
.LBB2_38:
0x179: {  	p0 =	sne.s32 s28, $0x1;
	[tilespmem:s26+$0xA1D0] =	vst.add.f32.msk $0xffff, v4;
	s29 =	sadd.s32 $0x1, s29;
	s30 =	sadd.s32 $0x80, s30  }
0x17a: {  	s28 =	sadd.s32 $0xFFFFFFFF, s28;
	v4 =	vld [tilespmem:s25+$0x30];
	s25 =	smov.u32 s30;
	_ =	sdelay $0x4  }
0x17b: {  	v5 =	vunpack.i.u.bf16.f32 v4;
	v4 =	vunpack.i.l.bf16.f32 v4  }
0x17c: {  	[tilespmem:s26+$0xA1E0] =	vst.add.f32.msk $0xffff, v4  }
0x17d: {  	[tilespmem:s26+$0xA1F0] =	vst.add.f32.msk $0xffff, v5  }
0x17e: {  	v4 =	vld [tilespmem:s29+$0x0];
	_ =	sdelay $0x4  }
0x17f: {  	(v2sf) =	vpush v4, $0x0;
	_ =	sdelay $0xb  }
0x180: {  	v4 =	vld [tilespmem:s30+$0xFFFFFFC0];
	_ =	sdelay $0x2  }
0x181: {  	s26 =	spop (v2sf)  }
0x182: {  	s26 =	sshll.u32 s26, $0xA  }
0x183: {  	v5 =	vunpack.i.u.bf16.f32 v4;
	v4 =	vunpack.i.l.bf16.f32 v4;
	s26 =	sshra.s32 s26, $0x2  }
0x184: {  	[tilespmem:s26+$0xA100] =	vst.add.f32.msk $0xffff, v4  }
0x185: {  	[tilespmem:s26+$0xA110] =	vst.add.f32.msk $0xffff, v5  }
0x186: {  	v4 =	vld [tilespmem:s30+$0xFFFFFFD0];
	_ =	sdelay $0x4  }
0x187: {  	v5 =	vunpack.i.u.bf16.f32 v4;
	v4 =	vunpack.i.l.bf16.f32 v4  }
0x188: {  	[tilespmem:s26+$0xA120] =	vst.add.f32.msk $0xffff, v4  }
0x189: {  	[tilespmem:s26+$0xA130] =	vst.add.f32.msk $0xffff, v5  }
0x18a: {  	v4 =	vld [tilespmem:s30+$0xFFFFFFE0];
	_ =	sdelay $0x4  }
0x18b: {  	v5 =	vunpack.i.u.bf16.f32 v4;
	v4 =	vunpack.i.l.bf16.f32 v4  }
0x18c: {  	[tilespmem:s26+$0xA140] =	vst.add.f32.msk $0xffff, v4  }
0x18d: {  	[tilespmem:s26+$0xA150] =	vst.add.f32.msk $0xffff, v5  }
0x18e: {  	v4 =	vld [tilespmem:s30+$0xFFFFFFF0];
	_ =	sdelay $0x4  }
0x18f: {  	v5 =	vunpack.i.u.bf16.f32 v4;
	v4 =	vunpack.i.l.bf16.f32 v4  }
0x190: {  	[tilespmem:s26+$0xA160] =	vst.add.f32.msk $0xffff, v4  }
0x191: {  	[tilespmem:s26+$0xA170] =	vst.add.f32.msk $0xffff, v5  }
0x192: {  	v4 =	vld [tilespmem:s30+$0x0];
	_ =	sdelay $0x4  }
0x193: {  	v5 =	vunpack.i.u.bf16.f32 v4;
	v4 =	vunpack.i.l.bf16.f32 v4  }
0x194: {  	[tilespmem:s26+$0xA180] =	vst.add.f32.msk $0xffff, v4  }
0x195: {  	[tilespmem:s26+$0xA190] =	vst.add.f32.msk $0xffff, v5  }
0x196: {  	v4 =	vld [tilespmem:s30+$0x10];
	_ =	sdelay $0x4  }
0x197: {  	v5 =	vunpack.i.u.bf16.f32 v4;
	v4 =	vunpack.i.l.bf16.f32 v4  }
0x198: {  	[tilespmem:s26+$0xA1A0] =	vst.add.f32.msk $0xffff, v4  }
0x199: {  	[tilespmem:s26+$0xA1B0] =	vst.add.f32.msk $0xffff, v5  }
0x19a: {  	v5 =	vld [tilespmem:s30+$0x20];
	_ =	sdelay $0x1  }
.Ltmp33:
0x19b: {  	(pc) =	sbr.rel @p0 .LBB2_38-.Ltmp33, $3  }
0x19c: {  	_ =	sdelay $0x1  }
0x19d: {  	v4 =	vunpack.i.u.bf16.f32 v5;
	v5 =	vunpack.i.l.bf16.f32 v5  }
0x19e: {  	[tilespmem:s26+$0xA1C0] =	vst.add.f32.msk $0xffff, v5  }
.Ltmp34:
0x19f: {  	_ = 	snop;
	(pc) =	sbr.rel .LBB2_39-.Ltmp34, $1  }
0x1a0: {  	_ =	sdelay $0x3  }
.LBB2_42:
0x1a1: {  	_ =	sfence.sel $0x180000  }
0x1a2: {  	[bflag:$0x0] =	sbarrier.arrive $0xFFFF  }
0x1a3: {  	p0 =	sne.s32 s3, $0x0;
	_ =	strace $0x9000004A  }
0x1a4: {  	s0 =	sadd.s32 @!p0 $0x100000, s0;
	[bflag:$0x2] =	sbarrier.arrive $0xFFFF  }
0x1a5: {  	[sflag:s0] =	ssyncadd.tile.s32 @!p0 $0x1;
	_ =	shalt  }
.Lfunc_end2:
_tile_overlayer_lowered:
.L_overlay_start_2:
0x1a6: {  	(tag) =	ssettag $0x2  }
0x1a7: {  	s0 =	rddreg [dreg:$0x0];
	s2 =	stileid.u32  }
0x1a8: {  	s1 =	rddreg [dreg:$0x1];
	p0 =	sne.s32 s2, $0x0  }
0x1a9: {  	s3 =	rddreg [dreg:$0x2];
	[bflag:$0x3] =	sbarrier.arrive $0xFFFF;
	s2 =	simm.s32 @!p0 $0x1C03  }
0x1aa: {  	[timem:s3], [sflag:s2] =	dma.local @!p0 [hbm:s0], s1  }
0x1ab: {  	s0 =	simm.s32 @!p0 $0x3  }
0x1ac: {  	_ =	swait.ge @!p0 [sflag:s0], s1  }
0x1ad: {  	s1 =	ssub.s32 @!p0 $0x0, s1;
	[sflag:s0] =	ssyncset.done @!p0 $0x0  }
0x1ae: {  	[sflag:s0] =	ssyncadd.s32 @!p0 s1  }
0x1af: {  	[bflag:$0x3] =	sbarrier.arrive $0xFFFF  }
0x1b0: {  	_ =	shalt  }

</sc_bundles>
